<compile_context>
chip_gen: v7x
topology: tpu7x:2x2x1
jax: 0.10.2.dev20260603
libtpu: 0.0.44.dev20260713+nightly
codegen_flags: <defaults>
</compile_context>

<pallas_src>
import functools

import numpy as np
import jax
import jax.numpy as jnp
from jax import lax
from jax.experimental import pallas as pl
from jax.experimental.pallas import tpu as pltpu
from jax.experimental.pallas import tpu_sc as plsc

INTERP = False

_EMBED = 256
_M = 8
_DV = 32
_K = 4
_LK = 16
_HW = ((64, 64), (32, 32), (16, 16), (8, 8))
_N = 8
_Q = 900
_T = sum(h * w for h, w in _HW)
_OFF_SCALE = 0.5

_NU = _N * _Q
_NW = 32
_NUP = 7424
_UPW = _NUP // _NW
_RU = 4
_NCHUNK = _UPW // _RU
_RB = _RU * 4


def _lane_consts():
    j = np.arange(128)
    lk = j % _LK
    lvl = lk // _K
    w = np.array([wh[1] for wh in _HW], np.float32)[lvl]
    h = np.array([wh[0] for wh in _HW], np.float32)[lvl]
    strides = np.cumsum([0] + [hh * ww for hh, ww in _HW])[:-1]
    s = strides[lvl].astype(np.int32)
    m = (j // _LK).astype(np.int32)
    return (w.reshape(1, 128), h.reshape(1, 128),
            s.reshape(1, 128), m.reshape(1, 128))


def _group_sum_mat():
    j = np.arange(128)
    return (j[:, None] // _LK == j[None, :] // _LK).astype(np.float32)


def _prep_body(q_ref, g_ref, wc_ref, bc_ref, gs_ref, cw_ref, ch_ref,
               cs_ref, cm_ref, idx_ref, w_ref):
    n = pl.program_id(0)
    q = q_ref[0]
    qw = jnp.dot(q, wc_ref[...], preferred_element_type=jnp.float32) + bc_ref[...]
    la = qw[:, 0:128]
    dxx = qw[:, 128:256]
    dxy = qw[:, 256:384]
    ea = jnp.exp(la - jnp.max(la, axis=-1, keepdims=True))
    denom = jnp.dot(ea, gs_ref[...], preferred_element_type=jnp.float32)
    attn = ea / denom
    bq = jax.nn.sigmoid(g_ref[0])
    x0 = bq[:, 0:1]
    y0 = bq[:, 1:2]
    sx = bq[:, 2:3] * (_OFF_SCALE / _K)
    sy = bq[:, 3:4] * (_OFF_SCALE / _K)
    cw = cw_ref[...]
    ch = ch_ref[...]
    gx = jnp.clip(2.0 * (x0 + dxx * sx) - 1.0, -1.0, 1.0)
    gy = jnp.clip(2.0 * (y0 + dxy * sy) - 1.0, -1.0, 1.0)
    ix = ((gx + 1.0) * cw - 1.0) * 0.5
    iy = ((gy + 1.0) * ch - 1.0) * 0.5
    ix0 = jnp.floor(ix)
    iy0 = jnp.floor(iy)
    wx1 = ix - ix0
    wx0 = 1.0 - wx1
    wy1 = iy - iy0
    wy0 = 1.0 - wy1
    base_row = n * (_T * _M)
    csi = cs_ref[...]
    cmi = cm_ref[...]
    wi = cw.astype(jnp.int32)
    hi = ch.astype(jnp.int32)
    corners = ((0.0, 0.0, wx0 * wy0), (1.0, 0.0, wx1 * wy0),
               (0.0, 1.0, wx0 * wy1), (1.0, 1.0, wx1 * wy1))
    for c, (a, b, wxy) in enumerate(corners):
        xq = ix0 + a
        yq = iy0 + b
        valid = ((xq >= 0.0) & (xq <= cw - 1.0)
                 & (yq >= 0.0) & (yq <= ch - 1.0))
        xi = jnp.clip(xq, 0.0, cw - 1.0).astype(jnp.int32)
        yi = jnp.clip(yq, 0.0, ch - 1.0).astype(jnp.int32)
        row = base_row + (csi + yi * wi + xi) * _M + cmi
        wgt = attn * wxy * valid.astype(jnp.float32)
        idx_ref[0, :, c * 128:(c + 1) * 128] = row
        w_ref[0, :, c * 128:(c + 1) * 128] = wgt


def _prep_call(queries, qgl, wcomb, bcomb, gs, cw, ch, cs, cm):
    return pl.pallas_call(
        _prep_body,
        grid=(_N,),
        in_specs=[
            pl.BlockSpec((1, _Q, _EMBED), lambda n: (n, 0, 0)),
            pl.BlockSpec((1, _Q, 4), lambda n: (n, 0, 0)),
            pl.BlockSpec((_EMBED, 384), lambda n: (0, 0)),
            pl.BlockSpec((1, 384), lambda n: (0, 0)),
            pl.BlockSpec((128, 128), lambda n: (0, 0)),
            pl.BlockSpec((1, 128), lambda n: (0, 0)),
            pl.BlockSpec((1, 128), lambda n: (0, 0)),
            pl.BlockSpec((1, 128), lambda n: (0, 0)),
            pl.BlockSpec((1, 128), lambda n: (0, 0)),
        ],
        out_specs=[
            pl.BlockSpec((1, _Q, 512), lambda n: (n, 0, 0)),
            pl.BlockSpec((1, _Q, 512), lambda n: (n, 0, 0)),
        ],
        out_shape=[
            jax.ShapeDtypeStruct((_N, _Q, 512), jnp.int32),
            jax.ShapeDtypeStruct((_N, _Q, 512), jnp.float32),
        ],
        interpret=INTERP,
    )(queries, qgl, wcomb, bcomb, gs, cw, ch, cs, cm)


def _mm_body(a_ref, w_ref, b_ref, o_ref):
    o_ref[...] = (jnp.dot(a_ref[...], w_ref[...],
                          preferred_element_type=jnp.float32) + b_ref[...])


def _mm_call(a, w, b, block_rows):
    rows, kdim = a.shape
    ndim = w.shape[1]
    grid = rows // block_rows
    return pl.pallas_call(
        _mm_body,
        grid=(grid,),
        in_specs=[
            pl.BlockSpec((block_rows, kdim), lambda i: (i, 0)),
            pl.BlockSpec((kdim, ndim), lambda i: (0, 0)),
            pl.BlockSpec((1, ndim), lambda i: (0, 0)),
        ],
        out_specs=pl.BlockSpec((block_rows, ndim), lambda i: (i, 0)),
        out_shape=jax.ShapeDtypeStruct((rows, ndim), jnp.float32),
        interpret=INTERP,
    )(a, w, b.reshape(1, ndim))


def _sc_body(table_hbm, idx_hbm, w_hbm, out_hbm, idx_v, w_v, rows_v, out_v, sem):
    wid = lax.axis_index("s") * 2 + lax.axis_index("c")

    def chunk_body(ci, carry):
        ub = wid * _UPW + ci * _RU
        bb = ub * 4
        pltpu.sync_copy(idx_hbm.at[pl.ds(bb, _RB)], idx_v)
        pltpu.sync_copy(w_hbm.at[pl.ds(bb, _RB)], w_v)
        copies = [pltpu.async_copy(table_hbm.at[idx_v.at[j]], rows_v.at[j], sem)
                  for j in range(_RB)]
        for cp in copies:
            cp.wait()

        def um_body(t, carry2):
            u = t // _M
            m = t % _M
            acc0 = jnp.zeros((16,), jnp.float32)
            acc1 = jnp.zeros((16,), jnp.float32)
            for c in range(4):
                blk = u * 4 + c
                wv = w_v[blk, pl.ds(m * _LK, _LK)]
                for lk in range(_LK):
                    ln = m * _LK + lk
                    wgt = wv[lk]
                    acc0 = acc0 + wgt * rows_v[blk, ln, 0:16]
                    acc1 = acc1 + wgt * rows_v[blk, ln, 16:32]
            r = u * 2 + m // 4
            col = (m % 4) * _DV
            out_v[r, pl.ds(col, 16)] = acc0
            out_v[r, pl.ds(col + 16, 16)] = acc1
            return carry2

        lax.fori_loop(0, _RU * _M, um_body, 0)
        pltpu.sync_copy(out_v, out_hbm.at[pl.ds(ub * 2, _RU * 2)])
        return carry

    lax.fori_loop(0, _NCHUNK, chunk_body, 0)


def _sc_call(table, idx, w):
    mesh = plsc.VectorSubcoreMesh(core_axis_name="c", subcore_axis_name="s")
    kern = functools.partial(
        pl.kernel,
        out_type=jax.ShapeDtypeStruct((_NUP * 2, 128), jnp.float32),
        mesh=mesh,
        scratch_types=[
            pltpu.VMEM((_RB, 128), jnp.int32),
            pltpu.VMEM((_RB, 128), jnp.float32),
            pltpu.VMEM((_RB, 128, _DV), jnp.float32),
            pltpu.VMEM((_RU * 2, 128), jnp.float32),
            pltpu.SemaphoreType.DMA,
        ],
        compiler_params=pltpu.CompilerParams(use_tc_tiling_on_sc=False),
        interpret=INTERP,
    )(_sc_body)
    return kern(table, idx, w)


def kernel(queries, query_geometry_logits, value, value_spatial_sizes,
           Ws, bs, Wa, ba, Wv, bv, Wo, bo):
    del value_spatial_sizes
    ws_x = Ws[:, 0::2]
    ws_y = Ws[:, 1::2]
    wcomb = jnp.concatenate([Wa, ws_x, ws_y], axis=1)
    bcomb = jnp.concatenate([ba, bs[0::2], bs[1::2]]).reshape(1, 384)
    cw, ch, cs, cm = _lane_consts()
    gs = _group_sum_mat()
    idx, w = _prep_call(queries, query_geometry_logits, wcomb, bcomb,
                        jnp.asarray(gs), jnp.asarray(cw), jnp.asarray(ch),
                        jnp.asarray(cs), jnp.asarray(cm))
    vproj = _mm_call(value.reshape(_N * _T, _EMBED), Wv, bv, 512)
    table = vproj.reshape(_N * _T * _M, _DV)
    pad = _NUP - _NU
    idx_f = jnp.pad(idx.reshape(_NU, 512), ((0, pad), (0, 0)))
    w_f = jnp.pad(w.reshape(_NU, 512), ((0, pad), (0, 0)))
    sc_raw = _sc_call(table,
                      idx_f.reshape(_NUP * 4, 128),
                      w_f.reshape(_NUP * 4, 128))
    sc_out = sc_raw.reshape(_NUP, 256)[:_NU]
    out = _mm_call(sc_out, Wo, bo, 720)
    return out.reshape(_N, _Q, _EMBED)

# --- scband reference (transcript-rebuilt; emitter-appended) ---
"""Pipeline reference for scband-multiscale-deformable-attention-67671504715880 (READ-ONLY COPY).

The authoritative reference and input builder live on the scoring server;
editing this copy changes nothing except your own understanding.
"""

import jax, jax.numpy as jnp
import numpy as np

EMBED_DIM = 256
M = 8
DV = 32
L = 4
K = 4
LK = L * K
HW_SIZES = [(64, 64), (32, 32), (16, 16), (8, 8)]
N = 8
Q = 900
T = sum(h * w for h, w in HW_SIZES)
OFF_SCALE = 0.5


def _grid_sample(im, grid):
    # Faithful jnp port of torch.nn.functional.grid_sample(mode='bilinear',
    # padding_mode='zeros', align_corners=False).
    B, C, H, W = im.shape
    x = grid[..., 0]
    y = grid[..., 1]
    ix = ((x + 1.0) * W - 1.0) / 2.0
    iy = ((y + 1.0) * H - 1.0) / 2.0
    ix0 = jnp.floor(ix)
    iy0 = jnp.floor(iy)

    def gather(ixq, iyq):
        valid = ((ixq >= 0) & (ixq <= W - 1) & (iyq >= 0) & (iyq <= H - 1)).astype(im.dtype)
        ixc = jnp.clip(ixq, 0, W - 1).astype(jnp.int32)
        iyc = jnp.clip(iyq, 0, H - 1).astype(jnp.int32)
        idx = (iyc * W + ixc).reshape(B, 1, -1)
        flat = im.reshape(B, C, H * W)
        v = jnp.take_along_axis(flat, idx, axis=2).reshape(B, C, ixq.shape[1], ixq.shape[2])
        return v * valid[:, None]

    wx1 = ix - ix0
    wy1 = iy - iy0
    wx0 = 1.0 - wx1
    wy0 = 1.0 - wy1
    v00 = gather(ix0, iy0)
    v01 = gather(ix0 + 1.0, iy0)
    v10 = gather(ix0, iy0 + 1.0)
    v11 = gather(ix0 + 1.0, iy0 + 1.0)
    out = (v00 * (wx0 * wy0)[:, None] + v01 * (wx1 * wy0)[:, None]
           + v10 * (wx0 * wy1)[:, None] + v11 * (wx1 * wy1)[:, None])
    return out


def _forward(queries, qgl, value, Ws, bs, Wa, ba, Wv, bv, Wo, bo, hw_sizes):
    n, q, _ = queries.shape
    # predict_attention_weights
    attn = jax.nn.softmax((queries @ Wa + ba).reshape(n, q, M, LK), axis=-1)
    # predict_positional_offsets
    dx = (queries @ Ws + bs).reshape(n, q, M, LK, 2)
    # calculate_sample_positions
    b_q = jax.nn.sigmoid(qgl)
    xy_q = b_q[:, :, :2]
    wh_q = b_q[:, :, 2:]
    scale = wh_q * (1.0 / K) * OFF_SCALE
    x_pos = xy_q[:, :, None, None, :] + dx * scale[:, :, None, None, :]
    # value projection
    vproj = value @ Wv + bv  # [n, T, M*DV]
    # sample_values
    strides = [0]
    for h, w in hw_sizes:
        strides.append(strides[-1] + h * w)
    per_level = []
    for i, (h, w) in enumerate(hw_sizes):
        vm = vproj[:, strides[i]:strides[i + 1], :].reshape(n, h, w, M * DV)
        vm = jnp.transpose(vm, (0, 3, 1, 2)).reshape(n * M, DV, h, w)
        xl = x_pos[:, :, :, K * i:K * (i + 1), :]
        xl = jnp.transpose(xl, (0, 2, 1, 3, 4)).reshape(n * M, q, K, 2)
        grid = jnp.clip(2.0 * xl - 1.0, -1.0, 1.0)
        vl = _grid_sample(vm, grid)  # [n*M, DV, q, K]
        vl = jnp.transpose(vl.reshape(n, M, DV, q, K), (0, 3, 1, 4, 2))
        per_level.append(vl)
    sampled = jnp.concatenate(per_level, axis=3)  # [n, q, M, LK, DV]
    out = (sampled * attn[..., None]).sum(axis=3).reshape(n, q, M * DV)
    return out @ Wo + bo


def setup_inputs(seed: int = 0):
    key = jax.random.key(seed)
    ks = jax.random.split(key, 11)
    s = 0.02
    return {
        "queries": jax.random.normal(ks[0], (N, Q, EMBED_DIM), dtype=jnp.float32),
        "query_geometry_logits": jax.random.normal(ks[1], (N, Q, 4), dtype=jnp.float32),
        "value": jax.random.normal(ks[2], (N, T, EMBED_DIM), dtype=jnp.float32),
        "value_spatial_sizes": np.array(HW_SIZES, dtype=np.int64),
        "Ws": jax.random.normal(ks[3], (EMBED_DIM, M * LK * 2), dtype=jnp.float32) * s,
        "bs": jax.random.normal(ks[4], (M * LK * 2,), dtype=jnp.float32) * s,
        "Wa": jax.random.normal(ks[5], (EMBED_DIM, M * LK), dtype=jnp.float32) * s,
        "ba": jax.random.normal(ks[6], (M * LK,), dtype=jnp.float32) * s,
        "Wv": jax.random.normal(ks[7], (EMBED_DIM, M * DV), dtype=jnp.float32) * s,
        "bv": jax.random.normal(ks[8], (M * DV,), dtype=jnp.float32) * s,
        "Wo": jax.random.normal(ks[9], (M * DV, EMBED_DIM), dtype=jnp.float32) * s,
        "bo": jax.random.normal(ks[10], (EMBED_DIM,), dtype=jnp.float32) * s,
    }


def reference(queries, query_geometry_logits, value, value_spatial_sizes, Ws, bs, Wa, ba, Wv, bv, Wo, bo):
    hw = [(int(h), int(w)) for h, w in HW_SIZES]
    zero = (jnp.sum(value_spatial_sizes) * 0).astype(queries.dtype)
    return _forward(queries + zero, query_geometry_logits, value, Ws, bs, Wa, ba, Wv, bv, Wo, bo, hw)

if __name__ == "__main__":
    import jax
    _d = setup_inputs()
    print(jax.jit(kernel)(*tuple(_d.values())))

</pallas_src>

<mosaic_0001>
#map = affine_map<(d0, d1) -> (0, 0)>
module attributes {stable_mosaic.version = 14 : i64} {
  func.func @_sc_body(%arg0: i32, %arg1: i32, %arg2: memref<348160x32xf32, #tpu.memory_space<hbm>>, %arg3: memref<29696x128xi32, #tpu.memory_space<hbm>>, %arg4: memref<29696x128xf32, #tpu.memory_space<hbm>>, %arg5: memref<14848x128xf32, #tpu.memory_space<hbm>>, %arg6: memref<16x128xi32, #tpu.memory_space<vmem>>, %arg7: memref<16x128xf32, #tpu.memory_space<vmem>>, %arg8: memref<16x128x32xf32, #tpu.memory_space<vmem>>, %arg9: memref<8x128xf32, #tpu.memory_space<vmem>>, %arg10: memref<!tpu.dma_semaphore, #tpu.memory_space<semaphore_mem>>) attributes {dimension_semantics = [#tpu.dimension_semantics<core_parallel>, #tpu.dimension_semantics<subcore_parallel>], iteration_bounds = array<i64: 2, 16>, scalar_prefetch = 0 : i64, scratch_operands = 5 : i64, tpu.core_type = #tpu.core_type<sc_vector_subcore>, window_params = [{transform_indices = #map}, {transform_indices = #map}, {transform_indices = #map}, {transform_indices = #map}]} {
    %mul3A = arith.constant 2 : i32
    %mul3A_0 = arith.muli %arg1, %mul3A : i32
    %add3A = arith.addi %mul3A_0, %arg0 : i32
    %scan3A = arith.constant 0 : i32
    %scan3A_1 = arith.constant 0 : i32
    %scan3A_2 = arith.constant 58 : i32
    %scan3A_3 = arith.addi %scan3A_1, %scan3A_2 : i32
    %scan3A_4 = arith.constant 1 : i32
    scf.for %scan3A_6 = %scan3A_1 to %scan3A_3 step %scan3A_4  : i32 {
      %mul3A_7 = arith.constant 232 : i32
      %mul3A_8 = arith.muli %add3A, %mul3A_7 : i32
      %mul3A_9 = arith.constant 4 : i32
      %mul3A_10 = arith.muli %scan3A_6, %mul3A_9 : i32
      %add3A_11 = arith.addi %mul3A_8, %mul3A_10 : i32
      %mul3A_12 = arith.constant 4 : i32
      %mul3A_13 = arith.muli %add3A_11, %mul3A_12 : i32
      "tpu.region"() ({
        %run_scoped3A = tpu.sem_alloc : memref<!tpu.dma_semaphore, #tpu.memory_space<semaphore_mem>>
        %dma_start3A_404 = arith.constant 0 : i32
        %dma_start3A_405 = tpu.memref_slice %arg3[%mul3A_13, %dma_start3A_404] : memref<29696x128xi32, #tpu.memory_space<hbm>> -> memref<16x128xi32, #tpu.memory_space<hbm>>
        %dma_start3A_406 = arith.constant 0 : i32
        %dma_start3A_407 = tpu.memref_slice %arg3[%mul3A_13, %dma_start3A_406] : memref<29696x128xi32, #tpu.memory_space<hbm>> -> memref<16x128xi32, #tpu.memory_space<hbm>>
        tpu.enqueue_dma source(%dma_start3A_407 : memref<16x128xi32, #tpu.memory_space<hbm>>) target(%arg6 : memref<16x128xi32, #tpu.memory_space<vmem>>) target_semaphore(%run_scoped3A : memref<!tpu.dma_semaphore, #tpu.memory_space<semaphore_mem>>)
        %dma_wait3A_408 = arith.constant 0 : i32
        %dma_wait3A_409 = tpu.memref_slice %arg3[%mul3A_13, %dma_wait3A_408] : memref<29696x128xi32, #tpu.memory_space<hbm>> -> memref<16x128xi32, #tpu.memory_space<hbm>>
        %dma_wait3A_410 = arith.constant 0 : i32
        %dma_wait3A_411 = tpu.memref_slice %arg3[%mul3A_13, %dma_wait3A_410] : memref<29696x128xi32, #tpu.memory_space<hbm>> -> memref<16x128xi32, #tpu.memory_space<hbm>>
        tpu.wait_dma2 semaphore(%run_scoped3A : memref<!tpu.dma_semaphore, #tpu.memory_space<semaphore_mem>>) src(%dma_wait3A_411 : memref<16x128xi32, #tpu.memory_space<hbm>>) dst(%arg6 : memref<16x128xi32, #tpu.memory_space<vmem>>)
        tpu.yield
      }) : () -> ()
      "tpu.region"() ({
        %run_scoped3A = tpu.sem_alloc : memref<!tpu.dma_semaphore, #tpu.memory_space<semaphore_mem>>
        %dma_start3A_404 = arith.constant 0 : i32
        %dma_start3A_405 = tpu.memref_slice %arg4[%mul3A_13, %dma_start3A_404] : memref<29696x128xf32, #tpu.memory_space<hbm>> -> memref<16x128xf32, #tpu.memory_space<hbm>>
        %dma_start3A_406 = arith.constant 0 : i32
        %dma_start3A_407 = tpu.memref_slice %arg4[%mul3A_13, %dma_start3A_406] : memref<29696x128xf32, #tpu.memory_space<hbm>> -> memref<16x128xf32, #tpu.memory_space<hbm>>
        tpu.enqueue_dma source(%dma_start3A_407 : memref<16x128xf32, #tpu.memory_space<hbm>>) target(%arg7 : memref<16x128xf32, #tpu.memory_space<vmem>>) target_semaphore(%run_scoped3A : memref<!tpu.dma_semaphore, #tpu.memory_space<semaphore_mem>>)
        %dma_wait3A_408 = arith.constant 0 : i32
        %dma_wait3A_409 = tpu.memref_slice %arg4[%mul3A_13, %dma_wait3A_408] : memref<29696x128xf32, #tpu.memory_space<hbm>> -> memref<16x128xf32, #tpu.memory_space<hbm>>
        %dma_wait3A_410 = arith.constant 0 : i32
        %dma_wait3A_411 = tpu.memref_slice %arg4[%mul3A_13, %dma_wait3A_410] : memref<29696x128xf32, #tpu.memory_space<hbm>> -> memref<16x128xf32, #tpu.memory_space<hbm>>
        tpu.wait_dma2 semaphore(%run_scoped3A : memref<!tpu.dma_semaphore, #tpu.memory_space<semaphore_mem>>) src(%dma_wait3A_411 : memref<16x128xf32, #tpu.memory_space<hbm>>) dst(%arg7 : memref<16x128xf32, #tpu.memory_space<vmem>>)
        tpu.yield
      }) : () -> ()
      %dma_start3A = arith.constant 0 : i32
      %dma_start3A_14 = arith.constant 0 : i32
      %dma_start3A_15 = arith.constant 0 : i32
      %dma_start3A_16 = arith.constant 0 : i32
      %dma_start3A_17 = tpu.memref_slice %arg8[%dma_start3A_14, %dma_start3A_15, %dma_start3A_16] : memref<16x128x32xf32, #tpu.memory_space<vmem>> -> memref<1x128x32xf32, #tpu.memory_space<vmem>>
      %dma_start3A_18 = tpu.memref_squeeze %dma_start3A_17 : memref<1x128x32xf32, #tpu.memory_space<vmem>> -> memref<128x32xf32, #tpu.memory_space<vmem>>
      %dma_start3A_19 = arith.constant 0 : i32
      %dma_start3A_20 = tpu.memref_slice %arg6[%dma_start3A, %dma_start3A_19] : memref<16x128xi32, #tpu.memory_space<vmem>> -> memref<1x128xi32, #tpu.memory_space<vmem>>
      %dma_start3A_21 = tpu.memref_squeeze %dma_start3A_20 : memref<1x128xi32, #tpu.memory_space<vmem>> -> memref<128xi32, #tpu.memory_space<vmem>>
      %dma_start3A_22 = arith.constant 0 : i32
      %dma_start3A_23 = arith.constant 0 : i32
      %dma_start3A_24 = tpu.memref_slice %arg2[%dma_start3A_22, %dma_start3A_23] : memref<348160x32xf32, #tpu.memory_space<hbm>> -> memref<348160x32xf32, #tpu.memory_space<hbm>>
      tpu.enqueue_indirect_dma source(%dma_start3A_24 : memref<348160x32xf32, #tpu.memory_space<hbm>>) target(%dma_start3A_18 : memref<128x32xf32, #tpu.memory_space<vmem>>) offsets(%dma_start3A_21 : memref<128xi32, #tpu.memory_space<vmem>>) semaphore(%arg10 : memref<!tpu.dma_semaphore, #tpu.memory_space<semaphore_mem>>)
      %dma_start3A_25 = arith.constant 1 : i32
      %dma_start3A_26 = arith.constant 1 : i32
      %dma_start3A_27 = arith.constant 0 : i32
      %dma_start3A_28 = arith.constant 0 : i32
      %dma_start3A_29 = tpu.memref_slice %arg8[%dma_start3A_26, %dma_start3A_27, %dma_start3A_28] : memref<16x128x32xf32, #tpu.memory_space<vmem>> -> memref<1x128x32xf32, #tpu.memory_space<vmem>>
      %dma_start3A_30 = tpu.memref_squeeze %dma_start3A_29 : memref<1x128x32xf32, #tpu.memory_space<vmem>> -> memref<128x32xf32, #tpu.memory_space<vmem>>
      %dma_start3A_31 = arith.constant 0 : i32
      %dma_start3A_32 = tpu.memref_slice %arg6[%dma_start3A_25, %dma_start3A_31] : memref<16x128xi32, #tpu.memory_space<vmem>> -> memref<1x128xi32, #tpu.memory_space<vmem>>
      %dma_start3A_33 = tpu.memref_squeeze %dma_start3A_32 : memref<1x128xi32, #tpu.memory_space<vmem>> -> memref<128xi32, #tpu.memory_space<vmem>>
      %dma_start3A_34 = arith.constant 0 : i32
      %dma_start3A_35 = arith.constant 0 : i32
      %dma_start3A_36 = tpu.memref_slice %arg2[%dma_start3A_34, %dma_start3A_35] : memref<348160x32xf32, #tpu.memory_space<hbm>> -> memref<348160x32xf32, #tpu.memory_space<hbm>>
      tpu.enqueue_indirect_dma source(%dma_start3A_36 : memref<348160x32xf32, #tpu.memory_space<hbm>>) target(%dma_start3A_30 : memref<128x32xf32, #tpu.memory_space<vmem>>) offsets(%dma_start3A_33 : memref<128xi32, #tpu.memory_space<vmem>>) semaphore(%arg10 : memref<!tpu.dma_semaphore, #tpu.memory_space<semaphore_mem>>)
      %dma_start3A_37 = arith.constant 2 : i32
      %dma_start3A_38 = arith.constant 2 : i32
      %dma_start3A_39 = arith.constant 0 : i32
      %dma_start3A_40 = arith.constant 0 : i32
      %dma_start3A_41 = tpu.memref_slice %arg8[%dma_start3A_38, %dma_start3A_39, %dma_start3A_40] : memref<16x128x32xf32, #tpu.memory_space<vmem>> -> memref<1x128x32xf32, #tpu.memory_space<vmem>>
      %dma_start3A_42 = tpu.memref_squeeze %dma_start3A_41 : memref<1x128x32xf32, #tpu.memory_space<vmem>> -> memref<128x32xf32, #tpu.memory_space<vmem>>
      %dma_start3A_43 = arith.constant 0 : i32
      %dma_start3A_44 = tpu.memref_slice %arg6[%dma_start3A_37, %dma_start3A_43] : memref<16x128xi32, #tpu.memory_space<vmem>> -> memref<1x128xi32, #tpu.memory_space<vmem>>
      %dma_start3A_45 = tpu.memref_squeeze %dma_start3A_44 : memref<1x128xi32, #tpu.memory_space<vmem>> -> memref<128xi32, #tpu.memory_space<vmem>>
      %dma_start3A_46 = arith.constant 0 : i32
      %dma_start3A_47 = arith.constant 0 : i32
      %dma_start3A_48 = tpu.memref_slice %arg2[%dma_start3A_46, %dma_start3A_47] : memref<348160x32xf32, #tpu.memory_space<hbm>> -> memref<348160x32xf32, #tpu.memory_space<hbm>>
      tpu.enqueue_indirect_dma source(%dma_start3A_48 : memref<348160x32xf32, #tpu.memory_space<hbm>>) target(%dma_start3A_42 : memref<128x32xf32, #tpu.memory_space<vmem>>) offsets(%dma_start3A_45 : memref<128xi32, #tpu.memory_space<vmem>>) semaphore(%arg10 : memref<!tpu.dma_semaphore, #tpu.memory_space<semaphore_mem>>)
      %dma_start3A_49 = arith.constant 3 : i32
      %dma_start3A_50 = arith.constant 3 : i32
      %dma_start3A_51 = arith.constant 0 : i32
      %dma_start3A_52 = arith.constant 0 : i32
      %dma_start3A_53 = tpu.memref_slice %arg8[%dma_start3A_50, %dma_start3A_51, %dma_start3A_52] : memref<16x128x32xf32, #tpu.memory_space<vmem>> -> memref<1x128x32xf32, #tpu.memory_space<vmem>>
      %dma_start3A_54 = tpu.memref_squeeze %dma_start3A_53 : memref<1x128x32xf32, #tpu.memory_space<vmem>> -> memref<128x32xf32, #tpu.memory_space<vmem>>
      %dma_start3A_55 = arith.constant 0 : i32
      %dma_start3A_56 = tpu.memref_slice %arg6[%dma_start3A_49, %dma_start3A_55] : memref<16x128xi32, #tpu.memory_space<vmem>> -> memref<1x128xi32, #tpu.memory_space<vmem>>
      %dma_start3A_57 = tpu.memref_squeeze %dma_start3A_56 : memref<1x128xi32, #tpu.memory_space<vmem>> -> memref<128xi32, #tpu.memory_space<vmem>>
      %dma_start3A_58 = arith.constant 0 : i32
      %dma_start3A_59 = arith.constant 0 : i32
      %dma_start3A_60 = tpu.memref_slice %arg2[%dma_start3A_58, %dma_start3A_59] : memref<348160x32xf32, #tpu.memory_space<hbm>> -> memref<348160x32xf32, #tpu.memory_space<hbm>>
      tpu.enqueue_indirect_dma source(%dma_start3A_60 : memref<348160x32xf32, #tpu.memory_space<hbm>>) target(%dma_start3A_54 : memref<128x32xf32, #tpu.memory_space<vmem>>) offsets(%dma_start3A_57 : memref<128xi32, #tpu.memory_space<vmem>>) semaphore(%arg10 : memref<!tpu.dma_semaphore, #tpu.memory_space<semaphore_mem>>)
      %dma_start3A_61 = arith.constant 4 : i32
      %dma_start3A_62 = arith.constant 4 : i32
      %dma_start3A_63 = arith.constant 0 : i32
      %dma_start3A_64 = arith.constant 0 : i32
      %dma_start3A_65 = tpu.memref_slice %arg8[%dma_start3A_62, %dma_start3A_63, %dma_start3A_64] : memref<16x128x32xf32, #tpu.memory_space<vmem>> -> memref<1x128x32xf32, #tpu.memory_space<vmem>>
      %dma_start3A_66 = tpu.memref_squeeze %dma_start3A_65 : memref<1x128x32xf32, #tpu.memory_space<vmem>> -> memref<128x32xf32, #tpu.memory_space<vmem>>
      %dma_start3A_67 = arith.constant 0 : i32
      %dma_start3A_68 = tpu.memref_slice %arg6[%dma_start3A_61, %dma_start3A_67] : memref<16x128xi32, #tpu.memory_space<vmem>> -> memref<1x128xi32, #tpu.memory_space<vmem>>
      %dma_start3A_69 = tpu.memref_squeeze %dma_start3A_68 : memref<1x128xi32, #tpu.memory_space<vmem>> -> memref<128xi32, #tpu.memory_space<vmem>>
      %dma_start3A_70 = arith.constant 0 : i32
      %dma_start3A_71 = arith.constant 0 : i32
      %dma_start3A_72 = tpu.memref_slice %arg2[%dma_start3A_70, %dma_start3A_71] : memref<348160x32xf32, #tpu.memory_space<hbm>> -> memref<348160x32xf32, #tpu.memory_space<hbm>>
      tpu.enqueue_indirect_dma source(%dma_start3A_72 : memref<348160x32xf32, #tpu.memory_space<hbm>>) target(%dma_start3A_66 : memref<128x32xf32, #tpu.memory_space<vmem>>) offsets(%dma_start3A_69 : memref<128xi32, #tpu.memory_space<vmem>>) semaphore(%arg10 : memref<!tpu.dma_semaphore, #tpu.memory_space<semaphore_mem>>)
      %dma_start3A_73 = arith.constant 5 : i32
      %dma_start3A_74 = arith.constant 5 : i32
      %dma_start3A_75 = arith.constant 0 : i32
      %dma_start3A_76 = arith.constant 0 : i32
      %dma_start3A_77 = tpu.memref_slice %arg8[%dma_start3A_74, %dma_start3A_75, %dma_start3A_76] : memref<16x128x32xf32, #tpu.memory_space<vmem>> -> memref<1x128x32xf32, #tpu.memory_space<vmem>>
      %dma_start3A_78 = tpu.memref_squeeze %dma_start3A_77 : memref<1x128x32xf32, #tpu.memory_space<vmem>> -> memref<128x32xf32, #tpu.memory_space<vmem>>
      %dma_start3A_79 = arith.constant 0 : i32
      %dma_start3A_80 = tpu.memref_slice %arg6[%dma_start3A_73, %dma_start3A_79] : memref<16x128xi32, #tpu.memory_space<vmem>> -> memref<1x128xi32, #tpu.memory_space<vmem>>
      %dma_start3A_81 = tpu.memref_squeeze %dma_start3A_80 : memref<1x128xi32, #tpu.memory_space<vmem>> -> memref<128xi32, #tpu.memory_space<vmem>>
      %dma_start3A_82 = arith.constant 0 : i32
      %dma_start3A_83 = arith.constant 0 : i32
      %dma_start3A_84 = tpu.memref_slice %arg2[%dma_start3A_82, %dma_start3A_83] : memref<348160x32xf32, #tpu.memory_space<hbm>> -> memref<348160x32xf32, #tpu.memory_space<hbm>>
      tpu.enqueue_indirect_dma source(%dma_start3A_84 : memref<348160x32xf32, #tpu.memory_space<hbm>>) target(%dma_start3A_78 : memref<128x32xf32, #tpu.memory_space<vmem>>) offsets(%dma_start3A_81 : memref<128xi32, #tpu.memory_space<vmem>>) semaphore(%arg10 : memref<!tpu.dma_semaphore, #tpu.memory_space<semaphore_mem>>)
      %dma_start3A_85 = arith.constant 6 : i32
      %dma_start3A_86 = arith.constant 6 : i32
      %dma_start3A_87 = arith.constant 0 : i32
      %dma_start3A_88 = arith.constant 0 : i32
      %dma_start3A_89 = tpu.memref_slice %arg8[%dma_start3A_86, %dma_start3A_87, %dma_start3A_88] : memref<16x128x32xf32, #tpu.memory_space<vmem>> -> memref<1x128x32xf32, #tpu.memory_space<vmem>>
      %dma_start3A_90 = tpu.memref_squeeze %dma_start3A_89 : memref<1x128x32xf32, #tpu.memory_space<vmem>> -> memref<128x32xf32, #tpu.memory_space<vmem>>
      %dma_start3A_91 = arith.constant 0 : i32
      %dma_start3A_92 = tpu.memref_slice %arg6[%dma_start3A_85, %dma_start3A_91] : memref<16x128xi32, #tpu.memory_space<vmem>> -> memref<1x128xi32, #tpu.memory_space<vmem>>
      %dma_start3A_93 = tpu.memref_squeeze %dma_start3A_92 : memref<1x128xi32, #tpu.memory_space<vmem>> -> memref<128xi32, #tpu.memory_space<vmem>>
      %dma_start3A_94 = arith.constant 0 : i32
      %dma_start3A_95 = arith.constant 0 : i32
      %dma_start3A_96 = tpu.memref_slice %arg2[%dma_start3A_94, %dma_start3A_95] : memref<348160x32xf32, #tpu.memory_space<hbm>> -> memref<348160x32xf32, #tpu.memory_space<hbm>>
      tpu.enqueue_indirect_dma source(%dma_start3A_96 : memref<348160x32xf32, #tpu.memory_space<hbm>>) target(%dma_start3A_90 : memref<128x32xf32, #tpu.memory_space<vmem>>) offsets(%dma_start3A_93 : memref<128xi32, #tpu.memory_space<vmem>>) semaphore(%arg10 : memref<!tpu.dma_semaphore, #tpu.memory_space<semaphore_mem>>)
      %dma_start3A_97 = arith.constant 7 : i32
      %dma_start3A_98 = arith.constant 7 : i32
      %dma_start3A_99 = arith.constant 0 : i32
      %dma_start3A_100 = arith.constant 0 : i32
      %dma_start3A_101 = tpu.memref_slice %arg8[%dma_start3A_98, %dma_start3A_99, %dma_start3A_100] : memref<16x128x32xf32, #tpu.memory_space<vmem>> -> memref<1x128x32xf32, #tpu.memory_space<vmem>>
      %dma_start3A_102 = tpu.memref_squeeze %dma_start3A_101 : memref<1x128x32xf32, #tpu.memory_space<vmem>> -> memref<128x32xf32, #tpu.memory_space<vmem>>
      %dma_start3A_103 = arith.constant 0 : i32
      %dma_start3A_104 = tpu.memref_slice %arg6[%dma_start3A_97, %dma_start3A_103] : memref<16x128xi32, #tpu.memory_space<vmem>> -> memref<1x128xi32, #tpu.memory_space<vmem>>
      %dma_start3A_105 = tpu.memref_squeeze %dma_start3A_104 : memref<1x128xi32, #tpu.memory_space<vmem>> -> memref<128xi32, #tpu.memory_space<vmem>>
      %dma_start3A_106 = arith.constant 0 : i32
      %dma_start3A_107 = arith.constant 0 : i32
      %dma_start3A_108 = tpu.memref_slice %arg2[%dma_start3A_106, %dma_start3A_107] : memref<348160x32xf32, #tpu.memory_space<hbm>> -> memref<348160x32xf32, #tpu.memory_space<hbm>>
      tpu.enqueue_indirect_dma source(%dma_start3A_108 : memref<348160x32xf32, #tpu.memory_space<hbm>>) target(%dma_start3A_102 : memref<128x32xf32, #tpu.memory_space<vmem>>) offsets(%dma_start3A_105 : memref<128xi32, #tpu.memory_space<vmem>>) semaphore(%arg10 : memref<!tpu.dma_semaphore, #tpu.memory_space<semaphore_mem>>)
      %dma_start3A_109 = arith.constant 8 : i32
      %dma_start3A_110 = arith.constant 8 : i32
      %dma_start3A_111 = arith.constant 0 : i32
      %dma_start3A_112 = arith.constant 0 : i32
      %dma_start3A_113 = tpu.memref_slice %arg8[%dma_start3A_110, %dma_start3A_111, %dma_start3A_112] : memref<16x128x32xf32, #tpu.memory_space<vmem>> -> memref<1x128x32xf32, #tpu.memory_space<vmem>>
      %dma_start3A_114 = tpu.memref_squeeze %dma_start3A_113 : memref<1x128x32xf32, #tpu.memory_space<vmem>> -> memref<128x32xf32, #tpu.memory_space<vmem>>
      %dma_start3A_115 = arith.constant 0 : i32
      %dma_start3A_116 = tpu.memref_slice %arg6[%dma_start3A_109, %dma_start3A_115] : memref<16x128xi32, #tpu.memory_space<vmem>> -> memref<1x128xi32, #tpu.memory_space<vmem>>
      %dma_start3A_117 = tpu.memref_squeeze %dma_start3A_116 : memref<1x128xi32, #tpu.memory_space<vmem>> -> memref<128xi32, #tpu.memory_space<vmem>>
      %dma_start3A_118 = arith.constant 0 : i32
      %dma_start3A_119 = arith.constant 0 : i32
      %dma_start3A_120 = tpu.memref_slice %arg2[%dma_start3A_118, %dma_start3A_119] : memref<348160x32xf32, #tpu.memory_space<hbm>> -> memref<348160x32xf32, #tpu.memory_space<hbm>>
      tpu.enqueue_indirect_dma source(%dma_start3A_120 : memref<348160x32xf32, #tpu.memory_space<hbm>>) target(%dma_start3A_114 : memref<128x32xf32, #tpu.memory_space<vmem>>) offsets(%dma_start3A_117 : memref<128xi32, #tpu.memory_space<vmem>>) semaphore(%arg10 : memref<!tpu.dma_semaphore, #tpu.memory_space<semaphore_mem>>)
      %dma_start3A_121 = arith.constant 9 : i32
      %dma_start3A_122 = arith.constant 9 : i32
      %dma_start3A_123 = arith.constant 0 : i32
      %dma_start3A_124 = arith.constant 0 : i32
      %dma_start3A_125 = tpu.memref_slice %arg8[%dma_start3A_122, %dma_start3A_123, %dma_start3A_124] : memref<16x128x32xf32, #tpu.memory_space<vmem>> -> memref<1x128x32xf32, #tpu.memory_space<vmem>>
      %dma_start3A_126 = tpu.memref_squeeze %dma_start3A_125 : memref<1x128x32xf32, #tpu.memory_space<vmem>> -> memref<128x32xf32, #tpu.memory_space<vmem>>
      %dma_start3A_127 = arith.constant 0 : i32
      %dma_start3A_128 = tpu.memref_slice %arg6[%dma_start3A_121, %dma_start3A_127] : memref<16x128xi32, #tpu.memory_space<vmem>> -> memref<1x128xi32, #tpu.memory_space<vmem>>
      %dma_start3A_129 = tpu.memref_squeeze %dma_start3A_128 : memref<1x128xi32, #tpu.memory_space<vmem>> -> memref<128xi32, #tpu.memory_space<vmem>>
      %dma_start3A_130 = arith.constant 0 : i32
      %dma_start3A_131 = arith.constant 0 : i32
      %dma_start3A_132 = tpu.memref_slice %arg2[%dma_start3A_130, %dma_start3A_131] : memref<348160x32xf32, #tpu.memory_space<hbm>> -> memref<348160x32xf32, #tpu.memory_space<hbm>>
      tpu.enqueue_indirect_dma source(%dma_start3A_132 : memref<348160x32xf32, #tpu.memory_space<hbm>>) target(%dma_start3A_126 : memref<128x32xf32, #tpu.memory_space<vmem>>) offsets(%dma_start3A_129 : memref<128xi32, #tpu.memory_space<vmem>>) semaphore(%arg10 : memref<!tpu.dma_semaphore, #tpu.memory_space<semaphore_mem>>)
      %dma_start3A_133 = arith.constant 10 : i32
      %dma_start3A_134 = arith.constant 10 : i32
      %dma_start3A_135 = arith.constant 0 : i32
      %dma_start3A_136 = arith.constant 0 : i32
      %dma_start3A_137 = tpu.memref_slice %arg8[%dma_start3A_134, %dma_start3A_135, %dma_start3A_136] : memref<16x128x32xf32, #tpu.memory_space<vmem>> -> memref<1x128x32xf32, #tpu.memory_space<vmem>>
      %dma_start3A_138 = tpu.memref_squeeze %dma_start3A_137 : memref<1x128x32xf32, #tpu.memory_space<vmem>> -> memref<128x32xf32, #tpu.memory_space<vmem>>
      %dma_start3A_139 = arith.constant 0 : i32
      %dma_start3A_140 = tpu.memref_slice %arg6[%dma_start3A_133, %dma_start3A_139] : memref<16x128xi32, #tpu.memory_space<vmem>> -> memref<1x128xi32, #tpu.memory_space<vmem>>
      %dma_start3A_141 = tpu.memref_squeeze %dma_start3A_140 : memref<1x128xi32, #tpu.memory_space<vmem>> -> memref<128xi32, #tpu.memory_space<vmem>>
      %dma_start3A_142 = arith.constant 0 : i32
      %dma_start3A_143 = arith.constant 0 : i32
      %dma_start3A_144 = tpu.memref_slice %arg2[%dma_start3A_142, %dma_start3A_143] : memref<348160x32xf32, #tpu.memory_space<hbm>> -> memref<348160x32xf32, #tpu.memory_space<hbm>>
      tpu.enqueue_indirect_dma source(%dma_start3A_144 : memref<348160x32xf32, #tpu.memory_space<hbm>>) target(%dma_start3A_138 : memref<128x32xf32, #tpu.memory_space<vmem>>) offsets(%dma_start3A_141 : memref<128xi32, #tpu.memory_space<vmem>>) semaphore(%arg10 : memref<!tpu.dma_semaphore, #tpu.memory_space<semaphore_mem>>)
      %dma_start3A_145 = arith.constant 11 : i32
      %dma_start3A_146 = arith.constant 11 : i32
      %dma_start3A_147 = arith.constant 0 : i32
      %dma_start3A_148 = arith.constant 0 : i32
      %dma_start3A_149 = tpu.memref_slice %arg8[%dma_start3A_146, %dma_start3A_147, %dma_start3A_148] : memref<16x128x32xf32, #tpu.memory_space<vmem>> -> memref<1x128x32xf32, #tpu.memory_space<vmem>>
      %dma_start3A_150 = tpu.memref_squeeze %dma_start3A_149 : memref<1x128x32xf32, #tpu.memory_space<vmem>> -> memref<128x32xf32, #tpu.memory_space<vmem>>
      %dma_start3A_151 = arith.constant 0 : i32
      %dma_start3A_152 = tpu.memref_slice %arg6[%dma_start3A_145, %dma_start3A_151] : memref<16x128xi32, #tpu.memory_space<vmem>> -> memref<1x128xi32, #tpu.memory_space<vmem>>
      %dma_start3A_153 = tpu.memref_squeeze %dma_start3A_152 : memref<1x128xi32, #tpu.memory_space<vmem>> -> memref<128xi32, #tpu.memory_space<vmem>>
      %dma_start3A_154 = arith.constant 0 : i32
      %dma_start3A_155 = arith.constant 0 : i32
      %dma_start3A_156 = tpu.memref_slice %arg2[%dma_start3A_154, %dma_start3A_155] : memref<348160x32xf32, #tpu.memory_space<hbm>> -> memref<348160x32xf32, #tpu.memory_space<hbm>>
      tpu.enqueue_indirect_dma source(%dma_start3A_156 : memref<348160x32xf32, #tpu.memory_space<hbm>>) target(%dma_start3A_150 : memref<128x32xf32, #tpu.memory_space<vmem>>) offsets(%dma_start3A_153 : memref<128xi32, #tpu.memory_space<vmem>>) semaphore(%arg10 : memref<!tpu.dma_semaphore, #tpu.memory_space<semaphore_mem>>)
      %dma_start3A_157 = arith.constant 12 : i32
      %dma_start3A_158 = arith.constant 12 : i32
      %dma_start3A_159 = arith.constant 0 : i32
      %dma_start3A_160 = arith.constant 0 : i32
      %dma_start3A_161 = tpu.memref_slice %arg8[%dma_start3A_158, %dma_start3A_159, %dma_start3A_160] : memref<16x128x32xf32, #tpu.memory_space<vmem>> -> memref<1x128x32xf32, #tpu.memory_space<vmem>>
      %dma_start3A_162 = tpu.memref_squeeze %dma_start3A_161 : memref<1x128x32xf32, #tpu.memory_space<vmem>> -> memref<128x32xf32, #tpu.memory_space<vmem>>
      %dma_start3A_163 = arith.constant 0 : i32
      %dma_start3A_164 = tpu.memref_slice %arg6[%dma_start3A_157, %dma_start3A_163] : memref<16x128xi32, #tpu.memory_space<vmem>> -> memref<1x128xi32, #tpu.memory_space<vmem>>
      %dma_start3A_165 = tpu.memref_squeeze %dma_start3A_164 : memref<1x128xi32, #tpu.memory_space<vmem>> -> memref<128xi32, #tpu.memory_space<vmem>>
      %dma_start3A_166 = arith.constant 0 : i32
      %dma_start3A_167 = arith.constant 0 : i32
      %dma_start3A_168 = tpu.memref_slice %arg2[%dma_start3A_166, %dma_start3A_167] : memref<348160x32xf32, #tpu.memory_space<hbm>> -> memref<348160x32xf32, #tpu.memory_space<hbm>>
      tpu.enqueue_indirect_dma source(%dma_start3A_168 : memref<348160x32xf32, #tpu.memory_space<hbm>>) target(%dma_start3A_162 : memref<128x32xf32, #tpu.memory_space<vmem>>) offsets(%dma_start3A_165 : memref<128xi32, #tpu.memory_space<vmem>>) semaphore(%arg10 : memref<!tpu.dma_semaphore, #tpu.memory_space<semaphore_mem>>)
      %dma_start3A_169 = arith.constant 13 : i32
      %dma_start3A_170 = arith.constant 13 : i32
      %dma_start3A_171 = arith.constant 0 : i32
      %dma_start3A_172 = arith.constant 0 : i32
      %dma_start3A_173 = tpu.memref_slice %arg8[%dma_start3A_170, %dma_start3A_171, %dma_start3A_172] : memref<16x128x32xf32, #tpu.memory_space<vmem>> -> memref<1x128x32xf32, #tpu.memory_space<vmem>>
      %dma_start3A_174 = tpu.memref_squeeze %dma_start3A_173 : memref<1x128x32xf32, #tpu.memory_space<vmem>> -> memref<128x32xf32, #tpu.memory_space<vmem>>
      %dma_start3A_175 = arith.constant 0 : i32
      %dma_start3A_176 = tpu.memref_slice %arg6[%dma_start3A_169, %dma_start3A_175] : memref<16x128xi32, #tpu.memory_space<vmem>> -> memref<1x128xi32, #tpu.memory_space<vmem>>
      %dma_start3A_177 = tpu.memref_squeeze %dma_start3A_176 : memref<1x128xi32, #tpu.memory_space<vmem>> -> memref<128xi32, #tpu.memory_space<vmem>>
      %dma_start3A_178 = arith.constant 0 : i32
      %dma_start3A_179 = arith.constant 0 : i32
      %dma_start3A_180 = tpu.memref_slice %arg2[%dma_start3A_178, %dma_start3A_179] : memref<348160x32xf32, #tpu.memory_space<hbm>> -> memref<348160x32xf32, #tpu.memory_space<hbm>>
      tpu.enqueue_indirect_dma source(%dma_start3A_180 : memref<348160x32xf32, #tpu.memory_space<hbm>>) target(%dma_start3A_174 : memref<128x32xf32, #tpu.memory_space<vmem>>) offsets(%dma_start3A_177 : memref<128xi32, #tpu.memory_space<vmem>>) semaphore(%arg10 : memref<!tpu.dma_semaphore, #tpu.memory_space<semaphore_mem>>)
      %dma_start3A_181 = arith.constant 14 : i32
      %dma_start3A_182 = arith.constant 14 : i32
      %dma_start3A_183 = arith.constant 0 : i32
      %dma_start3A_184 = arith.constant 0 : i32
      %dma_start3A_185 = tpu.memref_slice %arg8[%dma_start3A_182, %dma_start3A_183, %dma_start3A_184] : memref<16x128x32xf32, #tpu.memory_space<vmem>> -> memref<1x128x32xf32, #tpu.memory_space<vmem>>
      %dma_start3A_186 = tpu.memref_squeeze %dma_start3A_185 : memref<1x128x32xf32, #tpu.memory_space<vmem>> -> memref<128x32xf32, #tpu.memory_space<vmem>>
      %dma_start3A_187 = arith.constant 0 : i32
      %dma_start3A_188 = tpu.memref_slice %arg6[%dma_start3A_181, %dma_start3A_187] : memref<16x128xi32, #tpu.memory_space<vmem>> -> memref<1x128xi32, #tpu.memory_space<vmem>>
      %dma_start3A_189 = tpu.memref_squeeze %dma_start3A_188 : memref<1x128xi32, #tpu.memory_space<vmem>> -> memref<128xi32, #tpu.memory_space<vmem>>
      %dma_start3A_190 = arith.constant 0 : i32
      %dma_start3A_191 = arith.constant 0 : i32
      %dma_start3A_192 = tpu.memref_slice %arg2[%dma_start3A_190, %dma_start3A_191] : memref<348160x32xf32, #tpu.memory_space<hbm>> -> memref<348160x32xf32, #tpu.memory_space<hbm>>
      tpu.enqueue_indirect_dma source(%dma_start3A_192 : memref<348160x32xf32, #tpu.memory_space<hbm>>) target(%dma_start3A_186 : memref<128x32xf32, #tpu.memory_space<vmem>>) offsets(%dma_start3A_189 : memref<128xi32, #tpu.memory_space<vmem>>) semaphore(%arg10 : memref<!tpu.dma_semaphore, #tpu.memory_space<semaphore_mem>>)
      %dma_start3A_193 = arith.constant 15 : i32
      %dma_start3A_194 = arith.constant 15 : i32
      %dma_start3A_195 = arith.constant 0 : i32
      %dma_start3A_196 = arith.constant 0 : i32
      %dma_start3A_197 = tpu.memref_slice %arg8[%dma_start3A_194, %dma_start3A_195, %dma_start3A_196] : memref<16x128x32xf32, #tpu.memory_space<vmem>> -> memref<1x128x32xf32, #tpu.memory_space<vmem>>
      %dma_start3A_198 = tpu.memref_squeeze %dma_start3A_197 : memref<1x128x32xf32, #tpu.memory_space<vmem>> -> memref<128x32xf32, #tpu.memory_space<vmem>>
      %dma_start3A_199 = arith.constant 0 : i32
      %dma_start3A_200 = tpu.memref_slice %arg6[%dma_start3A_193, %dma_start3A_199] : memref<16x128xi32, #tpu.memory_space<vmem>> -> memref<1x128xi32, #tpu.memory_space<vmem>>
      %dma_start3A_201 = tpu.memref_squeeze %dma_start3A_200 : memref<1x128xi32, #tpu.memory_space<vmem>> -> memref<128xi32, #tpu.memory_space<vmem>>
      %dma_start3A_202 = arith.constant 0 : i32
      %dma_start3A_203 = arith.constant 0 : i32
      %dma_start3A_204 = tpu.memref_slice %arg2[%dma_start3A_202, %dma_start3A_203] : memref<348160x32xf32, #tpu.memory_space<hbm>> -> memref<348160x32xf32, #tpu.memory_space<hbm>>
      tpu.enqueue_indirect_dma source(%dma_start3A_204 : memref<348160x32xf32, #tpu.memory_space<hbm>>) target(%dma_start3A_198 : memref<128x32xf32, #tpu.memory_space<vmem>>) offsets(%dma_start3A_201 : memref<128xi32, #tpu.memory_space<vmem>>) semaphore(%arg10 : memref<!tpu.dma_semaphore, #tpu.memory_space<semaphore_mem>>)
      %dma_wait3A = arith.constant 0 : i32
      %dma_wait3A_205 = arith.constant 0 : i32
      %dma_wait3A_206 = arith.constant 0 : i32
      %dma_wait3A_207 = arith.constant 0 : i32
      %dma_wait3A_208 = tpu.memref_slice %arg8[%dma_wait3A_205, %dma_wait3A_206, %dma_wait3A_207] : memref<16x128x32xf32, #tpu.memory_space<vmem>> -> memref<1x128x32xf32, #tpu.memory_space<vmem>>
      %dma_wait3A_209 = tpu.memref_squeeze %dma_wait3A_208 : memref<1x128x32xf32, #tpu.memory_space<vmem>> -> memref<128x32xf32, #tpu.memory_space<vmem>>
      %dma_wait3A_210 = arith.constant 0 : i32
      %dma_wait3A_211 = tpu.memref_slice %arg6[%dma_wait3A, %dma_wait3A_210] : memref<16x128xi32, #tpu.memory_space<vmem>> -> memref<1x128xi32, #tpu.memory_space<vmem>>
      %dma_wait3A_212 = tpu.memref_squeeze %dma_wait3A_211 : memref<1x128xi32, #tpu.memory_space<vmem>> -> memref<128xi32, #tpu.memory_space<vmem>>
      %dma_wait3A_213 = arith.constant 0 : i32
      %dma_wait3A_214 = arith.constant 0 : i32
      %dma_wait3A_215 = tpu.memref_slice %arg2[%dma_wait3A_213, %dma_wait3A_214] : memref<348160x32xf32, #tpu.memory_space<hbm>> -> memref<348160x32xf32, #tpu.memory_space<hbm>>
      tpu.wait_indirect_dma semaphore(%arg10 : memref<!tpu.dma_semaphore, #tpu.memory_space<semaphore_mem>>) src(%dma_wait3A_215 : memref<348160x32xf32, #tpu.memory_space<hbm>>) dst(%dma_wait3A_209 : memref<128x32xf32, #tpu.memory_space<vmem>>)
      %dma_wait3A_216 = arith.constant 1 : i32
      %dma_wait3A_217 = arith.constant 1 : i32
      %dma_wait3A_218 = arith.constant 0 : i32
      %dma_wait3A_219 = arith.constant 0 : i32
      %dma_wait3A_220 = tpu.memref_slice %arg8[%dma_wait3A_217, %dma_wait3A_218, %dma_wait3A_219] : memref<16x128x32xf32, #tpu.memory_space<vmem>> -> memref<1x128x32xf32, #tpu.memory_space<vmem>>
      %dma_wait3A_221 = tpu.memref_squeeze %dma_wait3A_220 : memref<1x128x32xf32, #tpu.memory_space<vmem>> -> memref<128x32xf32, #tpu.memory_space<vmem>>
      %dma_wait3A_222 = arith.constant 0 : i32
      %dma_wait3A_223 = tpu.memref_slice %arg6[%dma_wait3A_216, %dma_wait3A_222] : memref<16x128xi32, #tpu.memory_space<vmem>> -> memref<1x128xi32, #tpu.memory_space<vmem>>
      %dma_wait3A_224 = tpu.memref_squeeze %dma_wait3A_223 : memref<1x128xi32, #tpu.memory_space<vmem>> -> memref<128xi32, #tpu.memory_space<vmem>>
      %dma_wait3A_225 = arith.constant 0 : i32
      %dma_wait3A_226 = arith.constant 0 : i32
      %dma_wait3A_227 = tpu.memref_slice %arg2[%dma_wait3A_225, %dma_wait3A_226] : memref<348160x32xf32, #tpu.memory_space<hbm>> -> memref<348160x32xf32, #tpu.memory_space<hbm>>
      tpu.wait_indirect_dma semaphore(%arg10 : memref<!tpu.dma_semaphore, #tpu.memory_space<semaphore_mem>>) src(%dma_wait3A_227 : memref<348160x32xf32, #tpu.memory_space<hbm>>) dst(%dma_wait3A_221 : memref<128x32xf32, #tpu.memory_space<vmem>>)
      %dma_wait3A_228 = arith.constant 2 : i32
      %dma_wait3A_229 = arith.constant 2 : i32
      %dma_wait3A_230 = arith.constant 0 : i32
      %dma_wait3A_231 = arith.constant 0 : i32
      %dma_wait3A_232 = tpu.memref_slice %arg8[%dma_wait3A_229, %dma_wait3A_230, %dma_wait3A_231] : memref<16x128x32xf32, #tpu.memory_space<vmem>> -> memref<1x128x32xf32, #tpu.memory_space<vmem>>
      %dma_wait3A_233 = tpu.memref_squeeze %dma_wait3A_232 : memref<1x128x32xf32, #tpu.memory_space<vmem>> -> memref<128x32xf32, #tpu.memory_space<vmem>>
      %dma_wait3A_234 = arith.constant 0 : i32
      %dma_wait3A_235 = tpu.memref_slice %arg6[%dma_wait3A_228, %dma_wait3A_234] : memref<16x128xi32, #tpu.memory_space<vmem>> -> memref<1x128xi32, #tpu.memory_space<vmem>>
      %dma_wait3A_236 = tpu.memref_squeeze %dma_wait3A_235 : memref<1x128xi32, #tpu.memory_space<vmem>> -> memref<128xi32, #tpu.memory_space<vmem>>
      %dma_wait3A_237 = arith.constant 0 : i32
      %dma_wait3A_238 = arith.constant 0 : i32
      %dma_wait3A_239 = tpu.memref_slice %arg2[%dma_wait3A_237, %dma_wait3A_238] : memref<348160x32xf32, #tpu.memory_space<hbm>> -> memref<348160x32xf32, #tpu.memory_space<hbm>>
      tpu.wait_indirect_dma semaphore(%arg10 : memref<!tpu.dma_semaphore, #tpu.memory_space<semaphore_mem>>) src(%dma_wait3A_239 : memref<348160x32xf32, #tpu.memory_space<hbm>>) dst(%dma_wait3A_233 : memref<128x32xf32, #tpu.memory_space<vmem>>)
      %dma_wait3A_240 = arith.constant 3 : i32
      %dma_wait3A_241 = arith.constant 3 : i32
      %dma_wait3A_242 = arith.constant 0 : i32
      %dma_wait3A_243 = arith.constant 0 : i32
      %dma_wait3A_244 = tpu.memref_slice %arg8[%dma_wait3A_241, %dma_wait3A_242, %dma_wait3A_243] : memref<16x128x32xf32, #tpu.memory_space<vmem>> -> memref<1x128x32xf32, #tpu.memory_space<vmem>>
      %dma_wait3A_245 = tpu.memref_squeeze %dma_wait3A_244 : memref<1x128x32xf32, #tpu.memory_space<vmem>> -> memref<128x32xf32, #tpu.memory_space<vmem>>
      %dma_wait3A_246 = arith.constant 0 : i32
      %dma_wait3A_247 = tpu.memref_slice %arg6[%dma_wait3A_240, %dma_wait3A_246] : memref<16x128xi32, #tpu.memory_space<vmem>> -> memref<1x128xi32, #tpu.memory_space<vmem>>
      %dma_wait3A_248 = tpu.memref_squeeze %dma_wait3A_247 : memref<1x128xi32, #tpu.memory_space<vmem>> -> memref<128xi32, #tpu.memory_space<vmem>>
      %dma_wait3A_249 = arith.constant 0 : i32
      %dma_wait3A_250 = arith.constant 0 : i32
      %dma_wait3A_251 = tpu.memref_slice %arg2[%dma_wait3A_249, %dma_wait3A_250] : memref<348160x32xf32, #tpu.memory_space<hbm>> -> memref<348160x32xf32, #tpu.memory_space<hbm>>
      tpu.wait_indirect_dma semaphore(%arg10 : memref<!tpu.dma_semaphore, #tpu.memory_space<semaphore_mem>>) src(%dma_wait3A_251 : memref<348160x32xf32, #tpu.memory_space<hbm>>) dst(%dma_wait3A_245 : memref<128x32xf32, #tpu.memory_space<vmem>>)
      %dma_wait3A_252 = arith.constant 4 : i32
      %dma_wait3A_253 = arith.constant 4 : i32
      %dma_wait3A_254 = arith.constant 0 : i32
      %dma_wait3A_255 = arith.constant 0 : i32
      %dma_wait3A_256 = tpu.memref_slice %arg8[%dma_wait3A_253, %dma_wait3A_254, %dma_wait3A_255] : memref<16x128x32xf32, #tpu.memory_space<vmem>> -> memref<1x128x32xf32, #tpu.memory_space<vmem>>
      %dma_wait3A_257 = tpu.memref_squeeze %dma_wait3A_256 : memref<1x128x32xf32, #tpu.memory_space<vmem>> -> memref<128x32xf32, #tpu.memory_space<vmem>>
      %dma_wait3A_258 = arith.constant 0 : i32
      %dma_wait3A_259 = tpu.memref_slice %arg6[%dma_wait3A_252, %dma_wait3A_258] : memref<16x128xi32, #tpu.memory_space<vmem>> -> memref<1x128xi32, #tpu.memory_space<vmem>>
      %dma_wait3A_260 = tpu.memref_squeeze %dma_wait3A_259 : memref<1x128xi32, #tpu.memory_space<vmem>> -> memref<128xi32, #tpu.memory_space<vmem>>
      %dma_wait3A_261 = arith.constant 0 : i32
      %dma_wait3A_262 = arith.constant 0 : i32
      %dma_wait3A_263 = tpu.memref_slice %arg2[%dma_wait3A_261, %dma_wait3A_262] : memref<348160x32xf32, #tpu.memory_space<hbm>> -> memref<348160x32xf32, #tpu.memory_space<hbm>>
      tpu.wait_indirect_dma semaphore(%arg10 : memref<!tpu.dma_semaphore, #tpu.memory_space<semaphore_mem>>) src(%dma_wait3A_263 : memref<348160x32xf32, #tpu.memory_space<hbm>>) dst(%dma_wait3A_257 : memref<128x32xf32, #tpu.memory_space<vmem>>)
      %dma_wait3A_264 = arith.constant 5 : i32
      %dma_wait3A_265 = arith.constant 5 : i32
      %dma_wait3A_266 = arith.constant 0 : i32
      %dma_wait3A_267 = arith.constant 0 : i32
      %dma_wait3A_268 = tpu.memref_slice %arg8[%dma_wait3A_265, %dma_wait3A_266, %dma_wait3A_267] : memref<16x128x32xf32, #tpu.memory_space<vmem>> -> memref<1x128x32xf32, #tpu.memory_space<vmem>>
      %dma_wait3A_269 = tpu.memref_squeeze %dma_wait3A_268 : memref<1x128x32xf32, #tpu.memory_space<vmem>> -> memref<128x32xf32, #tpu.memory_space<vmem>>
      %dma_wait3A_270 = arith.constant 0 : i32
      %dma_wait3A_271 = tpu.memref_slice %arg6[%dma_wait3A_264, %dma_wait3A_270] : memref<16x128xi32, #tpu.memory_space<vmem>> -> memref<1x128xi32, #tpu.memory_space<vmem>>
      %dma_wait3A_272 = tpu.memref_squeeze %dma_wait3A_271 : memref<1x128xi32, #tpu.memory_space<vmem>> -> memref<128xi32, #tpu.memory_space<vmem>>
      %dma_wait3A_273 = arith.constant 0 : i32
      %dma_wait3A_274 = arith.constant 0 : i32
      %dma_wait3A_275 = tpu.memref_slice %arg2[%dma_wait3A_273, %dma_wait3A_274] : memref<348160x32xf32, #tpu.memory_space<hbm>> -> memref<348160x32xf32, #tpu.memory_space<hbm>>
      tpu.wait_indirect_dma semaphore(%arg10 : memref<!tpu.dma_semaphore, #tpu.memory_space<semaphore_mem>>) src(%dma_wait3A_275 : memref<348160x32xf32, #tpu.memory_space<hbm>>) dst(%dma_wait3A_269 : memref<128x32xf32, #tpu.memory_space<vmem>>)
      %dma_wait3A_276 = arith.constant 6 : i32
      %dma_wait3A_277 = arith.constant 6 : i32
      %dma_wait3A_278 = arith.constant 0 : i32
      %dma_wait3A_279 = arith.constant 0 : i32
      %dma_wait3A_280 = tpu.memref_slice %arg8[%dma_wait3A_277, %dma_wait3A_278, %dma_wait3A_279] : memref<16x128x32xf32, #tpu.memory_space<vmem>> -> memref<1x128x32xf32, #tpu.memory_space<vmem>>
      %dma_wait3A_281 = tpu.memref_squeeze %dma_wait3A_280 : memref<1x128x32xf32, #tpu.memory_space<vmem>> -> memref<128x32xf32, #tpu.memory_space<vmem>>
      %dma_wait3A_282 = arith.constant 0 : i32
      %dma_wait3A_283 = tpu.memref_slice %arg6[%dma_wait3A_276, %dma_wait3A_282] : memref<16x128xi32, #tpu.memory_space<vmem>> -> memref<1x128xi32, #tpu.memory_space<vmem>>
      %dma_wait3A_284 = tpu.memref_squeeze %dma_wait3A_283 : memref<1x128xi32, #tpu.memory_space<vmem>> -> memref<128xi32, #tpu.memory_space<vmem>>
      %dma_wait3A_285 = arith.constant 0 : i32
      %dma_wait3A_286 = arith.constant 0 : i32
      %dma_wait3A_287 = tpu.memref_slice %arg2[%dma_wait3A_285, %dma_wait3A_286] : memref<348160x32xf32, #tpu.memory_space<hbm>> -> memref<348160x32xf32, #tpu.memory_space<hbm>>
      tpu.wait_indirect_dma semaphore(%arg10 : memref<!tpu.dma_semaphore, #tpu.memory_space<semaphore_mem>>) src(%dma_wait3A_287 : memref<348160x32xf32, #tpu.memory_space<hbm>>) dst(%dma_wait3A_281 : memref<128x32xf32, #tpu.memory_space<vmem>>)
      %dma_wait3A_288 = arith.constant 7 : i32
      %dma_wait3A_289 = arith.constant 7 : i32
      %dma_wait3A_290 = arith.constant 0 : i32
      %dma_wait3A_291 = arith.constant 0 : i32
      %dma_wait3A_292 = tpu.memref_slice %arg8[%dma_wait3A_289, %dma_wait3A_290, %dma_wait3A_291] : memref<16x128x32xf32, #tpu.memory_space<vmem>> -> memref<1x128x32xf32, #tpu.memory_space<vmem>>
      %dma_wait3A_293 = tpu.memref_squeeze %dma_wait3A_292 : memref<1x128x32xf32, #tpu.memory_space<vmem>> -> memref<128x32xf32, #tpu.memory_space<vmem>>
      %dma_wait3A_294 = arith.constant 0 : i32
      %dma_wait3A_295 = tpu.memref_slice %arg6[%dma_wait3A_288, %dma_wait3A_294] : memref<16x128xi32, #tpu.memory_space<vmem>> -> memref<1x128xi32, #tpu.memory_space<vmem>>
      %dma_wait3A_296 = tpu.memref_squeeze %dma_wait3A_295 : memref<1x128xi32, #tpu.memory_space<vmem>> -> memref<128xi32, #tpu.memory_space<vmem>>
      %dma_wait3A_297 = arith.constant 0 : i32
      %dma_wait3A_298 = arith.constant 0 : i32
      %dma_wait3A_299 = tpu.memref_slice %arg2[%dma_wait3A_297, %dma_wait3A_298] : memref<348160x32xf32, #tpu.memory_space<hbm>> -> memref<348160x32xf32, #tpu.memory_space<hbm>>
      tpu.wait_indirect_dma semaphore(%arg10 : memref<!tpu.dma_semaphore, #tpu.memory_space<semaphore_mem>>) src(%dma_wait3A_299 : memref<348160x32xf32, #tpu.memory_space<hbm>>) dst(%dma_wait3A_293 : memref<128x32xf32, #tpu.memory_space<vmem>>)
      %dma_wait3A_300 = arith.constant 8 : i32
      %dma_wait3A_301 = arith.constant 8 : i32
      %dma_wait3A_302 = arith.constant 0 : i32
      %dma_wait3A_303 = arith.constant 0 : i32
      %dma_wait3A_304 = tpu.memref_slice %arg8[%dma_wait3A_301, %dma_wait3A_302, %dma_wait3A_303] : memref<16x128x32xf32, #tpu.memory_space<vmem>> -> memref<1x128x32xf32, #tpu.memory_space<vmem>>
      %dma_wait3A_305 = tpu.memref_squeeze %dma_wait3A_304 : memref<1x128x32xf32, #tpu.memory_space<vmem>> -> memref<128x32xf32, #tpu.memory_space<vmem>>
      %dma_wait3A_306 = arith.constant 0 : i32
      %dma_wait3A_307 = tpu.memref_slice %arg6[%dma_wait3A_300, %dma_wait3A_306] : memref<16x128xi32, #tpu.memory_space<vmem>> -> memref<1x128xi32, #tpu.memory_space<vmem>>
      %dma_wait3A_308 = tpu.memref_squeeze %dma_wait3A_307 : memref<1x128xi32, #tpu.memory_space<vmem>> -> memref<128xi32, #tpu.memory_space<vmem>>
      %dma_wait3A_309 = arith.constant 0 : i32
      %dma_wait3A_310 = arith.constant 0 : i32
      %dma_wait3A_311 = tpu.memref_slice %arg2[%dma_wait3A_309, %dma_wait3A_310] : memref<348160x32xf32, #tpu.memory_space<hbm>> -> memref<348160x32xf32, #tpu.memory_space<hbm>>
      tpu.wait_indirect_dma semaphore(%arg10 : memref<!tpu.dma_semaphore, #tpu.memory_space<semaphore_mem>>) src(%dma_wait3A_311 : memref<348160x32xf32, #tpu.memory_space<hbm>>) dst(%dma_wait3A_305 : memref<128x32xf32, #tpu.memory_space<vmem>>)
      %dma_wait3A_312 = arith.constant 9 : i32
      %dma_wait3A_313 = arith.constant 9 : i32
      %dma_wait3A_314 = arith.constant 0 : i32
      %dma_wait3A_315 = arith.constant 0 : i32
      %dma_wait3A_316 = tpu.memref_slice %arg8[%dma_wait3A_313, %dma_wait3A_314, %dma_wait3A_315] : memref<16x128x32xf32, #tpu.memory_space<vmem>> -> memref<1x128x32xf32, #tpu.memory_space<vmem>>
      %dma_wait3A_317 = tpu.memref_squeeze %dma_wait3A_316 : memref<1x128x32xf32, #tpu.memory_space<vmem>> -> memref<128x32xf32, #tpu.memory_space<vmem>>
      %dma_wait3A_318 = arith.constant 0 : i32
      %dma_wait3A_319 = tpu.memref_slice %arg6[%dma_wait3A_312, %dma_wait3A_318] : memref<16x128xi32, #tpu.memory_space<vmem>> -> memref<1x128xi32, #tpu.memory_space<vmem>>
      %dma_wait3A_320 = tpu.memref_squeeze %dma_wait3A_319 : memref<1x128xi32, #tpu.memory_space<vmem>> -> memref<128xi32, #tpu.memory_space<vmem>>
      %dma_wait3A_321 = arith.constant 0 : i32
      %dma_wait3A_322 = arith.constant 0 : i32
      %dma_wait3A_323 = tpu.memref_slice %arg2[%dma_wait3A_321, %dma_wait3A_322] : memref<348160x32xf32, #tpu.memory_space<hbm>> -> memref<348160x32xf32, #tpu.memory_space<hbm>>
      tpu.wait_indirect_dma semaphore(%arg10 : memref<!tpu.dma_semaphore, #tpu.memory_space<semaphore_mem>>) src(%dma_wait3A_323 : memref<348160x32xf32, #tpu.memory_space<hbm>>) dst(%dma_wait3A_317 : memref<128x32xf32, #tpu.memory_space<vmem>>)
      %dma_wait3A_324 = arith.constant 10 : i32
      %dma_wait3A_325 = arith.constant 10 : i32
      %dma_wait3A_326 = arith.constant 0 : i32
      %dma_wait3A_327 = arith.constant 0 : i32
      %dma_wait3A_328 = tpu.memref_slice %arg8[%dma_wait3A_325, %dma_wait3A_326, %dma_wait3A_327] : memref<16x128x32xf32, #tpu.memory_space<vmem>> -> memref<1x128x32xf32, #tpu.memory_space<vmem>>
      %dma_wait3A_329 = tpu.memref_squeeze %dma_wait3A_328 : memref<1x128x32xf32, #tpu.memory_space<vmem>> -> memref<128x32xf32, #tpu.memory_space<vmem>>
      %dma_wait3A_330 = arith.constant 0 : i32
      %dma_wait3A_331 = tpu.memref_slice %arg6[%dma_wait3A_324, %dma_wait3A_330] : memref<16x128xi32, #tpu.memory_space<vmem>> -> memref<1x128xi32, #tpu.memory_space<vmem>>
      %dma_wait3A_332 = tpu.memref_squeeze %dma_wait3A_331 : memref<1x128xi32, #tpu.memory_space<vmem>> -> memref<128xi32, #tpu.memory_space<vmem>>
      %dma_wait3A_333 = arith.constant 0 : i32
      %dma_wait3A_334 = arith.constant 0 : i32
      %dma_wait3A_335 = tpu.memref_slice %arg2[%dma_wait3A_333, %dma_wait3A_334] : memref<348160x32xf32, #tpu.memory_space<hbm>> -> memref<348160x32xf32, #tpu.memory_space<hbm>>
      tpu.wait_indirect_dma semaphore(%arg10 : memref<!tpu.dma_semaphore, #tpu.memory_space<semaphore_mem>>) src(%dma_wait3A_335 : memref<348160x32xf32, #tpu.memory_space<hbm>>) dst(%dma_wait3A_329 : memref<128x32xf32, #tpu.memory_space<vmem>>)
      %dma_wait3A_336 = arith.constant 11 : i32
      %dma_wait3A_337 = arith.constant 11 : i32
      %dma_wait3A_338 = arith.constant 0 : i32
      %dma_wait3A_339 = arith.constant 0 : i32
      %dma_wait3A_340 = tpu.memref_slice %arg8[%dma_wait3A_337, %dma_wait3A_338, %dma_wait3A_339] : memref<16x128x32xf32, #tpu.memory_space<vmem>> -> memref<1x128x32xf32, #tpu.memory_space<vmem>>
      %dma_wait3A_341 = tpu.memref_squeeze %dma_wait3A_340 : memref<1x128x32xf32, #tpu.memory_space<vmem>> -> memref<128x32xf32, #tpu.memory_space<vmem>>
      %dma_wait3A_342 = arith.constant 0 : i32
      %dma_wait3A_343 = tpu.memref_slice %arg6[%dma_wait3A_336, %dma_wait3A_342] : memref<16x128xi32, #tpu.memory_space<vmem>> -> memref<1x128xi32, #tpu.memory_space<vmem>>
      %dma_wait3A_344 = tpu.memref_squeeze %dma_wait3A_343 : memref<1x128xi32, #tpu.memory_space<vmem>> -> memref<128xi32, #tpu.memory_space<vmem>>
      %dma_wait3A_345 = arith.constant 0 : i32
      %dma_wait3A_346 = arith.constant 0 : i32
      %dma_wait3A_347 = tpu.memref_slice %arg2[%dma_wait3A_345, %dma_wait3A_346] : memref<348160x32xf32, #tpu.memory_space<hbm>> -> memref<348160x32xf32, #tpu.memory_space<hbm>>
      tpu.wait_indirect_dma semaphore(%arg10 : memref<!tpu.dma_semaphore, #tpu.memory_space<semaphore_mem>>) src(%dma_wait3A_347 : memref<348160x32xf32, #tpu.memory_space<hbm>>) dst(%dma_wait3A_341 : memref<128x32xf32, #tpu.memory_space<vmem>>)
      %dma_wait3A_348 = arith.constant 12 : i32
      %dma_wait3A_349 = arith.constant 12 : i32
      %dma_wait3A_350 = arith.constant 0 : i32
      %dma_wait3A_351 = arith.constant 0 : i32
      %dma_wait3A_352 = tpu.memref_slice %arg8[%dma_wait3A_349, %dma_wait3A_350, %dma_wait3A_351] : memref<16x128x32xf32, #tpu.memory_space<vmem>> -> memref<1x128x32xf32, #tpu.memory_space<vmem>>
      %dma_wait3A_353 = tpu.memref_squeeze %dma_wait3A_352 : memref<1x128x32xf32, #tpu.memory_space<vmem>> -> memref<128x32xf32, #tpu.memory_space<vmem>>
      %dma_wait3A_354 = arith.constant 0 : i32
      %dma_wait3A_355 = tpu.memref_slice %arg6[%dma_wait3A_348, %dma_wait3A_354] : memref<16x128xi32, #tpu.memory_space<vmem>> -> memref<1x128xi32, #tpu.memory_space<vmem>>
      %dma_wait3A_356 = tpu.memref_squeeze %dma_wait3A_355 : memref<1x128xi32, #tpu.memory_space<vmem>> -> memref<128xi32, #tpu.memory_space<vmem>>
      %dma_wait3A_357 = arith.constant 0 : i32
      %dma_wait3A_358 = arith.constant 0 : i32
      %dma_wait3A_359 = tpu.memref_slice %arg2[%dma_wait3A_357, %dma_wait3A_358] : memref<348160x32xf32, #tpu.memory_space<hbm>> -> memref<348160x32xf32, #tpu.memory_space<hbm>>
      tpu.wait_indirect_dma semaphore(%arg10 : memref<!tpu.dma_semaphore, #tpu.memory_space<semaphore_mem>>) src(%dma_wait3A_359 : memref<348160x32xf32, #tpu.memory_space<hbm>>) dst(%dma_wait3A_353 : memref<128x32xf32, #tpu.memory_space<vmem>>)
      %dma_wait3A_360 = arith.constant 13 : i32
      %dma_wait3A_361 = arith.constant 13 : i32
      %dma_wait3A_362 = arith.constant 0 : i32
      %dma_wait3A_363 = arith.constant 0 : i32
      %dma_wait3A_364 = tpu.memref_slice %arg8[%dma_wait3A_361, %dma_wait3A_362, %dma_wait3A_363] : memref<16x128x32xf32, #tpu.memory_space<vmem>> -> memref<1x128x32xf32, #tpu.memory_space<vmem>>
      %dma_wait3A_365 = tpu.memref_squeeze %dma_wait3A_364 : memref<1x128x32xf32, #tpu.memory_space<vmem>> -> memref<128x32xf32, #tpu.memory_space<vmem>>
      %dma_wait3A_366 = arith.constant 0 : i32
      %dma_wait3A_367 = tpu.memref_slice %arg6[%dma_wait3A_360, %dma_wait3A_366] : memref<16x128xi32, #tpu.memory_space<vmem>> -> memref<1x128xi32, #tpu.memory_space<vmem>>
      %dma_wait3A_368 = tpu.memref_squeeze %dma_wait3A_367 : memref<1x128xi32, #tpu.memory_space<vmem>> -> memref<128xi32, #tpu.memory_space<vmem>>
      %dma_wait3A_369 = arith.constant 0 : i32
      %dma_wait3A_370 = arith.constant 0 : i32
      %dma_wait3A_371 = tpu.memref_slice %arg2[%dma_wait3A_369, %dma_wait3A_370] : memref<348160x32xf32, #tpu.memory_space<hbm>> -> memref<348160x32xf32, #tpu.memory_space<hbm>>
      tpu.wait_indirect_dma semaphore(%arg10 : memref<!tpu.dma_semaphore, #tpu.memory_space<semaphore_mem>>) src(%dma_wait3A_371 : memref<348160x32xf32, #tpu.memory_space<hbm>>) dst(%dma_wait3A_365 : memref<128x32xf32, #tpu.memory_space<vmem>>)
      %dma_wait3A_372 = arith.constant 14 : i32
      %dma_wait3A_373 = arith.constant 14 : i32
      %dma_wait3A_374 = arith.constant 0 : i32
      %dma_wait3A_375 = arith.constant 0 : i32
      %dma_wait3A_376 = tpu.memref_slice %arg8[%dma_wait3A_373, %dma_wait3A_374, %dma_wait3A_375] : memref<16x128x32xf32, #tpu.memory_space<vmem>> -> memref<1x128x32xf32, #tpu.memory_space<vmem>>
      %dma_wait3A_377 = tpu.memref_squeeze %dma_wait3A_376 : memref<1x128x32xf32, #tpu.memory_space<vmem>> -> memref<128x32xf32, #tpu.memory_space<vmem>>
      %dma_wait3A_378 = arith.constant 0 : i32
      %dma_wait3A_379 = tpu.memref_slice %arg6[%dma_wait3A_372, %dma_wait3A_378] : memref<16x128xi32, #tpu.memory_space<vmem>> -> memref<1x128xi32, #tpu.memory_space<vmem>>
      %dma_wait3A_380 = tpu.memref_squeeze %dma_wait3A_379 : memref<1x128xi32, #tpu.memory_space<vmem>> -> memref<128xi32, #tpu.memory_space<vmem>>
      %dma_wait3A_381 = arith.constant 0 : i32
      %dma_wait3A_382 = arith.constant 0 : i32
      %dma_wait3A_383 = tpu.memref_slice %arg2[%dma_wait3A_381, %dma_wait3A_382] : memref<348160x32xf32, #tpu.memory_space<hbm>> -> memref<348160x32xf32, #tpu.memory_space<hbm>>
      tpu.wait_indirect_dma semaphore(%arg10 : memref<!tpu.dma_semaphore, #tpu.memory_space<semaphore_mem>>) src(%dma_wait3A_383 : memref<348160x32xf32, #tpu.memory_space<hbm>>) dst(%dma_wait3A_377 : memref<128x32xf32, #tpu.memory_space<vmem>>)
      %dma_wait3A_384 = arith.constant 15 : i32
      %dma_wait3A_385 = arith.constant 15 : i32
      %dma_wait3A_386 = arith.constant 0 : i32
      %dma_wait3A_387 = arith.constant 0 : i32
      %dma_wait3A_388 = tpu.memref_slice %arg8[%dma_wait3A_385, %dma_wait3A_386, %dma_wait3A_387] : memref<16x128x32xf32, #tpu.memory_space<vmem>> -> memref<1x128x32xf32, #tpu.memory_space<vmem>>
      %dma_wait3A_389 = tpu.memref_squeeze %dma_wait3A_388 : memref<1x128x32xf32, #tpu.memory_space<vmem>> -> memref<128x32xf32, #tpu.memory_space<vmem>>
      %dma_wait3A_390 = arith.constant 0 : i32
      %dma_wait3A_391 = tpu.memref_slice %arg6[%dma_wait3A_384, %dma_wait3A_390] : memref<16x128xi32, #tpu.memory_space<vmem>> -> memref<1x128xi32, #tpu.memory_space<vmem>>
      %dma_wait3A_392 = tpu.memref_squeeze %dma_wait3A_391 : memref<1x128xi32, #tpu.memory_space<vmem>> -> memref<128xi32, #tpu.memory_space<vmem>>
      %dma_wait3A_393 = arith.constant 0 : i32
      %dma_wait3A_394 = arith.constant 0 : i32
      %dma_wait3A_395 = tpu.memref_slice %arg2[%dma_wait3A_393, %dma_wait3A_394] : memref<348160x32xf32, #tpu.memory_space<hbm>> -> memref<348160x32xf32, #tpu.memory_space<hbm>>
      tpu.wait_indirect_dma semaphore(%arg10 : memref<!tpu.dma_semaphore, #tpu.memory_space<semaphore_mem>>) src(%dma_wait3A_395 : memref<348160x32xf32, #tpu.memory_space<hbm>>) dst(%dma_wait3A_389 : memref<128x32xf32, #tpu.memory_space<vmem>>)
      %scan3A_396 = arith.constant 0 : i32
      %scan3A_397 = arith.constant 0 : i32
      %scan3A_398 = arith.constant 32 : i32
      %scan3A_399 = arith.addi %scan3A_397, %scan3A_398 : i32
      %scan3A_400 = arith.constant 1 : i32
      scf.for %scan3A_404 = %scan3A_397 to %scan3A_399 step %scan3A_400  : i32 {
        %jit3A = arith.constant 8 : i32
        %div3A = arith.divsi %scan3A_404, %jit3A : i32
        %sign3A = arith.constant 0 : i32
        %sign3A_405 = arith.cmpi sgt, %scan3A_404, %sign3A : i32
        %sign3A_406 = arith.extui %sign3A_405 : i1 to i32
        %sign3A_407 = arith.constant 0 : i32
        %sign3A_408 = arith.cmpi slt, %scan3A_404, %sign3A_407 : i32
        %sign3A_409 = arith.extui %sign3A_408 : i1 to i32
        %sign3A_410 = arith.subi %sign3A_406, %sign3A_409 : i32
        %sign3A_411 = arith.constant 0 : i32
        %sign3A_412 = arith.cmpi sgt, %jit3A, %sign3A_411 : i32
        %sign3A_413 = arith.extui %sign3A_412 : i1 to i32
        %sign3A_414 = arith.constant 0 : i32
        %sign3A_415 = arith.cmpi slt, %jit3A, %sign3A_414 : i32
        %sign3A_416 = arith.extui %sign3A_415 : i1 to i32
        %sign3A_417 = arith.subi %sign3A_413, %sign3A_416 : i32
        %ne3A = arith.cmpi ne, %sign3A_410, %sign3A_417 : i32
        %rem3A = arith.remsi %scan3A_404, %jit3A : i32
        %ne3A_418 = arith.constant 0 : i32
        %ne3A_419 = arith.cmpi ne, %rem3A, %ne3A_418 : i32
        %and3A = arith.andi %ne3A, %ne3A_419 : i1
        %sub3A = arith.constant 1 : i32
        %sub3A_420 = arith.subi %div3A, %sub3A : i32
        %select_n3A = arith.select %and3A, %sub3A_420, %div3A : i32
        %jit3A_421 = arith.constant 8 : i32
        %eq3A = arith.constant 0 : i32
        %eq3A_422 = arith.cmpi eq, %jit3A_421, %eq3A : i32
        %jit3A_423 = arith.constant 1 : i32
        %select_n3A_424 = arith.select %eq3A_422, %jit3A_423, %jit3A_421 : i32
        %rem3A_425 = arith.remsi %scan3A_404, %select_n3A_424 : i32
        %ne3A_426 = arith.constant 0 : i32
        %ne3A_427 = arith.cmpi ne, %rem3A_425, %ne3A_426 : i32
        %lt3A = arith.constant 0 : i32
        %lt3A_428 = arith.cmpi slt, %rem3A_425, %lt3A : i32
        %lt3A_429 = arith.constant 0 : i32
        %lt3A_430 = arith.cmpi slt, %select_n3A_424, %lt3A_429 : i32
        %ne3A_431 = arith.xori %lt3A_428, %lt3A_430 : i1
        %and3A_432 = arith.andi %ne3A_431, %ne3A_427 : i1
        %add3A_433 = arith.addi %rem3A_425, %select_n3A_424 : i32
        %select_n3A_434 = arith.select %and3A_432, %add3A_433, %rem3A_425 : i32
        %broadcast_in_dim3A = arith.constant 0.000000e+00 : f32
        %broadcast_in_dim3A_435 = vector.broadcast %broadcast_in_dim3A : f32 to vector<16xf32>
        %broadcast_in_dim3A_436 = arith.constant 0.000000e+00 : f32
        %broadcast_in_dim3A_437 = vector.broadcast %broadcast_in_dim3A_436 : f32 to vector<16xf32>
        %mul3A_438 = arith.constant 4 : i32
        %mul3A_439 = arith.muli %select_n3A, %mul3A_438 : i32
        %add3A_440 = arith.constant 0 : i32
        %add3A_441 = arith.addi %mul3A_439, %add3A_440 : i32
        %mul3A_442 = arith.constant 16 : i32
        %mul3A_443 = arith.muli %select_n3A_434, %mul3A_442 : i32
        %get3A = arith.index_cast %add3A_441 : i32 to index
        %get3A_444 = arith.index_cast %mul3A_443 : i32 to index
        %get3A_445 = tpu.vector_load %arg7[%get3A, %get3A_444] {strides = array<i32>} : memref<16x128xf32, #tpu.memory_space<vmem>>, vector<1x16xf32>,
        %get3A_446 = vector.shape_cast %get3A_445 : vector<1x16xf32> to vector<16xf32>
        %mul3A_447 = arith.constant 16 : i32
        %mul3A_448 = arith.muli %select_n3A_434, %mul3A_447 : i32
        %add3A_449 = arith.constant 0 : i32
        %add3A_450 = arith.addi %mul3A_448, %add3A_449 : i32
        %slice3A = vector.extract_strided_slice %get3A_446 {offsets = [0], sizes = [1], strides = [1]} : vector<16xf32> to vector<1xf32>
        %squeeze3A = vector.extract %slice3A[0] : f32 from vector<1xf32>
        %get3A_451 = arith.index_cast %add3A_441 : i32 to index
        %get3A_452 = arith.index_cast %add3A_450 : i32 to index
        %get3A_453 = arith.constant 0 : index
        %get3A_454 = tpu.vector_load %arg8[%get3A_451, %get3A_452, %get3A_453] {strides = array<i32>} : memref<16x128x32xf32, #tpu.memory_space<vmem>>, vector<1x1x16xf32>,
        %get3A_455 = vector.shape_cast %get3A_454 : vector<1x1x16xf32> to vector<16xf32>
        %mul3A_456 = vector.broadcast %squeeze3A : f32 to vector<16xf32>
        %mul3A_457 = arith.mulf %mul3A_456, %get3A_455 : vector<16xf32>
        %add3A_458 = arith.addf %broadcast_in_dim3A_435, %mul3A_457 : vector<16xf32>
        %get3A_459 = arith.index_cast %add3A_441 : i32 to index
        %get3A_460 = arith.index_cast %add3A_450 : i32 to index
        %get3A_461 = arith.constant 16 : index
        %get3A_462 = tpu.vector_load %arg8[%get3A_459, %get3A_460, %get3A_461] {strides = array<i32>} : memref<16x128x32xf32, #tpu.memory_space<vmem>>, vector<1x1x16xf32>,
        %get3A_463 = vector.shape_cast %get3A_462 : vector<1x1x16xf32> to vector<16xf32>
        %mul3A_464 = vector.broadcast %squeeze3A : f32 to vector<16xf32>
        %mul3A_465 = arith.mulf %mul3A_464, %get3A_463 : vector<16xf32>
        %add3A_466 = arith.addf %broadcast_in_dim3A_437, %mul3A_465 : vector<16xf32>
        %mul3A_467 = arith.constant 16 : i32
        %mul3A_468 = arith.muli %select_n3A_434, %mul3A_467 : i32
        %add3A_469 = arith.constant 1 : i32
        %add3A_470 = arith.addi %mul3A_468, %add3A_469 : i32
        %slice3A_471 = vector.extract_strided_slice %get3A_446 {offsets = [1], sizes = [1], strides = [1]} : vector<16xf32> to vector<1xf32>
        %squeeze3A_472 = vector.extract %slice3A_471[0] : f32 from vector<1xf32>
        %get3A_473 = arith.index_cast %add3A_441 : i32 to index
        %get3A_474 = arith.index_cast %add3A_470 : i32 to index
        %get3A_475 = arith.constant 0 : index
        %get3A_476 = tpu.vector_load %arg8[%get3A_473, %get3A_474, %get3A_475] {strides = array<i32>} : memref<16x128x32xf32, #tpu.memory_space<vmem>>, vector<1x1x16xf32>,
        %get3A_477 = vector.shape_cast %get3A_476 : vector<1x1x16xf32> to vector<16xf32>
        %mul3A_478 = vector.broadcast %squeeze3A_472 : f32 to vector<16xf32>
        %mul3A_479 = arith.mulf %mul3A_478, %get3A_477 : vector<16xf32>
        %add3A_480 = arith.addf %add3A_458, %mul3A_479 : vector<16xf32>
        %get3A_481 = arith.index_cast %add3A_441 : i32 to index
        %get3A_482 = arith.index_cast %add3A_470 : i32 to index
        %get3A_483 = arith.constant 16 : index
        %get3A_484 = tpu.vector_load %arg8[%get3A_481, %get3A_482, %get3A_483] {strides = array<i32>} : memref<16x128x32xf32, #tpu.memory_space<vmem>>, vector<1x1x16xf32>,
        %get3A_485 = vector.shape_cast %get3A_484 : vector<1x1x16xf32> to vector<16xf32>
        %mul3A_486 = vector.broadcast %squeeze3A_472 : f32 to vector<16xf32>
        %mul3A_487 = arith.mulf %mul3A_486, %get3A_485 : vector<16xf32>
        %add3A_488 = arith.addf %add3A_466, %mul3A_487 : vector<16xf32>
        %mul3A_489 = arith.constant 16 : i32
        %mul3A_490 = arith.muli %select_n3A_434, %mul3A_489 : i32
        %add3A_491 = arith.constant 2 : i32
        %add3A_492 = arith.addi %mul3A_490, %add3A_491 : i32
        %slice3A_493 = vector.extract_strided_slice %get3A_446 {offsets = [2], sizes = [1], strides = [1]} : vector<16xf32> to vector<1xf32>
        %squeeze3A_494 = vector.extract %slice3A_493[0] : f32 from vector<1xf32>
        %get3A_495 = arith.index_cast %add3A_441 : i32 to index
        %get3A_496 = arith.index_cast %add3A_492 : i32 to index
        %get3A_497 = arith.constant 0 : index
        %get3A_498 = tpu.vector_load %arg8[%get3A_495, %get3A_496, %get3A_497] {strides = array<i32>} : memref<16x128x32xf32, #tpu.memory_space<vmem>>, vector<1x1x16xf32>,
        %get3A_499 = vector.shape_cast %get3A_498 : vector<1x1x16xf32> to vector<16xf32>
        %mul3A_500 = vector.broadcast %squeeze3A_494 : f32 to vector<16xf32>
        %mul3A_501 = arith.mulf %mul3A_500, %get3A_499 : vector<16xf32>
        %add3A_502 = arith.addf %add3A_480, %mul3A_501 : vector<16xf32>
        %get3A_503 = arith.index_cast %add3A_441 : i32 to index
        %get3A_504 = arith.index_cast %add3A_492 : i32 to index
        %get3A_505 = arith.constant 16 : index
        %get3A_506 = tpu.vector_load %arg8[%get3A_503, %get3A_504, %get3A_505] {strides = array<i32>} : memref<16x128x32xf32, #tpu.memory_space<vmem>>, vector<1x1x16xf32>,
        %get3A_507 = vector.shape_cast %get3A_506 : vector<1x1x16xf32> to vector<16xf32>
        %mul3A_508 = vector.broadcast %squeeze3A_494 : f32 to vector<16xf32>
        %mul3A_509 = arith.mulf %mul3A_508, %get3A_507 : vector<16xf32>
        %add3A_510 = arith.addf %add3A_488, %mul3A_509 : vector<16xf32>
        %mul3A_511 = arith.constant 16 : i32
        %mul3A_512 = arith.muli %select_n3A_434, %mul3A_511 : i32
        %add3A_513 = arith.constant 3 : i32
        %add3A_514 = arith.addi %mul3A_512, %add3A_513 : i32
        %slice3A_515 = vector.extract_strided_slice %get3A_446 {offsets = [3], sizes = [1], strides = [1]} : vector<16xf32> to vector<1xf32>
        %squeeze3A_516 = vector.extract %slice3A_515[0] : f32 from vector<1xf32>
        %get3A_517 = arith.index_cast %add3A_441 : i32 to index
        %get3A_518 = arith.index_cast %add3A_514 : i32 to index
        %get3A_519 = arith.constant 0 : index
        %get3A_520 = tpu.vector_load %arg8[%get3A_517, %get3A_518, %get3A_519] {strides = array<i32>} : memref<16x128x32xf32, #tpu.memory_space<vmem>>, vector<1x1x16xf32>,
        %get3A_521 = vector.shape_cast %get3A_520 : vector<1x1x16xf32> to vector<16xf32>
        %mul3A_522 = vector.broadcast %squeeze3A_516 : f32 to vector<16xf32>
        %mul3A_523 = arith.mulf %mul3A_522, %get3A_521 : vector<16xf32>
        %add3A_524 = arith.addf %add3A_502, %mul3A_523 : vector<16xf32>
        %get3A_525 = arith.index_cast %add3A_441 : i32 to index
        %get3A_526 = arith.index_cast %add3A_514 : i32 to index
        %get3A_527 = arith.constant 16 : index
        %get3A_528 = tpu.vector_load %arg8[%get3A_525, %get3A_526, %get3A_527] {strides = array<i32>} : memref<16x128x32xf32, #tpu.memory_space<vmem>>, vector<1x1x16xf32>,
        %get3A_529 = vector.shape_cast %get3A_528 : vector<1x1x16xf32> to vector<16xf32>
        %mul3A_530 = vector.broadcast %squeeze3A_516 : f32 to vector<16xf32>
        %mul3A_531 = arith.mulf %mul3A_530, %get3A_529 : vector<16xf32>
        %add3A_532 = arith.addf %add3A_510, %mul3A_531 : vector<16xf32>
        %mul3A_533 = arith.constant 16 : i32
        %mul3A_534 = arith.muli %select_n3A_434, %mul3A_533 : i32
        %add3A_535 = arith.constant 4 : i32
        %add3A_536 = arith.addi %mul3A_534, %add3A_535 : i32
        %slice3A_537 = vector.extract_strided_slice %get3A_446 {offsets = [4], sizes = [1], strides = [1]} : vector<16xf32> to vector<1xf32>
        %squeeze3A_538 = vector.extract %slice3A_537[0] : f32 from vector<1xf32>
        %get3A_539 = arith.index_cast %add3A_441 : i32 to index
        %get3A_540 = arith.index_cast %add3A_536 : i32 to index
        %get3A_541 = arith.constant 0 : index
        %get3A_542 = tpu.vector_load %arg8[%get3A_539, %get3A_540, %get3A_541] {strides = array<i32>} : memref<16x128x32xf32, #tpu.memory_space<vmem>>, vector<1x1x16xf32>,
        %get3A_543 = vector.shape_cast %get3A_542 : vector<1x1x16xf32> to vector<16xf32>
        %mul3A_544 = vector.broadcast %squeeze3A_538 : f32 to vector<16xf32>
        %mul3A_545 = arith.mulf %mul3A_544, %get3A_543 : vector<16xf32>
        %add3A_546 = arith.addf %add3A_524, %mul3A_545 : vector<16xf32>
        %get3A_547 = arith.index_cast %add3A_441 : i32 to index
        %get3A_548 = arith.index_cast %add3A_536 : i32 to index
        %get3A_549 = arith.constant 16 : index
        %get3A_550 = tpu.vector_load %arg8[%get3A_547, %get3A_548, %get3A_549] {strides = array<i32>} : memref<16x128x32xf32, #tpu.memory_space<vmem>>, vector<1x1x16xf32>,
        %get3A_551 = vector.shape_cast %get3A_550 : vector<1x1x16xf32> to vector<16xf32>
        %mul3A_552 = vector.broadcast %squeeze3A_538 : f32 to vector<16xf32>
        %mul3A_553 = arith.mulf %mul3A_552, %get3A_551 : vector<16xf32>
        %add3A_554 = arith.addf %add3A_532, %mul3A_553 : vector<16xf32>
        %mul3A_555 = arith.constant 16 : i32
        %mul3A_556 = arith.muli %select_n3A_434, %mul3A_555 : i32
        %add3A_557 = arith.constant 5 : i32
        %add3A_558 = arith.addi %mul3A_556, %add3A_557 : i32
        %slice3A_559 = vector.extract_strided_slice %get3A_446 {offsets = [5], sizes = [1], strides = [1]} : vector<16xf32> to vector<1xf32>
        %squeeze3A_560 = vector.extract %slice3A_559[0] : f32 from vector<1xf32>
        %get3A_561 = arith.index_cast %add3A_441 : i32 to index
        %get3A_562 = arith.index_cast %add3A_558 : i32 to index
        %get3A_563 = arith.constant 0 : index
        %get3A_564 = tpu.vector_load %arg8[%get3A_561, %get3A_562, %get3A_563] {strides = array<i32>} : memref<16x128x32xf32, #tpu.memory_space<vmem>>, vector<1x1x16xf32>,
        %get3A_565 = vector.shape_cast %get3A_564 : vector<1x1x16xf32> to vector<16xf32>
        %mul3A_566 = vector.broadcast %squeeze3A_560 : f32 to vector<16xf32>
        %mul3A_567 = arith.mulf %mul3A_566, %get3A_565 : vector<16xf32>
        %add3A_568 = arith.addf %add3A_546, %mul3A_567 : vector<16xf32>
        %get3A_569 = arith.index_cast %add3A_441 : i32 to index
        %get3A_570 = arith.index_cast %add3A_558 : i32 to index
        %get3A_571 = arith.constant 16 : index
        %get3A_572 = tpu.vector_load %arg8[%get3A_569, %get3A_570, %get3A_571] {strides = array<i32>} : memref<16x128x32xf32, #tpu.memory_space<vmem>>, vector<1x1x16xf32>,
        %get3A_573 = vector.shape_cast %get3A_572 : vector<1x1x16xf32> to vector<16xf32>
        %mul3A_574 = vector.broadcast %squeeze3A_560 : f32 to vector<16xf32>
        %mul3A_575 = arith.mulf %mul3A_574, %get3A_573 : vector<16xf32>
        %add3A_576 = arith.addf %add3A_554, %mul3A_575 : vector<16xf32>
        %mul3A_577 = arith.constant 16 : i32
        %mul3A_578 = arith.muli %select_n3A_434, %mul3A_577 : i32
        %add3A_579 = arith.constant 6 : i32
        %add3A_580 = arith.addi %mul3A_578, %add3A_579 : i32
        %slice3A_581 = vector.extract_strided_slice %get3A_446 {offsets = [6], sizes = [1], strides = [1]} : vector<16xf32> to vector<1xf32>
        %squeeze3A_582 = vector.extract %slice3A_581[0] : f32 from vector<1xf32>
        %get3A_583 = arith.index_cast %add3A_441 : i32 to index
        %get3A_584 = arith.index_cast %add3A_580 : i32 to index
        %get3A_585 = arith.constant 0 : index
        %get3A_586 = tpu.vector_load %arg8[%get3A_583, %get3A_584, %get3A_585] {strides = array<i32>} : memref<16x128x32xf32, #tpu.memory_space<vmem>>, vector<1x1x16xf32>,
        %get3A_587 = vector.shape_cast %get3A_586 : vector<1x1x16xf32> to vector<16xf32>
        %mul3A_588 = vector.broadcast %squeeze3A_582 : f32 to vector<16xf32>
        %mul3A_589 = arith.mulf %mul3A_588, %get3A_587 : vector<16xf32>
        %add3A_590 = arith.addf %add3A_568, %mul3A_589 : vector<16xf32>
        %get3A_591 = arith.index_cast %add3A_441 : i32 to index
        %get3A_592 = arith.index_cast %add3A_580 : i32 to index
        %get3A_593 = arith.constant 16 : index
        %get3A_594 = tpu.vector_load %arg8[%get3A_591, %get3A_592, %get3A_593] {strides = array<i32>} : memref<16x128x32xf32, #tpu.memory_space<vmem>>, vector<1x1x16xf32>,
        %get3A_595 = vector.shape_cast %get3A_594 : vector<1x1x16xf32> to vector<16xf32>
        %mul3A_596 = vector.broadcast %squeeze3A_582 : f32 to vector<16xf32>
        %mul3A_597 = arith.mulf %mul3A_596, %get3A_595 : vector<16xf32>
        %add3A_598 = arith.addf %add3A_576, %mul3A_597 : vector<16xf32>
        %mul3A_599 = arith.constant 16 : i32
        %mul3A_600 = arith.muli %select_n3A_434, %mul3A_599 : i32
        %add3A_601 = arith.constant 7 : i32
        %add3A_602 = arith.addi %mul3A_600, %add3A_601 : i32
        %slice3A_603 = vector.extract_strided_slice %get3A_446 {offsets = [7], sizes = [1], strides = [1]} : vector<16xf32> to vector<1xf32>
        %squeeze3A_604 = vector.extract %slice3A_603[0] : f32 from vector<1xf32>
        %get3A_605 = arith.index_cast %add3A_441 : i32 to index
        %get3A_606 = arith.index_cast %add3A_602 : i32 to index
        %get3A_607 = arith.constant 0 : index
        %get3A_608 = tpu.vector_load %arg8[%get3A_605, %get3A_606, %get3A_607] {strides = array<i32>} : memref<16x128x32xf32, #tpu.memory_space<vmem>>, vector<1x1x16xf32>,
        %get3A_609 = vector.shape_cast %get3A_608 : vector<1x1x16xf32> to vector<16xf32>
        %mul3A_610 = vector.broadcast %squeeze3A_604 : f32 to vector<16xf32>
        %mul3A_611 = arith.mulf %mul3A_610, %get3A_609 : vector<16xf32>
        %add3A_612 = arith.addf %add3A_590, %mul3A_611 : vector<16xf32>
        %get3A_613 = arith.index_cast %add3A_441 : i32 to index
        %get3A_614 = arith.index_cast %add3A_602 : i32 to index
        %get3A_615 = arith.constant 16 : index
        %get3A_616 = tpu.vector_load %arg8[%get3A_613, %get3A_614, %get3A_615] {strides = array<i32>} : memref<16x128x32xf32, #tpu.memory_space<vmem>>, vector<1x1x16xf32>,
        %get3A_617 = vector.shape_cast %get3A_616 : vector<1x1x16xf32> to vector<16xf32>
        %mul3A_618 = vector.broadcast %squeeze3A_604 : f32 to vector<16xf32>
        %mul3A_619 = arith.mulf %mul3A_618, %get3A_617 : vector<16xf32>
        %add3A_620 = arith.addf %add3A_598, %mul3A_619 : vector<16xf32>
        %mul3A_621 = arith.constant 16 : i32
        %mul3A_622 = arith.muli %select_n3A_434, %mul3A_621 : i32
        %add3A_623 = arith.constant 8 : i32
        %add3A_624 = arith.addi %mul3A_622, %add3A_623 : i32
        %slice3A_625 = vector.extract_strided_slice %get3A_446 {offsets = [8], sizes = [1], strides = [1]} : vector<16xf32> to vector<1xf32>
        %squeeze3A_626 = vector.extract %slice3A_625[0] : f32 from vector<1xf32>
        %get3A_627 = arith.index_cast %add3A_441 : i32 to index
        %get3A_628 = arith.index_cast %add3A_624 : i32 to index
        %get3A_629 = arith.constant 0 : index
        %get3A_630 = tpu.vector_load %arg8[%get3A_627, %get3A_628, %get3A_629] {strides = array<i32>} : memref<16x128x32xf32, #tpu.memory_space<vmem>>, vector<1x1x16xf32>,
        %get3A_631 = vector.shape_cast %get3A_630 : vector<1x1x16xf32> to vector<16xf32>
        %mul3A_632 = vector.broadcast %squeeze3A_626 : f32 to vector<16xf32>
        %mul3A_633 = arith.mulf %mul3A_632, %get3A_631 : vector<16xf32>
        %add3A_634 = arith.addf %add3A_612, %mul3A_633 : vector<16xf32>
        %get3A_635 = arith.index_cast %add3A_441 : i32 to index
        %get3A_636 = arith.index_cast %add3A_624 : i32 to index
        %get3A_637 = arith.constant 16 : index
        %get3A_638 = tpu.vector_load %arg8[%get3A_635, %get3A_636, %get3A_637] {strides = array<i32>} : memref<16x128x32xf32, #tpu.memory_space<vmem>>, vector<1x1x16xf32>,
        %get3A_639 = vector.shape_cast %get3A_638 : vector<1x1x16xf32> to vector<16xf32>
        %mul3A_640 = vector.broadcast %squeeze3A_626 : f32 to vector<16xf32>
        %mul3A_641 = arith.mulf %mul3A_640, %get3A_639 : vector<16xf32>
        %add3A_642 = arith.addf %add3A_620, %mul3A_641 : vector<16xf32>
        %mul3A_643 = arith.constant 16 : i32
        %mul3A_644 = arith.muli %select_n3A_434, %mul3A_643 : i32
        %add3A_645 = arith.constant 9 : i32
        %add3A_646 = arith.addi %mul3A_644, %add3A_645 : i32
        %slice3A_647 = vector.extract_strided_slice %get3A_446 {offsets = [9], sizes = [1], strides = [1]} : vector<16xf32> to vector<1xf32>
        %squeeze3A_648 = vector.extract %slice3A_647[0] : f32 from vector<1xf32>
        %get3A_649 = arith.index_cast %add3A_441 : i32 to index
        %get3A_650 = arith.index_cast %add3A_646 : i32 to index
        %get3A_651 = arith.constant 0 : index
        %get3A_652 = tpu.vector_load %arg8[%get3A_649, %get3A_650, %get3A_651] {strides = array<i32>} : memref<16x128x32xf32, #tpu.memory_space<vmem>>, vector<1x1x16xf32>,
        %get3A_653 = vector.shape_cast %get3A_652 : vector<1x1x16xf32> to vector<16xf32>
        %mul3A_654 = vector.broadcast %squeeze3A_648 : f32 to vector<16xf32>
        %mul3A_655 = arith.mulf %mul3A_654, %get3A_653 : vector<16xf32>
        %add3A_656 = arith.addf %add3A_634, %mul3A_655 : vector<16xf32>
        %get3A_657 = arith.index_cast %add3A_441 : i32 to index
        %get3A_658 = arith.index_cast %add3A_646 : i32 to index
        %get3A_659 = arith.constant 16 : index
        %get3A_660 = tpu.vector_load %arg8[%get3A_657, %get3A_658, %get3A_659] {strides = array<i32>} : memref<16x128x32xf32, #tpu.memory_space<vmem>>, vector<1x1x16xf32>,
        %get3A_661 = vector.shape_cast %get3A_660 : vector<1x1x16xf32> to vector<16xf32>
        %mul3A_662 = vector.broadcast %squeeze3A_648 : f32 to vector<16xf32>
        %mul3A_663 = arith.mulf %mul3A_662, %get3A_661 : vector<16xf32>
        %add3A_664 = arith.addf %add3A_642, %mul3A_663 : vector<16xf32>
        %mul3A_665 = arith.constant 16 : i32
        %mul3A_666 = arith.muli %select_n3A_434, %mul3A_665 : i32
        %add3A_667 = arith.constant 10 : i32
        %add3A_668 = arith.addi %mul3A_666, %add3A_667 : i32
        %slice3A_669 = vector.extract_strided_slice %get3A_446 {offsets = [10], sizes = [1], strides = [1]} : vector<16xf32> to vector<1xf32>
        %squeeze3A_670 = vector.extract %slice3A_669[0] : f32 from vector<1xf32>
        %get3A_671 = arith.index_cast %add3A_441 : i32 to index
        %get3A_672 = arith.index_cast %add3A_668 : i32 to index
        %get3A_673 = arith.constant 0 : index
        %get3A_674 = tpu.vector_load %arg8[%get3A_671, %get3A_672, %get3A_673] {strides = array<i32>} : memref<16x128x32xf32, #tpu.memory_space<vmem>>, vector<1x1x16xf32>,
        %get3A_675 = vector.shape_cast %get3A_674 : vector<1x1x16xf32> to vector<16xf32>
        %mul3A_676 = vector.broadcast %squeeze3A_670 : f32 to vector<16xf32>
        %mul3A_677 = arith.mulf %mul3A_676, %get3A_675 : vector<16xf32>
        %add3A_678 = arith.addf %add3A_656, %mul3A_677 : vector<16xf32>
        %get3A_679 = arith.index_cast %add3A_441 : i32 to index
        %get3A_680 = arith.index_cast %add3A_668 : i32 to index
        %get3A_681 = arith.constant 16 : index
        %get3A_682 = tpu.vector_load %arg8[%get3A_679, %get3A_680, %get3A_681] {strides = array<i32>} : memref<16x128x32xf32, #tpu.memory_space<vmem>>, vector<1x1x16xf32>,
        %get3A_683 = vector.shape_cast %get3A_682 : vector<1x1x16xf32> to vector<16xf32>
        %mul3A_684 = vector.broadcast %squeeze3A_670 : f32 to vector<16xf32>
        %mul3A_685 = arith.mulf %mul3A_684, %get3A_683 : vector<16xf32>
        %add3A_686 = arith.addf %add3A_664, %mul3A_685 : vector<16xf32>
        %mul3A_687 = arith.constant 16 : i32
        %mul3A_688 = arith.muli %select_n3A_434, %mul3A_687 : i32
        %add3A_689 = arith.constant 11 : i32
        %add3A_690 = arith.addi %mul3A_688, %add3A_689 : i32
        %slice3A_691 = vector.extract_strided_slice %get3A_446 {offsets = [11], sizes = [1], strides = [1]} : vector<16xf32> to vector<1xf32>
        %squeeze3A_692 = vector.extract %slice3A_691[0] : f32 from vector<1xf32>
        %get3A_693 = arith.index_cast %add3A_441 : i32 to index
        %get3A_694 = arith.index_cast %add3A_690 : i32 to index
        %get3A_695 = arith.constant 0 : index
        %get3A_696 = tpu.vector_load %arg8[%get3A_693, %get3A_694, %get3A_695] {strides = array<i32>} : memref<16x128x32xf32, #tpu.memory_space<vmem>>, vector<1x1x16xf32>,
        %get3A_697 = vector.shape_cast %get3A_696 : vector<1x1x16xf32> to vector<16xf32>
        %mul3A_698 = vector.broadcast %squeeze3A_692 : f32 to vector<16xf32>
        %mul3A_699 = arith.mulf %mul3A_698, %get3A_697 : vector<16xf32>
        %add3A_700 = arith.addf %add3A_678, %mul3A_699 : vector<16xf32>
        %get3A_701 = arith.index_cast %add3A_441 : i32 to index
        %get3A_702 = arith.index_cast %add3A_690 : i32 to index
        %get3A_703 = arith.constant 16 : index
        %get3A_704 = tpu.vector_load %arg8[%get3A_701, %get3A_702, %get3A_703] {strides = array<i32>} : memref<16x128x32xf32, #tpu.memory_space<vmem>>, vector<1x1x16xf32>,
        %get3A_705 = vector.shape_cast %get3A_704 : vector<1x1x16xf32> to vector<16xf32>
        %mul3A_706 = vector.broadcast %squeeze3A_692 : f32 to vector<16xf32>
        %mul3A_707 = arith.mulf %mul3A_706, %get3A_705 : vector<16xf32>
        %add3A_708 = arith.addf %add3A_686, %mul3A_707 : vector<16xf32>
        %mul3A_709 = arith.constant 16 : i32
        %mul3A_710 = arith.muli %select_n3A_434, %mul3A_709 : i32
        %add3A_711 = arith.constant 12 : i32
        %add3A_712 = arith.addi %mul3A_710, %add3A_711 : i32
        %slice3A_713 = vector.extract_strided_slice %get3A_446 {offsets = [12], sizes = [1], strides = [1]} : vector<16xf32> to vector<1xf32>
        %squeeze3A_714 = vector.extract %slice3A_713[0] : f32 from vector<1xf32>
        %get3A_715 = arith.index_cast %add3A_441 : i32 to index
        %get3A_716 = arith.index_cast %add3A_712 : i32 to index
        %get3A_717 = arith.constant 0 : index
        %get3A_718 = tpu.vector_load %arg8[%get3A_715, %get3A_716, %get3A_717] {strides = array<i32>} : memref<16x128x32xf32, #tpu.memory_space<vmem>>, vector<1x1x16xf32>,
        %get3A_719 = vector.shape_cast %get3A_718 : vector<1x1x16xf32> to vector<16xf32>
        %mul3A_720 = vector.broadcast %squeeze3A_714 : f32 to vector<16xf32>
        %mul3A_721 = arith.mulf %mul3A_720, %get3A_719 : vector<16xf32>
        %add3A_722 = arith.addf %add3A_700, %mul3A_721 : vector<16xf32>
        %get3A_723 = arith.index_cast %add3A_441 : i32 to index
        %get3A_724 = arith.index_cast %add3A_712 : i32 to index
        %get3A_725 = arith.constant 16 : index
        %get3A_726 = tpu.vector_load %arg8[%get3A_723, %get3A_724, %get3A_725] {strides = array<i32>} : memref<16x128x32xf32, #tpu.memory_space<vmem>>, vector<1x1x16xf32>,
        %get3A_727 = vector.shape_cast %get3A_726 : vector<1x1x16xf32> to vector<16xf32>
        %mul3A_728 = vector.broadcast %squeeze3A_714 : f32 to vector<16xf32>
        %mul3A_729 = arith.mulf %mul3A_728, %get3A_727 : vector<16xf32>
        %add3A_730 = arith.addf %add3A_708, %mul3A_729 : vector<16xf32>
        %mul3A_731 = arith.constant 16 : i32
        %mul3A_732 = arith.muli %select_n3A_434, %mul3A_731 : i32
        %add3A_733 = arith.constant 13 : i32
        %add3A_734 = arith.addi %mul3A_732, %add3A_733 : i32
        %slice3A_735 = vector.extract_strided_slice %get3A_446 {offsets = [13], sizes = [1], strides = [1]} : vector<16xf32> to vector<1xf32>
        %squeeze3A_736 = vector.extract %slice3A_735[0] : f32 from vector<1xf32>
        %get3A_737 = arith.index_cast %add3A_441 : i32 to index
        %get3A_738 = arith.index_cast %add3A_734 : i32 to index
        %get3A_739 = arith.constant 0 : index
        %get3A_740 = tpu.vector_load %arg8[%get3A_737, %get3A_738, %get3A_739] {strides = array<i32>} : memref<16x128x32xf32, #tpu.memory_space<vmem>>, vector<1x1x16xf32>,
        %get3A_741 = vector.shape_cast %get3A_740 : vector<1x1x16xf32> to vector<16xf32>
        %mul3A_742 = vector.broadcast %squeeze3A_736 : f32 to vector<16xf32>
        %mul3A_743 = arith.mulf %mul3A_742, %get3A_741 : vector<16xf32>
        %add3A_744 = arith.addf %add3A_722, %mul3A_743 : vector<16xf32>
        %get3A_745 = arith.index_cast %add3A_441 : i32 to index
        %get3A_746 = arith.index_cast %add3A_734 : i32 to index
        %get3A_747 = arith.constant 16 : index
        %get3A_748 = tpu.vector_load %arg8[%get3A_745, %get3A_746, %get3A_747] {strides = array<i32>} : memref<16x128x32xf32, #tpu.memory_space<vmem>>, vector<1x1x16xf32>,
        %get3A_749 = vector.shape_cast %get3A_748 : vector<1x1x16xf32> to vector<16xf32>
        %mul3A_750 = vector.broadcast %squeeze3A_736 : f32 to vector<16xf32>
        %mul3A_751 = arith.mulf %mul3A_750, %get3A_749 : vector<16xf32>
        %add3A_752 = arith.addf %add3A_730, %mul3A_751 : vector<16xf32>
        %mul3A_753 = arith.constant 16 : i32
        %mul3A_754 = arith.muli %select_n3A_434, %mul3A_753 : i32
        %add3A_755 = arith.constant 14 : i32
        %add3A_756 = arith.addi %mul3A_754, %add3A_755 : i32
        %slice3A_757 = vector.extract_strided_slice %get3A_446 {offsets = [14], sizes = [1], strides = [1]} : vector<16xf32> to vector<1xf32>
        %squeeze3A_758 = vector.extract %slice3A_757[0] : f32 from vector<1xf32>
        %get3A_759 = arith.index_cast %add3A_441 : i32 to index
        %get3A_760 = arith.index_cast %add3A_756 : i32 to index
        %get3A_761 = arith.constant 0 : index
        %get3A_762 = tpu.vector_load %arg8[%get3A_759, %get3A_760, %get3A_761] {strides = array<i32>} : memref<16x128x32xf32, #tpu.memory_space<vmem>>, vector<1x1x16xf32>,
        %get3A_763 = vector.shape_cast %get3A_762 : vector<1x1x16xf32> to vector<16xf32>
        %mul3A_764 = vector.broadcast %squeeze3A_758 : f32 to vector<16xf32>
        %mul3A_765 = arith.mulf %mul3A_764, %get3A_763 : vector<16xf32>
        %add3A_766 = arith.addf %add3A_744, %mul3A_765 : vector<16xf32>
        %get3A_767 = arith.index_cast %add3A_441 : i32 to index
        %get3A_768 = arith.index_cast %add3A_756 : i32 to index
        %get3A_769 = arith.constant 16 : index
        %get3A_770 = tpu.vector_load %arg8[%get3A_767, %get3A_768, %get3A_769] {strides = array<i32>} : memref<16x128x32xf32, #tpu.memory_space<vmem>>, vector<1x1x16xf32>,
        %get3A_771 = vector.shape_cast %get3A_770 : vector<1x1x16xf32> to vector<16xf32>
        %mul3A_772 = vector.broadcast %squeeze3A_758 : f32 to vector<16xf32>
        %mul3A_773 = arith.mulf %mul3A_772, %get3A_771 : vector<16xf32>
        %add3A_774 = arith.addf %add3A_752, %mul3A_773 : vector<16xf32>
        %mul3A_775 = arith.constant 16 : i32
        %mul3A_776 = arith.muli %select_n3A_434, %mul3A_775 : i32
        %add3A_777 = arith.constant 15 : i32
        %add3A_778 = arith.addi %mul3A_776, %add3A_777 : i32
        %slice3A_779 = vector.extract_strided_slice %get3A_446 {offsets = [15], sizes = [1], strides = [1]} : vector<16xf32> to vector<1xf32>
        %squeeze3A_780 = vector.extract %slice3A_779[0] : f32 from vector<1xf32>
        %get3A_781 = arith.index_cast %add3A_441 : i32 to index
        %get3A_782 = arith.index_cast %add3A_778 : i32 to index
        %get3A_783 = arith.constant 0 : index
        %get3A_784 = tpu.vector_load %arg8[%get3A_781, %get3A_782, %get3A_783] {strides = array<i32>} : memref<16x128x32xf32, #tpu.memory_space<vmem>>, vector<1x1x16xf32>,
        %get3A_785 = vector.shape_cast %get3A_784 : vector<1x1x16xf32> to vector<16xf32>
        %mul3A_786 = vector.broadcast %squeeze3A_780 : f32 to vector<16xf32>
        %mul3A_787 = arith.mulf %mul3A_786, %get3A_785 : vector<16xf32>
        %add3A_788 = arith.addf %add3A_766, %mul3A_787 : vector<16xf32>
        %get3A_789 = arith.index_cast %add3A_441 : i32 to index
        %get3A_790 = arith.index_cast %add3A_778 : i32 to index
        %get3A_791 = arith.constant 16 : index
        %get3A_792 = tpu.vector_load %arg8[%get3A_789, %get3A_790, %get3A_791] {strides = array<i32>} : memref<16x128x32xf32, #tpu.memory_space<vmem>>, vector<1x1x16xf32>,
        %get3A_793 = vector.shape_cast %get3A_792 : vector<1x1x16xf32> to vector<16xf32>
        %mul3A_794 = vector.broadcast %squeeze3A_780 : f32 to vector<16xf32>
        %mul3A_795 = arith.mulf %mul3A_794, %get3A_793 : vector<16xf32>
        %add3A_796 = arith.addf %add3A_774, %mul3A_795 : vector<16xf32>
        %mul3A_797 = arith.constant 4 : i32
        %mul3A_798 = arith.muli %select_n3A, %mul3A_797 : i32
        %add3A_799 = arith.constant 1 : i32
        %add3A_800 = arith.addi %mul3A_798, %add3A_799 : i32
        %mul3A_801 = arith.constant 16 : i32
        %mul3A_802 = arith.muli %select_n3A_434, %mul3A_801 : i32
        %get3A_803 = arith.index_cast %add3A_800 : i32 to index
        %get3A_804 = arith.index_cast %mul3A_802 : i32 to index
        %get3A_805 = tpu.vector_load %arg7[%get3A_803, %get3A_804] {strides = array<i32>} : memref<16x128xf32, #tpu.memory_space<vmem>>, vector<1x16xf32>,
        %get3A_806 = vector.shape_cast %get3A_805 : vector<1x16xf32> to vector<16xf32>
        %mul3A_807 = arith.constant 16 : i32
        %mul3A_808 = arith.muli %select_n3A_434, %mul3A_807 : i32
        %add3A_809 = arith.constant 0 : i32
        %add3A_810 = arith.addi %mul3A_808, %add3A_809 : i32
        %slice3A_811 = vector.extract_strided_slice %get3A_806 {offsets = [0], sizes = [1], strides = [1]} : vector<16xf32> to vector<1xf32>
        %squeeze3A_812 = vector.extract %slice3A_811[0] : f32 from vector<1xf32>
        %get3A_813 = arith.index_cast %add3A_800 : i32 to index
        %get3A_814 = arith.index_cast %add3A_810 : i32 to index
        %get3A_815 = arith.constant 0 : index
        %get3A_816 = tpu.vector_load %arg8[%get3A_813, %get3A_814, %get3A_815] {strides = array<i32>} : memref<16x128x32xf32, #tpu.memory_space<vmem>>, vector<1x1x16xf32>,
        %get3A_817 = vector.shape_cast %get3A_816 : vector<1x1x16xf32> to vector<16xf32>
        %mul3A_818 = vector.broadcast %squeeze3A_812 : f32 to vector<16xf32>
        %mul3A_819 = arith.mulf %mul3A_818, %get3A_817 : vector<16xf32>
        %add3A_820 = arith.addf %add3A_788, %mul3A_819 : vector<16xf32>
        %get3A_821 = arith.index_cast %add3A_800 : i32 to index
        %get3A_822 = arith.index_cast %add3A_810 : i32 to index
        %get3A_823 = arith.constant 16 : index
        %get3A_824 = tpu.vector_load %arg8[%get3A_821, %get3A_822, %get3A_823] {strides = array<i32>} : memref<16x128x32xf32, #tpu.memory_space<vmem>>, vector<1x1x16xf32>,
        %get3A_825 = vector.shape_cast %get3A_824 : vector<1x1x16xf32> to vector<16xf32>
        %mul3A_826 = vector.broadcast %squeeze3A_812 : f32 to vector<16xf32>
        %mul3A_827 = arith.mulf %mul3A_826, %get3A_825 : vector<16xf32>
        %add3A_828 = arith.addf %add3A_796, %mul3A_827 : vector<16xf32>
        %mul3A_829 = arith.constant 16 : i32
        %mul3A_830 = arith.muli %select_n3A_434, %mul3A_829 : i32
        %add3A_831 = arith.constant 1 : i32
        %add3A_832 = arith.addi %mul3A_830, %add3A_831 : i32
        %slice3A_833 = vector.extract_strided_slice %get3A_806 {offsets = [1], sizes = [1], strides = [1]} : vector<16xf32> to vector<1xf32>
        %squeeze3A_834 = vector.extract %slice3A_833[0] : f32 from vector<1xf32>
        %get3A_835 = arith.index_cast %add3A_800 : i32 to index
        %get3A_836 = arith.index_cast %add3A_832 : i32 to index
        %get3A_837 = arith.constant 0 : index
        %get3A_838 = tpu.vector_load %arg8[%get3A_835, %get3A_836, %get3A_837] {strides = array<i32>} : memref<16x128x32xf32, #tpu.memory_space<vmem>>, vector<1x1x16xf32>,
        %get3A_839 = vector.shape_cast %get3A_838 : vector<1x1x16xf32> to vector<16xf32>
        %mul3A_840 = vector.broadcast %squeeze3A_834 : f32 to vector<16xf32>
        %mul3A_841 = arith.mulf %mul3A_840, %get3A_839 : vector<16xf32>
        %add3A_842 = arith.addf %add3A_820, %mul3A_841 : vector<16xf32>
        %get3A_843 = arith.index_cast %add3A_800 : i32 to index
        %get3A_844 = arith.index_cast %add3A_832 : i32 to index
        %get3A_845 = arith.constant 16 : index
        %get3A_846 = tpu.vector_load %arg8[%get3A_843, %get3A_844, %get3A_845] {strides = array<i32>} : memref<16x128x32xf32, #tpu.memory_space<vmem>>, vector<1x1x16xf32>,
        %get3A_847 = vector.shape_cast %get3A_846 : vector<1x1x16xf32> to vector<16xf32>
        %mul3A_848 = vector.broadcast %squeeze3A_834 : f32 to vector<16xf32>
        %mul3A_849 = arith.mulf %mul3A_848, %get3A_847 : vector<16xf32>
        %add3A_850 = arith.addf %add3A_828, %mul3A_849 : vector<16xf32>
        %mul3A_851 = arith.constant 16 : i32
        %mul3A_852 = arith.muli %select_n3A_434, %mul3A_851 : i32
        %add3A_853 = arith.constant 2 : i32
        %add3A_854 = arith.addi %mul3A_852, %add3A_853 : i32
        %slice3A_855 = vector.extract_strided_slice %get3A_806 {offsets = [2], sizes = [1], strides = [1]} : vector<16xf32> to vector<1xf32>
        %squeeze3A_856 = vector.extract %slice3A_855[0] : f32 from vector<1xf32>
        %get3A_857 = arith.index_cast %add3A_800 : i32 to index
        %get3A_858 = arith.index_cast %add3A_854 : i32 to index
        %get3A_859 = arith.constant 0 : index
        %get3A_860 = tpu.vector_load %arg8[%get3A_857, %get3A_858, %get3A_859] {strides = array<i32>} : memref<16x128x32xf32, #tpu.memory_space<vmem>>, vector<1x1x16xf32>,
        %get3A_861 = vector.shape_cast %get3A_860 : vector<1x1x16xf32> to vector<16xf32>
        %mul3A_862 = vector.broadcast %squeeze3A_856 : f32 to vector<16xf32>
        %mul3A_863 = arith.mulf %mul3A_862, %get3A_861 : vector<16xf32>
        %add3A_864 = arith.addf %add3A_842, %mul3A_863 : vector<16xf32>
        %get3A_865 = arith.index_cast %add3A_800 : i32 to index
        %get3A_866 = arith.index_cast %add3A_854 : i32 to index
        %get3A_867 = arith.constant 16 : index
        %get3A_868 = tpu.vector_load %arg8[%get3A_865, %get3A_866, %get3A_867] {strides = array<i32>} : memref<16x128x32xf32, #tpu.memory_space<vmem>>, vector<1x1x16xf32>,
        %get3A_869 = vector.shape_cast %get3A_868 : vector<1x1x16xf32> to vector<16xf32>
        %mul3A_870 = vector.broadcast %squeeze3A_856 : f32 to vector<16xf32>
        %mul3A_871 = arith.mulf %mul3A_870, %get3A_869 : vector<16xf32>
        %add3A_872 = arith.addf %add3A_850, %mul3A_871 : vector<16xf32>
        %mul3A_873 = arith.constant 16 : i32
        %mul3A_874 = arith.muli %select_n3A_434, %mul3A_873 : i32
        %add3A_875 = arith.constant 3 : i32
        %add3A_876 = arith.addi %mul3A_874, %add3A_875 : i32
        %slice3A_877 = vector.extract_strided_slice %get3A_806 {offsets = [3], sizes = [1], strides = [1]} : vector<16xf32> to vector<1xf32>
        %squeeze3A_878 = vector.extract %slice3A_877[0] : f32 from vector<1xf32>
        %get3A_879 = arith.index_cast %add3A_800 : i32 to index
        %get3A_880 = arith.index_cast %add3A_876 : i32 to index
        %get3A_881 = arith.constant 0 : index
        %get3A_882 = tpu.vector_load %arg8[%get3A_879, %get3A_880, %get3A_881] {strides = array<i32>} : memref<16x128x32xf32, #tpu.memory_space<vmem>>, vector<1x1x16xf32>,
        %get3A_883 = vector.shape_cast %get3A_882 : vector<1x1x16xf32> to vector<16xf32>
        %mul3A_884 = vector.broadcast %squeeze3A_878 : f32 to vector<16xf32>
        %mul3A_885 = arith.mulf %mul3A_884, %get3A_883 : vector<16xf32>
        %add3A_886 = arith.addf %add3A_864, %mul3A_885 : vector<16xf32>
        %get3A_887 = arith.index_cast %add3A_800 : i32 to index
        %get3A_888 = arith.index_cast %add3A_876 : i32 to index
        %get3A_889 = arith.constant 16 : index
        %get3A_890 = tpu.vector_load %arg8[%get3A_887, %get3A_888, %get3A_889] {strides = array<i32>} : memref<16x128x32xf32, #tpu.memory_space<vmem>>, vector<1x1x16xf32>,
        %get3A_891 = vector.shape_cast %get3A_890 : vector<1x1x16xf32> to vector<16xf32>
        %mul3A_892 = vector.broadcast %squeeze3A_878 : f32 to vector<16xf32>
        %mul3A_893 = arith.mulf %mul3A_892, %get3A_891 : vector<16xf32>
        %add3A_894 = arith.addf %add3A_872, %mul3A_893 : vector<16xf32>
        %mul3A_895 = arith.constant 16 : i32
        %mul3A_896 = arith.muli %select_n3A_434, %mul3A_895 : i32
        %add3A_897 = arith.constant 4 : i32
        %add3A_898 = arith.addi %mul3A_896, %add3A_897 : i32
        %slice3A_899 = vector.extract_strided_slice %get3A_806 {offsets = [4], sizes = [1], strides = [1]} : vector<16xf32> to vector<1xf32>
        %squeeze3A_900 = vector.extract %slice3A_899[0] : f32 from vector<1xf32>
        %get3A_901 = arith.index_cast %add3A_800 : i32 to index
        %get3A_902 = arith.index_cast %add3A_898 : i32 to index
        %get3A_903 = arith.constant 0 : index
        %get3A_904 = tpu.vector_load %arg8[%get3A_901, %get3A_902, %get3A_903] {strides = array<i32>} : memref<16x128x32xf32, #tpu.memory_space<vmem>>, vector<1x1x16xf32>,
        %get3A_905 = vector.shape_cast %get3A_904 : vector<1x1x16xf32> to vector<16xf32>
        %mul3A_906 = vector.broadcast %squeeze3A_900 : f32 to vector<16xf32>
        %mul3A_907 = arith.mulf %mul3A_906, %get3A_905 : vector<16xf32>
        %add3A_908 = arith.addf %add3A_886, %mul3A_907 : vector<16xf32>
        %get3A_909 = arith.index_cast %add3A_800 : i32 to index
        %get3A_910 = arith.index_cast %add3A_898 : i32 to index
        %get3A_911 = arith.constant 16 : index
        %get3A_912 = tpu.vector_load %arg8[%get3A_909, %get3A_910, %get3A_911] {strides = array<i32>} : memref<16x128x32xf32, #tpu.memory_space<vmem>>, vector<1x1x16xf32>,
        %get3A_913 = vector.shape_cast %get3A_912 : vector<1x1x16xf32> to vector<16xf32>
        %mul3A_914 = vector.broadcast %squeeze3A_900 : f32 to vector<16xf32>
        %mul3A_915 = arith.mulf %mul3A_914, %get3A_913 : vector<16xf32>
        %add3A_916 = arith.addf %add3A_894, %mul3A_915 : vector<16xf32>
        %mul3A_917 = arith.constant 16 : i32
        %mul3A_918 = arith.muli %select_n3A_434, %mul3A_917 : i32
        %add3A_919 = arith.constant 5 : i32
        %add3A_920 = arith.addi %mul3A_918, %add3A_919 : i32
        %slice3A_921 = vector.extract_strided_slice %get3A_806 {offsets = [5], sizes = [1], strides = [1]} : vector<16xf32> to vector<1xf32>
        %squeeze3A_922 = vector.extract %slice3A_921[0] : f32 from vector<1xf32>
        %get3A_923 = arith.index_cast %add3A_800 : i32 to index
        %get3A_924 = arith.index_cast %add3A_920 : i32 to index
        %get3A_925 = arith.constant 0 : index
        %get3A_926 = tpu.vector_load %arg8[%get3A_923, %get3A_924, %get3A_925] {strides = array<i32>} : memref<16x128x32xf32, #tpu.memory_space<vmem>>, vector<1x1x16xf32>,
        %get3A_927 = vector.shape_cast %get3A_926 : vector<1x1x16xf32> to vector<16xf32>
        %mul3A_928 = vector.broadcast %squeeze3A_922 : f32 to vector<16xf32>
        %mul3A_929 = arith.mulf %mul3A_928, %get3A_927 : vector<16xf32>
        %add3A_930 = arith.addf %add3A_908, %mul3A_929 : vector<16xf32>
        %get3A_931 = arith.index_cast %add3A_800 : i32 to index
        %get3A_932 = arith.index_cast %add3A_920 : i32 to index
        %get3A_933 = arith.constant 16 : index
        %get3A_934 = tpu.vector_load %arg8[%get3A_931, %get3A_932, %get3A_933] {strides = array<i32>} : memref<16x128x32xf32, #tpu.memory_space<vmem>>, vector<1x1x16xf32>,
        %get3A_935 = vector.shape_cast %get3A_934 : vector<1x1x16xf32> to vector<16xf32>
        %mul3A_936 = vector.broadcast %squeeze3A_922 : f32 to vector<16xf32>
        %mul3A_937 = arith.mulf %mul3A_936, %get3A_935 : vector<16xf32>
        %add3A_938 = arith.addf %add3A_916, %mul3A_937 : vector<16xf32>
        %mul3A_939 = arith.constant 16 : i32
        %mul3A_940 = arith.muli %select_n3A_434, %mul3A_939 : i32
        %add3A_941 = arith.constant 6 : i32
        %add3A_942 = arith.addi %mul3A_940, %add3A_941 : i32
        %slice3A_943 = vector.extract_strided_slice %get3A_806 {offsets = [6], sizes = [1], strides = [1]} : vector<16xf32> to vector<1xf32>
        %squeeze3A_944 = vector.extract %slice3A_943[0] : f32 from vector<1xf32>
        %get3A_945 = arith.index_cast %add3A_800 : i32 to index
        %get3A_946 = arith.index_cast %add3A_942 : i32 to index
        %get3A_947 = arith.constant 0 : index
        %get3A_948 = tpu.vector_load %arg8[%get3A_945, %get3A_946, %get3A_947] {strides = array<i32>} : memref<16x128x32xf32, #tpu.memory_space<vmem>>, vector<1x1x16xf32>,
        %get3A_949 = vector.shape_cast %get3A_948 : vector<1x1x16xf32> to vector<16xf32>
        %mul3A_950 = vector.broadcast %squeeze3A_944 : f32 to vector<16xf32>
        %mul3A_951 = arith.mulf %mul3A_950, %get3A_949 : vector<16xf32>
        %add3A_952 = arith.addf %add3A_930, %mul3A_951 : vector<16xf32>
        %get3A_953 = arith.index_cast %add3A_800 : i32 to index
        %get3A_954 = arith.index_cast %add3A_942 : i32 to index
        %get3A_955 = arith.constant 16 : index
        %get3A_956 = tpu.vector_load %arg8[%get3A_953, %get3A_954, %get3A_955] {strides = array<i32>} : memref<16x128x32xf32, #tpu.memory_space<vmem>>, vector<1x1x16xf32>,
        %get3A_957 = vector.shape_cast %get3A_956 : vector<1x1x16xf32> to vector<16xf32>
        %mul3A_958 = vector.broadcast %squeeze3A_944 : f32 to vector<16xf32>
        %mul3A_959 = arith.mulf %mul3A_958, %get3A_957 : vector<16xf32>
        %add3A_960 = arith.addf %add3A_938, %mul3A_959 : vector<16xf32>
        %mul3A_961 = arith.constant 16 : i32
        %mul3A_962 = arith.muli %select_n3A_434, %mul3A_961 : i32
        %add3A_963 = arith.constant 7 : i32
        %add3A_964 = arith.addi %mul3A_962, %add3A_963 : i32
        %slice3A_965 = vector.extract_strided_slice %get3A_806 {offsets = [7], sizes = [1], strides = [1]} : vector<16xf32> to vector<1xf32>
        %squeeze3A_966 = vector.extract %slice3A_965[0] : f32 from vector<1xf32>
        %get3A_967 = arith.index_cast %add3A_800 : i32 to index
        %get3A_968 = arith.index_cast %add3A_964 : i32 to index
        %get3A_969 = arith.constant 0 : index
        %get3A_970 = tpu.vector_load %arg8[%get3A_967, %get3A_968, %get3A_969] {strides = array<i32>} : memref<16x128x32xf32, #tpu.memory_space<vmem>>, vector<1x1x16xf32>,
        %get3A_971 = vector.shape_cast %get3A_970 : vector<1x1x16xf32> to vector<16xf32>
        %mul3A_972 = vector.broadcast %squeeze3A_966 : f32 to vector<16xf32>
        %mul3A_973 = arith.mulf %mul3A_972, %get3A_971 : vector<16xf32>
        %add3A_974 = arith.addf %add3A_952, %mul3A_973 : vector<16xf32>
        %get3A_975 = arith.index_cast %add3A_800 : i32 to index
        %get3A_976 = arith.index_cast %add3A_964 : i32 to index
        %get3A_977 = arith.constant 16 : index
        %get3A_978 = tpu.vector_load %arg8[%get3A_975, %get3A_976, %get3A_977] {strides = array<i32>} : memref<16x128x32xf32, #tpu.memory_space<vmem>>, vector<1x1x16xf32>,
        %get3A_979 = vector.shape_cast %get3A_978 : vector<1x1x16xf32> to vector<16xf32>
        %mul3A_980 = vector.broadcast %squeeze3A_966 : f32 to vector<16xf32>
        %mul3A_981 = arith.mulf %mul3A_980, %get3A_979 : vector<16xf32>
        %add3A_982 = arith.addf %add3A_960, %mul3A_981 : vector<16xf32>
        %mul3A_983 = arith.constant 16 : i32
        %mul3A_984 = arith.muli %select_n3A_434, %mul3A_983 : i32
        %add3A_985 = arith.constant 8 : i32
        %add3A_986 = arith.addi %mul3A_984, %add3A_985 : i32
        %slice3A_987 = vector.extract_strided_slice %get3A_806 {offsets = [8], sizes = [1], strides = [1]} : vector<16xf32> to vector<1xf32>
        %squeeze3A_988 = vector.extract %slice3A_987[0] : f32 from vector<1xf32>
        %get3A_989 = arith.index_cast %add3A_800 : i32 to index
        %get3A_990 = arith.index_cast %add3A_986 : i32 to index
        %get3A_991 = arith.constant 0 : index
        %get3A_992 = tpu.vector_load %arg8[%get3A_989, %get3A_990, %get3A_991] {strides = array<i32>} : memref<16x128x32xf32, #tpu.memory_space<vmem>>, vector<1x1x16xf32>,
        %get3A_993 = vector.shape_cast %get3A_992 : vector<1x1x16xf32> to vector<16xf32>
        %mul3A_994 = vector.broadcast %squeeze3A_988 : f32 to vector<16xf32>
        %mul3A_995 = arith.mulf %mul3A_994, %get3A_993 : vector<16xf32>
        %add3A_996 = arith.addf %add3A_974, %mul3A_995 : vector<16xf32>
        %get3A_997 = arith.index_cast %add3A_800 : i32 to index
        %get3A_998 = arith.index_cast %add3A_986 : i32 to index
        %get3A_999 = arith.constant 16 : index
        %get3A_1000 = tpu.vector_load %arg8[%get3A_997, %get3A_998, %get3A_999] {strides = array<i32>} : memref<16x128x32xf32, #tpu.memory_space<vmem>>, vector<1x1x16xf32>,
        %get3A_1001 = vector.shape_cast %get3A_1000 : vector<1x1x16xf32> to vector<16xf32>
        %mul3A_1002 = vector.broadcast %squeeze3A_988 : f32 to vector<16xf32>
        %mul3A_1003 = arith.mulf %mul3A_1002, %get3A_1001 : vector<16xf32>
        %add3A_1004 = arith.addf %add3A_982, %mul3A_1003 : vector<16xf32>
        %mul3A_1005 = arith.constant 16 : i32
        %mul3A_1006 = arith.muli %select_n3A_434, %mul3A_1005 : i32
        %add3A_1007 = arith.constant 9 : i32
        %add3A_1008 = arith.addi %mul3A_1006, %add3A_1007 : i32
        %slice3A_1009 = vector.extract_strided_slice %get3A_806 {offsets = [9], sizes = [1], strides = [1]} : vector<16xf32> to vector<1xf32>
        %squeeze3A_1010 = vector.extract %slice3A_1009[0] : f32 from vector<1xf32>
        %get3A_1011 = arith.index_cast %add3A_800 : i32 to index
        %get3A_1012 = arith.index_cast %add3A_1008 : i32 to index
        %get3A_1013 = arith.constant 0 : index
        %get3A_1014 = tpu.vector_load %arg8[%get3A_1011, %get3A_1012, %get3A_1013] {strides = array<i32>} : memref<16x128x32xf32, #tpu.memory_space<vmem>>, vector<1x1x16xf32>,
        %get3A_1015 = vector.shape_cast %get3A_1014 : vector<1x1x16xf32> to vector<16xf32>
        %mul3A_1016 = vector.broadcast %squeeze3A_1010 : f32 to vector<16xf32>
        %mul3A_1017 = arith.mulf %mul3A_1016, %get3A_1015 : vector<16xf32>
        %add3A_1018 = arith.addf %add3A_996, %mul3A_1017 : vector<16xf32>
        %get3A_1019 = arith.index_cast %add3A_800 : i32 to index
        %get3A_1020 = arith.index_cast %add3A_1008 : i32 to index
        %get3A_1021 = arith.constant 16 : index
        %get3A_1022 = tpu.vector_load %arg8[%get3A_1019, %get3A_1020, %get3A_1021] {strides = array<i32>} : memref<16x128x32xf32, #tpu.memory_space<vmem>>, vector<1x1x16xf32>,
        %get3A_1023 = vector.shape_cast %get3A_1022 : vector<1x1x16xf32> to vector<16xf32>
        %mul3A_1024 = vector.broadcast %squeeze3A_1010 : f32 to vector<16xf32>
        %mul3A_1025 = arith.mulf %mul3A_1024, %get3A_1023 : vector<16xf32>
        %add3A_1026 = arith.addf %add3A_1004, %mul3A_1025 : vector<16xf32>
        %mul3A_1027 = arith.constant 16 : i32
        %mul3A_1028 = arith.muli %select_n3A_434, %mul3A_1027 : i32
        %add3A_1029 = arith.constant 10 : i32
        %add3A_1030 = arith.addi %mul3A_1028, %add3A_1029 : i32
        %slice3A_1031 = vector.extract_strided_slice %get3A_806 {offsets = [10], sizes = [1], strides = [1]} : vector<16xf32> to vector<1xf32>
        %squeeze3A_1032 = vector.extract %slice3A_1031[0] : f32 from vector<1xf32>
        %get3A_1033 = arith.index_cast %add3A_800 : i32 to index
        %get3A_1034 = arith.index_cast %add3A_1030 : i32 to index
        %get3A_1035 = arith.constant 0 : index
        %get3A_1036 = tpu.vector_load %arg8[%get3A_1033, %get3A_1034, %get3A_1035] {strides = array<i32>} : memref<16x128x32xf32, #tpu.memory_space<vmem>>, vector<1x1x16xf32>,
        %get3A_1037 = vector.shape_cast %get3A_1036 : vector<1x1x16xf32> to vector<16xf32>
        %mul3A_1038 = vector.broadcast %squeeze3A_1032 : f32 to vector<16xf32>
        %mul3A_1039 = arith.mulf %mul3A_1038, %get3A_1037 : vector<16xf32>
        %add3A_1040 = arith.addf %add3A_1018, %mul3A_1039 : vector<16xf32>
        %get3A_1041 = arith.index_cast %add3A_800 : i32 to index
        %get3A_1042 = arith.index_cast %add3A_1030 : i32 to index
        %get3A_1043 = arith.constant 16 : index
        %get3A_1044 = tpu.vector_load %arg8[%get3A_1041, %get3A_1042, %get3A_1043] {strides = array<i32>} : memref<16x128x32xf32, #tpu.memory_space<vmem>>, vector<1x1x16xf32>,
        %get3A_1045 = vector.shape_cast %get3A_1044 : vector<1x1x16xf32> to vector<16xf32>
        %mul3A_1046 = vector.broadcast %squeeze3A_1032 : f32 to vector<16xf32>
        %mul3A_1047 = arith.mulf %mul3A_1046, %get3A_1045 : vector<16xf32>
        %add3A_1048 = arith.addf %add3A_1026, %mul3A_1047 : vector<16xf32>
        %mul3A_1049 = arith.constant 16 : i32
        %mul3A_1050 = arith.muli %select_n3A_434, %mul3A_1049 : i32
        %add3A_1051 = arith.constant 11 : i32
        %add3A_1052 = arith.addi %mul3A_1050, %add3A_1051 : i32
        %slice3A_1053 = vector.extract_strided_slice %get3A_806 {offsets = [11], sizes = [1], strides = [1]} : vector<16xf32> to vector<1xf32>
        %squeeze3A_1054 = vector.extract %slice3A_1053[0] : f32 from vector<1xf32>
        %get3A_1055 = arith.index_cast %add3A_800 : i32 to index
        %get3A_1056 = arith.index_cast %add3A_1052 : i32 to index
        %get3A_1057 = arith.constant 0 : index
        %get3A_1058 = tpu.vector_load %arg8[%get3A_1055, %get3A_1056, %get3A_1057] {strides = array<i32>} : memref<16x128x32xf32, #tpu.memory_space<vmem>>, vector<1x1x16xf32>,
        %get3A_1059 = vector.shape_cast %get3A_1058 : vector<1x1x16xf32> to vector<16xf32>
        %mul3A_1060 = vector.broadcast %squeeze3A_1054 : f32 to vector<16xf32>
        %mul3A_1061 = arith.mulf %mul3A_1060, %get3A_1059 : vector<16xf32>
        %add3A_1062 = arith.addf %add3A_1040, %mul3A_1061 : vector<16xf32>
        %get3A_1063 = arith.index_cast %add3A_800 : i32 to index
        %get3A_1064 = arith.index_cast %add3A_1052 : i32 to index
        %get3A_1065 = arith.constant 16 : index
        %get3A_1066 = tpu.vector_load %arg8[%get3A_1063, %get3A_1064, %get3A_1065] {strides = array<i32>} : memref<16x128x32xf32, #tpu.memory_space<vmem>>, vector<1x1x16xf32>,
        %get3A_1067 = vector.shape_cast %get3A_1066 : vector<1x1x16xf32> to vector<16xf32>
        %mul3A_1068 = vector.broadcast %squeeze3A_1054 : f32 to vector<16xf32>
        %mul3A_1069 = arith.mulf %mul3A_1068, %get3A_1067 : vector<16xf32>
        %add3A_1070 = arith.addf %add3A_1048, %mul3A_1069 : vector<16xf32>
        %mul3A_1071 = arith.constant 16 : i32
        %mul3A_1072 = arith.muli %select_n3A_434, %mul3A_1071 : i32
        %add3A_1073 = arith.constant 12 : i32
        %add3A_1074 = arith.addi %mul3A_1072, %add3A_1073 : i32
        %slice3A_1075 = vector.extract_strided_slice %get3A_806 {offsets = [12], sizes = [1], strides = [1]} : vector<16xf32> to vector<1xf32>
        %squeeze3A_1076 = vector.extract %slice3A_1075[0] : f32 from vector<1xf32>
        %get3A_1077 = arith.index_cast %add3A_800 : i32 to index
        %get3A_1078 = arith.index_cast %add3A_1074 : i32 to index
        %get3A_1079 = arith.constant 0 : index
        %get3A_1080 = tpu.vector_load %arg8[%get3A_1077, %get3A_1078, %get3A_1079] {strides = array<i32>} : memref<16x128x32xf32, #tpu.memory_space<vmem>>, vector<1x1x16xf32>,
        %get3A_1081 = vector.shape_cast %get3A_1080 : vector<1x1x16xf32> to vector<16xf32>
        %mul3A_1082 = vector.broadcast %squeeze3A_1076 : f32 to vector<16xf32>
        %mul3A_1083 = arith.mulf %mul3A_1082, %get3A_1081 : vector<16xf32>
        %add3A_1084 = arith.addf %add3A_1062, %mul3A_1083 : vector<16xf32>
        %get3A_1085 = arith.index_cast %add3A_800 : i32 to index
        %get3A_1086 = arith.index_cast %add3A_1074 : i32 to index
        %get3A_1087 = arith.constant 16 : index
        %get3A_1088 = tpu.vector_load %arg8[%get3A_1085, %get3A_1086, %get3A_1087] {strides = array<i32>} : memref<16x128x32xf32, #tpu.memory_space<vmem>>, vector<1x1x16xf32>,
        %get3A_1089 = vector.shape_cast %get3A_1088 : vector<1x1x16xf32> to vector<16xf32>
        %mul3A_1090 = vector.broadcast %squeeze3A_1076 : f32 to vector<16xf32>
        %mul3A_1091 = arith.mulf %mul3A_1090, %get3A_1089 : vector<16xf32>
        %add3A_1092 = arith.addf %add3A_1070, %mul3A_1091 : vector<16xf32>
        %mul3A_1093 = arith.constant 16 : i32
        %mul3A_1094 = arith.muli %select_n3A_434, %mul3A_1093 : i32
        %add3A_1095 = arith.constant 13 : i32
        %add3A_1096 = arith.addi %mul3A_1094, %add3A_1095 : i32
        %slice3A_1097 = vector.extract_strided_slice %get3A_806 {offsets = [13], sizes = [1], strides = [1]} : vector<16xf32> to vector<1xf32>
        %squeeze3A_1098 = vector.extract %slice3A_1097[0] : f32 from vector<1xf32>
        %get3A_1099 = arith.index_cast %add3A_800 : i32 to index
        %get3A_1100 = arith.index_cast %add3A_1096 : i32 to index
        %get3A_1101 = arith.constant 0 : index
        %get3A_1102 = tpu.vector_load %arg8[%get3A_1099, %get3A_1100, %get3A_1101] {strides = array<i32>} : memref<16x128x32xf32, #tpu.memory_space<vmem>>, vector<1x1x16xf32>,
        %get3A_1103 = vector.shape_cast %get3A_1102 : vector<1x1x16xf32> to vector<16xf32>
        %mul3A_1104 = vector.broadcast %squeeze3A_1098 : f32 to vector<16xf32>
        %mul3A_1105 = arith.mulf %mul3A_1104, %get3A_1103 : vector<16xf32>
        %add3A_1106 = arith.addf %add3A_1084, %mul3A_1105 : vector<16xf32>
        %get3A_1107 = arith.index_cast %add3A_800 : i32 to index
        %get3A_1108 = arith.index_cast %add3A_1096 : i32 to index
        %get3A_1109 = arith.constant 16 : index
        %get3A_1110 = tpu.vector_load %arg8[%get3A_1107, %get3A_1108, %get3A_1109] {strides = array<i32>} : memref<16x128x32xf32, #tpu.memory_space<vmem>>, vector<1x1x16xf32>,
        %get3A_1111 = vector.shape_cast %get3A_1110 : vector<1x1x16xf32> to vector<16xf32>
        %mul3A_1112 = vector.broadcast %squeeze3A_1098 : f32 to vector<16xf32>
        %mul3A_1113 = arith.mulf %mul3A_1112, %get3A_1111 : vector<16xf32>
        %add3A_1114 = arith.addf %add3A_1092, %mul3A_1113 : vector<16xf32>
        %mul3A_1115 = arith.constant 16 : i32
        %mul3A_1116 = arith.muli %select_n3A_434, %mul3A_1115 : i32
        %add3A_1117 = arith.constant 14 : i32
        %add3A_1118 = arith.addi %mul3A_1116, %add3A_1117 : i32
        %slice3A_1119 = vector.extract_strided_slice %get3A_806 {offsets = [14], sizes = [1], strides = [1]} : vector<16xf32> to vector<1xf32>
        %squeeze3A_1120 = vector.extract %slice3A_1119[0] : f32 from vector<1xf32>
        %get3A_1121 = arith.index_cast %add3A_800 : i32 to index
        %get3A_1122 = arith.index_cast %add3A_1118 : i32 to index
        %get3A_1123 = arith.constant 0 : index
        %get3A_1124 = tpu.vector_load %arg8[%get3A_1121, %get3A_1122, %get3A_1123] {strides = array<i32>} : memref<16x128x32xf32, #tpu.memory_space<vmem>>, vector<1x1x16xf32>,
        %get3A_1125 = vector.shape_cast %get3A_1124 : vector<1x1x16xf32> to vector<16xf32>
        %mul3A_1126 = vector.broadcast %squeeze3A_1120 : f32 to vector<16xf32>
        %mul3A_1127 = arith.mulf %mul3A_1126, %get3A_1125 : vector<16xf32>
        %add3A_1128 = arith.addf %add3A_1106, %mul3A_1127 : vector<16xf32>
        %get3A_1129 = arith.index_cast %add3A_800 : i32 to index
        %get3A_1130 = arith.index_cast %add3A_1118 : i32 to index
        %get3A_1131 = arith.constant 16 : index
        %get3A_1132 = tpu.vector_load %arg8[%get3A_1129, %get3A_1130, %get3A_1131] {strides = array<i32>} : memref<16x128x32xf32, #tpu.memory_space<vmem>>, vector<1x1x16xf32>,
        %get3A_1133 = vector.shape_cast %get3A_1132 : vector<1x1x16xf32> to vector<16xf32>
        %mul3A_1134 = vector.broadcast %squeeze3A_1120 : f32 to vector<16xf32>
        %mul3A_1135 = arith.mulf %mul3A_1134, %get3A_1133 : vector<16xf32>
        %add3A_1136 = arith.addf %add3A_1114, %mul3A_1135 : vector<16xf32>
        %mul3A_1137 = arith.constant 16 : i32
        %mul3A_1138 = arith.muli %select_n3A_434, %mul3A_1137 : i32
        %add3A_1139 = arith.constant 15 : i32
        %add3A_1140 = arith.addi %mul3A_1138, %add3A_1139 : i32
        %slice3A_1141 = vector.extract_strided_slice %get3A_806 {offsets = [15], sizes = [1], strides = [1]} : vector<16xf32> to vector<1xf32>
        %squeeze3A_1142 = vector.extract %slice3A_1141[0] : f32 from vector<1xf32>
        %get3A_1143 = arith.index_cast %add3A_800 : i32 to index
        %get3A_1144 = arith.index_cast %add3A_1140 : i32 to index
        %get3A_1145 = arith.constant 0 : index
        %get3A_1146 = tpu.vector_load %arg8[%get3A_1143, %get3A_1144, %get3A_1145] {strides = array<i32>} : memref<16x128x32xf32, #tpu.memory_space<vmem>>, vector<1x1x16xf32>,
        %get3A_1147 = vector.shape_cast %get3A_1146 : vector<1x1x16xf32> to vector<16xf32>
        %mul3A_1148 = vector.broadcast %squeeze3A_1142 : f32 to vector<16xf32>
        %mul3A_1149 = arith.mulf %mul3A_1148, %get3A_1147 : vector<16xf32>
        %add3A_1150 = arith.addf %add3A_1128, %mul3A_1149 : vector<16xf32>
        %get3A_1151 = arith.index_cast %add3A_800 : i32 to index
        %get3A_1152 = arith.index_cast %add3A_1140 : i32 to index
        %get3A_1153 = arith.constant 16 : index
        %get3A_1154 = tpu.vector_load %arg8[%get3A_1151, %get3A_1152, %get3A_1153] {strides = array<i32>} : memref<16x128x32xf32, #tpu.memory_space<vmem>>, vector<1x1x16xf32>,
        %get3A_1155 = vector.shape_cast %get3A_1154 : vector<1x1x16xf32> to vector<16xf32>
        %mul3A_1156 = vector.broadcast %squeeze3A_1142 : f32 to vector<16xf32>
        %mul3A_1157 = arith.mulf %mul3A_1156, %get3A_1155 : vector<16xf32>
        %add3A_1158 = arith.addf %add3A_1136, %mul3A_1157 : vector<16xf32>
        %mul3A_1159 = arith.constant 4 : i32
        %mul3A_1160 = arith.muli %select_n3A, %mul3A_1159 : i32
        %add3A_1161 = arith.constant 2 : i32
        %add3A_1162 = arith.addi %mul3A_1160, %add3A_1161 : i32
        %mul3A_1163 = arith.constant 16 : i32
        %mul3A_1164 = arith.muli %select_n3A_434, %mul3A_1163 : i32
        %get3A_1165 = arith.index_cast %add3A_1162 : i32 to index
        %get3A_1166 = arith.index_cast %mul3A_1164 : i32 to index
        %get3A_1167 = tpu.vector_load %arg7[%get3A_1165, %get3A_1166] {strides = array<i32>} : memref<16x128xf32, #tpu.memory_space<vmem>>, vector<1x16xf32>,
        %get3A_1168 = vector.shape_cast %get3A_1167 : vector<1x16xf32> to vector<16xf32>
        %mul3A_1169 = arith.constant 16 : i32
        %mul3A_1170 = arith.muli %select_n3A_434, %mul3A_1169 : i32
        %add3A_1171 = arith.constant 0 : i32
        %add3A_1172 = arith.addi %mul3A_1170, %add3A_1171 : i32
        %slice3A_1173 = vector.extract_strided_slice %get3A_1168 {offsets = [0], sizes = [1], strides = [1]} : vector<16xf32> to vector<1xf32>
        %squeeze3A_1174 = vector.extract %slice3A_1173[0] : f32 from vector<1xf32>
        %get3A_1175 = arith.index_cast %add3A_1162 : i32 to index
        %get3A_1176 = arith.index_cast %add3A_1172 : i32 to index
        %get3A_1177 = arith.constant 0 : index
        %get3A_1178 = tpu.vector_load %arg8[%get3A_1175, %get3A_1176, %get3A_1177] {strides = array<i32>} : memref<16x128x32xf32, #tpu.memory_space<vmem>>, vector<1x1x16xf32>,
        %get3A_1179 = vector.shape_cast %get3A_1178 : vector<1x1x16xf32> to vector<16xf32>
        %mul3A_1180 = vector.broadcast %squeeze3A_1174 : f32 to vector<16xf32>
        %mul3A_1181 = arith.mulf %mul3A_1180, %get3A_1179 : vector<16xf32>
        %add3A_1182 = arith.addf %add3A_1150, %mul3A_1181 : vector<16xf32>
        %get3A_1183 = arith.index_cast %add3A_1162 : i32 to index
        %get3A_1184 = arith.index_cast %add3A_1172 : i32 to index
        %get3A_1185 = arith.constant 16 : index
        %get3A_1186 = tpu.vector_load %arg8[%get3A_1183, %get3A_1184, %get3A_1185] {strides = array<i32>} : memref<16x128x32xf32, #tpu.memory_space<vmem>>, vector<1x1x16xf32>,
        %get3A_1187 = vector.shape_cast %get3A_1186 : vector<1x1x16xf32> to vector<16xf32>
        %mul3A_1188 = vector.broadcast %squeeze3A_1174 : f32 to vector<16xf32>
        %mul3A_1189 = arith.mulf %mul3A_1188, %get3A_1187 : vector<16xf32>
        %add3A_1190 = arith.addf %add3A_1158, %mul3A_1189 : vector<16xf32>
        %mul3A_1191 = arith.constant 16 : i32
        %mul3A_1192 = arith.muli %select_n3A_434, %mul3A_1191 : i32
        %add3A_1193 = arith.constant 1 : i32
        %add3A_1194 = arith.addi %mul3A_1192, %add3A_1193 : i32
        %slice3A_1195 = vector.extract_strided_slice %get3A_1168 {offsets = [1], sizes = [1], strides = [1]} : vector<16xf32> to vector<1xf32>
        %squeeze3A_1196 = vector.extract %slice3A_1195[0] : f32 from vector<1xf32>
        %get3A_1197 = arith.index_cast %add3A_1162 : i32 to index
        %get3A_1198 = arith.index_cast %add3A_1194 : i32 to index
        %get3A_1199 = arith.constant 0 : index
        %get3A_1200 = tpu.vector_load %arg8[%get3A_1197, %get3A_1198, %get3A_1199] {strides = array<i32>} : memref<16x128x32xf32, #tpu.memory_space<vmem>>, vector<1x1x16xf32>,
        %get3A_1201 = vector.shape_cast %get3A_1200 : vector<1x1x16xf32> to vector<16xf32>
        %mul3A_1202 = vector.broadcast %squeeze3A_1196 : f32 to vector<16xf32>
        %mul3A_1203 = arith.mulf %mul3A_1202, %get3A_1201 : vector<16xf32>
        %add3A_1204 = arith.addf %add3A_1182, %mul3A_1203 : vector<16xf32>
        %get3A_1205 = arith.index_cast %add3A_1162 : i32 to index
        %get3A_1206 = arith.index_cast %add3A_1194 : i32 to index
        %get3A_1207 = arith.constant 16 : index
        %get3A_1208 = tpu.vector_load %arg8[%get3A_1205, %get3A_1206, %get3A_1207] {strides = array<i32>} : memref<16x128x32xf32, #tpu.memory_space<vmem>>, vector<1x1x16xf32>,
        %get3A_1209 = vector.shape_cast %get3A_1208 : vector<1x1x16xf32> to vector<16xf32>
        %mul3A_1210 = vector.broadcast %squeeze3A_1196 : f32 to vector<16xf32>
        %mul3A_1211 = arith.mulf %mul3A_1210, %get3A_1209 : vector<16xf32>
        %add3A_1212 = arith.addf %add3A_1190, %mul3A_1211 : vector<16xf32>
        %mul3A_1213 = arith.constant 16 : i32
        %mul3A_1214 = arith.muli %select_n3A_434, %mul3A_1213 : i32
        %add3A_1215 = arith.constant 2 : i32
        %add3A_1216 = arith.addi %mul3A_1214, %add3A_1215 : i32
        %slice3A_1217 = vector.extract_strided_slice %get3A_1168 {offsets = [2], sizes = [1], strides = [1]} : vector<16xf32> to vector<1xf32>
        %squeeze3A_1218 = vector.extract %slice3A_1217[0] : f32 from vector<1xf32>
        %get3A_1219 = arith.index_cast %add3A_1162 : i32 to index
        %get3A_1220 = arith.index_cast %add3A_1216 : i32 to index
        %get3A_1221 = arith.constant 0 : index
        %get3A_1222 = tpu.vector_load %arg8[%get3A_1219, %get3A_1220, %get3A_1221] {strides = array<i32>} : memref<16x128x32xf32, #tpu.memory_space<vmem>>, vector<1x1x16xf32>,
        %get3A_1223 = vector.shape_cast %get3A_1222 : vector<1x1x16xf32> to vector<16xf32>
        %mul3A_1224 = vector.broadcast %squeeze3A_1218 : f32 to vector<16xf32>
        %mul3A_1225 = arith.mulf %mul3A_1224, %get3A_1223 : vector<16xf32>
        %add3A_1226 = arith.addf %add3A_1204, %mul3A_1225 : vector<16xf32>
        %get3A_1227 = arith.index_cast %add3A_1162 : i32 to index
        %get3A_1228 = arith.index_cast %add3A_1216 : i32 to index
        %get3A_1229 = arith.constant 16 : index
        %get3A_1230 = tpu.vector_load %arg8[%get3A_1227, %get3A_1228, %get3A_1229] {strides = array<i32>} : memref<16x128x32xf32, #tpu.memory_space<vmem>>, vector<1x1x16xf32>,
        %get3A_1231 = vector.shape_cast %get3A_1230 : vector<1x1x16xf32> to vector<16xf32>
        %mul3A_1232 = vector.broadcast %squeeze3A_1218 : f32 to vector<16xf32>
        %mul3A_1233 = arith.mulf %mul3A_1232, %get3A_1231 : vector<16xf32>
        %add3A_1234 = arith.addf %add3A_1212, %mul3A_1233 : vector<16xf32>
        %mul3A_1235 = arith.constant 16 : i32
        %mul3A_1236 = arith.muli %select_n3A_434, %mul3A_1235 : i32
        %add3A_1237 = arith.constant 3 : i32
        %add3A_1238 = arith.addi %mul3A_1236, %add3A_1237 : i32
        %slice3A_1239 = vector.extract_strided_slice %get3A_1168 {offsets = [3], sizes = [1], strides = [1]} : vector<16xf32> to vector<1xf32>
        %squeeze3A_1240 = vector.extract %slice3A_1239[0] : f32 from vector<1xf32>
        %get3A_1241 = arith.index_cast %add3A_1162 : i32 to index
        %get3A_1242 = arith.index_cast %add3A_1238 : i32 to index
        %get3A_1243 = arith.constant 0 : index
        %get3A_1244 = tpu.vector_load %arg8[%get3A_1241, %get3A_1242, %get3A_1243] {strides = array<i32>} : memref<16x128x32xf32, #tpu.memory_space<vmem>>, vector<1x1x16xf32>,
        %get3A_1245 = vector.shape_cast %get3A_1244 : vector<1x1x16xf32> to vector<16xf32>
        %mul3A_1246 = vector.broadcast %squeeze3A_1240 : f32 to vector<16xf32>
        %mul3A_1247 = arith.mulf %mul3A_1246, %get3A_1245 : vector<16xf32>
        %add3A_1248 = arith.addf %add3A_1226, %mul3A_1247 : vector<16xf32>
        %get3A_1249 = arith.index_cast %add3A_1162 : i32 to index
        %get3A_1250 = arith.index_cast %add3A_1238 : i32 to index
        %get3A_1251 = arith.constant 16 : index
        %get3A_1252 = tpu.vector_load %arg8[%get3A_1249, %get3A_1250, %get3A_1251] {strides = array<i32>} : memref<16x128x32xf32, #tpu.memory_space<vmem>>, vector<1x1x16xf32>,
        %get3A_1253 = vector.shape_cast %get3A_1252 : vector<1x1x16xf32> to vector<16xf32>
        %mul3A_1254 = vector.broadcast %squeeze3A_1240 : f32 to vector<16xf32>
        %mul3A_1255 = arith.mulf %mul3A_1254, %get3A_1253 : vector<16xf32>
        %add3A_1256 = arith.addf %add3A_1234, %mul3A_1255 : vector<16xf32>
        %mul3A_1257 = arith.constant 16 : i32
        %mul3A_1258 = arith.muli %select_n3A_434, %mul3A_1257 : i32
        %add3A_1259 = arith.constant 4 : i32
        %add3A_1260 = arith.addi %mul3A_1258, %add3A_1259 : i32
        %slice3A_1261 = vector.extract_strided_slice %get3A_1168 {offsets = [4], sizes = [1], strides = [1]} : vector<16xf32> to vector<1xf32>
        %squeeze3A_1262 = vector.extract %slice3A_1261[0] : f32 from vector<1xf32>
        %get3A_1263 = arith.index_cast %add3A_1162 : i32 to index
        %get3A_1264 = arith.index_cast %add3A_1260 : i32 to index
        %get3A_1265 = arith.constant 0 : index
        %get3A_1266 = tpu.vector_load %arg8[%get3A_1263, %get3A_1264, %get3A_1265] {strides = array<i32>} : memref<16x128x32xf32, #tpu.memory_space<vmem>>, vector<1x1x16xf32>,
        %get3A_1267 = vector.shape_cast %get3A_1266 : vector<1x1x16xf32> to vector<16xf32>
        %mul3A_1268 = vector.broadcast %squeeze3A_1262 : f32 to vector<16xf32>
        %mul3A_1269 = arith.mulf %mul3A_1268, %get3A_1267 : vector<16xf32>
        %add3A_1270 = arith.addf %add3A_1248, %mul3A_1269 : vector<16xf32>
        %get3A_1271 = arith.index_cast %add3A_1162 : i32 to index
        %get3A_1272 = arith.index_cast %add3A_1260 : i32 to index
        %get3A_1273 = arith.constant 16 : index
        %get3A_1274 = tpu.vector_load %arg8[%get3A_1271, %get3A_1272, %get3A_1273] {strides = array<i32>} : memref<16x128x32xf32, #tpu.memory_space<vmem>>, vector<1x1x16xf32>,
        %get3A_1275 = vector.shape_cast %get3A_1274 : vector<1x1x16xf32> to vector<16xf32>
        %mul3A_1276 = vector.broadcast %squeeze3A_1262 : f32 to vector<16xf32>
        %mul3A_1277 = arith.mulf %mul3A_1276, %get3A_1275 : vector<16xf32>
        %add3A_1278 = arith.addf %add3A_1256, %mul3A_1277 : vector<16xf32>
        %mul3A_1279 = arith.constant 16 : i32
        %mul3A_1280 = arith.muli %select_n3A_434, %mul3A_1279 : i32
        %add3A_1281 = arith.constant 5 : i32
        %add3A_1282 = arith.addi %mul3A_1280, %add3A_1281 : i32
        %slice3A_1283 = vector.extract_strided_slice %get3A_1168 {offsets = [5], sizes = [1], strides = [1]} : vector<16xf32> to vector<1xf32>
        %squeeze3A_1284 = vector.extract %slice3A_1283[0] : f32 from vector<1xf32>
        %get3A_1285 = arith.index_cast %add3A_1162 : i32 to index
        %get3A_1286 = arith.index_cast %add3A_1282 : i32 to index
        %get3A_1287 = arith.constant 0 : index
        %get3A_1288 = tpu.vector_load %arg8[%get3A_1285, %get3A_1286, %get3A_1287] {strides = array<i32>} : memref<16x128x32xf32, #tpu.memory_space<vmem>>, vector<1x1x16xf32>,
        %get3A_1289 = vector.shape_cast %get3A_1288 : vector<1x1x16xf32> to vector<16xf32>
        %mul3A_1290 = vector.broadcast %squeeze3A_1284 : f32 to vector<16xf32>
        %mul3A_1291 = arith.mulf %mul3A_1290, %get3A_1289 : vector<16xf32>
        %add3A_1292 = arith.addf %add3A_1270, %mul3A_1291 : vector<16xf32>
        %get3A_1293 = arith.index_cast %add3A_1162 : i32 to index
        %get3A_1294 = arith.index_cast %add3A_1282 : i32 to index
        %get3A_1295 = arith.constant 16 : index
        %get3A_1296 = tpu.vector_load %arg8[%get3A_1293, %get3A_1294, %get3A_1295] {strides = array<i32>} : memref<16x128x32xf32, #tpu.memory_space<vmem>>, vector<1x1x16xf32>,
        %get3A_1297 = vector.shape_cast %get3A_1296 : vector<1x1x16xf32> to vector<16xf32>
        %mul3A_1298 = vector.broadcast %squeeze3A_1284 : f32 to vector<16xf32>
        %mul3A_1299 = arith.mulf %mul3A_1298, %get3A_1297 : vector<16xf32>
        %add3A_1300 = arith.addf %add3A_1278, %mul3A_1299 : vector<16xf32>
        %mul3A_1301 = arith.constant 16 : i32
        %mul3A_1302 = arith.muli %select_n3A_434, %mul3A_1301 : i32
        %add3A_1303 = arith.constant 6 : i32
        %add3A_1304 = arith.addi %mul3A_1302, %add3A_1303 : i32
        %slice3A_1305 = vector.extract_strided_slice %get3A_1168 {offsets = [6], sizes = [1], strides = [1]} : vector<16xf32> to vector<1xf32>
        %squeeze3A_1306 = vector.extract %slice3A_1305[0] : f32 from vector<1xf32>
        %get3A_1307 = arith.index_cast %add3A_1162 : i32 to index
        %get3A_1308 = arith.index_cast %add3A_1304 : i32 to index
        %get3A_1309 = arith.constant 0 : index
        %get3A_1310 = tpu.vector_load %arg8[%get3A_1307, %get3A_1308, %get3A_1309] {strides = array<i32>} : memref<16x128x32xf32, #tpu.memory_space<vmem>>, vector<1x1x16xf32>,
        %get3A_1311 = vector.shape_cast %get3A_1310 : vector<1x1x16xf32> to vector<16xf32>
        %mul3A_1312 = vector.broadcast %squeeze3A_1306 : f32 to vector<16xf32>
        %mul3A_1313 = arith.mulf %mul3A_1312, %get3A_1311 : vector<16xf32>
        %add3A_1314 = arith.addf %add3A_1292, %mul3A_1313 : vector<16xf32>
        %get3A_1315 = arith.index_cast %add3A_1162 : i32 to index
        %get3A_1316 = arith.index_cast %add3A_1304 : i32 to index
        %get3A_1317 = arith.constant 16 : index
        %get3A_1318 = tpu.vector_load %arg8[%get3A_1315, %get3A_1316, %get3A_1317] {strides = array<i32>} : memref<16x128x32xf32, #tpu.memory_space<vmem>>, vector<1x1x16xf32>,
        %get3A_1319 = vector.shape_cast %get3A_1318 : vector<1x1x16xf32> to vector<16xf32>
        %mul3A_1320 = vector.broadcast %squeeze3A_1306 : f32 to vector<16xf32>
        %mul3A_1321 = arith.mulf %mul3A_1320, %get3A_1319 : vector<16xf32>
        %add3A_1322 = arith.addf %add3A_1300, %mul3A_1321 : vector<16xf32>
        %mul3A_1323 = arith.constant 16 : i32
        %mul3A_1324 = arith.muli %select_n3A_434, %mul3A_1323 : i32
        %add3A_1325 = arith.constant 7 : i32
        %add3A_1326 = arith.addi %mul3A_1324, %add3A_1325 : i32
        %slice3A_1327 = vector.extract_strided_slice %get3A_1168 {offsets = [7], sizes = [1], strides = [1]} : vector<16xf32> to vector<1xf32>
        %squeeze3A_1328 = vector.extract %slice3A_1327[0] : f32 from vector<1xf32>
        %get3A_1329 = arith.index_cast %add3A_1162 : i32 to index
        %get3A_1330 = arith.index_cast %add3A_1326 : i32 to index
        %get3A_1331 = arith.constant 0 : index
        %get3A_1332 = tpu.vector_load %arg8[%get3A_1329, %get3A_1330, %get3A_1331] {strides = array<i32>} : memref<16x128x32xf32, #tpu.memory_space<vmem>>, vector<1x1x16xf32>,
        %get3A_1333 = vector.shape_cast %get3A_1332 : vector<1x1x16xf32> to vector<16xf32>
        %mul3A_1334 = vector.broadcast %squeeze3A_1328 : f32 to vector<16xf32>
        %mul3A_1335 = arith.mulf %mul3A_1334, %get3A_1333 : vector<16xf32>
        %add3A_1336 = arith.addf %add3A_1314, %mul3A_1335 : vector<16xf32>
        %get3A_1337 = arith.index_cast %add3A_1162 : i32 to index
        %get3A_1338 = arith.index_cast %add3A_1326 : i32 to index
        %get3A_1339 = arith.constant 16 : index
        %get3A_1340 = tpu.vector_load %arg8[%get3A_1337, %get3A_1338, %get3A_1339] {strides = array<i32>} : memref<16x128x32xf32, #tpu.memory_space<vmem>>, vector<1x1x16xf32>,
        %get3A_1341 = vector.shape_cast %get3A_1340 : vector<1x1x16xf32> to vector<16xf32>
        %mul3A_1342 = vector.broadcast %squeeze3A_1328 : f32 to vector<16xf32>
        %mul3A_1343 = arith.mulf %mul3A_1342, %get3A_1341 : vector<16xf32>
        %add3A_1344 = arith.addf %add3A_1322, %mul3A_1343 : vector<16xf32>
        %mul3A_1345 = arith.constant 16 : i32
        %mul3A_1346 = arith.muli %select_n3A_434, %mul3A_1345 : i32
        %add3A_1347 = arith.constant 8 : i32
        %add3A_1348 = arith.addi %mul3A_1346, %add3A_1347 : i32
        %slice3A_1349 = vector.extract_strided_slice %get3A_1168 {offsets = [8], sizes = [1], strides = [1]} : vector<16xf32> to vector<1xf32>
        %squeeze3A_1350 = vector.extract %slice3A_1349[0] : f32 from vector<1xf32>
        %get3A_1351 = arith.index_cast %add3A_1162 : i32 to index
        %get3A_1352 = arith.index_cast %add3A_1348 : i32 to index
        %get3A_1353 = arith.constant 0 : index
        %get3A_1354 = tpu.vector_load %arg8[%get3A_1351, %get3A_1352, %get3A_1353] {strides = array<i32>} : memref<16x128x32xf32, #tpu.memory_space<vmem>>, vector<1x1x16xf32>,
        %get3A_1355 = vector.shape_cast %get3A_1354 : vector<1x1x16xf32> to vector<16xf32>
        %mul3A_1356 = vector.broadcast %squeeze3A_1350 : f32 to vector<16xf32>
        %mul3A_1357 = arith.mulf %mul3A_1356, %get3A_1355 : vector<16xf32>
        %add3A_1358 = arith.addf %add3A_1336, %mul3A_1357 : vector<16xf32>
        %get3A_1359 = arith.index_cast %add3A_1162 : i32 to index
        %get3A_1360 = arith.index_cast %add3A_1348 : i32 to index
        %get3A_1361 = arith.constant 16 : index
        %get3A_1362 = tpu.vector_load %arg8[%get3A_1359, %get3A_1360, %get3A_1361] {strides = array<i32>} : memref<16x128x32xf32, #tpu.memory_space<vmem>>, vector<1x1x16xf32>,
        %get3A_1363 = vector.shape_cast %get3A_1362 : vector<1x1x16xf32> to vector<16xf32>
        %mul3A_1364 = vector.broadcast %squeeze3A_1350 : f32 to vector<16xf32>
        %mul3A_1365 = arith.mulf %mul3A_1364, %get3A_1363 : vector<16xf32>
        %add3A_1366 = arith.addf %add3A_1344, %mul3A_1365 : vector<16xf32>
        %mul3A_1367 = arith.constant 16 : i32
        %mul3A_1368 = arith.muli %select_n3A_434, %mul3A_1367 : i32
        %add3A_1369 = arith.constant 9 : i32
        %add3A_1370 = arith.addi %mul3A_1368, %add3A_1369 : i32
        %slice3A_1371 = vector.extract_strided_slice %get3A_1168 {offsets = [9], sizes = [1], strides = [1]} : vector<16xf32> to vector<1xf32>
        %squeeze3A_1372 = vector.extract %slice3A_1371[0] : f32 from vector<1xf32>
        %get3A_1373 = arith.index_cast %add3A_1162 : i32 to index
        %get3A_1374 = arith.index_cast %add3A_1370 : i32 to index
        %get3A_1375 = arith.constant 0 : index
        %get3A_1376 = tpu.vector_load %arg8[%get3A_1373, %get3A_1374, %get3A_1375] {strides = array<i32>} : memref<16x128x32xf32, #tpu.memory_space<vmem>>, vector<1x1x16xf32>,
        %get3A_1377 = vector.shape_cast %get3A_1376 : vector<1x1x16xf32> to vector<16xf32>
        %mul3A_1378 = vector.broadcast %squeeze3A_1372 : f32 to vector<16xf32>
        %mul3A_1379 = arith.mulf %mul3A_1378, %get3A_1377 : vector<16xf32>
        %add3A_1380 = arith.addf %add3A_1358, %mul3A_1379 : vector<16xf32>
        %get3A_1381 = arith.index_cast %add3A_1162 : i32 to index
        %get3A_1382 = arith.index_cast %add3A_1370 : i32 to index
        %get3A_1383 = arith.constant 16 : index
        %get3A_1384 = tpu.vector_load %arg8[%get3A_1381, %get3A_1382, %get3A_1383] {strides = array<i32>} : memref<16x128x32xf32, #tpu.memory_space<vmem>>, vector<1x1x16xf32>,
        %get3A_1385 = vector.shape_cast %get3A_1384 : vector<1x1x16xf32> to vector<16xf32>
        %mul3A_1386 = vector.broadcast %squeeze3A_1372 : f32 to vector<16xf32>
        %mul3A_1387 = arith.mulf %mul3A_1386, %get3A_1385 : vector<16xf32>
        %add3A_1388 = arith.addf %add3A_1366, %mul3A_1387 : vector<16xf32>
        %mul3A_1389 = arith.constant 16 : i32
        %mul3A_1390 = arith.muli %select_n3A_434, %mul3A_1389 : i32
        %add3A_1391 = arith.constant 10 : i32
        %add3A_1392 = arith.addi %mul3A_1390, %add3A_1391 : i32
        %slice3A_1393 = vector.extract_strided_slice %get3A_1168 {offsets = [10], sizes = [1], strides = [1]} : vector<16xf32> to vector<1xf32>
        %squeeze3A_1394 = vector.extract %slice3A_1393[0] : f32 from vector<1xf32>
        %get3A_1395 = arith.index_cast %add3A_1162 : i32 to index
        %get3A_1396 = arith.index_cast %add3A_1392 : i32 to index
        %get3A_1397 = arith.constant 0 : index
        %get3A_1398 = tpu.vector_load %arg8[%get3A_1395, %get3A_1396, %get3A_1397] {strides = array<i32>} : memref<16x128x32xf32, #tpu.memory_space<vmem>>, vector<1x1x16xf32>,
        %get3A_1399 = vector.shape_cast %get3A_1398 : vector<1x1x16xf32> to vector<16xf32>
        %mul3A_1400 = vector.broadcast %squeeze3A_1394 : f32 to vector<16xf32>
        %mul3A_1401 = arith.mulf %mul3A_1400, %get3A_1399 : vector<16xf32>
        %add3A_1402 = arith.addf %add3A_1380, %mul3A_1401 : vector<16xf32>
        %get3A_1403 = arith.index_cast %add3A_1162 : i32 to index
        %get3A_1404 = arith.index_cast %add3A_1392 : i32 to index
        %get3A_1405 = arith.constant 16 : index
        %get3A_1406 = tpu.vector_load %arg8[%get3A_1403, %get3A_1404, %get3A_1405] {strides = array<i32>} : memref<16x128x32xf32, #tpu.memory_space<vmem>>, vector<1x1x16xf32>,
        %get3A_1407 = vector.shape_cast %get3A_1406 : vector<1x1x16xf32> to vector<16xf32>
        %mul3A_1408 = vector.broadcast %squeeze3A_1394 : f32 to vector<16xf32>
        %mul3A_1409 = arith.mulf %mul3A_1408, %get3A_1407 : vector<16xf32>
        %add3A_1410 = arith.addf %add3A_1388, %mul3A_1409 : vector<16xf32>
        %mul3A_1411 = arith.constant 16 : i32
        %mul3A_1412 = arith.muli %select_n3A_434, %mul3A_1411 : i32
        %add3A_1413 = arith.constant 11 : i32
        %add3A_1414 = arith.addi %mul3A_1412, %add3A_1413 : i32
        %slice3A_1415 = vector.extract_strided_slice %get3A_1168 {offsets = [11], sizes = [1], strides = [1]} : vector<16xf32> to vector<1xf32>
        %squeeze3A_1416 = vector.extract %slice3A_1415[0] : f32 from vector<1xf32>
        %get3A_1417 = arith.index_cast %add3A_1162 : i32 to index
        %get3A_1418 = arith.index_cast %add3A_1414 : i32 to index
        %get3A_1419 = arith.constant 0 : index
        %get3A_1420 = tpu.vector_load %arg8[%get3A_1417, %get3A_1418, %get3A_1419] {strides = array<i32>} : memref<16x128x32xf32, #tpu.memory_space<vmem>>, vector<1x1x16xf32>,
        %get3A_1421 = vector.shape_cast %get3A_1420 : vector<1x1x16xf32> to vector<16xf32>
        %mul3A_1422 = vector.broadcast %squeeze3A_1416 : f32 to vector<16xf32>
        %mul3A_1423 = arith.mulf %mul3A_1422, %get3A_1421 : vector<16xf32>
        %add3A_1424 = arith.addf %add3A_1402, %mul3A_1423 : vector<16xf32>
        %get3A_1425 = arith.index_cast %add3A_1162 : i32 to index
        %get3A_1426 = arith.index_cast %add3A_1414 : i32 to index
        %get3A_1427 = arith.constant 16 : index
        %get3A_1428 = tpu.vector_load %arg8[%get3A_1425, %get3A_1426, %get3A_1427] {strides = array<i32>} : memref<16x128x32xf32, #tpu.memory_space<vmem>>, vector<1x1x16xf32>,
        %get3A_1429 = vector.shape_cast %get3A_1428 : vector<1x1x16xf32> to vector<16xf32>
        %mul3A_1430 = vector.broadcast %squeeze3A_1416 : f32 to vector<16xf32>
        %mul3A_1431 = arith.mulf %mul3A_1430, %get3A_1429 : vector<16xf32>
        %add3A_1432 = arith.addf %add3A_1410, %mul3A_1431 : vector<16xf32>
        %mul3A_1433 = arith.constant 16 : i32
        %mul3A_1434 = arith.muli %select_n3A_434, %mul3A_1433 : i32
        %add3A_1435 = arith.constant 12 : i32
        %add3A_1436 = arith.addi %mul3A_1434, %add3A_1435 : i32
        %slice3A_1437 = vector.extract_strided_slice %get3A_1168 {offsets = [12], sizes = [1], strides = [1]} : vector<16xf32> to vector<1xf32>
        %squeeze3A_1438 = vector.extract %slice3A_1437[0] : f32 from vector<1xf32>
        %get3A_1439 = arith.index_cast %add3A_1162 : i32 to index
        %get3A_1440 = arith.index_cast %add3A_1436 : i32 to index
        %get3A_1441 = arith.constant 0 : index
        %get3A_1442 = tpu.vector_load %arg8[%get3A_1439, %get3A_1440, %get3A_1441] {strides = array<i32>} : memref<16x128x32xf32, #tpu.memory_space<vmem>>, vector<1x1x16xf32>,
        %get3A_1443 = vector.shape_cast %get3A_1442 : vector<1x1x16xf32> to vector<16xf32>
        %mul3A_1444 = vector.broadcast %squeeze3A_1438 : f32 to vector<16xf32>
        %mul3A_1445 = arith.mulf %mul3A_1444, %get3A_1443 : vector<16xf32>
        %add3A_1446 = arith.addf %add3A_1424, %mul3A_1445 : vector<16xf32>
        %get3A_1447 = arith.index_cast %add3A_1162 : i32 to index
        %get3A_1448 = arith.index_cast %add3A_1436 : i32 to index
        %get3A_1449 = arith.constant 16 : index
        %get3A_1450 = tpu.vector_load %arg8[%get3A_1447, %get3A_1448, %get3A_1449] {strides = array<i32>} : memref<16x128x32xf32, #tpu.memory_space<vmem>>, vector<1x1x16xf32>,
        %get3A_1451 = vector.shape_cast %get3A_1450 : vector<1x1x16xf32> to vector<16xf32>
        %mul3A_1452 = vector.broadcast %squeeze3A_1438 : f32 to vector<16xf32>
        %mul3A_1453 = arith.mulf %mul3A_1452, %get3A_1451 : vector<16xf32>
        %add3A_1454 = arith.addf %add3A_1432, %mul3A_1453 : vector<16xf32>
        %mul3A_1455 = arith.constant 16 : i32
        %mul3A_1456 = arith.muli %select_n3A_434, %mul3A_1455 : i32
        %add3A_1457 = arith.constant 13 : i32
        %add3A_1458 = arith.addi %mul3A_1456, %add3A_1457 : i32
        %slice3A_1459 = vector.extract_strided_slice %get3A_1168 {offsets = [13], sizes = [1], strides = [1]} : vector<16xf32> to vector<1xf32>
        %squeeze3A_1460 = vector.extract %slice3A_1459[0] : f32 from vector<1xf32>
        %get3A_1461 = arith.index_cast %add3A_1162 : i32 to index
        %get3A_1462 = arith.index_cast %add3A_1458 : i32 to index
        %get3A_1463 = arith.constant 0 : index
        %get3A_1464 = tpu.vector_load %arg8[%get3A_1461, %get3A_1462, %get3A_1463] {strides = array<i32>} : memref<16x128x32xf32, #tpu.memory_space<vmem>>, vector<1x1x16xf32>,
        %get3A_1465 = vector.shape_cast %get3A_1464 : vector<1x1x16xf32> to vector<16xf32>
        %mul3A_1466 = vector.broadcast %squeeze3A_1460 : f32 to vector<16xf32>
        %mul3A_1467 = arith.mulf %mul3A_1466, %get3A_1465 : vector<16xf32>
        %add3A_1468 = arith.addf %add3A_1446, %mul3A_1467 : vector<16xf32>
        %get3A_1469 = arith.index_cast %add3A_1162 : i32 to index
        %get3A_1470 = arith.index_cast %add3A_1458 : i32 to index
        %get3A_1471 = arith.constant 16 : index
        %get3A_1472 = tpu.vector_load %arg8[%get3A_1469, %get3A_1470, %get3A_1471] {strides = array<i32>} : memref<16x128x32xf32, #tpu.memory_space<vmem>>, vector<1x1x16xf32>,
        %get3A_1473 = vector.shape_cast %get3A_1472 : vector<1x1x16xf32> to vector<16xf32>
        %mul3A_1474 = vector.broadcast %squeeze3A_1460 : f32 to vector<16xf32>
        %mul3A_1475 = arith.mulf %mul3A_1474, %get3A_1473 : vector<16xf32>
        %add3A_1476 = arith.addf %add3A_1454, %mul3A_1475 : vector<16xf32>
        %mul3A_1477 = arith.constant 16 : i32
        %mul3A_1478 = arith.muli %select_n3A_434, %mul3A_1477 : i32
        %add3A_1479 = arith.constant 14 : i32
        %add3A_1480 = arith.addi %mul3A_1478, %add3A_1479 : i32
        %slice3A_1481 = vector.extract_strided_slice %get3A_1168 {offsets = [14], sizes = [1], strides = [1]} : vector<16xf32> to vector<1xf32>
        %squeeze3A_1482 = vector.extract %slice3A_1481[0] : f32 from vector<1xf32>
        %get3A_1483 = arith.index_cast %add3A_1162 : i32 to index
        %get3A_1484 = arith.index_cast %add3A_1480 : i32 to index
        %get3A_1485 = arith.constant 0 : index
        %get3A_1486 = tpu.vector_load %arg8[%get3A_1483, %get3A_1484, %get3A_1485] {strides = array<i32>} : memref<16x128x32xf32, #tpu.memory_space<vmem>>, vector<1x1x16xf32>,
        %get3A_1487 = vector.shape_cast %get3A_1486 : vector<1x1x16xf32> to vector<16xf32>
        %mul3A_1488 = vector.broadcast %squeeze3A_1482 : f32 to vector<16xf32>
        %mul3A_1489 = arith.mulf %mul3A_1488, %get3A_1487 : vector<16xf32>
        %add3A_1490 = arith.addf %add3A_1468, %mul3A_1489 : vector<16xf32>
        %get3A_1491 = arith.index_cast %add3A_1162 : i32 to index
        %get3A_1492 = arith.index_cast %add3A_1480 : i32 to index
        %get3A_1493 = arith.constant 16 : index
        %get3A_1494 = tpu.vector_load %arg8[%get3A_1491, %get3A_1492, %get3A_1493] {strides = array<i32>} : memref<16x128x32xf32, #tpu.memory_space<vmem>>, vector<1x1x16xf32>,
        %get3A_1495 = vector.shape_cast %get3A_1494 : vector<1x1x16xf32> to vector<16xf32>
        %mul3A_1496 = vector.broadcast %squeeze3A_1482 : f32 to vector<16xf32>
        %mul3A_1497 = arith.mulf %mul3A_1496, %get3A_1495 : vector<16xf32>
        %add3A_1498 = arith.addf %add3A_1476, %mul3A_1497 : vector<16xf32>
        %mul3A_1499 = arith.constant 16 : i32
        %mul3A_1500 = arith.muli %select_n3A_434, %mul3A_1499 : i32
        %add3A_1501 = arith.constant 15 : i32
        %add3A_1502 = arith.addi %mul3A_1500, %add3A_1501 : i32
        %slice3A_1503 = vector.extract_strided_slice %get3A_1168 {offsets = [15], sizes = [1], strides = [1]} : vector<16xf32> to vector<1xf32>
        %squeeze3A_1504 = vector.extract %slice3A_1503[0] : f32 from vector<1xf32>
        %get3A_1505 = arith.index_cast %add3A_1162 : i32 to index
        %get3A_1506 = arith.index_cast %add3A_1502 : i32 to index
        %get3A_1507 = arith.constant 0 : index
        %get3A_1508 = tpu.vector_load %arg8[%get3A_1505, %get3A_1506, %get3A_1507] {strides = array<i32>} : memref<16x128x32xf32, #tpu.memory_space<vmem>>, vector<1x1x16xf32>,
        %get3A_1509 = vector.shape_cast %get3A_1508 : vector<1x1x16xf32> to vector<16xf32>
        %mul3A_1510 = vector.broadcast %squeeze3A_1504 : f32 to vector<16xf32>
        %mul3A_1511 = arith.mulf %mul3A_1510, %get3A_1509 : vector<16xf32>
        %add3A_1512 = arith.addf %add3A_1490, %mul3A_1511 : vector<16xf32>
        %get3A_1513 = arith.index_cast %add3A_1162 : i32 to index
        %get3A_1514 = arith.index_cast %add3A_1502 : i32 to index
        %get3A_1515 = arith.constant 16 : index
        %get3A_1516 = tpu.vector_load %arg8[%get3A_1513, %get3A_1514, %get3A_1515] {strides = array<i32>} : memref<16x128x32xf32, #tpu.memory_space<vmem>>, vector<1x1x16xf32>,
        %get3A_1517 = vector.shape_cast %get3A_1516 : vector<1x1x16xf32> to vector<16xf32>
        %mul3A_1518 = vector.broadcast %squeeze3A_1504 : f32 to vector<16xf32>
        %mul3A_1519 = arith.mulf %mul3A_1518, %get3A_1517 : vector<16xf32>
        %add3A_1520 = arith.addf %add3A_1498, %mul3A_1519 : vector<16xf32>
        %mul3A_1521 = arith.constant 4 : i32
        %mul3A_1522 = arith.muli %select_n3A, %mul3A_1521 : i32
        %add3A_1523 = arith.constant 3 : i32
        %add3A_1524 = arith.addi %mul3A_1522, %add3A_1523 : i32
        %mul3A_1525 = arith.constant 16 : i32
        %mul3A_1526 = arith.muli %select_n3A_434, %mul3A_1525 : i32
        %get3A_1527 = arith.index_cast %add3A_1524 : i32 to index
        %get3A_1528 = arith.index_cast %mul3A_1526 : i32 to index
        %get3A_1529 = tpu.vector_load %arg7[%get3A_1527, %get3A_1528] {strides = array<i32>} : memref<16x128xf32, #tpu.memory_space<vmem>>, vector<1x16xf32>,
        %get3A_1530 = vector.shape_cast %get3A_1529 : vector<1x16xf32> to vector<16xf32>
        %mul3A_1531 = arith.constant 16 : i32
        %mul3A_1532 = arith.muli %select_n3A_434, %mul3A_1531 : i32
        %add3A_1533 = arith.constant 0 : i32
        %add3A_1534 = arith.addi %mul3A_1532, %add3A_1533 : i32
        %slice3A_1535 = vector.extract_strided_slice %get3A_1530 {offsets = [0], sizes = [1], strides = [1]} : vector<16xf32> to vector<1xf32>
        %squeeze3A_1536 = vector.extract %slice3A_1535[0] : f32 from vector<1xf32>
        %get3A_1537 = arith.index_cast %add3A_1524 : i32 to index
        %get3A_1538 = arith.index_cast %add3A_1534 : i32 to index
        %get3A_1539 = arith.constant 0 : index
        %get3A_1540 = tpu.vector_load %arg8[%get3A_1537, %get3A_1538, %get3A_1539] {strides = array<i32>} : memref<16x128x32xf32, #tpu.memory_space<vmem>>, vector<1x1x16xf32>,
        %get3A_1541 = vector.shape_cast %get3A_1540 : vector<1x1x16xf32> to vector<16xf32>
        %mul3A_1542 = vector.broadcast %squeeze3A_1536 : f32 to vector<16xf32>
        %mul3A_1543 = arith.mulf %mul3A_1542, %get3A_1541 : vector<16xf32>
        %add3A_1544 = arith.addf %add3A_1512, %mul3A_1543 : vector<16xf32>
        %get3A_1545 = arith.index_cast %add3A_1524 : i32 to index
        %get3A_1546 = arith.index_cast %add3A_1534 : i32 to index
        %get3A_1547 = arith.constant 16 : index
        %get3A_1548 = tpu.vector_load %arg8[%get3A_1545, %get3A_1546, %get3A_1547] {strides = array<i32>} : memref<16x128x32xf32, #tpu.memory_space<vmem>>, vector<1x1x16xf32>,
        %get3A_1549 = vector.shape_cast %get3A_1548 : vector<1x1x16xf32> to vector<16xf32>
        %mul3A_1550 = vector.broadcast %squeeze3A_1536 : f32 to vector<16xf32>
        %mul3A_1551 = arith.mulf %mul3A_1550, %get3A_1549 : vector<16xf32>
        %add3A_1552 = arith.addf %add3A_1520, %mul3A_1551 : vector<16xf32>
        %mul3A_1553 = arith.constant 16 : i32
        %mul3A_1554 = arith.muli %select_n3A_434, %mul3A_1553 : i32
        %add3A_1555 = arith.constant 1 : i32
        %add3A_1556 = arith.addi %mul3A_1554, %add3A_1555 : i32
        %slice3A_1557 = vector.extract_strided_slice %get3A_1530 {offsets = [1], sizes = [1], strides = [1]} : vector<16xf32> to vector<1xf32>
        %squeeze3A_1558 = vector.extract %slice3A_1557[0] : f32 from vector<1xf32>
        %get3A_1559 = arith.index_cast %add3A_1524 : i32 to index
        %get3A_1560 = arith.index_cast %add3A_1556 : i32 to index
        %get3A_1561 = arith.constant 0 : index
        %get3A_1562 = tpu.vector_load %arg8[%get3A_1559, %get3A_1560, %get3A_1561] {strides = array<i32>} : memref<16x128x32xf32, #tpu.memory_space<vmem>>, vector<1x1x16xf32>,
        %get3A_1563 = vector.shape_cast %get3A_1562 : vector<1x1x16xf32> to vector<16xf32>
        %mul3A_1564 = vector.broadcast %squeeze3A_1558 : f32 to vector<16xf32>
        %mul3A_1565 = arith.mulf %mul3A_1564, %get3A_1563 : vector<16xf32>
        %add3A_1566 = arith.addf %add3A_1544, %mul3A_1565 : vector<16xf32>
        %get3A_1567 = arith.index_cast %add3A_1524 : i32 to index
        %get3A_1568 = arith.index_cast %add3A_1556 : i32 to index
        %get3A_1569 = arith.constant 16 : index
        %get3A_1570 = tpu.vector_load %arg8[%get3A_1567, %get3A_1568, %get3A_1569] {strides = array<i32>} : memref<16x128x32xf32, #tpu.memory_space<vmem>>, vector<1x1x16xf32>,
        %get3A_1571 = vector.shape_cast %get3A_1570 : vector<1x1x16xf32> to vector<16xf32>
        %mul3A_1572 = vector.broadcast %squeeze3A_1558 : f32 to vector<16xf32>
        %mul3A_1573 = arith.mulf %mul3A_1572, %get3A_1571 : vector<16xf32>
        %add3A_1574 = arith.addf %add3A_1552, %mul3A_1573 : vector<16xf32>
        %mul3A_1575 = arith.constant 16 : i32
        %mul3A_1576 = arith.muli %select_n3A_434, %mul3A_1575 : i32
        %add3A_1577 = arith.constant 2 : i32
        %add3A_1578 = arith.addi %mul3A_1576, %add3A_1577 : i32
        %slice3A_1579 = vector.extract_strided_slice %get3A_1530 {offsets = [2], sizes = [1], strides = [1]} : vector<16xf32> to vector<1xf32>
        %squeeze3A_1580 = vector.extract %slice3A_1579[0] : f32 from vector<1xf32>
        %get3A_1581 = arith.index_cast %add3A_1524 : i32 to index
        %get3A_1582 = arith.index_cast %add3A_1578 : i32 to index
        %get3A_1583 = arith.constant 0 : index
        %get3A_1584 = tpu.vector_load %arg8[%get3A_1581, %get3A_1582, %get3A_1583] {strides = array<i32>} : memref<16x128x32xf32, #tpu.memory_space<vmem>>, vector<1x1x16xf32>,
        %get3A_1585 = vector.shape_cast %get3A_1584 : vector<1x1x16xf32> to vector<16xf32>
        %mul3A_1586 = vector.broadcast %squeeze3A_1580 : f32 to vector<16xf32>
        %mul3A_1587 = arith.mulf %mul3A_1586, %get3A_1585 : vector<16xf32>
        %add3A_1588 = arith.addf %add3A_1566, %mul3A_1587 : vector<16xf32>
        %get3A_1589 = arith.index_cast %add3A_1524 : i32 to index
        %get3A_1590 = arith.index_cast %add3A_1578 : i32 to index
        %get3A_1591 = arith.constant 16 : index
        %get3A_1592 = tpu.vector_load %arg8[%get3A_1589, %get3A_1590, %get3A_1591] {strides = array<i32>} : memref<16x128x32xf32, #tpu.memory_space<vmem>>, vector<1x1x16xf32>,
        %get3A_1593 = vector.shape_cast %get3A_1592 : vector<1x1x16xf32> to vector<16xf32>
        %mul3A_1594 = vector.broadcast %squeeze3A_1580 : f32 to vector<16xf32>
        %mul3A_1595 = arith.mulf %mul3A_1594, %get3A_1593 : vector<16xf32>
        %add3A_1596 = arith.addf %add3A_1574, %mul3A_1595 : vector<16xf32>
        %mul3A_1597 = arith.constant 16 : i32
        %mul3A_1598 = arith.muli %select_n3A_434, %mul3A_1597 : i32
        %add3A_1599 = arith.constant 3 : i32
        %add3A_1600 = arith.addi %mul3A_1598, %add3A_1599 : i32
        %slice3A_1601 = vector.extract_strided_slice %get3A_1530 {offsets = [3], sizes = [1], strides = [1]} : vector<16xf32> to vector<1xf32>
        %squeeze3A_1602 = vector.extract %slice3A_1601[0] : f32 from vector<1xf32>
        %get3A_1603 = arith.index_cast %add3A_1524 : i32 to index
        %get3A_1604 = arith.index_cast %add3A_1600 : i32 to index
        %get3A_1605 = arith.constant 0 : index
        %get3A_1606 = tpu.vector_load %arg8[%get3A_1603, %get3A_1604, %get3A_1605] {strides = array<i32>} : memref<16x128x32xf32, #tpu.memory_space<vmem>>, vector<1x1x16xf32>,
        %get3A_1607 = vector.shape_cast %get3A_1606 : vector<1x1x16xf32> to vector<16xf32>
        %mul3A_1608 = vector.broadcast %squeeze3A_1602 : f32 to vector<16xf32>
        %mul3A_1609 = arith.mulf %mul3A_1608, %get3A_1607 : vector<16xf32>
        %add3A_1610 = arith.addf %add3A_1588, %mul3A_1609 : vector<16xf32>
        %get3A_1611 = arith.index_cast %add3A_1524 : i32 to index
        %get3A_1612 = arith.index_cast %add3A_1600 : i32 to index
        %get3A_1613 = arith.constant 16 : index
        %get3A_1614 = tpu.vector_load %arg8[%get3A_1611, %get3A_1612, %get3A_1613] {strides = array<i32>} : memref<16x128x32xf32, #tpu.memory_space<vmem>>, vector<1x1x16xf32>,
        %get3A_1615 = vector.shape_cast %get3A_1614 : vector<1x1x16xf32> to vector<16xf32>
        %mul3A_1616 = vector.broadcast %squeeze3A_1602 : f32 to vector<16xf32>
        %mul3A_1617 = arith.mulf %mul3A_1616, %get3A_1615 : vector<16xf32>
        %add3A_1618 = arith.addf %add3A_1596, %mul3A_1617 : vector<16xf32>
        %mul3A_1619 = arith.constant 16 : i32
        %mul3A_1620 = arith.muli %select_n3A_434, %mul3A_1619 : i32
        %add3A_1621 = arith.constant 4 : i32
        %add3A_1622 = arith.addi %mul3A_1620, %add3A_1621 : i32
        %slice3A_1623 = vector.extract_strided_slice %get3A_1530 {offsets = [4], sizes = [1], strides = [1]} : vector<16xf32> to vector<1xf32>
        %squeeze3A_1624 = vector.extract %slice3A_1623[0] : f32 from vector<1xf32>
        %get3A_1625 = arith.index_cast %add3A_1524 : i32 to index
        %get3A_1626 = arith.index_cast %add3A_1622 : i32 to index
        %get3A_1627 = arith.constant 0 : index
        %get3A_1628 = tpu.vector_load %arg8[%get3A_1625, %get3A_1626, %get3A_1627] {strides = array<i32>} : memref<16x128x32xf32, #tpu.memory_space<vmem>>, vector<1x1x16xf32>,
        %get3A_1629 = vector.shape_cast %get3A_1628 : vector<1x1x16xf32> to vector<16xf32>
        %mul3A_1630 = vector.broadcast %squeeze3A_1624 : f32 to vector<16xf32>
        %mul3A_1631 = arith.mulf %mul3A_1630, %get3A_1629 : vector<16xf32>
        %add3A_1632 = arith.addf %add3A_1610, %mul3A_1631 : vector<16xf32>
        %get3A_1633 = arith.index_cast %add3A_1524 : i32 to index
        %get3A_1634 = arith.index_cast %add3A_1622 : i32 to index
        %get3A_1635 = arith.constant 16 : index
        %get3A_1636 = tpu.vector_load %arg8[%get3A_1633, %get3A_1634, %get3A_1635] {strides = array<i32>} : memref<16x128x32xf32, #tpu.memory_space<vmem>>, vector<1x1x16xf32>,
        %get3A_1637 = vector.shape_cast %get3A_1636 : vector<1x1x16xf32> to vector<16xf32>
        %mul3A_1638 = vector.broadcast %squeeze3A_1624 : f32 to vector<16xf32>
        %mul3A_1639 = arith.mulf %mul3A_1638, %get3A_1637 : vector<16xf32>
        %add3A_1640 = arith.addf %add3A_1618, %mul3A_1639 : vector<16xf32>
        %mul3A_1641 = arith.constant 16 : i32
        %mul3A_1642 = arith.muli %select_n3A_434, %mul3A_1641 : i32
        %add3A_1643 = arith.constant 5 : i32
        %add3A_1644 = arith.addi %mul3A_1642, %add3A_1643 : i32
        %slice3A_1645 = vector.extract_strided_slice %get3A_1530 {offsets = [5], sizes = [1], strides = [1]} : vector<16xf32> to vector<1xf32>
        %squeeze3A_1646 = vector.extract %slice3A_1645[0] : f32 from vector<1xf32>
        %get3A_1647 = arith.index_cast %add3A_1524 : i32 to index
        %get3A_1648 = arith.index_cast %add3A_1644 : i32 to index
        %get3A_1649 = arith.constant 0 : index
        %get3A_1650 = tpu.vector_load %arg8[%get3A_1647, %get3A_1648, %get3A_1649] {strides = array<i32>} : memref<16x128x32xf32, #tpu.memory_space<vmem>>, vector<1x1x16xf32>,
        %get3A_1651 = vector.shape_cast %get3A_1650 : vector<1x1x16xf32> to vector<16xf32>
        %mul3A_1652 = vector.broadcast %squeeze3A_1646 : f32 to vector<16xf32>
        %mul3A_1653 = arith.mulf %mul3A_1652, %get3A_1651 : vector<16xf32>
        %add3A_1654 = arith.addf %add3A_1632, %mul3A_1653 : vector<16xf32>
        %get3A_1655 = arith.index_cast %add3A_1524 : i32 to index
        %get3A_1656 = arith.index_cast %add3A_1644 : i32 to index
        %get3A_1657 = arith.constant 16 : index
        %get3A_1658 = tpu.vector_load %arg8[%get3A_1655, %get3A_1656, %get3A_1657] {strides = array<i32>} : memref<16x128x32xf32, #tpu.memory_space<vmem>>, vector<1x1x16xf32>,
        %get3A_1659 = vector.shape_cast %get3A_1658 : vector<1x1x16xf32> to vector<16xf32>
        %mul3A_1660 = vector.broadcast %squeeze3A_1646 : f32 to vector<16xf32>
        %mul3A_1661 = arith.mulf %mul3A_1660, %get3A_1659 : vector<16xf32>
        %add3A_1662 = arith.addf %add3A_1640, %mul3A_1661 : vector<16xf32>
        %mul3A_1663 = arith.constant 16 : i32
        %mul3A_1664 = arith.muli %select_n3A_434, %mul3A_1663 : i32
        %add3A_1665 = arith.constant 6 : i32
        %add3A_1666 = arith.addi %mul3A_1664, %add3A_1665 : i32
        %slice3A_1667 = vector.extract_strided_slice %get3A_1530 {offsets = [6], sizes = [1], strides = [1]} : vector<16xf32> to vector<1xf32>
        %squeeze3A_1668 = vector.extract %slice3A_1667[0] : f32 from vector<1xf32>
        %get3A_1669 = arith.index_cast %add3A_1524 : i32 to index
        %get3A_1670 = arith.index_cast %add3A_1666 : i32 to index
        %get3A_1671 = arith.constant 0 : index
        %get3A_1672 = tpu.vector_load %arg8[%get3A_1669, %get3A_1670, %get3A_1671] {strides = array<i32>} : memref<16x128x32xf32, #tpu.memory_space<vmem>>, vector<1x1x16xf32>,
        %get3A_1673 = vector.shape_cast %get3A_1672 : vector<1x1x16xf32> to vector<16xf32>
        %mul3A_1674 = vector.broadcast %squeeze3A_1668 : f32 to vector<16xf32>
        %mul3A_1675 = arith.mulf %mul3A_1674, %get3A_1673 : vector<16xf32>
        %add3A_1676 = arith.addf %add3A_1654, %mul3A_1675 : vector<16xf32>
        %get3A_1677 = arith.index_cast %add3A_1524 : i32 to index
        %get3A_1678 = arith.index_cast %add3A_1666 : i32 to index
        %get3A_1679 = arith.constant 16 : index
        %get3A_1680 = tpu.vector_load %arg8[%get3A_1677, %get3A_1678, %get3A_1679] {strides = array<i32>} : memref<16x128x32xf32, #tpu.memory_space<vmem>>, vector<1x1x16xf32>,
        %get3A_1681 = vector.shape_cast %get3A_1680 : vector<1x1x16xf32> to vector<16xf32>
        %mul3A_1682 = vector.broadcast %squeeze3A_1668 : f32 to vector<16xf32>
        %mul3A_1683 = arith.mulf %mul3A_1682, %get3A_1681 : vector<16xf32>
        %add3A_1684 = arith.addf %add3A_1662, %mul3A_1683 : vector<16xf32>
        %mul3A_1685 = arith.constant 16 : i32
        %mul3A_1686 = arith.muli %select_n3A_434, %mul3A_1685 : i32
        %add3A_1687 = arith.constant 7 : i32
        %add3A_1688 = arith.addi %mul3A_1686, %add3A_1687 : i32
        %slice3A_1689 = vector.extract_strided_slice %get3A_1530 {offsets = [7], sizes = [1], strides = [1]} : vector<16xf32> to vector<1xf32>
        %squeeze3A_1690 = vector.extract %slice3A_1689[0] : f32 from vector<1xf32>
        %get3A_1691 = arith.index_cast %add3A_1524 : i32 to index
        %get3A_1692 = arith.index_cast %add3A_1688 : i32 to index
        %get3A_1693 = arith.constant 0 : index
        %get3A_1694 = tpu.vector_load %arg8[%get3A_1691, %get3A_1692, %get3A_1693] {strides = array<i32>} : memref<16x128x32xf32, #tpu.memory_space<vmem>>, vector<1x1x16xf32>,
        %get3A_1695 = vector.shape_cast %get3A_1694 : vector<1x1x16xf32> to vector<16xf32>
        %mul3A_1696 = vector.broadcast %squeeze3A_1690 : f32 to vector<16xf32>
        %mul3A_1697 = arith.mulf %mul3A_1696, %get3A_1695 : vector<16xf32>
        %add3A_1698 = arith.addf %add3A_1676, %mul3A_1697 : vector<16xf32>
        %get3A_1699 = arith.index_cast %add3A_1524 : i32 to index
        %get3A_1700 = arith.index_cast %add3A_1688 : i32 to index
        %get3A_1701 = arith.constant 16 : index
        %get3A_1702 = tpu.vector_load %arg8[%get3A_1699, %get3A_1700, %get3A_1701] {strides = array<i32>} : memref<16x128x32xf32, #tpu.memory_space<vmem>>, vector<1x1x16xf32>,
        %get3A_1703 = vector.shape_cast %get3A_1702 : vector<1x1x16xf32> to vector<16xf32>
        %mul3A_1704 = vector.broadcast %squeeze3A_1690 : f32 to vector<16xf32>
        %mul3A_1705 = arith.mulf %mul3A_1704, %get3A_1703 : vector<16xf32>
        %add3A_1706 = arith.addf %add3A_1684, %mul3A_1705 : vector<16xf32>
        %mul3A_1707 = arith.constant 16 : i32
        %mul3A_1708 = arith.muli %select_n3A_434, %mul3A_1707 : i32
        %add3A_1709 = arith.constant 8 : i32
        %add3A_1710 = arith.addi %mul3A_1708, %add3A_1709 : i32
        %slice3A_1711 = vector.extract_strided_slice %get3A_1530 {offsets = [8], sizes = [1], strides = [1]} : vector<16xf32> to vector<1xf32>
        %squeeze3A_1712 = vector.extract %slice3A_1711[0] : f32 from vector<1xf32>
        %get3A_1713 = arith.index_cast %add3A_1524 : i32 to index
        %get3A_1714 = arith.index_cast %add3A_1710 : i32 to index
        %get3A_1715 = arith.constant 0 : index
        %get3A_1716 = tpu.vector_load %arg8[%get3A_1713, %get3A_1714, %get3A_1715] {strides = array<i32>} : memref<16x128x32xf32, #tpu.memory_space<vmem>>, vector<1x1x16xf32>,
        %get3A_1717 = vector.shape_cast %get3A_1716 : vector<1x1x16xf32> to vector<16xf32>
        %mul3A_1718 = vector.broadcast %squeeze3A_1712 : f32 to vector<16xf32>
        %mul3A_1719 = arith.mulf %mul3A_1718, %get3A_1717 : vector<16xf32>
        %add3A_1720 = arith.addf %add3A_1698, %mul3A_1719 : vector<16xf32>
        %get3A_1721 = arith.index_cast %add3A_1524 : i32 to index
        %get3A_1722 = arith.index_cast %add3A_1710 : i32 to index
        %get3A_1723 = arith.constant 16 : index
        %get3A_1724 = tpu.vector_load %arg8[%get3A_1721, %get3A_1722, %get3A_1723] {strides = array<i32>} : memref<16x128x32xf32, #tpu.memory_space<vmem>>, vector<1x1x16xf32>,
        %get3A_1725 = vector.shape_cast %get3A_1724 : vector<1x1x16xf32> to vector<16xf32>
        %mul3A_1726 = vector.broadcast %squeeze3A_1712 : f32 to vector<16xf32>
        %mul3A_1727 = arith.mulf %mul3A_1726, %get3A_1725 : vector<16xf32>
        %add3A_1728 = arith.addf %add3A_1706, %mul3A_1727 : vector<16xf32>
        %mul3A_1729 = arith.constant 16 : i32
        %mul3A_1730 = arith.muli %select_n3A_434, %mul3A_1729 : i32
        %add3A_1731 = arith.constant 9 : i32
        %add3A_1732 = arith.addi %mul3A_1730, %add3A_1731 : i32
        %slice3A_1733 = vector.extract_strided_slice %get3A_1530 {offsets = [9], sizes = [1], strides = [1]} : vector<16xf32> to vector<1xf32>
        %squeeze3A_1734 = vector.extract %slice3A_1733[0] : f32 from vector<1xf32>
        %get3A_1735 = arith.index_cast %add3A_1524 : i32 to index
        %get3A_1736 = arith.index_cast %add3A_1732 : i32 to index
        %get3A_1737 = arith.constant 0 : index
        %get3A_1738 = tpu.vector_load %arg8[%get3A_1735, %get3A_1736, %get3A_1737] {strides = array<i32>} : memref<16x128x32xf32, #tpu.memory_space<vmem>>, vector<1x1x16xf32>,
        %get3A_1739 = vector.shape_cast %get3A_1738 : vector<1x1x16xf32> to vector<16xf32>
        %mul3A_1740 = vector.broadcast %squeeze3A_1734 : f32 to vector<16xf32>
        %mul3A_1741 = arith.mulf %mul3A_1740, %get3A_1739 : vector<16xf32>
        %add3A_1742 = arith.addf %add3A_1720, %mul3A_1741 : vector<16xf32>
        %get3A_1743 = arith.index_cast %add3A_1524 : i32 to index
        %get3A_1744 = arith.index_cast %add3A_1732 : i32 to index
        %get3A_1745 = arith.constant 16 : index
        %get3A_1746 = tpu.vector_load %arg8[%get3A_1743, %get3A_1744, %get3A_1745] {strides = array<i32>} : memref<16x128x32xf32, #tpu.memory_space<vmem>>, vector<1x1x16xf32>,
        %get3A_1747 = vector.shape_cast %get3A_1746 : vector<1x1x16xf32> to vector<16xf32>
        %mul3A_1748 = vector.broadcast %squeeze3A_1734 : f32 to vector<16xf32>
        %mul3A_1749 = arith.mulf %mul3A_1748, %get3A_1747 : vector<16xf32>
        %add3A_1750 = arith.addf %add3A_1728, %mul3A_1749 : vector<16xf32>
        %mul3A_1751 = arith.constant 16 : i32
        %mul3A_1752 = arith.muli %select_n3A_434, %mul3A_1751 : i32
        %add3A_1753 = arith.constant 10 : i32
        %add3A_1754 = arith.addi %mul3A_1752, %add3A_1753 : i32
        %slice3A_1755 = vector.extract_strided_slice %get3A_1530 {offsets = [10], sizes = [1], strides = [1]} : vector<16xf32> to vector<1xf32>
        %squeeze3A_1756 = vector.extract %slice3A_1755[0] : f32 from vector<1xf32>
        %get3A_1757 = arith.index_cast %add3A_1524 : i32 to index
        %get3A_1758 = arith.index_cast %add3A_1754 : i32 to index
        %get3A_1759 = arith.constant 0 : index
        %get3A_1760 = tpu.vector_load %arg8[%get3A_1757, %get3A_1758, %get3A_1759] {strides = array<i32>} : memref<16x128x32xf32, #tpu.memory_space<vmem>>, vector<1x1x16xf32>,
        %get3A_1761 = vector.shape_cast %get3A_1760 : vector<1x1x16xf32> to vector<16xf32>
        %mul3A_1762 = vector.broadcast %squeeze3A_1756 : f32 to vector<16xf32>
        %mul3A_1763 = arith.mulf %mul3A_1762, %get3A_1761 : vector<16xf32>
        %add3A_1764 = arith.addf %add3A_1742, %mul3A_1763 : vector<16xf32>
        %get3A_1765 = arith.index_cast %add3A_1524 : i32 to index
        %get3A_1766 = arith.index_cast %add3A_1754 : i32 to index
        %get3A_1767 = arith.constant 16 : index
        %get3A_1768 = tpu.vector_load %arg8[%get3A_1765, %get3A_1766, %get3A_1767] {strides = array<i32>} : memref<16x128x32xf32, #tpu.memory_space<vmem>>, vector<1x1x16xf32>,
        %get3A_1769 = vector.shape_cast %get3A_1768 : vector<1x1x16xf32> to vector<16xf32>
        %mul3A_1770 = vector.broadcast %squeeze3A_1756 : f32 to vector<16xf32>
        %mul3A_1771 = arith.mulf %mul3A_1770, %get3A_1769 : vector<16xf32>
        %add3A_1772 = arith.addf %add3A_1750, %mul3A_1771 : vector<16xf32>
        %mul3A_1773 = arith.constant 16 : i32
        %mul3A_1774 = arith.muli %select_n3A_434, %mul3A_1773 : i32
        %add3A_1775 = arith.constant 11 : i32
        %add3A_1776 = arith.addi %mul3A_1774, %add3A_1775 : i32
        %slice3A_1777 = vector.extract_strided_slice %get3A_1530 {offsets = [11], sizes = [1], strides = [1]} : vector<16xf32> to vector<1xf32>
        %squeeze3A_1778 = vector.extract %slice3A_1777[0] : f32 from vector<1xf32>
        %get3A_1779 = arith.index_cast %add3A_1524 : i32 to index
        %get3A_1780 = arith.index_cast %add3A_1776 : i32 to index
        %get3A_1781 = arith.constant 0 : index
        %get3A_1782 = tpu.vector_load %arg8[%get3A_1779, %get3A_1780, %get3A_1781] {strides = array<i32>} : memref<16x128x32xf32, #tpu.memory_space<vmem>>, vector<1x1x16xf32>,
        %get3A_1783 = vector.shape_cast %get3A_1782 : vector<1x1x16xf32> to vector<16xf32>
        %mul3A_1784 = vector.broadcast %squeeze3A_1778 : f32 to vector<16xf32>
        %mul3A_1785 = arith.mulf %mul3A_1784, %get3A_1783 : vector<16xf32>
        %add3A_1786 = arith.addf %add3A_1764, %mul3A_1785 : vector<16xf32>
        %get3A_1787 = arith.index_cast %add3A_1524 : i32 to index
        %get3A_1788 = arith.index_cast %add3A_1776 : i32 to index
        %get3A_1789 = arith.constant 16 : index
        %get3A_1790 = tpu.vector_load %arg8[%get3A_1787, %get3A_1788, %get3A_1789] {strides = array<i32>} : memref<16x128x32xf32, #tpu.memory_space<vmem>>, vector<1x1x16xf32>,
        %get3A_1791 = vector.shape_cast %get3A_1790 : vector<1x1x16xf32> to vector<16xf32>
        %mul3A_1792 = vector.broadcast %squeeze3A_1778 : f32 to vector<16xf32>
        %mul3A_1793 = arith.mulf %mul3A_1792, %get3A_1791 : vector<16xf32>
        %add3A_1794 = arith.addf %add3A_1772, %mul3A_1793 : vector<16xf32>
        %mul3A_1795 = arith.constant 16 : i32
        %mul3A_1796 = arith.muli %select_n3A_434, %mul3A_1795 : i32
        %add3A_1797 = arith.constant 12 : i32
        %add3A_1798 = arith.addi %mul3A_1796, %add3A_1797 : i32
        %slice3A_1799 = vector.extract_strided_slice %get3A_1530 {offsets = [12], sizes = [1], strides = [1]} : vector<16xf32> to vector<1xf32>
        %squeeze3A_1800 = vector.extract %slice3A_1799[0] : f32 from vector<1xf32>
        %get3A_1801 = arith.index_cast %add3A_1524 : i32 to index
        %get3A_1802 = arith.index_cast %add3A_1798 : i32 to index
        %get3A_1803 = arith.constant 0 : index
        %get3A_1804 = tpu.vector_load %arg8[%get3A_1801, %get3A_1802, %get3A_1803] {strides = array<i32>} : memref<16x128x32xf32, #tpu.memory_space<vmem>>, vector<1x1x16xf32>,
        %get3A_1805 = vector.shape_cast %get3A_1804 : vector<1x1x16xf32> to vector<16xf32>
        %mul3A_1806 = vector.broadcast %squeeze3A_1800 : f32 to vector<16xf32>
        %mul3A_1807 = arith.mulf %mul3A_1806, %get3A_1805 : vector<16xf32>
        %add3A_1808 = arith.addf %add3A_1786, %mul3A_1807 : vector<16xf32>
        %get3A_1809 = arith.index_cast %add3A_1524 : i32 to index
        %get3A_1810 = arith.index_cast %add3A_1798 : i32 to index
        %get3A_1811 = arith.constant 16 : index
        %get3A_1812 = tpu.vector_load %arg8[%get3A_1809, %get3A_1810, %get3A_1811] {strides = array<i32>} : memref<16x128x32xf32, #tpu.memory_space<vmem>>, vector<1x1x16xf32>,
        %get3A_1813 = vector.shape_cast %get3A_1812 : vector<1x1x16xf32> to vector<16xf32>
        %mul3A_1814 = vector.broadcast %squeeze3A_1800 : f32 to vector<16xf32>
        %mul3A_1815 = arith.mulf %mul3A_1814, %get3A_1813 : vector<16xf32>
        %add3A_1816 = arith.addf %add3A_1794, %mul3A_1815 : vector<16xf32>
        %mul3A_1817 = arith.constant 16 : i32
        %mul3A_1818 = arith.muli %select_n3A_434, %mul3A_1817 : i32
        %add3A_1819 = arith.constant 13 : i32
        %add3A_1820 = arith.addi %mul3A_1818, %add3A_1819 : i32
        %slice3A_1821 = vector.extract_strided_slice %get3A_1530 {offsets = [13], sizes = [1], strides = [1]} : vector<16xf32> to vector<1xf32>
        %squeeze3A_1822 = vector.extract %slice3A_1821[0] : f32 from vector<1xf32>
        %get3A_1823 = arith.index_cast %add3A_1524 : i32 to index
        %get3A_1824 = arith.index_cast %add3A_1820 : i32 to index
        %get3A_1825 = arith.constant 0 : index
        %get3A_1826 = tpu.vector_load %arg8[%get3A_1823, %get3A_1824, %get3A_1825] {strides = array<i32>} : memref<16x128x32xf32, #tpu.memory_space<vmem>>, vector<1x1x16xf32>,
        %get3A_1827 = vector.shape_cast %get3A_1826 : vector<1x1x16xf32> to vector<16xf32>
        %mul3A_1828 = vector.broadcast %squeeze3A_1822 : f32 to vector<16xf32>
        %mul3A_1829 = arith.mulf %mul3A_1828, %get3A_1827 : vector<16xf32>
        %add3A_1830 = arith.addf %add3A_1808, %mul3A_1829 : vector<16xf32>
        %get3A_1831 = arith.index_cast %add3A_1524 : i32 to index
        %get3A_1832 = arith.index_cast %add3A_1820 : i32 to index
        %get3A_1833 = arith.constant 16 : index
        %get3A_1834 = tpu.vector_load %arg8[%get3A_1831, %get3A_1832, %get3A_1833] {strides = array<i32>} : memref<16x128x32xf32, #tpu.memory_space<vmem>>, vector<1x1x16xf32>,
        %get3A_1835 = vector.shape_cast %get3A_1834 : vector<1x1x16xf32> to vector<16xf32>
        %mul3A_1836 = vector.broadcast %squeeze3A_1822 : f32 to vector<16xf32>
        %mul3A_1837 = arith.mulf %mul3A_1836, %get3A_1835 : vector<16xf32>
        %add3A_1838 = arith.addf %add3A_1816, %mul3A_1837 : vector<16xf32>
        %mul3A_1839 = arith.constant 16 : i32
        %mul3A_1840 = arith.muli %select_n3A_434, %mul3A_1839 : i32
        %add3A_1841 = arith.constant 14 : i32
        %add3A_1842 = arith.addi %mul3A_1840, %add3A_1841 : i32
        %slice3A_1843 = vector.extract_strided_slice %get3A_1530 {offsets = [14], sizes = [1], strides = [1]} : vector<16xf32> to vector<1xf32>
        %squeeze3A_1844 = vector.extract %slice3A_1843[0] : f32 from vector<1xf32>
        %get3A_1845 = arith.index_cast %add3A_1524 : i32 to index
        %get3A_1846 = arith.index_cast %add3A_1842 : i32 to index
        %get3A_1847 = arith.constant 0 : index
        %get3A_1848 = tpu.vector_load %arg8[%get3A_1845, %get3A_1846, %get3A_1847] {strides = array<i32>} : memref<16x128x32xf32, #tpu.memory_space<vmem>>, vector<1x1x16xf32>,
        %get3A_1849 = vector.shape_cast %get3A_1848 : vector<1x1x16xf32> to vector<16xf32>
        %mul3A_1850 = vector.broadcast %squeeze3A_1844 : f32 to vector<16xf32>
        %mul3A_1851 = arith.mulf %mul3A_1850, %get3A_1849 : vector<16xf32>
        %add3A_1852 = arith.addf %add3A_1830, %mul3A_1851 : vector<16xf32>
        %get3A_1853 = arith.index_cast %add3A_1524 : i32 to index
        %get3A_1854 = arith.index_cast %add3A_1842 : i32 to index
        %get3A_1855 = arith.constant 16 : index
        %get3A_1856 = tpu.vector_load %arg8[%get3A_1853, %get3A_1854, %get3A_1855] {strides = array<i32>} : memref<16x128x32xf32, #tpu.memory_space<vmem>>, vector<1x1x16xf32>,
        %get3A_1857 = vector.shape_cast %get3A_1856 : vector<1x1x16xf32> to vector<16xf32>
        %mul3A_1858 = vector.broadcast %squeeze3A_1844 : f32 to vector<16xf32>
        %mul3A_1859 = arith.mulf %mul3A_1858, %get3A_1857 : vector<16xf32>
        %add3A_1860 = arith.addf %add3A_1838, %mul3A_1859 : vector<16xf32>
        %mul3A_1861 = arith.constant 16 : i32
        %mul3A_1862 = arith.muli %select_n3A_434, %mul3A_1861 : i32
        %add3A_1863 = arith.constant 15 : i32
        %add3A_1864 = arith.addi %mul3A_1862, %add3A_1863 : i32
        %slice3A_1865 = vector.extract_strided_slice %get3A_1530 {offsets = [15], sizes = [1], strides = [1]} : vector<16xf32> to vector<1xf32>
        %squeeze3A_1866 = vector.extract %slice3A_1865[0] : f32 from vector<1xf32>
        %get3A_1867 = arith.index_cast %add3A_1524 : i32 to index
        %get3A_1868 = arith.index_cast %add3A_1864 : i32 to index
        %get3A_1869 = arith.constant 0 : index
        %get3A_1870 = tpu.vector_load %arg8[%get3A_1867, %get3A_1868, %get3A_1869] {strides = array<i32>} : memref<16x128x32xf32, #tpu.memory_space<vmem>>, vector<1x1x16xf32>,
        %get3A_1871 = vector.shape_cast %get3A_1870 : vector<1x1x16xf32> to vector<16xf32>
        %mul3A_1872 = vector.broadcast %squeeze3A_1866 : f32 to vector<16xf32>
        %mul3A_1873 = arith.mulf %mul3A_1872, %get3A_1871 : vector<16xf32>
        %add3A_1874 = arith.addf %add3A_1852, %mul3A_1873 : vector<16xf32>
        %get3A_1875 = arith.index_cast %add3A_1524 : i32 to index
        %get3A_1876 = arith.index_cast %add3A_1864 : i32 to index
        %get3A_1877 = arith.constant 16 : index
        %get3A_1878 = tpu.vector_load %arg8[%get3A_1875, %get3A_1876, %get3A_1877] {strides = array<i32>} : memref<16x128x32xf32, #tpu.memory_space<vmem>>, vector<1x1x16xf32>,
        %get3A_1879 = vector.shape_cast %get3A_1878 : vector<1x1x16xf32> to vector<16xf32>
        %mul3A_1880 = vector.broadcast %squeeze3A_1866 : f32 to vector<16xf32>
        %mul3A_1881 = arith.mulf %mul3A_1880, %get3A_1879 : vector<16xf32>
        %add3A_1882 = arith.addf %add3A_1860, %mul3A_1881 : vector<16xf32>
        %mul3A_1883 = arith.constant 2 : i32
        %mul3A_1884 = arith.muli %select_n3A, %mul3A_1883 : i32
        %jit3A_1885 = arith.constant 4 : i32
        %div3A_1886 = arith.divsi %select_n3A_434, %jit3A_1885 : i32
        %sign3A_1887 = arith.constant 0 : i32
        %sign3A_1888 = arith.cmpi sgt, %select_n3A_434, %sign3A_1887 : i32
        %sign3A_1889 = arith.extui %sign3A_1888 : i1 to i32
        %sign3A_1890 = arith.constant 0 : i32
        %sign3A_1891 = arith.cmpi slt, %select_n3A_434, %sign3A_1890 : i32
        %sign3A_1892 = arith.extui %sign3A_1891 : i1 to i32
        %sign3A_1893 = arith.subi %sign3A_1889, %sign3A_1892 : i32
        %sign3A_1894 = arith.constant 0 : i32
        %sign3A_1895 = arith.cmpi sgt, %jit3A_1885, %sign3A_1894 : i32
        %sign3A_1896 = arith.extui %sign3A_1895 : i1 to i32
        %sign3A_1897 = arith.constant 0 : i32
        %sign3A_1898 = arith.cmpi slt, %jit3A_1885, %sign3A_1897 : i32
        %sign3A_1899 = arith.extui %sign3A_1898 : i1 to i32
        %sign3A_1900 = arith.subi %sign3A_1896, %sign3A_1899 : i32
        %ne3A_1901 = arith.cmpi ne, %sign3A_1893, %sign3A_1900 : i32
        %rem3A_1902 = arith.remsi %select_n3A_434, %jit3A_1885 : i32
        %ne3A_1903 = arith.constant 0 : i32
        %ne3A_1904 = arith.cmpi ne, %rem3A_1902, %ne3A_1903 : i32
        %and3A_1905 = arith.andi %ne3A_1901, %ne3A_1904 : i1
        %sub3A_1906 = arith.constant 1 : i32
        %sub3A_1907 = arith.subi %div3A_1886, %sub3A_1906 : i32
        %select_n3A_1908 = arith.select %and3A_1905, %sub3A_1907, %div3A_1886 : i32
        %add3A_1909 = arith.addi %mul3A_1884, %select_n3A_1908 : i32
        %jit3A_1910 = arith.constant 4 : i32
        %eq3A_1911 = arith.constant 0 : i32
        %eq3A_1912 = arith.cmpi eq, %jit3A_1910, %eq3A_1911 : i32
        %jit3A_1913 = arith.constant 1 : i32
        %select_n3A_1914 = arith.select %eq3A_1912, %jit3A_1913, %jit3A_1910 : i32
        %rem3A_1915 = arith.remsi %select_n3A_434, %select_n3A_1914 : i32
        %ne3A_1916 = arith.constant 0 : i32
        %ne3A_1917 = arith.cmpi ne, %rem3A_1915, %ne3A_1916 : i32
        %lt3A_1918 = arith.constant 0 : i32
        %lt3A_1919 = arith.cmpi slt, %rem3A_1915, %lt3A_1918 : i32
        %lt3A_1920 = arith.constant 0 : i32
        %lt3A_1921 = arith.cmpi slt, %select_n3A_1914, %lt3A_1920 : i32
        %ne3A_1922 = arith.xori %lt3A_1919, %lt3A_1921 : i1
        %and3A_1923 = arith.andi %ne3A_1922, %ne3A_1917 : i1
        %add3A_1924 = arith.addi %rem3A_1915, %select_n3A_1914 : i32
        %select_n3A_1925 = arith.select %and3A_1923, %add3A_1924, %rem3A_1915 : i32
        %mul3A_1926 = arith.constant 32 : i32
        %mul3A_1927 = arith.muli %select_n3A_1925, %mul3A_1926 : i32
        %swap3A = arith.index_cast %add3A_1909 : i32 to index
        %swap3A_1928 = arith.index_cast %mul3A_1927 : i32 to index
        %swap3A_1929 = tpu.vector_load %arg9[%swap3A, %swap3A_1928] {strides = array<i32>} : memref<8x128xf32, #tpu.memory_space<vmem>>, vector<1x16xf32>,
        %swap3A_1930 = vector.shape_cast %swap3A_1929 : vector<1x16xf32> to vector<16xf32>
        %swap3A_1931 = vector.shape_cast %add3A_1874 : vector<16xf32> to vector<1x16xf32>
        tpu.vector_store %arg9[%swap3A, %swap3A_1928], %swap3A_1931 {strides = array<i32>} : memref<8x128xf32, #tpu.memory_space<vmem>>, vector<1x16xf32>,
        %add3A_1932 = arith.constant 16 : i32
        %add3A_1933 = arith.addi %mul3A_1927, %add3A_1932 : i32
        %swap3A_1934 = arith.index_cast %add3A_1909 : i32 to index
        %swap3A_1935 = arith.index_cast %add3A_1933 : i32 to index
        %swap3A_1936 = tpu.vector_load %arg9[%swap3A_1934, %swap3A_1935] {strides = array<i32>} : memref<8x128xf32, #tpu.memory_space<vmem>>, vector<1x16xf32>,
        %swap3A_1937 = vector.shape_cast %swap3A_1936 : vector<1x16xf32> to vector<16xf32>
        %swap3A_1938 = vector.shape_cast %add3A_1882 : vector<16xf32> to vector<1x16xf32>
        tpu.vector_store %arg9[%swap3A_1934, %swap3A_1935], %swap3A_1938 {strides = array<i32>} : memref<8x128xf32, #tpu.memory_space<vmem>>, vector<1x16xf32>,
      }
      %scan3A_401 = arith.constant 32 : i32
      %mul3A_402 = arith.constant 2 : i32
      %mul3A_403 = arith.muli %add3A_11, %mul3A_402 : i32
      "tpu.region"() ({
        %run_scoped3A = tpu.sem_alloc : memref<!tpu.dma_semaphore, #tpu.memory_space<semaphore_mem>>
        %dma_start3A_404 = arith.constant 0 : i32
        %dma_start3A_405 = tpu.memref_slice %arg5[%mul3A_403, %dma_start3A_404] : memref<14848x128xf32, #tpu.memory_space<hbm>> -> memref<8x128xf32, #tpu.memory_space<hbm>>
        %dma_start3A_406 = arith.constant 0 : i32
        %dma_start3A_407 = tpu.memref_slice %arg5[%mul3A_403, %dma_start3A_406] : memref<14848x128xf32, #tpu.memory_space<hbm>> -> memref<8x128xf32, #tpu.memory_space<hbm>>
        tpu.enqueue_dma source(%arg9 : memref<8x128xf32, #tpu.memory_space<vmem>>) target(%dma_start3A_407 : memref<8x128xf32, #tpu.memory_space<hbm>>) target_semaphore(%run_scoped3A : memref<!tpu.dma_semaphore, #tpu.memory_space<semaphore_mem>>)
        %dma_wait3A_408 = arith.constant 0 : i32
        %dma_wait3A_409 = tpu.memref_slice %arg5[%mul3A_403, %dma_wait3A_408] : memref<14848x128xf32, #tpu.memory_space<hbm>> -> memref<8x128xf32, #tpu.memory_space<hbm>>
        %dma_wait3A_410 = arith.constant 0 : i32
        %dma_wait3A_411 = tpu.memref_slice %arg5[%mul3A_403, %dma_wait3A_410] : memref<14848x128xf32, #tpu.memory_space<hbm>> -> memref<8x128xf32, #tpu.memory_space<hbm>>
        tpu.wait_dma2 semaphore(%run_scoped3A : memref<!tpu.dma_semaphore, #tpu.memory_space<semaphore_mem>>) src(%arg9 : memref<8x128xf32, #tpu.memory_space<vmem>>) dst(%dma_wait3A_411 : memref<8x128xf32, #tpu.memory_space<hbm>>)
        tpu.yield
      }) : () -> ()
    }
    %scan3A_5 = arith.constant 58 : i32
    return
  }
}

module attributes {stable_mosaic.version = 14 : i64} {
  func.func @_mm_body(%arg0: i32, %arg1: memref<512x256xf32, #tpu.memory_space<vmem>>, %arg2: memref<256x256xf32, #tpu.memory_space<vmem>>, %arg3: memref<1x256xf32, #tpu.memory_space<vmem>>, %arg4: memref<512x256xf32, #tpu.memory_space<vmem>>) attributes {dimension_semantics = [#tpu.dimension_semantics<arbitrary>], iteration_bounds = array<i64: 85>, scalar_prefetch = 0 : i64, scratch_operands = 0 : i64, tpu.core_type = #tpu.core_type<tc>, window_params = [{transform_indices = @transform_0, window_bounds = array<i64: 512, 256>}, {pipeline_mode = #tpu.pipeline_mode<synchronous>, transform_indices = @transform_1, window_bounds = array<i64: 256, 256>}, {pipeline_mode = #tpu.pipeline_mode<synchronous>, transform_indices = @transform_2, window_bounds = array<i64: 1, 256>}, {transform_indices = @transform_3, window_bounds = array<i64: 512, 256>}]} {
    %get3A = arith.constant 0 : index
    %get3A_0 = arith.constant 0 : index
    %get3A_1 = vector.load %arg1[%get3A, %get3A_0] : memref<512x256xf32, #tpu.memory_space<vmem>>, vector<512x256xf32>
    %get3A_2 = arith.constant 0 : index
    %get3A_3 = arith.constant 0 : index
    %get3A_4 = vector.load %arg2[%get3A_2, %get3A_3] : memref<256x256xf32, #tpu.memory_space<vmem>>, vector<256x256xf32>
    %dot_general3A = arith.constant dense<0.000000e+00> : vector<512x256xf32>
    %dot_general3A_5 = tpu.matmul %get3A_1, %get3A_4, %dot_general3A {dimension_numbers = #tpu.dot_dimension_numbers<[1], [0], [0], [1], [0, 0, 1, 1], [], []>, transpose_lhs_hint = false} : vector<512x256xf32>, vector<256x256xf32>, vector<512x256xf32> -> vector<512x256xf32>
    %get3A_6 = arith.constant 0 : index
    %get3A_7 = arith.constant 0 : index
    %get3A_8 = vector.load %arg3[%get3A_6, %get3A_7] : memref<1x256xf32, #tpu.memory_space<vmem>>, vector<1x256xf32>
    %add3A = vector.broadcast %get3A_8 : vector<1x256xf32> to vector<512x256xf32>
    %add3A_9 = arith.addf %dot_general3A_5, %add3A : vector<512x256xf32>
    %swap3A = arith.constant 0 : index
    %swap3A_10 = arith.constant 0 : index
    %swap3A_11 = vector.load %arg4[%swap3A, %swap3A_10] : memref<512x256xf32, #tpu.memory_space<vmem>>, vector<512x256xf32>
    tpu.vector_store %arg4[%swap3A, %swap3A_10], %add3A_9 {strides = array<i32>} : memref<512x256xf32, #tpu.memory_space<vmem>>, vector<512x256xf32>,
    return
  }
  func.func @transform_0(%arg0: i32) -> (i32, i32) {
    %c0_i32 = arith.constant 0 : i32
    %c0_i32_0 = arith.constant 0 : i32
    return %arg0, %c0_i32 : i32, i32
  }
  func.func @transform_1(%arg0: i32) -> (i32, i32) {
    %c0_i32 = arith.constant 0 : i32
    %c0_i32_0 = arith.constant 0 : i32
    %c0_i32_1 = arith.constant 0 : i32
    return %c0_i32, %c0_i32_0 : i32, i32
  }
  func.func @transform_2(%arg0: i32) -> (i32, i32) {
    %c0_i32 = arith.constant 0 : i32
    %c0_i32_0 = arith.constant 0 : i32
    %c0_i32_1 = arith.constant 0 : i32
    return %c0_i32, %c0_i32_0 : i32, i32
  }
  func.func @transform_3(%arg0: i32) -> (i32, i32) {
    %c0_i32 = arith.constant 0 : i32
    %c0_i32_0 = arith.constant 0 : i32
    return %arg0, %c0_i32 : i32, i32
  }
}

module attributes {stable_mosaic.version = 14 : i64} {
  func.func @_prep_body(%arg0: i32, %arg1: memref<1x900x256xf32, #tpu.memory_space<vmem>>, %arg2: memref<1x900x4xf32, #tpu.memory_space<vmem>>, %arg3: memref<256x384xf32, #tpu.memory_space<vmem>>, %arg4: memref<1x384xf32, #tpu.memory_space<vmem>>, %arg5: memref<128x128xf32, #tpu.memory_space<vmem>>, %arg6: memref<1x128xf32, #tpu.memory_space<vmem>>, %arg7: memref<1x128xf32, #tpu.memory_space<vmem>>, %arg8: memref<1x128xi32, #tpu.memory_space<vmem>>, %arg9: memref<1x128xi32, #tpu.memory_space<vmem>>, %arg10: memref<1x900x512xi32, #tpu.memory_space<vmem>>, %arg11: memref<1x900x512xf32, #tpu.memory_space<vmem>>) attributes {dimension_semantics = [#tpu.dimension_semantics<arbitrary>], iteration_bounds = array<i64: 8>, scalar_prefetch = 0 : i64, scratch_operands = 0 : i64, tpu.core_type = #tpu.core_type<tc>, window_params = [{transform_indices = @transform_0, window_bounds = array<i64: 1, 900, 256>}, {transform_indices = @transform_1, window_bounds = array<i64: 1, 900, 4>}, {pipeline_mode = #tpu.pipeline_mode<synchronous>, transform_indices = @transform_2, window_bounds = array<i64: 256, 384>}, {pipeline_mode = #tpu.pipeline_mode<synchronous>, transform_indices = @transform_3, window_bounds = array<i64: 1, 384>}, {pipeline_mode = #tpu.pipeline_mode<synchronous>, transform_indices = @transform_4, window_bounds = array<i64: 128, 128>}, {pipeline_mode = #tpu.pipeline_mode<synchronous>, transform_indices = @transform_5, window_bounds = array<i64: 1, 128>}, {pipeline_mode = #tpu.pipeline_mode<synchronous>, transform_indices = @transform_6, window_bounds = array<i64: 1, 128>}, {pipeline_mode = #tpu.pipeline_mode<synchronous>, transform_indices = @transform_7, window_bounds = array<i64: 1, 128>}, {pipeline_mode = #tpu.pipeline_mode<synchronous>, transform_indices = @transform_8, window_bounds = array<i64: 1, 128>}, {transform_indices = @transform_9, window_bounds = array<i64: 1, 900, 512>}, {transform_indices = @transform_10, window_bounds = array<i64: 1, 900, 512>}]} {
    %get3A = arith.constant 0 : index
    %get3A_0 = arith.constant 0 : index
    %get3A_1 = arith.constant 0 : index
    %get3A_2 = vector.load %arg1[%get3A, %get3A_0, %get3A_1] : memref<1x900x256xf32, #tpu.memory_space<vmem>>, vector<1x900x256xf32>
    %get3A_3 = vector.shape_cast %get3A_2 : vector<1x900x256xf32> to vector<900x256xf32>
    %get3A_4 = arith.constant 0 : index
    %get3A_5 = arith.constant 0 : index
    %get3A_6 = vector.load %arg3[%get3A_4, %get3A_5] : memref<256x384xf32, #tpu.memory_space<vmem>>, vector<256x384xf32>
    %dot_general3A = arith.constant dense<0.000000e+00> : vector<900x384xf32>
    %dot_general3A_7 = tpu.matmul %get3A_3, %get3A_6, %dot_general3A {dimension_numbers = #tpu.dot_dimension_numbers<[1], [0], [0], [1], [0, 0, 1, 1], [], []>, transpose_lhs_hint = false} : vector<900x256xf32>, vector<256x384xf32>, vector<900x384xf32> -> vector<900x384xf32>
    %get3A_8 = arith.constant 0 : index
    %get3A_9 = arith.constant 0 : index
    %get3A_10 = vector.load %arg4[%get3A_8, %get3A_9] : memref<1x384xf32, #tpu.memory_space<vmem>>, vector<1x384xf32>
    %add3A = vector.broadcast %get3A_10 : vector<1x384xf32> to vector<900x384xf32>
    %add3A_11 = arith.addf %dot_general3A_7, %add3A : vector<900x384xf32>
    %slice3A = vector.extract_strided_slice %add3A_11 {offsets = [0, 0], sizes = [900, 128], strides = [1, 1]} : vector<900x384xf32> to vector<900x128xf32>
    %slice3A_12 = vector.extract_strided_slice %add3A_11 {offsets = [0, 128], sizes = [900, 128], strides = [1, 1]} : vector<900x384xf32> to vector<900x128xf32>
    %slice3A_13 = vector.extract_strided_slice %add3A_11 {offsets = [0, 256], sizes = [900, 128], strides = [1, 1]} : vector<900x384xf32> to vector<900x128xf32>
    %reduce_max3A = arith.constant dense<0xFF800000> : vector<900xf32>
    %reduce_max3A_14 = vector.multi_reduction <maximumf>, %slice3A, %reduce_max3A [1] : vector<900x128xf32> to vector<900xf32>
    %broadcast_in_dim3A = vector.shape_cast %reduce_max3A_14 : vector<900xf32> to vector<900x1xf32>
    %sub3A = vector.broadcast %broadcast_in_dim3A : vector<900x1xf32> to vector<900x128xf32>
    %sub3A_15 = arith.subf %slice3A, %sub3A : vector<900x128xf32>
    %exp3A = math.exp %sub3A_15 : vector<900x128xf32>
    %get3A_16 = arith.constant 0 : index
    %get3A_17 = arith.constant 0 : index
    %get3A_18 = vector.load %arg5[%get3A_16, %get3A_17] : memref<128x128xf32, #tpu.memory_space<vmem>>, vector<128x128xf32>
    %dot_general3A_19 = arith.constant dense<0.000000e+00> : vector<900x128xf32>
    %dot_general3A_20 = tpu.matmul %exp3A, %get3A_18, %dot_general3A_19 {dimension_numbers = #tpu.dot_dimension_numbers<[1], [0], [0], [1], [0, 0, 1, 1], [], []>, transpose_lhs_hint = false} : vector<900x128xf32>, vector<128x128xf32>, vector<900x128xf32> -> vector<900x128xf32>
    %div3A = arith.divf %exp3A, %dot_general3A_20 : vector<900x128xf32>
    %get3A_21 = arith.constant 0 : index
    %get3A_22 = arith.constant 0 : index
    %get3A_23 = arith.constant 0 : index
    %get3A_24 = vector.load %arg2[%get3A_21, %get3A_22, %get3A_23] : memref<1x900x4xf32, #tpu.memory_space<vmem>>, vector<1x900x4xf32>
    %get3A_25 = vector.shape_cast %get3A_24 : vector<1x900x4xf32> to vector<900x4xf32>
    %logistic3A = arith.negf %get3A_25 : vector<900x4xf32>
    %logistic3A_26 = math.exp %logistic3A : vector<900x4xf32>
    %logistic3A_27 = arith.constant 1.000000e+00 : f32
    %logistic3A_28 = vector.broadcast %logistic3A_27 : f32 to vector<900x4xf32>
    %logistic3A_29 = arith.addf %logistic3A_28, %logistic3A_26 : vector<900x4xf32>
    %logistic3A_30 = arith.divf %logistic3A_28, %logistic3A_29 : vector<900x4xf32>
    %slice3A_31 = vector.extract_strided_slice %logistic3A_30 {offsets = [0, 0], sizes = [900, 1], strides = [1, 1]} : vector<900x4xf32> to vector<900x1xf32>
    %slice3A_32 = vector.extract_strided_slice %logistic3A_30 {offsets = [0, 1], sizes = [900, 1], strides = [1, 1]} : vector<900x4xf32> to vector<900x1xf32>
    %slice3A_33 = vector.extract_strided_slice %logistic3A_30 {offsets = [0, 2], sizes = [900, 1], strides = [1, 1]} : vector<900x4xf32> to vector<900x1xf32>
    %mul3A = arith.constant 1.250000e-01 : f32
    %mul3A_34 = vector.broadcast %mul3A : f32 to vector<900x1xf32>
    %mul3A_35 = arith.mulf %slice3A_33, %mul3A_34 : vector<900x1xf32>
    %slice3A_36 = vector.extract_strided_slice %logistic3A_30 {offsets = [0, 3], sizes = [900, 1], strides = [1, 1]} : vector<900x4xf32> to vector<900x1xf32>
    %mul3A_37 = arith.constant 1.250000e-01 : f32
    %mul3A_38 = vector.broadcast %mul3A_37 : f32 to vector<900x1xf32>
    %mul3A_39 = arith.mulf %slice3A_36, %mul3A_38 : vector<900x1xf32>
    %get3A_40 = arith.constant 0 : index
    %get3A_41 = arith.constant 0 : index
    %get3A_42 = vector.load %arg6[%get3A_40, %get3A_41] : memref<1x128xf32, #tpu.memory_space<vmem>>, vector<1x128xf32>
    %get3A_43 = arith.constant 0 : index
    %get3A_44 = arith.constant 0 : index
    %get3A_45 = vector.load %arg7[%get3A_43, %get3A_44] : memref<1x128xf32, #tpu.memory_space<vmem>>, vector<1x128xf32>
    %mul3A_46 = vector.broadcast %mul3A_35 : vector<900x1xf32> to vector<900x128xf32>
    %mul3A_47 = arith.mulf %slice3A_12, %mul3A_46 : vector<900x128xf32>
    %add3A_48 = vector.broadcast %slice3A_31 : vector<900x1xf32> to vector<900x128xf32>
    %add3A_49 = arith.addf %add3A_48, %mul3A_47 : vector<900x128xf32>
    %mul3A_50 = arith.constant 2.000000e+00 : f32
    %mul3A_51 = vector.broadcast %mul3A_50 : f32 to vector<900x128xf32>
    %mul3A_52 = arith.mulf %mul3A_51, %add3A_49 : vector<900x128xf32>
    %sub3A_53 = arith.constant 1.000000e+00 : f32
    %sub3A_54 = vector.broadcast %sub3A_53 : f32 to vector<900x128xf32>
    %sub3A_55 = arith.subf %mul3A_52, %sub3A_54 : vector<900x128xf32>
    %jit3A = arith.constant -1.000000e+00 : f32
    %jit3A_56 = arith.constant 1.000000e+00 : f32
    %max3A = vector.broadcast %jit3A : f32 to vector<900x128xf32>
    %max3A_57 = arith.maximumf %max3A, %sub3A_55 : vector<900x128xf32>
    %min3A = vector.broadcast %jit3A_56 : f32 to vector<900x128xf32>
    %min3A_58 = arith.minimumf %min3A, %max3A_57 : vector<900x128xf32>
    %mul3A_59 = vector.broadcast %mul3A_39 : vector<900x1xf32> to vector<900x128xf32>
    %mul3A_60 = arith.mulf %slice3A_13, %mul3A_59 : vector<900x128xf32>
    %add3A_61 = vector.broadcast %slice3A_32 : vector<900x1xf32> to vector<900x128xf32>
    %add3A_62 = arith.addf %add3A_61, %mul3A_60 : vector<900x128xf32>
    %mul3A_63 = arith.constant 2.000000e+00 : f32
    %mul3A_64 = vector.broadcast %mul3A_63 : f32 to vector<900x128xf32>
    %mul3A_65 = arith.mulf %mul3A_64, %add3A_62 : vector<900x128xf32>
    %sub3A_66 = arith.constant 1.000000e+00 : f32
    %sub3A_67 = vector.broadcast %sub3A_66 : f32 to vector<900x128xf32>
    %sub3A_68 = arith.subf %mul3A_65, %sub3A_67 : vector<900x128xf32>
    %jit3A_69 = arith.constant -1.000000e+00 : f32
    %jit3A_70 = arith.constant 1.000000e+00 : f32
    %max3A_71 = vector.broadcast %jit3A_69 : f32 to vector<900x128xf32>
    %max3A_72 = arith.maximumf %max3A_71, %sub3A_68 : vector<900x128xf32>
    %min3A_73 = vector.broadcast %jit3A_70 : f32 to vector<900x128xf32>
    %min3A_74 = arith.minimumf %min3A_73, %max3A_72 : vector<900x128xf32>
    %add3A_75 = arith.constant 1.000000e+00 : f32
    %add3A_76 = vector.broadcast %add3A_75 : f32 to vector<900x128xf32>
    %add3A_77 = arith.addf %min3A_58, %add3A_76 : vector<900x128xf32>
    %mul3A_78 = vector.broadcast %get3A_42 : vector<1x128xf32> to vector<900x128xf32>
    %mul3A_79 = arith.mulf %add3A_77, %mul3A_78 : vector<900x128xf32>
    %sub3A_80 = arith.constant 1.000000e+00 : f32
    %sub3A_81 = vector.broadcast %sub3A_80 : f32 to vector<900x128xf32>
    %sub3A_82 = arith.subf %mul3A_79, %sub3A_81 : vector<900x128xf32>
    %mul3A_83 = arith.constant 5.000000e-01 : f32
    %mul3A_84 = vector.broadcast %mul3A_83 : f32 to vector<900x128xf32>
    %mul3A_85 = arith.mulf %sub3A_82, %mul3A_84 : vector<900x128xf32>
    %add3A_86 = arith.constant 1.000000e+00 : f32
    %add3A_87 = vector.broadcast %add3A_86 : f32 to vector<900x128xf32>
    %add3A_88 = arith.addf %min3A_74, %add3A_87 : vector<900x128xf32>
    %mul3A_89 = vector.broadcast %get3A_45 : vector<1x128xf32> to vector<900x128xf32>
    %mul3A_90 = arith.mulf %add3A_88, %mul3A_89 : vector<900x128xf32>
    %sub3A_91 = arith.constant 1.000000e+00 : f32
    %sub3A_92 = vector.broadcast %sub3A_91 : f32 to vector<900x128xf32>
    %sub3A_93 = arith.subf %mul3A_90, %sub3A_92 : vector<900x128xf32>
    %mul3A_94 = arith.constant 5.000000e-01 : f32
    %mul3A_95 = vector.broadcast %mul3A_94 : f32 to vector<900x128xf32>
    %mul3A_96 = arith.mulf %sub3A_93, %mul3A_95 : vector<900x128xf32>
    %floor3A = math.floor %mul3A_85 : vector<900x128xf32>
    %floor3A_97 = math.floor %mul3A_96 : vector<900x128xf32>
    %sub3A_98 = arith.subf %mul3A_85, %floor3A : vector<900x128xf32>
    %sub3A_99 = arith.constant 1.000000e+00 : f32
    %sub3A_100 = vector.broadcast %sub3A_99 : f32 to vector<900x128xf32>
    %sub3A_101 = arith.subf %sub3A_100, %sub3A_98 : vector<900x128xf32>
    %sub3A_102 = arith.subf %mul3A_96, %floor3A_97 : vector<900x128xf32>
    %sub3A_103 = arith.constant 1.000000e+00 : f32
    %sub3A_104 = vector.broadcast %sub3A_103 : f32 to vector<900x128xf32>
    %sub3A_105 = arith.subf %sub3A_104, %sub3A_102 : vector<900x128xf32>
    %mul3A_106 = arith.constant 43520 : i32
    %mul3A_107 = arith.muli %arg0, %mul3A_106 : i32
    %get3A_108 = arith.constant 0 : index
    %get3A_109 = arith.constant 0 : index
    %get3A_110 = vector.load %arg8[%get3A_108, %get3A_109] : memref<1x128xi32, #tpu.memory_space<vmem>>, vector<1x128xi32>
    %get3A_111 = arith.constant 0 : index
    %get3A_112 = arith.constant 0 : index
    %get3A_113 = vector.load %arg9[%get3A_111, %get3A_112] : memref<1x128xi32, #tpu.memory_space<vmem>>, vector<1x128xi32>
    %convert_element_type3A = arith.fptosi %get3A_42 : vector<1x128xf32> to vector<1x128xi32>
    %mul3A_114 = arith.mulf %sub3A_101, %sub3A_105 : vector<900x128xf32>
    %mul3A_115 = arith.mulf %sub3A_98, %sub3A_105 : vector<900x128xf32>
    %mul3A_116 = arith.mulf %sub3A_101, %sub3A_102 : vector<900x128xf32>
    %mul3A_117 = arith.mulf %sub3A_98, %sub3A_102 : vector<900x128xf32>
    %add3A_118 = arith.constant 0.000000e+00 : f32
    %add3A_119 = vector.broadcast %add3A_118 : f32 to vector<900x128xf32>
    %add3A_120 = arith.addf %floor3A, %add3A_119 : vector<900x128xf32>
    %add3A_121 = arith.constant 0.000000e+00 : f32
    %add3A_122 = vector.broadcast %add3A_121 : f32 to vector<900x128xf32>
    %add3A_123 = arith.addf %floor3A_97, %add3A_122 : vector<900x128xf32>
    %ge3A = arith.constant 0.000000e+00 : f32
    %ge3A_124 = vector.broadcast %ge3A : f32 to vector<900x128xf32>
    %ge3A_125 = arith.cmpf oge, %add3A_120, %ge3A_124 : vector<900x128xf32>
    %sub3A_126 = arith.constant 1.000000e+00 : f32
    %sub3A_127 = vector.broadcast %sub3A_126 : f32 to vector<1x128xf32>
    %sub3A_128 = arith.subf %get3A_42, %sub3A_127 : vector<1x128xf32>
    %le3A = vector.broadcast %sub3A_128 : vector<1x128xf32> to vector<900x128xf32>
    %le3A_129 = arith.cmpf ole, %add3A_120, %le3A : vector<900x128xf32>
    %and3A = arith.andi %ge3A_125, %le3A_129 : vector<900x128xi1>
    %ge3A_130 = arith.constant 0.000000e+00 : f32
    %ge3A_131 = vector.broadcast %ge3A_130 : f32 to vector<900x128xf32>
    %ge3A_132 = arith.cmpf oge, %add3A_123, %ge3A_131 : vector<900x128xf32>
    %and3A_133 = arith.andi %and3A, %ge3A_132 : vector<900x128xi1>
    %sub3A_134 = arith.constant 1.000000e+00 : f32
    %sub3A_135 = vector.broadcast %sub3A_134 : f32 to vector<1x128xf32>
    %sub3A_136 = arith.subf %get3A_45, %sub3A_135 : vector<1x128xf32>
    %le3A_137 = vector.broadcast %sub3A_136 : vector<1x128xf32> to vector<900x128xf32>
    %le3A_138 = arith.cmpf ole, %add3A_123, %le3A_137 : vector<900x128xf32>
    %and3A_139 = arith.andi %and3A_133, %le3A_138 : vector<900x128xi1>
    %sub3A_140 = arith.constant 1.000000e+00 : f32
    %sub3A_141 = vector.broadcast %sub3A_140 : f32 to vector<1x128xf32>
    %sub3A_142 = arith.subf %get3A_42, %sub3A_141 : vector<1x128xf32>
    %jit3A_143 = arith.constant 0.000000e+00 : f32
    %max3A_144 = vector.broadcast %jit3A_143 : f32 to vector<900x128xf32>
    %max3A_145 = arith.maximumf %max3A_144, %add3A_120 : vector<900x128xf32>
    %min3A_146 = vector.broadcast %sub3A_142 : vector<1x128xf32> to vector<900x128xf32>
    %min3A_147 = arith.minimumf %min3A_146, %max3A_145 : vector<900x128xf32>
    %convert_element_type3A_148 = arith.fptosi %min3A_147 : vector<900x128xf32> to vector<900x128xi32>
    %sub3A_149 = arith.constant 1.000000e+00 : f32
    %sub3A_150 = vector.broadcast %sub3A_149 : f32 to vector<1x128xf32>
    %sub3A_151 = arith.subf %get3A_45, %sub3A_150 : vector<1x128xf32>
    %jit3A_152 = arith.constant 0.000000e+00 : f32
    %max3A_153 = vector.broadcast %jit3A_152 : f32 to vector<900x128xf32>
    %max3A_154 = arith.maximumf %max3A_153, %add3A_123 : vector<900x128xf32>
    %min3A_155 = vector.broadcast %sub3A_151 : vector<1x128xf32> to vector<900x128xf32>
    %min3A_156 = arith.minimumf %min3A_155, %max3A_154 : vector<900x128xf32>
    %convert_element_type3A_157 = arith.fptosi %min3A_156 : vector<900x128xf32> to vector<900x128xi32>
    %mul3A_158 = vector.broadcast %convert_element_type3A : vector<1x128xi32> to vector<900x128xi32>
    %mul3A_159 = arith.muli %convert_element_type3A_157, %mul3A_158 : vector<900x128xi32>
    %add3A_160 = vector.broadcast %get3A_110 : vector<1x128xi32> to vector<900x128xi32>
    %add3A_161 = arith.addi %add3A_160, %mul3A_159 : vector<900x128xi32>
    %add3A_162 = arith.addi %add3A_161, %convert_element_type3A_148 : vector<900x128xi32>
    %mul3A_163 = arith.constant 8 : i32
    %mul3A_164 = vector.broadcast %mul3A_163 : i32 to vector<900x128xi32>
    %mul3A_165 = arith.muli %add3A_162, %mul3A_164 : vector<900x128xi32>
    %add3A_166 = vector.broadcast %mul3A_107 : i32 to vector<900x128xi32>
    %add3A_167 = arith.addi %add3A_166, %mul3A_165 : vector<900x128xi32>
    %add3A_168 = vector.broadcast %get3A_113 : vector<1x128xi32> to vector<900x128xi32>
    %add3A_169 = arith.addi %add3A_167, %add3A_168 : vector<900x128xi32>
    %mul3A_170 = arith.mulf %div3A, %mul3A_114 : vector<900x128xf32>
    %convert_element_type3A_171 = arith.extui %and3A_139 : vector<900x128xi1> to vector<900x128xi32>
    %convert_element_type3A_172 = arith.sitofp %convert_element_type3A_171 : vector<900x128xi32> to vector<900x128xf32>
    %mul3A_173 = arith.mulf %mul3A_170, %convert_element_type3A_172 : vector<900x128xf32>
    %swap3A = arith.constant 0 : index
    %swap3A_174 = arith.constant 0 : index
    %swap3A_175 = arith.constant 0 : index
    %swap3A_176 = vector.load %arg10[%swap3A, %swap3A_174, %swap3A_175] : memref<1x900x512xi32, #tpu.memory_space<vmem>>, vector<1x900x128xi32>
    %swap3A_177 = vector.shape_cast %swap3A_176 : vector<1x900x128xi32> to vector<900x128xi32>
    %swap3A_178 = vector.shape_cast %add3A_169 : vector<900x128xi32> to vector<1x900x128xi32>
    tpu.vector_store %arg10[%swap3A, %swap3A_174, %swap3A_175], %swap3A_178 {strides = array<i32>} : memref<1x900x512xi32, #tpu.memory_space<vmem>>, vector<1x900x128xi32>,
    %swap3A_179 = arith.constant 0 : index
    %swap3A_180 = arith.constant 0 : index
    %swap3A_181 = arith.constant 0 : index
    %swap3A_182 = vector.load %arg11[%swap3A_179, %swap3A_180, %swap3A_181] : memref<1x900x512xf32, #tpu.memory_space<vmem>>, vector<1x900x128xf32>
    %swap3A_183 = vector.shape_cast %swap3A_182 : vector<1x900x128xf32> to vector<900x128xf32>
    %swap3A_184 = vector.shape_cast %mul3A_173 : vector<900x128xf32> to vector<1x900x128xf32>
    tpu.vector_store %arg11[%swap3A_179, %swap3A_180, %swap3A_181], %swap3A_184 {strides = array<i32>} : memref<1x900x512xf32, #tpu.memory_space<vmem>>, vector<1x900x128xf32>,
    %add3A_185 = arith.constant 1.000000e+00 : f32
    %add3A_186 = vector.broadcast %add3A_185 : f32 to vector<900x128xf32>
    %add3A_187 = arith.addf %floor3A, %add3A_186 : vector<900x128xf32>
    %add3A_188 = arith.constant 0.000000e+00 : f32
    %add3A_189 = vector.broadcast %add3A_188 : f32 to vector<900x128xf32>
    %add3A_190 = arith.addf %floor3A_97, %add3A_189 : vector<900x128xf32>
    %ge3A_191 = arith.constant 0.000000e+00 : f32
    %ge3A_192 = vector.broadcast %ge3A_191 : f32 to vector<900x128xf32>
    %ge3A_193 = arith.cmpf oge, %add3A_187, %ge3A_192 : vector<900x128xf32>
    %sub3A_194 = arith.constant 1.000000e+00 : f32
    %sub3A_195 = vector.broadcast %sub3A_194 : f32 to vector<1x128xf32>
    %sub3A_196 = arith.subf %get3A_42, %sub3A_195 : vector<1x128xf32>
    %le3A_197 = vector.broadcast %sub3A_196 : vector<1x128xf32> to vector<900x128xf32>
    %le3A_198 = arith.cmpf ole, %add3A_187, %le3A_197 : vector<900x128xf32>
    %and3A_199 = arith.andi %ge3A_193, %le3A_198 : vector<900x128xi1>
    %ge3A_200 = arith.constant 0.000000e+00 : f32
    %ge3A_201 = vector.broadcast %ge3A_200 : f32 to vector<900x128xf32>
    %ge3A_202 = arith.cmpf oge, %add3A_190, %ge3A_201 : vector<900x128xf32>
    %and3A_203 = arith.andi %and3A_199, %ge3A_202 : vector<900x128xi1>
    %sub3A_204 = arith.constant 1.000000e+00 : f32
    %sub3A_205 = vector.broadcast %sub3A_204 : f32 to vector<1x128xf32>
    %sub3A_206 = arith.subf %get3A_45, %sub3A_205 : vector<1x128xf32>
    %le3A_207 = vector.broadcast %sub3A_206 : vector<1x128xf32> to vector<900x128xf32>
    %le3A_208 = arith.cmpf ole, %add3A_190, %le3A_207 : vector<900x128xf32>
    %and3A_209 = arith.andi %and3A_203, %le3A_208 : vector<900x128xi1>
    %sub3A_210 = arith.constant 1.000000e+00 : f32
    %sub3A_211 = vector.broadcast %sub3A_210 : f32 to vector<1x128xf32>
    %sub3A_212 = arith.subf %get3A_42, %sub3A_211 : vector<1x128xf32>
    %jit3A_213 = arith.constant 0.000000e+00 : f32
    %max3A_214 = vector.broadcast %jit3A_213 : f32 to vector<900x128xf32>
    %max3A_215 = arith.maximumf %max3A_214, %add3A_187 : vector<900x128xf32>
    %min3A_216 = vector.broadcast %sub3A_212 : vector<1x128xf32> to vector<900x128xf32>
    %min3A_217 = arith.minimumf %min3A_216, %max3A_215 : vector<900x128xf32>
    %convert_element_type3A_218 = arith.fptosi %min3A_217 : vector<900x128xf32> to vector<900x128xi32>
    %sub3A_219 = arith.constant 1.000000e+00 : f32
    %sub3A_220 = vector.broadcast %sub3A_219 : f32 to vector<1x128xf32>
    %sub3A_221 = arith.subf %get3A_45, %sub3A_220 : vector<1x128xf32>
    %jit3A_222 = arith.constant 0.000000e+00 : f32
    %max3A_223 = vector.broadcast %jit3A_222 : f32 to vector<900x128xf32>
    %max3A_224 = arith.maximumf %max3A_223, %add3A_190 : vector<900x128xf32>
    %min3A_225 = vector.broadcast %sub3A_221 : vector<1x128xf32> to vector<900x128xf32>
    %min3A_226 = arith.minimumf %min3A_225, %max3A_224 : vector<900x128xf32>
    %convert_element_type3A_227 = arith.fptosi %min3A_226 : vector<900x128xf32> to vector<900x128xi32>
    %mul3A_228 = vector.broadcast %convert_element_type3A : vector<1x128xi32> to vector<900x128xi32>
    %mul3A_229 = arith.muli %convert_element_type3A_227, %mul3A_228 : vector<900x128xi32>
    %add3A_230 = vector.broadcast %get3A_110 : vector<1x128xi32> to vector<900x128xi32>
    %add3A_231 = arith.addi %add3A_230, %mul3A_229 : vector<900x128xi32>
    %add3A_232 = arith.addi %add3A_231, %convert_element_type3A_218 : vector<900x128xi32>
    %mul3A_233 = arith.constant 8 : i32
    %mul3A_234 = vector.broadcast %mul3A_233 : i32 to vector<900x128xi32>
    %mul3A_235 = arith.muli %add3A_232, %mul3A_234 : vector<900x128xi32>
    %add3A_236 = vector.broadcast %mul3A_107 : i32 to vector<900x128xi32>
    %add3A_237 = arith.addi %add3A_236, %mul3A_235 : vector<900x128xi32>
    %add3A_238 = vector.broadcast %get3A_113 : vector<1x128xi32> to vector<900x128xi32>
    %add3A_239 = arith.addi %add3A_237, %add3A_238 : vector<900x128xi32>
    %mul3A_240 = arith.mulf %div3A, %mul3A_115 : vector<900x128xf32>
    %convert_element_type3A_241 = arith.extui %and3A_209 : vector<900x128xi1> to vector<900x128xi32>
    %convert_element_type3A_242 = arith.sitofp %convert_element_type3A_241 : vector<900x128xi32> to vector<900x128xf32>
    %mul3A_243 = arith.mulf %mul3A_240, %convert_element_type3A_242 : vector<900x128xf32>
    %swap3A_244 = arith.constant 0 : index
    %swap3A_245 = arith.constant 0 : index
    %swap3A_246 = arith.constant 128 : index
    %swap3A_247 = vector.load %arg10[%swap3A_244, %swap3A_245, %swap3A_246] : memref<1x900x512xi32, #tpu.memory_space<vmem>>, vector<1x900x128xi32>
    %swap3A_248 = vector.shape_cast %swap3A_247 : vector<1x900x128xi32> to vector<900x128xi32>
    %swap3A_249 = vector.shape_cast %add3A_239 : vector<900x128xi32> to vector<1x900x128xi32>
    tpu.vector_store %arg10[%swap3A_244, %swap3A_245, %swap3A_246], %swap3A_249 {strides = array<i32>} : memref<1x900x512xi32, #tpu.memory_space<vmem>>, vector<1x900x128xi32>,
    %swap3A_250 = arith.constant 0 : index
    %swap3A_251 = arith.constant 0 : index
    %swap3A_252 = arith.constant 128 : index
    %swap3A_253 = vector.load %arg11[%swap3A_250, %swap3A_251, %swap3A_252] : memref<1x900x512xf32, #tpu.memory_space<vmem>>, vector<1x900x128xf32>
    %swap3A_254 = vector.shape_cast %swap3A_253 : vector<1x900x128xf32> to vector<900x128xf32>
    %swap3A_255 = vector.shape_cast %mul3A_243 : vector<900x128xf32> to vector<1x900x128xf32>
    tpu.vector_store %arg11[%swap3A_250, %swap3A_251, %swap3A_252], %swap3A_255 {strides = array<i32>} : memref<1x900x512xf32, #tpu.memory_space<vmem>>, vector<1x900x128xf32>,
    %add3A_256 = arith.constant 0.000000e+00 : f32
    %add3A_257 = vector.broadcast %add3A_256 : f32 to vector<900x128xf32>
    %add3A_258 = arith.addf %floor3A, %add3A_257 : vector<900x128xf32>
    %add3A_259 = arith.constant 1.000000e+00 : f32
    %add3A_260 = vector.broadcast %add3A_259 : f32 to vector<900x128xf32>
    %add3A_261 = arith.addf %floor3A_97, %add3A_260 : vector<900x128xf32>
    %ge3A_262 = arith.constant 0.000000e+00 : f32
    %ge3A_263 = vector.broadcast %ge3A_262 : f32 to vector<900x128xf32>
    %ge3A_264 = arith.cmpf oge, %add3A_258, %ge3A_263 : vector<900x128xf32>
    %sub3A_265 = arith.constant 1.000000e+00 : f32
    %sub3A_266 = vector.broadcast %sub3A_265 : f32 to vector<1x128xf32>
    %sub3A_267 = arith.subf %get3A_42, %sub3A_266 : vector<1x128xf32>
    %le3A_268 = vector.broadcast %sub3A_267 : vector<1x128xf32> to vector<900x128xf32>
    %le3A_269 = arith.cmpf ole, %add3A_258, %le3A_268 : vector<900x128xf32>
    %and3A_270 = arith.andi %ge3A_264, %le3A_269 : vector<900x128xi1>
    %ge3A_271 = arith.constant 0.000000e+00 : f32
    %ge3A_272 = vector.broadcast %ge3A_271 : f32 to vector<900x128xf32>
    %ge3A_273 = arith.cmpf oge, %add3A_261, %ge3A_272 : vector<900x128xf32>
    %and3A_274 = arith.andi %and3A_270, %ge3A_273 : vector<900x128xi1>
    %sub3A_275 = arith.constant 1.000000e+00 : f32
    %sub3A_276 = vector.broadcast %sub3A_275 : f32 to vector<1x128xf32>
    %sub3A_277 = arith.subf %get3A_45, %sub3A_276 : vector<1x128xf32>
    %le3A_278 = vector.broadcast %sub3A_277 : vector<1x128xf32> to vector<900x128xf32>
    %le3A_279 = arith.cmpf ole, %add3A_261, %le3A_278 : vector<900x128xf32>
    %and3A_280 = arith.andi %and3A_274, %le3A_279 : vector<900x128xi1>
    %sub3A_281 = arith.constant 1.000000e+00 : f32
    %sub3A_282 = vector.broadcast %sub3A_281 : f32 to vector<1x128xf32>
    %sub3A_283 = arith.subf %get3A_42, %sub3A_282 : vector<1x128xf32>
    %jit3A_284 = arith.constant 0.000000e+00 : f32
    %max3A_285 = vector.broadcast %jit3A_284 : f32 to vector<900x128xf32>
    %max3A_286 = arith.maximumf %max3A_285, %add3A_258 : vector<900x128xf32>
    %min3A_287 = vector.broadcast %sub3A_283 : vector<1x128xf32> to vector<900x128xf32>
    %min3A_288 = arith.minimumf %min3A_287, %max3A_286 : vector<900x128xf32>
    %convert_element_type3A_289 = arith.fptosi %min3A_288 : vector<900x128xf32> to vector<900x128xi32>
    %sub3A_290 = arith.constant 1.000000e+00 : f32
    %sub3A_291 = vector.broadcast %sub3A_290 : f32 to vector<1x128xf32>
    %sub3A_292 = arith.subf %get3A_45, %sub3A_291 : vector<1x128xf32>
    %jit3A_293 = arith.constant 0.000000e+00 : f32
    %max3A_294 = vector.broadcast %jit3A_293 : f32 to vector<900x128xf32>
    %max3A_295 = arith.maximumf %max3A_294, %add3A_261 : vector<900x128xf32>
    %min3A_296 = vector.broadcast %sub3A_292 : vector<1x128xf32> to vector<900x128xf32>
    %min3A_297 = arith.minimumf %min3A_296, %max3A_295 : vector<900x128xf32>
    %convert_element_type3A_298 = arith.fptosi %min3A_297 : vector<900x128xf32> to vector<900x128xi32>
    %mul3A_299 = vector.broadcast %convert_element_type3A : vector<1x128xi32> to vector<900x128xi32>
    %mul3A_300 = arith.muli %convert_element_type3A_298, %mul3A_299 : vector<900x128xi32>
    %add3A_301 = vector.broadcast %get3A_110 : vector<1x128xi32> to vector<900x128xi32>
    %add3A_302 = arith.addi %add3A_301, %mul3A_300 : vector<900x128xi32>
    %add3A_303 = arith.addi %add3A_302, %convert_element_type3A_289 : vector<900x128xi32>
    %mul3A_304 = arith.constant 8 : i32
    %mul3A_305 = vector.broadcast %mul3A_304 : i32 to vector<900x128xi32>
    %mul3A_306 = arith.muli %add3A_303, %mul3A_305 : vector<900x128xi32>
    %add3A_307 = vector.broadcast %mul3A_107 : i32 to vector<900x128xi32>
    %add3A_308 = arith.addi %add3A_307, %mul3A_306 : vector<900x128xi32>
    %add3A_309 = vector.broadcast %get3A_113 : vector<1x128xi32> to vector<900x128xi32>
    %add3A_310 = arith.addi %add3A_308, %add3A_309 : vector<900x128xi32>
    %mul3A_311 = arith.mulf %div3A, %mul3A_116 : vector<900x128xf32>
    %convert_element_type3A_312 = arith.extui %and3A_280 : vector<900x128xi1> to vector<900x128xi32>
    %convert_element_type3A_313 = arith.sitofp %convert_element_type3A_312 : vector<900x128xi32> to vector<900x128xf32>
    %mul3A_314 = arith.mulf %mul3A_311, %convert_element_type3A_313 : vector<900x128xf32>
    %swap3A_315 = arith.constant 0 : index
    %swap3A_316 = arith.constant 0 : index
    %swap3A_317 = arith.constant 256 : index
    %swap3A_318 = vector.load %arg10[%swap3A_315, %swap3A_316, %swap3A_317] : memref<1x900x512xi32, #tpu.memory_space<vmem>>, vector<1x900x128xi32>
    %swap3A_319 = vector.shape_cast %swap3A_318 : vector<1x900x128xi32> to vector<900x128xi32>
    %swap3A_320 = vector.shape_cast %add3A_310 : vector<900x128xi32> to vector<1x900x128xi32>
    tpu.vector_store %arg10[%swap3A_315, %swap3A_316, %swap3A_317], %swap3A_320 {strides = array<i32>} : memref<1x900x512xi32, #tpu.memory_space<vmem>>, vector<1x900x128xi32>,
    %swap3A_321 = arith.constant 0 : index
    %swap3A_322 = arith.constant 0 : index
    %swap3A_323 = arith.constant 256 : index
    %swap3A_324 = vector.load %arg11[%swap3A_321, %swap3A_322, %swap3A_323] : memref<1x900x512xf32, #tpu.memory_space<vmem>>, vector<1x900x128xf32>
    %swap3A_325 = vector.shape_cast %swap3A_324 : vector<1x900x128xf32> to vector<900x128xf32>
    %swap3A_326 = vector.shape_cast %mul3A_314 : vector<900x128xf32> to vector<1x900x128xf32>
    tpu.vector_store %arg11[%swap3A_321, %swap3A_322, %swap3A_323], %swap3A_326 {strides = array<i32>} : memref<1x900x512xf32, #tpu.memory_space<vmem>>, vector<1x900x128xf32>,
    %add3A_327 = arith.constant 1.000000e+00 : f32
    %add3A_328 = vector.broadcast %add3A_327 : f32 to vector<900x128xf32>
    %add3A_329 = arith.addf %floor3A, %add3A_328 : vector<900x128xf32>
    %add3A_330 = arith.constant 1.000000e+00 : f32
    %add3A_331 = vector.broadcast %add3A_330 : f32 to vector<900x128xf32>
    %add3A_332 = arith.addf %floor3A_97, %add3A_331 : vector<900x128xf32>
    %ge3A_333 = arith.constant 0.000000e+00 : f32
    %ge3A_334 = vector.broadcast %ge3A_333 : f32 to vector<900x128xf32>
    %ge3A_335 = arith.cmpf oge, %add3A_329, %ge3A_334 : vector<900x128xf32>
    %sub3A_336 = arith.constant 1.000000e+00 : f32
    %sub3A_337 = vector.broadcast %sub3A_336 : f32 to vector<1x128xf32>
    %sub3A_338 = arith.subf %get3A_42, %sub3A_337 : vector<1x128xf32>
    %le3A_339 = vector.broadcast %sub3A_338 : vector<1x128xf32> to vector<900x128xf32>
    %le3A_340 = arith.cmpf ole, %add3A_329, %le3A_339 : vector<900x128xf32>
    %and3A_341 = arith.andi %ge3A_335, %le3A_340 : vector<900x128xi1>
    %ge3A_342 = arith.constant 0.000000e+00 : f32
    %ge3A_343 = vector.broadcast %ge3A_342 : f32 to vector<900x128xf32>
    %ge3A_344 = arith.cmpf oge, %add3A_332, %ge3A_343 : vector<900x128xf32>
    %and3A_345 = arith.andi %and3A_341, %ge3A_344 : vector<900x128xi1>
    %sub3A_346 = arith.constant 1.000000e+00 : f32
    %sub3A_347 = vector.broadcast %sub3A_346 : f32 to vector<1x128xf32>
    %sub3A_348 = arith.subf %get3A_45, %sub3A_347 : vector<1x128xf32>
    %le3A_349 = vector.broadcast %sub3A_348 : vector<1x128xf32> to vector<900x128xf32>
    %le3A_350 = arith.cmpf ole, %add3A_332, %le3A_349 : vector<900x128xf32>
    %and3A_351 = arith.andi %and3A_345, %le3A_350 : vector<900x128xi1>
    %sub3A_352 = arith.constant 1.000000e+00 : f32
    %sub3A_353 = vector.broadcast %sub3A_352 : f32 to vector<1x128xf32>
    %sub3A_354 = arith.subf %get3A_42, %sub3A_353 : vector<1x128xf32>
    %jit3A_355 = arith.constant 0.000000e+00 : f32
    %max3A_356 = vector.broadcast %jit3A_355 : f32 to vector<900x128xf32>
    %max3A_357 = arith.maximumf %max3A_356, %add3A_329 : vector<900x128xf32>
    %min3A_358 = vector.broadcast %sub3A_354 : vector<1x128xf32> to vector<900x128xf32>
    %min3A_359 = arith.minimumf %min3A_358, %max3A_357 : vector<900x128xf32>
    %convert_element_type3A_360 = arith.fptosi %min3A_359 : vector<900x128xf32> to vector<900x128xi32>
    %sub3A_361 = arith.constant 1.000000e+00 : f32
    %sub3A_362 = vector.broadcast %sub3A_361 : f32 to vector<1x128xf32>
    %sub3A_363 = arith.subf %get3A_45, %sub3A_362 : vector<1x128xf32>
    %jit3A_364 = arith.constant 0.000000e+00 : f32
    %max3A_365 = vector.broadcast %jit3A_364 : f32 to vector<900x128xf32>
    %max3A_366 = arith.maximumf %max3A_365, %add3A_332 : vector<900x128xf32>
    %min3A_367 = vector.broadcast %sub3A_363 : vector<1x128xf32> to vector<900x128xf32>
    %min3A_368 = arith.minimumf %min3A_367, %max3A_366 : vector<900x128xf32>
    %convert_element_type3A_369 = arith.fptosi %min3A_368 : vector<900x128xf32> to vector<900x128xi32>
    %mul3A_370 = vector.broadcast %convert_element_type3A : vector<1x128xi32> to vector<900x128xi32>
    %mul3A_371 = arith.muli %convert_element_type3A_369, %mul3A_370 : vector<900x128xi32>
    %add3A_372 = vector.broadcast %get3A_110 : vector<1x128xi32> to vector<900x128xi32>
    %add3A_373 = arith.addi %add3A_372, %mul3A_371 : vector<900x128xi32>
    %add3A_374 = arith.addi %add3A_373, %convert_element_type3A_360 : vector<900x128xi32>
    %mul3A_375 = arith.constant 8 : i32
    %mul3A_376 = vector.broadcast %mul3A_375 : i32 to vector<900x128xi32>
    %mul3A_377 = arith.muli %add3A_374, %mul3A_376 : vector<900x128xi32>
    %add3A_378 = vector.broadcast %mul3A_107 : i32 to vector<900x128xi32>
    %add3A_379 = arith.addi %add3A_378, %mul3A_377 : vector<900x128xi32>
    %add3A_380 = vector.broadcast %get3A_113 : vector<1x128xi32> to vector<900x128xi32>
    %add3A_381 = arith.addi %add3A_379, %add3A_380 : vector<900x128xi32>
    %mul3A_382 = arith.mulf %div3A, %mul3A_117 : vector<900x128xf32>
    %convert_element_type3A_383 = arith.extui %and3A_351 : vector<900x128xi1> to vector<900x128xi32>
    %convert_element_type3A_384 = arith.sitofp %convert_element_type3A_383 : vector<900x128xi32> to vector<900x128xf32>
    %mul3A_385 = arith.mulf %mul3A_382, %convert_element_type3A_384 : vector<900x128xf32>
    %swap3A_386 = arith.constant 0 : index
    %swap3A_387 = arith.constant 0 : index
    %swap3A_388 = arith.constant 384 : index
    %swap3A_389 = vector.load %arg10[%swap3A_386, %swap3A_387, %swap3A_388] : memref<1x900x512xi32, #tpu.memory_space<vmem>>, vector<1x900x128xi32>
    %swap3A_390 = vector.shape_cast %swap3A_389 : vector<1x900x128xi32> to vector<900x128xi32>
    %swap3A_391 = vector.shape_cast %add3A_381 : vector<900x128xi32> to vector<1x900x128xi32>
    tpu.vector_store %arg10[%swap3A_386, %swap3A_387, %swap3A_388], %swap3A_391 {strides = array<i32>} : memref<1x900x512xi32, #tpu.memory_space<vmem>>, vector<1x900x128xi32>,
    %swap3A_392 = arith.constant 0 : index
    %swap3A_393 = arith.constant 0 : index
    %swap3A_394 = arith.constant 384 : index
    %swap3A_395 = vector.load %arg11[%swap3A_392, %swap3A_393, %swap3A_394] : memref<1x900x512xf32, #tpu.memory_space<vmem>>, vector<1x900x128xf32>
    %swap3A_396 = vector.shape_cast %swap3A_395 : vector<1x900x128xf32> to vector<900x128xf32>
    %swap3A_397 = vector.shape_cast %mul3A_385 : vector<900x128xf32> to vector<1x900x128xf32>
    tpu.vector_store %arg11[%swap3A_392, %swap3A_393, %swap3A_394], %swap3A_397 {strides = array<i32>} : memref<1x900x512xf32, #tpu.memory_space<vmem>>, vector<1x900x128xf32>,
    return
  }
  func.func @transform_0(%arg0: i32) -> (i32, i32, i32) {
    %c0_i32 = arith.constant 0 : i32
    %c0_i32_0 = arith.constant 0 : i32
    %c0_i32_1 = arith.constant 0 : i32
    return %arg0, %c0_i32, %c0_i32_0 : i32, i32, i32
  }
  func.func @transform_1(%arg0: i32) -> (i32, i32, i32) {
    %c0_i32 = arith.constant 0 : i32
    %c0_i32_0 = arith.constant 0 : i32
    %c0_i32_1 = arith.constant 0 : i32
    return %arg0, %c0_i32, %c0_i32_0 : i32, i32, i32
  }
  func.func @transform_2(%arg0: i32) -> (i32, i32) {
    %c0_i32 = arith.constant 0 : i32
    %c0_i32_0 = arith.constant 0 : i32
    %c0_i32_1 = arith.constant 0 : i32
    return %c0_i32, %c0_i32_0 : i32, i32
  }
  func.func @transform_3(%arg0: i32) -> (i32, i32) {
    %c0_i32 = arith.constant 0 : i32
    %c0_i32_0 = arith.constant 0 : i32
    %c0_i32_1 = arith.constant 0 : i32
    return %c0_i32, %c0_i32_0 : i32, i32
  }
  func.func @transform_4(%arg0: i32) -> (i32, i32) {
    %c0_i32 = arith.constant 0 : i32
    %c0_i32_0 = arith.constant 0 : i32
    %c0_i32_1 = arith.constant 0 : i32
    return %c0_i32, %c0_i32_0 : i32, i32
  }
  func.func @transform_5(%arg0: i32) -> (i32, i32) {
    %c0_i32 = arith.constant 0 : i32
    %c0_i32_0 = arith.constant 0 : i32
    %c0_i32_1 = arith.constant 0 : i32
    return %c0_i32, %c0_i32_0 : i32, i32
  }
  func.func @transform_6(%arg0: i32) -> (i32, i32) {
    %c0_i32 = arith.constant 0 : i32
    %c0_i32_0 = arith.constant 0 : i32
    %c0_i32_1 = arith.constant 0 : i32
    return %c0_i32, %c0_i32_0 : i32, i32
  }
  func.func @transform_7(%arg0: i32) -> (i32, i32) {
    %c0_i32 = arith.constant 0 : i32
    %c0_i32_0 = arith.constant 0 : i32
    %c0_i32_1 = arith.constant 0 : i32
    return %c0_i32, %c0_i32_0 : i32, i32
  }
  func.func @transform_8(%arg0: i32) -> (i32, i32) {
    %c0_i32 = arith.constant 0 : i32
    %c0_i32_0 = arith.constant 0 : i32
    %c0_i32_1 = arith.constant 0 : i32
    return %c0_i32, %c0_i32_0 : i32, i32
  }
  func.func @transform_9(%arg0: i32) -> (i32, i32, i32) {
    %c0_i32 = arith.constant 0 : i32
    %c0_i32_0 = arith.constant 0 : i32
    %c0_i32_1 = arith.constant 0 : i32
    return %arg0, %c0_i32, %c0_i32_0 : i32, i32, i32
  }
  func.func @transform_10(%arg0: i32) -> (i32, i32, i32) {
    %c0_i32 = arith.constant 0 : i32
    %c0_i32_0 = arith.constant 0 : i32
    %c0_i32_1 = arith.constant 0 : i32
    return %arg0, %c0_i32, %c0_i32_0 : i32, i32, i32
  }
}

module attributes {stable_mosaic.version = 14 : i64} {
  func.func @_mm_body(%arg0: i32, %arg1: memref<720x256xf32, #tpu.memory_space<vmem>>, %arg2: memref<256x256xf32, #tpu.memory_space<vmem>>, %arg3: memref<1x256xf32, #tpu.memory_space<vmem>>, %arg4: memref<720x256xf32, #tpu.memory_space<vmem>>) attributes {dimension_semantics = [#tpu.dimension_semantics<arbitrary>], iteration_bounds = array<i64: 10>, scalar_prefetch = 0 : i64, scratch_operands = 0 : i64, tpu.core_type = #tpu.core_type<tc>, window_params = [{transform_indices = @transform_0, window_bounds = array<i64: 720, 256>}, {pipeline_mode = #tpu.pipeline_mode<synchronous>, transform_indices = @transform_1, window_bounds = array<i64: 256, 256>}, {pipeline_mode = #tpu.pipeline_mode<synchronous>, transform_indices = @transform_2, window_bounds = array<i64: 1, 256>}, {transform_indices = @transform_3, window_bounds = array<i64: 720, 256>}]} {
    %get3A = arith.constant 0 : index
    %get3A_0 = arith.constant 0 : index
    %get3A_1 = vector.load %arg1[%get3A, %get3A_0] : memref<720x256xf32, #tpu.memory_space<vmem>>, vector<720x256xf32>
    %get3A_2 = arith.constant 0 : index
    %get3A_3 = arith.constant 0 : index
    %get3A_4 = vector.load %arg2[%get3A_2, %get3A_3] : memref<256x256xf32, #tpu.memory_space<vmem>>, vector<256x256xf32>
    %dot_general3A = arith.constant dense<0.000000e+00> : vector<720x256xf32>
    %dot_general3A_5 = tpu.matmul %get3A_1, %get3A_4, %dot_general3A {dimension_numbers = #tpu.dot_dimension_numbers<[1], [0], [0], [1], [0, 0, 1, 1], [], []>, transpose_lhs_hint = false} : vector<720x256xf32>, vector<256x256xf32>, vector<720x256xf32> -> vector<720x256xf32>
    %get3A_6 = arith.constant 0 : index
    %get3A_7 = arith.constant 0 : index
    %get3A_8 = vector.load %arg3[%get3A_6, %get3A_7] : memref<1x256xf32, #tpu.memory_space<vmem>>, vector<1x256xf32>
    %add3A = vector.broadcast %get3A_8 : vector<1x256xf32> to vector<720x256xf32>
    %add3A_9 = arith.addf %dot_general3A_5, %add3A : vector<720x256xf32>
    %swap3A = arith.constant 0 : index
    %swap3A_10 = arith.constant 0 : index
    %swap3A_11 = vector.load %arg4[%swap3A, %swap3A_10] : memref<720x256xf32, #tpu.memory_space<vmem>>, vector<720x256xf32>
    tpu.vector_store %arg4[%swap3A, %swap3A_10], %add3A_9 {strides = array<i32>} : memref<720x256xf32, #tpu.memory_space<vmem>>, vector<720x256xf32>,
    return
  }
  func.func @transform_0(%arg0: i32) -> (i32, i32) {
    %c0_i32 = arith.constant 0 : i32
    %c0_i32_0 = arith.constant 0 : i32
    return %arg0, %c0_i32 : i32, i32
  }
  func.func @transform_1(%arg0: i32) -> (i32, i32) {
    %c0_i32 = arith.constant 0 : i32
    %c0_i32_0 = arith.constant 0 : i32
    %c0_i32_1 = arith.constant 0 : i32
    return %c0_i32, %c0_i32_0 : i32, i32
  }
  func.func @transform_2(%arg0: i32) -> (i32, i32) {
    %c0_i32 = arith.constant 0 : i32
    %c0_i32_0 = arith.constant 0 : i32
    %c0_i32_1 = arith.constant 0 : i32
    return %c0_i32, %c0_i32_0 : i32, i32
  }
  func.func @transform_3(%arg0: i32) -> (i32, i32) {
    %c0_i32 = arith.constant 0 : i32
    %c0_i32_0 = arith.constant 0 : i32
    return %arg0, %c0_i32 : i32, i32
  }
}

</mosaic_0001>

<sc_bundles>
// kernel: kernel.6.cloned.1.call-start
scs
__scs_entry_jumppad:
0x0: {  	(pc) =	sbr.rel $0x88, $3  }
0x1: {  	(tag) =	ssettag $0x0;
	lr =	simm.s32 $0x1  }
0x2: {  	[smem:$0x3F96] =	sst lr;
	_ =	strace $0xD0000000  }
0x3: {  	_ = 	snop  }
0x4: {  	_ = 	snop  }
0x5: {  	_ = 	snop  }
0x6: {  	_ = 	snop  }
0x7: {  	_ = 	snop  }
__scs_overlays_trampoline_lowered:
0x8: {  	[smem:$0x3FA5] =	sst s0  }
0x9: {  	[smem:$0x3FA6] =	sst s1  }
0xa: {  	[smem:$0x3FA7] =	sst s2  }
0xb: {  	[smem:$0x3FA8] =	sst s3  }
0xc: {  	[smem:$0x3FA9] =	sst s4  }
0xd: {  	[smem:$0x3FAA] =	sst s5  }
0xe: {  	[smem:$0x3FAB] =	sst s6  }
0xf: {  	[smem:$0x3FAC] =	sst s7  }
0x10: {  	[smem:$0x3FAD] =	sst s8  }
0x11: {  	[smem:$0x3FAE] =	sst s9;
	s0 =	simm.s32 @!p0 $0x0  }
0x12: {  	s1 =	sld [smem:$0x3F94];
	s0 =	simm.s32 @p0 $0x1  }
0x13: {  	[smem:$0x3FAF] =	sst s0;
	s0 =	simm.s32 @!p1 $0x0  }
0x14: {  	s2 =	sld [smem:$0x3F93];
	s0 =	simm.s32 @p1 $0x1  }
0x15: {  	[smem:$0x3FB0] =	sst s0;
	s0 =	simm.s32 @!p2 $0x0  }
0x16: {  	s3 =	sld [smem:$0x3FDB];
	s0 =	simm.s32 @p2 $0x1  }
0x17: {  	s4 =	simm.s32 $0x1BF5;
	[smem:$0x3FB2] =	sst s0  }
0x18: {  	s0 =	sld [smem:$0x3F95];
	_ =	swait.ge [sflag:s4], $0x0  }
0x19: {  	s7 =	sld [smem:$0x3F96]  }
0x1a: {  	s8 =	sadd.s32 $0xFFFFE003, lr  }
0x1b: {  	s9 =	sadd.s32 $0xFFFFFEF7, lr;
	s5 =	simm.s32 $0xFFFFFFFF;
	p2 =	slt.u32 s8, $0xFFFFF086  }
0x1c: {  	p1 =	slt.u32 s9, $0xF7A;
	s5 =	simm.s32 @!p2 $0x0  }
0x1d: {  	s5 =	simm.s32 @p1 $0x1;
	p0 =	seq.s32 s7, s2  }
0x1e: {  	s7 =	smul.u32 @!p0 $0xF7A, s2;
	p2 =	seq.s32 @!p0 s5, $0x0  }
0x1f: {  	s9 =	smul.u32 $0xF7A, s1;
	s8 =	simm.s32 @!p0 $0x1BF5;
	p2 =	por !p2, p0  }
0x20: {  	[sflag:s8] =	ssyncset.s32 @!p0 $0xFFFFF086;
	s6 =	sadd.s32 @!p0 s3, s7;
	s7 =	simm.s32 @!p0 $0x108  }
0x21: {  	s3 =	sadd.s32 s3, s9;
	s6 =	sadd.s32 @!p0 $0x88, s6;
	s7 =	simm.s32 @p2 $0x1082  }
0x22: {  	[simem:s7], [sflag:s8] =	dma.local @!p0 [hbm:s6], $0xF7A  }
0x23: {  	s9 =	sor.u32 $0xD0000000, s2;
	s6 =	simm.s32 $0x108;
	_ =	swait.ge @!p0 [sflag:s8], $0x0  }
0x24: {  	s3 =	sadd.s32 $0x88, s3;
	s6 =	simm.s32 @!p1 $0x1082;
	[sflag:s4] =	ssyncset.s32 $0xFFFFF086  }
0x25: {  	[simem:s6], [sflag:s4] =	dma.local [hbm:s3], $0xF7A  }
0x26: {  	[smem:$0x3F96] =	sst s1;
	(tag) =	ssettag s2;
	_ =	strace s9  }
0x27: {  	s1 =	sld [smem:$0x3FA6]  }
0x28: {  	s2 =	sld [smem:$0x3FA7]  }
0x29: {  	s4 =	sld [smem:$0x3FA9]  }
0x2a: {  	p0 =	seq.s32 s5, $0x0;
	s5 =	sld [smem:$0x3FAA]  }
0x2b: {  	s6 =	sld [smem:$0x3FAB]  }
0x2c: {  	s7 =	sld [smem:$0x3FAC]  }
0x2d: {  	s3 =	simm.s32 $0x108;
	s8 =	sld [smem:$0x3FAD]  }
0x2e: {  	s3 =	simm.s32 @!p0 $0x1082;
	s9 =	sld [smem:$0x3FAE]  }
0x2f: {  	lr =	sadd.s32 s0, s3;
	s0 =	sld [smem:$0x3FA5]  }
0x30: {  	s3 =	sld [smem:$0x3FA8]  }
0x31: {  	[smem:$0x3FB1] =	sst s10  }
0x32: {  	s10 =	sld [smem:$0x3FAF];
	_ =	sdelay $0x3  }
0x33: {  	p0 =	seq.s32 s10, $0x1;
	s10 =	sld [smem:$0x3FB1];
	_ =	sdelay $0x3  }
0x34: {  	[smem:$0x3FB1] =	sst s10  }
0x35: {  	s10 =	sld [smem:$0x3FB0];
	_ =	sdelay $0x3  }
0x36: {  	p1 =	seq.s32 s10, $0x1;
	s10 =	sld [smem:$0x3FB1];
	_ =	sdelay $0x3  }
0x37: {  	[smem:$0x3FB1] =	sst s10  }
0x38: {  	s10 =	sld [smem:$0x3FB2]  }
0x39: {  	_ = 	snop;
	(pc) =	sbr.ind lr, $3  }
0x3a: {  	_ = 	snop  }
0x3b: {  	_ = 	snop  }
0x3c: {  	p2 =	seq.s32 s10, $0x1;
	s10 =	sld [smem:$0x3FB1]  }
0x3d: {  	_ =	shalt  }
0x3e: {  	_ =	shalt  }
0x3f: {  	_ =	shalt  }
0x40: {  	_ =	shalt  }
0x41: {  	_ =	shalt  }
0x42: {  	_ =	shalt  }
0x43: {  	_ =	shalt  }
0x44: {  	_ =	shalt  }
0x45: {  	_ =	shalt  }
0x46: {  	_ =	shalt  }
0x47: {  	_ =	shalt  }
0x48: {  	_ =	shalt  }
0x49: {  	_ =	shalt  }
0x4a: {  	_ =	shalt  }
0x4b: {  	_ =	shalt  }
0x4c: {  	_ =	shalt  }
0x4d: {  	_ =	shalt  }
0x4e: {  	_ =	shalt  }
0x4f: {  	_ =	shalt  }
0x50: {  	_ =	shalt  }
0x51: {  	_ =	shalt  }
0x52: {  	_ =	shalt  }
0x53: {  	_ =	shalt  }
0x54: {  	_ =	shalt  }
0x55: {  	_ =	shalt  }
0x56: {  	_ =	shalt  }
0x57: {  	_ =	shalt  }
0x58: {  	_ =	shalt  }
0x59: {  	_ =	shalt  }
0x5a: {  	_ =	shalt  }
0x5b: {  	_ =	shalt  }
0x5c: {  	_ =	shalt  }
0x5d: {  	_ =	shalt  }
0x5e: {  	_ =	shalt  }
0x5f: {  	_ =	shalt  }
0x60: {  	_ =	shalt  }
0x61: {  	_ =	shalt  }
0x62: {  	_ =	shalt  }
0x63: {  	_ =	shalt  }
0x64: {  	_ =	shalt  }
0x65: {  	_ =	shalt  }
0x66: {  	_ =	shalt  }
0x67: {  	_ =	shalt  }
0x68: {  	_ =	shalt  }
0x69: {  	_ =	shalt  }
0x6a: {  	_ =	shalt  }
0x6b: {  	_ =	shalt  }
0x6c: {  	_ =	shalt  }
0x6d: {  	_ =	shalt  }
0x6e: {  	_ =	shalt  }
0x6f: {  	_ =	shalt  }
0x70: {  	_ =	shalt  }
0x71: {  	_ =	shalt  }
0x72: {  	_ =	shalt  }
0x73: {  	_ =	shalt  }
0x74: {  	_ =	shalt  }
0x75: {  	_ =	shalt  }
0x76: {  	_ =	shalt  }
0x77: {  	_ =	shalt  }
0x78: {  	_ =	shalt  }
0x79: {  	_ =	shalt  }
0x7a: {  	_ =	shalt  }
0x7b: {  	_ =	shalt  }
0x7c: {  	_ =	shalt  }
0x7d: {  	_ =	shalt  }
0x7e: {  	_ =	shalt  }
0x7f: {  	_ =	shalt  }
0x80: {  	_ =	shalt  }
0x81: {  	_ =	shalt  }
0x82: {  	_ =	shalt  }
0x83: {  	_ =	shalt  }
0x84: {  	_ =	shalt  }
0x85: {  	_ =	shalt  }
0x86: {  	_ =	shalt  }
0x87: {  	_ =	shalt  }
.Lfunc_end0:
.L_simem_size_0:
called_computation.1_lowered:
.L_overlay_start_0:
0x88: {  	s2 =	sld [smem:$0x3FD9]  }
0x89: {  	s3 =	sld [smem:$0x3FFE];
	_ =	sdelay $0x1  }
0x8a: {  	s1 =	srdreg.scid  }
0x8b: {  	s0 =	sand.u32 $0x1, s1  }
0x8c: {  	s16 =	sshll.u32 s0, $0xA;
	s2 =	sadd.s32 s3, s2  }
0x8d: {  	s2 =	sadd.s32 s2, s16  }
0x8e: {  	[smem:$0x3FBD] =	sst s2  }
0x8f: {  	_ = 	snop  }
0x90: {  	(tm) =	ssettm $0x1  }
0x91: {  	s17 =	sld [smem:$0x3FFB];
	_ =	sdelay $0x3  }
0x92: {  	_ =	strace s17  }
0x93: {  	s2 =	sld [smem:$0x3FFC];
	_ =	sdelay $0x3  }
0x94: {  	_ =	strace s2  }
0x95: {  	s2 =	sld [smem:$0x3FFD];
	_ =	sdelay $0x3  }
0x96: {  	_ =	strace s2  }
0x97: {  	_ =	strace $0x8FFFFFFF  }
0x98: {  	s18 =	sld [smem:$0x3FDB];
	_ =	sdelay $0x1  }
0x99: {  	s19 =	simm.s32 $_scs_section_size  }
0x9a: {  	s4 =	simm.s32 $_size__tile_overlayer_lowered;
	s5 =	simm.s32 $_tile_overlayer_lowered  }
0x9b: {  	s22 =	simm.s32 $0x1BFF;
	s21 =	sshll.u32 s5, $0x1;
	s2 =	sadd.s32 s19, s18  }
0x9c: {  	s6 =	simm.s32 $0x0;
	s20 =	sshll.u32 s4, $0x1;
	s4 =	sadd.s32 s21, s2  }
0x9d: {  	[timem:s6], [sflag:s22] =	dma.local [hbm:s4], s20  }
0x9e: {  	_ =	swait.ge [sflag:s22], s20  }
0x9f: {  	s3 =	ssub.s32 $0x0, s20;
	[sflag:s22] =	ssyncset.done $0x0  }
0xa0: {  	[sflag:s22] =	ssyncadd.s32 s3;
	_ =	sdelay $0x1  }
0xa1: {  	s23 =	simm.s32 $0x1B8B  }
0xa2: {  	_ =	swait.ge [sflag:s23], $0x1  }
0xa3: {  	[sflag:s23] =	ssyncset.done $0x0  }
0xa4: {  	s25 =	simm.s32 $0x1B8E;
	s24 =	sld [smem:$0x3FFE];
	[sflag:s23] =	ssyncadd.s32 $0xFFFFFFFF  }
0xa5: {  	s26 =	simm.s32 $execute0_lowered;
	[smem:$0x3FD2] =	sst s25  }
0xa6: {  	s4 =	sshll.u32 s26, $0x1;
	_ =	strace $0x80000049;
	[dreg:$0x1] =	wrdreg $0xFFFFFFFF  }
0xa7: {  	s28 =	simm.s32 $_size_execute0_lowered;
	s2 =	sadd.s32 s2, s4;
	[dreg:$0x0] =	wrdreg $0x0  }
0xa8: {  	s4 =	sshll.u32 s28, $0x1;
	[dreg:$0x2] =	wrdreg s2  }
0xa9: {  	[dreg:$0x3] =	wrdreg s4  }
0xaa: {  	[dreg:$0x4] =	wrdreg $0xC0  }
0xab: {  	_ =	task [dreg:s6], $0x5FFFF  }
0xac: {  	[dreg:$0x1] =	wrdreg $0xFFFFFFFF  }
0xad: {  	[dreg:$0x0] =	wrdreg $0x60  }
0xae: {  	[dreg:$0x2] =	wrdreg s24  }
0xaf: {  	[dreg:$0x3] =	wrdreg $0x9  }
0xb0: {  	_ =	task.clear_ibuf [dreg:s6], $0x4FFFF;
	_ =	strace $0x90000049  }
0xb1: {  	s29 =	simm.s32 $0x9;
	_ =	strace $0x8000004B  }
0xb2: {  	_ =	swait.ge [sflag:s29], $0x1  }
0xb3: {  	[sflag:s29] =	ssyncadd.s32 $0xFFFFFFFF  }
0xb4: {  	_ =	strace $0x9000004B  }
0xb5: {  	_ =	sfence  }
0xb6: {  	s30 =	sld [smem:$0x0];
	_ =	sdelay $0x2  }
0xb7: {  	s31 =	sshll.u32 s1, $0xD;
	s1 =	sshrl.u32 s1, $0x2  }
0xb8: {  	s3 =	sand.u32 $0x4000, s31;
	s1 =	sadd.s32 s1, s30  }
0xb9: {  	s0 =	sor.u32 s3, s0;
	s1 =	sshll.u32 s1, $0x11  }
0xba: {  	s0 =	sor.u32 s1, s0  }
0xbb: {  	s0 =	sadd.s32 $0x8F2B, s0  }
0xbc: {  	[sflag:s0] =	ssyncadd.remote.s32 $0x1  }
0xbd: {  	_ =	sfence.sel $0xFFFF  }
0xbe: {  	[dreg:$0x0] =	wrdreg $0xFFFFFFFF;
	(pc) =	sbr.abs _section_cstart, $3  }
0xbf: {  	[dreg:$0x1] =	wrdreg $0xFFFFFFFF  }
0xc0: {  	_ =	task.clear_ibuf [dreg:s6], $0x2FFFF;
	_ =	strace $0x9FFFFFFF  }
0xc1: {  	(tm) =	ssettm $0x7FFFFFFF  }
tec
execute0_lowered:
.L_overlay_start_1:
0x0: {  	(tag) =	ssettag $0x1  }
0x1: {  	s0 =	rddreg [dreg:$0x0]  }
0x2: {  	s1 =	simm.s32 $0x0;
	s25 =	srdreg.scid;
	s3 =	stileid.u32  }
0x3: {  	[smem:$0x7FF] =	sst s1;
	s1 =	sand.u32 $0x1, s25;
	s2 =	sadd.s32 $0x156C00, s0  }
0x4: {  	s4 =	sadd.s32 $0x38CC00, s0;
	s5 =	sshll.u32 s3, $0x1;
	s29 =	sadd.s32 $0x2AAC00, s0  }
0x5: {  	s0 =	sadd.s32 $0x31EC00, s0;
	_ =	strace $0x8000004A;
	[dreg:$0x2] =	wrdreg s2  }
0x6: {  	s26 =	ssub.s32 $0x2, s1;
	[dreg:$0x3] =	wrdreg s4;
	s1 =	sor.u32 s1, s5  }
0x7: {  	[dreg:$0x4] =	wrdreg s29;
	s28 =	sshrl.u32 s26, $0x1;
	s30 =	smul.u32 $0xE8, s1  }
0x8: {  	[dreg:$0x5] =	wrdreg s0;
	s2 =	ssub.s32 s26, s28  }
0x9: {  	s18 =	simm.s32 $0x1;
	[dreg:$0x6] =	wrdreg s30;
	s31 =	smax.u32 s2, $0x1  }
0xa: {  	s1 =	simm.s32 $0x0;
	s2 =	simm.s32 $0x2;
	[dreg:$0x7] =	wrdreg s31  }
.LBB2_1:
0xb: {  	[dreg:$0x8] =	wrdreg s1;
	s0 =	simm.s32 $0x0  }
.LBB2_2:
0xc: {  	[dreg:$0x9] =	wrdreg s0  }
0xd: {  	s19 =	sshll.u32 s0, $0x2;
	s1 =	rddreg [dreg:$0x6]  }
0xe: {  	s20 =	rddreg [dreg:$0x3];
	s0 =	sadd.s32 s1, s19  }
0xf: {  	[dreg:$0xa] =	wrdreg s0;
	s0 =	sshll.u32 s0, $0x6  }
0x10: {  	s22 =	simm.s32 $0x0;
	s1 =	sadd.s32 s20, s0  }
0x11: {  	[tilespmem:s22], [sflag:$0x2] =	stream.linear.gather [hbm4b:s1+s22], $0x800, $0x38;
	[tilespmem:$0x11400] =	vst v63  }
0x12: {  	_ =	swait.ge [sflag:s2], $0x800  }
0x13: {  	[sflag:s2] =	ssyncset.done $0x0;
	s21 =	rddreg [dreg:$0x4]  }
0x14: {  	s23 =	simm.s32 $0x800;
	[sflag:s2] =	ssyncadd.s32 $0xFFFFF800;
	s0 =	sadd.s32 s21, s0  }
0x15: {  	[tilespmem:s23], [sflag:$0x2] =	stream.linear.gather [hbm4b:s0+s22], $0x800, $0x38;
	[tilespmem:$0x11400] =	vst v63  }
0x16: {  	_ =	swait.ge [sflag:s2], $0x800  }
0x17: {  	s24 =	simm.s32 $0x1000;
	[sflag:s2] =	ssyncset.done $0x0  }
0x18: {  	s1 =	simm.s32 $0x80;
	s0 =	rddreg [dreg:$0x2];
	[sflag:s2] =	ssyncadd.s32 $0xFFFFF800  }
0x19: {  	[tilespmem:s24], [sflag:$0x1] =	stream.indirect.gather [hbm4b:s0+s1], $0x20, s22, s1, $0xb8;
	[tilespmem:$0x11400] =	vst v63  }
0x1a: {  	s25 =	simm.s32 $0x2000  }
0x1b: {  	[tilespmem:s25], [sflag:$0x1] =	stream.indirect.gather [hbm4b:s0+s1], $0x20, s1, s1, $0xb8;
	[tilespmem:$0x11400] =	vst v63  }
0x1c: {  	s26 =	simm.s32 $0x100;
	s3 =	simm.s32 $0x3000  }
0x1d: {  	[tilespmem:s3], [sflag:$0x1] =	stream.indirect.gather [hbm4b:s0+s1], $0x20, s26, s1, $0xb8;
	[tilespmem:$0x11400] =	vst v63  }
0x1e: {  	s4 =	simm.s32 $0x4000;
	s3 =	simm.s32 $0x180  }
0x1f: {  	[tilespmem:s4], [sflag:$0x1] =	stream.indirect.gather [hbm4b:s0+s1], $0x20, s3, s1, $0xb8;
	[tilespmem:$0x11400] =	vst v63  }
0x20: {  	s5 =	simm.s32 $0x200;
	s6 =	simm.s32 $0x5000  }
0x21: {  	[tilespmem:s6], [sflag:$0x1] =	stream.indirect.gather [hbm4b:s0+s1], $0x20, s5, s1, $0xb8;
	[tilespmem:$0x11400] =	vst v63  }
0x22: {  	s7 =	simm.s32 $0x280;
	s8 =	simm.s32 $0x6000  }
0x23: {  	[tilespmem:s8], [sflag:$0x1] =	stream.indirect.gather [hbm4b:s0+s1], $0x20, s7, s1, $0xb8;
	[tilespmem:$0x11400] =	vst v63  }
0x24: {  	s9 =	simm.s32 $0x300;
	s10 =	simm.s32 $0x7000  }
0x25: {  	[tilespmem:s10], [sflag:$0x1] =	stream.indirect.gather [hbm4b:s0+s1], $0x20, s9, s1, $0xb8;
	[tilespmem:$0x11400] =	vst v63  }
0x26: {  	s11 =	simm.s32 $0x380;
	s12 =	simm.s32 $0x8000  }
0x27: {  	[tilespmem:s12], [sflag:$0x1] =	stream.indirect.gather [hbm4b:s0+s1], $0x20, s11, s1, $0xb8;
	[tilespmem:$0x11400] =	vst v63  }
0x28: {  	s13 =	simm.s32 $0x400;
	s14 =	simm.s32 $0x9000  }
0x29: {  	[tilespmem:s14], [sflag:$0x1] =	stream.indirect.gather [hbm4b:s0+s1], $0x20, s13, s1, $0xb8;
	[tilespmem:$0x11400] =	vst v63  }
0x2a: {  	s15 =	simm.s32 $0x480;
	s16 =	simm.s32 $0xA000  }
0x2b: {  	[tilespmem:s16], [sflag:$0x1] =	stream.indirect.gather [hbm4b:s0+s1], $0x20, s15, s1, $0xb8;
	[tilespmem:$0x11400] =	vst v63  }
0x2c: {  	s17 =	simm.s32 $0x500;
	s19 =	simm.s32 $0xB000  }
0x2d: {  	[tilespmem:s19], [sflag:$0x1] =	stream.indirect.gather [hbm4b:s0+s1], $0x20, s17, s1, $0xb8;
	[tilespmem:$0x11400] =	vst v63  }
0x2e: {  	s20 =	simm.s32 $0x580;
	s21 =	simm.s32 $0xC000  }
0x2f: {  	[tilespmem:s21], [sflag:$0x1] =	stream.indirect.gather [hbm4b:s0+s1], $0x20, s20, s1, $0xb8;
	[tilespmem:$0x11400] =	vst v63  }
0x30: {  	s23 =	simm.s32 $0x600;
	s24 =	simm.s32 $0xD000  }
0x31: {  	[tilespmem:s24], [sflag:$0x1] =	stream.indirect.gather [hbm4b:s0+s1], $0x20, s23, s1, $0xb8;
	[tilespmem:$0x11400] =	vst v63  }
0x32: {  	s25 =	simm.s32 $0x680;
	s26 =	simm.s32 $0xE000  }
0x33: {  	[tilespmem:s26], [sflag:$0x1] =	stream.indirect.gather [hbm4b:s0+s1], $0x20, s25, s1, $0xb8;
	[tilespmem:$0x11400] =	vst v63  }
0x34: {  	s4 =	simm.s32 $0x700;
	s5 =	simm.s32 $0xF000  }
0x35: {  	[tilespmem:s5], [sflag:$0x1] =	stream.indirect.gather [hbm4b:s0+s1], $0x20, s4, s1, $0xb8;
	[tilespmem:$0x11400] =	vst v63  }
0x36: {  	s6 =	simm.s32 $0x780;
	s7 =	simm.s32 $0x10000  }
0x37: {  	[tilespmem:s7], [sflag:$0x1] =	stream.indirect.gather [hbm4b:s0+s1], $0x20, s6, s1, $0xb8;
	[tilespmem:$0x11400] =	vst v63  }
0x38: {  	_ =	swait.ge [sflag:s18], $0x1000  }
0x39: {  	[sflag:s18] =	ssyncset.done $0x0  }
0x3a: {  	[sflag:s18] =	ssyncadd.s32 $0xFFFFF000  }
0x3b: {  	_ =	swait.ge [sflag:s18], $0x1000  }
0x3c: {  	[sflag:s18] =	ssyncset.done $0x0  }
0x3d: {  	[sflag:s18] =	ssyncadd.s32 $0xFFFFF000  }
0x3e: {  	_ =	swait.ge [sflag:s18], $0x1000  }
0x3f: {  	[sflag:s18] =	ssyncset.done $0x0  }
0x40: {  	[sflag:s18] =	ssyncadd.s32 $0xFFFFF000  }
0x41: {  	_ =	swait.ge [sflag:s18], $0x1000  }
0x42: {  	[sflag:s18] =	ssyncset.done $0x0  }
0x43: {  	[sflag:s18] =	ssyncadd.s32 $0xFFFFF000  }
0x44: {  	_ =	swait.ge [sflag:s18], $0x1000  }
0x45: {  	[sflag:s18] =	ssyncset.done $0x0  }
0x46: {  	[sflag:s18] =	ssyncadd.s32 $0xFFFFF000  }
0x47: {  	_ =	swait.ge [sflag:s18], $0x1000  }
0x48: {  	[sflag:s18] =	ssyncset.done $0x0  }
0x49: {  	[sflag:s18] =	ssyncadd.s32 $0xFFFFF000  }
0x4a: {  	_ =	swait.ge [sflag:s18], $0x1000  }
0x4b: {  	[sflag:s18] =	ssyncset.done $0x0  }
0x4c: {  	[sflag:s18] =	ssyncadd.s32 $0xFFFFF000  }
0x4d: {  	_ =	swait.ge [sflag:s18], $0x1000  }
0x4e: {  	[sflag:s18] =	ssyncset.done $0x0  }
0x4f: {  	[sflag:s18] =	ssyncadd.s32 $0xFFFFF000  }
0x50: {  	_ =	swait.ge [sflag:s18], $0x1000  }
0x51: {  	[sflag:s18] =	ssyncset.done $0x0  }
0x52: {  	[sflag:s18] =	ssyncadd.s32 $0xFFFFF000  }
0x53: {  	_ =	swait.ge [sflag:s18], $0x1000  }
0x54: {  	[sflag:s18] =	ssyncset.done $0x0  }
0x55: {  	[sflag:s18] =	ssyncadd.s32 $0xFFFFF000  }
0x56: {  	_ =	swait.ge [sflag:s18], $0x1000  }
0x57: {  	[sflag:s18] =	ssyncset.done $0x0  }
0x58: {  	[sflag:s18] =	ssyncadd.s32 $0xFFFFF000  }
0x59: {  	_ =	swait.ge [sflag:s18], $0x1000  }
0x5a: {  	[sflag:s18] =	ssyncset.done $0x0  }
0x5b: {  	[sflag:s18] =	ssyncadd.s32 $0xFFFFF000  }
0x5c: {  	_ =	swait.ge [sflag:s18], $0x1000  }
0x5d: {  	[sflag:s18] =	ssyncset.done $0x0  }
0x5e: {  	[sflag:s18] =	ssyncadd.s32 $0xFFFFF000  }
0x5f: {  	_ =	swait.ge [sflag:s18], $0x1000  }
0x60: {  	[sflag:s18] =	ssyncset.done $0x0  }
0x61: {  	[sflag:s18] =	ssyncadd.s32 $0xFFFFF000  }
0x62: {  	_ =	swait.ge [sflag:s18], $0x1000  }
0x63: {  	[sflag:s18] =	ssyncset.done $0x0  }
0x64: {  	s8 =	sand.u32 $0x7, s22;
	s9 =	simm.s32 $0x0;
	[sflag:s18] =	ssyncadd.s32 $0xFFFFF000  }
0x65: {  	s10 =	simm.s32 $0x0;
	s17 =	sshll.u32 s8, $0x9;
	_ =	swait.ge [sflag:s18], $0x1000  }
0x66: {  	s21 =	sshll.u32 s8, $0x4;
	s1 =	sand.u32 $0x3FFFFE00, s9;
	[sflag:s18] =	ssyncset.done $0x0  }
0x67: {  	s23 =	sor.u32 $0x1000, s10;
	s11 =	sor.u32 s21, s1;
	[sflag:s18] =	ssyncadd.s32 $0xFFFFF000  }
0x68: {  	s12 =	sor.u32 s17, s23;
	v2 =	vld [tilespmem:s11+$0x800]  }
0x69: {  	s16 =	sor.u32 $0x20, s17;
	v0 =	vld [tilespmem:s12+$0x0]  }
0x6a: {  	s13 =	sor.u32 s16, s23;
	v1 =	vld [tilespmem:s12+$0x10]  }
0x6b: {  	s14 =	sor.u32 $0x40, s17;
	v3 =	vld [tilespmem:s13+$0x0]  }
0x6c: {  	s15 =	sor.u32 s14, s23;
	v4 =	vld [tilespmem:s13+$0x10]  }
0x6d: {  	s8 =	sor.u32 $0x60, s17;
	v5 =	vld [tilespmem:s15+$0x0]  }
0x6e: {  	s19 =	sor.u32 s8, s23;
	v6 =	vld [tilespmem:s15+$0x10]  }
0x6f: {  	s4 =	sor.u32 $0x80, s17;
	v8 =	vld [tilespmem:s19+$0x0];
	v7 =	vbroadcast v2, $0x0  }
0x70: {  	s20 =	sor.u32 s4, s23;
	v9 =	vld [tilespmem:s19+$0x10]  }
0x71: {  	s0 =	sor.u32 $0xA0, s17;
	v11 =	vld [tilespmem:s20+$0x0];
	v10 =	vbroadcast v2, $0x1;
	v0 =	vmul.f32 v0, v7  }
0x72: {  	s2 =	sor.u32 s0, s23;
	v58 =	vld [tilespmem:s20+$0x10];
	v1 =	vmul.f32 v1, v7  }
0x73: {  	s1 =	sor.u32 $0xC0, s17;
	v13 =	vld [tilespmem:s2+$0x0];
	v12 =	vbroadcast v2, $0x2;
	v3 =	vmul.f32 v3, v10;
	v0 =	vadd.f32 $0.0e+00, v0  }
0x74: {  	s5 =	sor.u32 s1, s23;
	v59 =	vld [tilespmem:s2+$0x10];
	v4 =	vmul.f32 v4, v10;
	v1 =	vadd.f32 $0.0e+00, v1  }
0x75: {  	s10 =	sor.u32 $0x160, s17;
	v14 =	vld [tilespmem:s5+$0x0];
	v60 =	vbroadcast v2, $0x3;
	v0 =	vadd.f32 v3, v0;
	v3 =	vmul.f32 v5, v12  }
0x76: {  	s25 =	sor.u32 s10, s23;
	v62 =	vld [tilespmem:s5+$0x10];
	v61 =	vmul.f32 v6, v12;
	v1 =	vadd.f32 v4, v1  }
0x77: {  	s2 =	sor.u32 $0xE0, s17;
	v32 =	vld [tilespmem:s25+$0x0];
	v63 =	vbroadcast v2, $0x4;
	v0 =	vadd.f32 v3, v0;
	v3 =	vmul.f32 v8, v60  }
0x78: {  	v34 =	vld [tilespmem:s25+$0x10];
	s6 =	sor.u32 s2, s23;
	v17 =	vmul.f32 v9, v60;
	v1 =	vadd.f32 v61, v1  }
0x79: {  	s5 =	sor.u32 $0x100, s17;
	v16 =	vld [tilespmem:s6+$0x0];
	v19 =	vbroadcast v2, $0x5;
	v0 =	vadd.f32 v3, v0;
	v3 =	vmul.f32 v11, v63  }
0x7a: {  	s7 =	sor.u32 s5, s23;
	v18 =	vld [tilespmem:s6+$0x10];
	v21 =	vmul.f32 v58, v63;
	v1 =	vadd.f32 v17, v1  }
0x7b: {  	s12 =	sor.u32 $0x180, s17;
	v20 =	vld [tilespmem:s7+$0x0];
	v23 =	vbroadcast v2, $0x6;
	v0 =	vadd.f32 v3, v0;
	v3 =	vmul.f32 v13, v19  }
0x7c: {  	s11 =	sor.u32 s12, s23;
	s6 =	sor.u32 $0x120, s17;
	v22 =	vld [tilespmem:s7+$0x10];
	v25 =	vmul.f32 v59, v19;
	v1 =	vadd.f32 v21, v1  }
0x7d: {  	v36 =	vld [tilespmem:s11+$0x0];
	s9 =	sor.u32 s6, s23;
	v27 =	vbroadcast v2, $0x7;
	v0 =	vadd.f32 v3, v0;
	v3 =	vmul.f32 v14, v23  }
0x7e: {  	s7 =	sor.u32 $0x140, s17;
	v24 =	vld [tilespmem:s9+$0x0];
	v29 =	vmul.f32 v62, v23;
	v1 =	vadd.f32 v25, v1  }
0x7f: {  	s24 =	sor.u32 s7, s23;
	v26 =	vld [tilespmem:s9+$0x10];
	v31 =	vbroadcast v2, $0x8;
	v0 =	vadd.f32 v3, v0;
	v3 =	vmul.f32 v16, v27  }
0x80: {  	v28 =	vld [tilespmem:s24+$0x0];
	v33 =	vmul.f32 v18, v27;
	v1 =	vadd.f32 v29, v1  }
0x81: {  	s13 =	sor.u32 $0x1A0, s17;
	v30 =	vld [tilespmem:s24+$0x10];
	v35 =	vbroadcast v2, $0x9;
	v0 =	vadd.f32 v3, v0;
	v3 =	vmul.f32 v20, v31  }
0x82: {  	s26 =	sor.u32 s13, s23;
	v38 =	vld [tilespmem:s11+$0x10];
	s9 =	simm.s32 $0x0;
	v37 =	vmul.f32 v22, v31;
	v1 =	vadd.f32 v33, v1  }
0x83: {  	s15 =	sor.u32 $0x1C0, s17;
	v40 =	vld [tilespmem:s26+$0x0];
	s19 =	sor.u32 $0x1, s9;
	v39 =	vbroadcast v2, $0xA;
	v0 =	vadd.f32 v3, v0;
	v3 =	vmul.f32 v24, v35  }
0x84: {  	s3 =	sor.u32 s15, s23;
	v42 =	vld [tilespmem:s26+$0x10];
	s20 =	sshll.u32 s19, $0xE;
	s19 =	sshll.u32 s19, $0x7;
	v41 =	vmul.f32 v26, v35;
	v1 =	vadd.f32 v37, v1  }
0x85: {  	v44 =	vld [tilespmem:s3+$0x0];
	v43 =	vbroadcast v2, $0xB;
	s24 =	sand.u32 $0x3FFFFE80, s19;
	s19 =	sor.u32 $0x1E0, s17;
	v0 =	vadd.f32 v3, v0;
	v3 =	vmul.f32 v28, v39  }
0x86: {  	v15 =	vld [tilespmem:s3+$0x10];
	s20 =	sshra.s32 s20, $0x2;
	s23 =	sor.u32 s19, s23;
	v6 =	vmul.f32 v30, v39;
	v4 =	vadd.f32 v41, v1  }
0x87: {  	v46 =	vbroadcast v2, $0xC;
	v45 =	vmul.f32 v32, v43;
	s20 =	sadd.s32 $0x1000, s20;
	v47 =	vld [tilespmem:s23+$0x0];
	v3 =	vadd.f32 v3, v0  }
0x88: {  	v51 =	vld [tilespmem:s23+$0x10];
	s26 =	sor.u32 s17, s20;
	v5 =	vmul.f32 v34, v43;
	v4 =	vadd.f32 v6, v4  }
0x89: {  	v49 =	vbroadcast v2, $0xD;
	v48 =	vmul.f32 v36, v46;
	s25 =	sor.u32 s21, s24;
	v54 =	vld [tilespmem:s26+$0x0];
	v3 =	vadd.f32 v45, v3  }
0x8a: {  	v50 =	vmul.f32 v38, v46;
	v1 =	vld [tilespmem:s25+$0x800];
	v4 =	vadd.f32 v5, v4  }
0x8b: {  	v53 =	vbroadcast v2, $0xE;
	v52 =	vmul.f32 v40, v49;
	s3 =	sor.u32 s16, s20;
	v56 =	vld [tilespmem:s26+$0x10];
	v3 =	vadd.f32 v48, v3  }
0x8c: {  	v55 =	vmul.f32 v42, v49;
	s24 =	sor.u32 s14, s20;
	v58 =	vld [tilespmem:s3+$0x0];
	v4 =	vadd.f32 v50, v4  }
0x8d: {  	v2 =	vbroadcast v2, $0xF;
	v57 =	vmul.f32 v44, v53;
	v62 =	vld [tilespmem:s24+$0x0];
	v3 =	vadd.f32 v52, v3  }
0x8e: {  	v59 =	vmul.f32 v15, v53;
	v60 =	vld [tilespmem:s3+$0x10];
	s3 =	sor.u32 s0, s20;
	v4 =	vadd.f32 v55, v4  }
0x8f: {  	v30 =	vld [tilespmem:s3+$0x10];
	v6 =	vmul.f32 v47, v2;
	v61 =	vbroadcast v1, $0x0;
	v3 =	vadd.f32 v57, v3  }
0x90: {  	s26 =	sor.u32 s4, s20;
	v63 =	vld [tilespmem:s24+$0x10];
	v2 =	vmul.f32 v51, v2;
	v4 =	vadd.f32 v59, v4  }
0x91: {  	v23 =	vld [tilespmem:s26+$0x0];
	s25 =	sor.u32 s8, s20;
	v17 =	vbroadcast v1, $0x1;
	v16 =	vmul.f32 v54, v61;
	v3 =	vadd.f32 v6, v3  }
0x92: {  	v18 =	vld [tilespmem:s25+$0x0];
	v19 =	vmul.f32 v56, v61;
	v2 =	vadd.f32 v2, v4  }
0x93: {  	v20 =	vld [tilespmem:s25+$0x10];
	v22 =	vbroadcast v1, $0x2;
	v21 =	vmul.f32 v58, v17;
	v3 =	vadd.f32 v16, v3  }
0x94: {  	v25 =	vld [tilespmem:s26+$0x10];
	s26 =	sor.u32 s5, s20;
	v24 =	vmul.f32 v60, v17;
	v2 =	vadd.f32 v19, v2  }
0x95: {  	v43 =	vld [tilespmem:s26+$0x0];
	v27 =	vbroadcast v1, $0x3;
	v26 =	vmul.f32 v62, v22;
	v3 =	vadd.f32 v21, v3  }
0x96: {  	s24 =	sor.u32 s1, s20;
	v28 =	vld [tilespmem:s3+$0x0];
	v29 =	vmul.f32 v63, v22;
	v2 =	vadd.f32 v24, v2  }
0x97: {  	v33 =	vld [tilespmem:s24+$0x0];
	v32 =	vbroadcast v1, $0x4;
	v31 =	vmul.f32 v18, v27;
	v3 =	vadd.f32 v26, v3  }
0x98: {  	v35 =	vld [tilespmem:s24+$0x10];
	s24 =	sor.u32 s7, s20;
	v34 =	vmul.f32 v20, v27;
	v2 =	vadd.f32 v29, v2  }
0x99: {  	v53 =	vld [tilespmem:s24+$0x0];
	s25 =	sor.u32 s2, s20;
	v37 =	vbroadcast v1, $0x5;
	v36 =	vmul.f32 v23, v32;
	v3 =	vadd.f32 v31, v3  }
0x9a: {  	v38 =	vld [tilespmem:s25+$0x0];
	v39 =	vmul.f32 v25, v32;
	v2 =	vadd.f32 v34, v2  }
0x9b: {  	s11 =	sor.u32 s19, s20;
	v40 =	vld [tilespmem:s25+$0x10];
	v42 =	vbroadcast v1, $0x6;
	v41 =	vmul.f32 v28, v37;
	v3 =	vadd.f32 v36, v3  }
0x9c: {  	v0 =	vld [tilespmem:s11+$0x0];
	v44 =	vmul.f32 v30, v37;
	v2 =	vadd.f32 v39, v2  }
0x9d: {  	s3 =	sor.u32 s6, s20;
	v45 =	vld [tilespmem:s26+$0x10];
	v47 =	vbroadcast v1, $0x7;
	v46 =	vmul.f32 v33, v42;
	v3 =	vadd.f32 v41, v3  }
0x9e: {  	v48 =	vld [tilespmem:s3+$0x0];
	v49 =	vmul.f32 v35, v42;
	v2 =	vadd.f32 v44, v2  }
0x9f: {  	s25 =	sor.u32 s10, s20;
	v50 =	vld [tilespmem:s3+$0x10];
	v51 =	vmul.f32 v38, v47;
	v52 =	vbroadcast v1, $0x8;
	v3 =	vadd.f32 v46, v3  }
0xa0: {  	v54 =	vmul.f32 v40, v47;
	v58 =	vld [tilespmem:s25+$0x0];
	v2 =	vadd.f32 v49, v2  }
0xa1: {  	v55 =	vld [tilespmem:s24+$0x10];
	v56 =	vmul.f32 v43, v52;
	v57 =	vbroadcast v1, $0x9;
	v3 =	vadd.f32 v51, v3  }
0xa2: {  	s26 =	sor.u32 s12, s20;
	v60 =	vld [tilespmem:s25+$0x10];
	v59 =	vmul.f32 v45, v52;
	v2 =	vadd.f32 v54, v2  }
0xa3: {  	s3 =	sor.u32 s13, s20;
	s20 =	sor.u32 s15, s20;
	v62 =	vbroadcast v1, $0xA;
	v63 =	vld [tilespmem:s26+$0x0];
	v61 =	vmul.f32 v48, v57;
	v3 =	vadd.f32 v56, v3  }
0xa4: {  	s9 =	sor.u32 $0x2, s9;
	v25 =	vld [tilespmem:s20+$0x10];
	v15 =	vmul.f32 v50, v57;
	v2 =	vadd.f32 v59, v2  }
0xa5: {  	v18 =	vbroadcast v1, $0xB;
	s24 =	sshll.u32 s9, $0x7;
	s9 =	sshll.u32 s9, $0xE;
	v17 =	vmul.f32 v53, v62;
	v16 =	vld [tilespmem:s26+$0x10];
	v3 =	vadd.f32 v61, v3  }
0xa6: {  	s9 =	sshra.s32 s9, $0x2;
	v20 =	vmul.f32 v55, v62;
	v19 =	vld [tilespmem:s3+$0x0];
	v2 =	vadd.f32 v15, v2  }
0xa7: {  	v23 =	vbroadcast v1, $0xC;
	s23 =	sand.u32 $0x3FFFFF00, s24;
	s9 =	sor.u32 $0x1000, s9;
	v22 =	vmul.f32 v58, v18;
	v21 =	vld [tilespmem:s3+$0x10];
	v3 =	vadd.f32 v17, v3  }
0xa8: {  	s25 =	sor.u32 s21, s23;
	s23 =	sor.u32 s8, s9;
	v5 =	vmul.f32 v60, v18;
	v24 =	vld [tilespmem:s20+$0x0];
	v4 =	vadd.f32 v20, v2  }
0xa9: {  	v27 =	vbroadcast v1, $0xD;
	v43 =	vld [tilespmem:s23+$0x0];
	v26 =	vmul.f32 v63, v23;
	v3 =	vadd.f32 v22, v3  }
0xaa: {  	v28 =	vmul.f32 v16, v23;
	v2 =	vld [tilespmem:s25+$0x800];
	v4 =	vadd.f32 v5, v4  }
0xab: {  	s26 =	sor.u32 s17, s9;
	v29 =	vld [tilespmem:s11+$0x10];
	v30 =	vmul.f32 v19, v27;
	v31 =	vbroadcast v1, $0xE;
	v3 =	vadd.f32 v26, v3  }
0xac: {  	v32 =	vld [tilespmem:s26+$0x0];
	v33 =	vmul.f32 v21, v27;
	v4 =	vadd.f32 v28, v4  }
0xad: {  	s3 =	sor.u32 s16, s9;
	v34 =	vld [tilespmem:s26+$0x10];
	v1 =	vbroadcast v1, $0xF;
	v35 =	vmul.f32 v24, v31;
	v3 =	vadd.f32 v30, v3  }
0xae: {  	v36 =	vld [tilespmem:s3+$0x0];
	v37 =	vmul.f32 v25, v31;
	v4 =	vadd.f32 v33, v4  }
0xaf: {  	s20 =	sor.u32 s14, s9;
	v38 =	vld [tilespmem:s3+$0x10];
	v0 =	vmul.f32 v0, v1;
	v39 =	vbroadcast v2, $0x0;
	v3 =	vadd.f32 v35, v3  }
0xb0: {  	v40 =	vld [tilespmem:s20+$0x0];
	v1 =	vmul.f32 v29, v1;
	v4 =	vadd.f32 v37, v4  }
0xb1: {  	v41 =	vld [tilespmem:s20+$0x10];
	v42 =	vbroadcast v2, $0x1;
	v0 =	vadd.f32 v0, v3;
	v3 =	vmul.f32 v32, v39  }
0xb2: {  	s24 =	sor.u32 s4, s9;
	v45 =	vld [tilespmem:s23+$0x10];
	v44 =	vmul.f32 v34, v39;
	v1 =	vadd.f32 v1, v4  }
0xb3: {  	v47 =	vld [tilespmem:s24+$0x0];
	s23 =	sor.u32 s6, s9;
	v46 =	vbroadcast v2, $0x2;
	v0 =	vadd.f32 v3, v0;
	v3 =	vmul.f32 v36, v42  }
0xb4: {  	v19 =	vld [tilespmem:s23+$0x0];
	v48 =	vmul.f32 v38, v42;
	v1 =	vadd.f32 v44, v1  }
0xb5: {  	v49 =	vld [tilespmem:s24+$0x10];
	s25 =	sor.u32 s0, s9;
	v50 =	vbroadcast v2, $0x3;
	v0 =	vadd.f32 v3, v0;
	v3 =	vmul.f32 v40, v46  }
0xb6: {  	v51 =	vld [tilespmem:s25+$0x0];
	v52 =	vmul.f32 v41, v46;
	v1 =	vadd.f32 v48, v1  }
0xb7: {  	s26 =	sor.u32 s1, s9;
	v53 =	vld [tilespmem:s25+$0x10];
	v54 =	vbroadcast v2, $0x4;
	v0 =	vadd.f32 v3, v0;
	v3 =	vmul.f32 v43, v50  }
0xb8: {  	v55 =	vld [tilespmem:s26+$0x0];
	v56 =	vmul.f32 v45, v50;
	v1 =	vadd.f32 v52, v1  }
0xb9: {  	v57 =	vld [tilespmem:s26+$0x10];
	s3 =	sor.u32 s2, s9;
	v58 =	vbroadcast v2, $0x5;
	v0 =	vadd.f32 v3, v0;
	v3 =	vmul.f32 v47, v54  }
0xba: {  	v59 =	vld [tilespmem:s3+$0x0];
	v60 =	vmul.f32 v49, v54;
	v1 =	vadd.f32 v56, v1  }
0xbb: {  	s20 =	sor.u32 s5, s9;
	v61 =	vld [tilespmem:s3+$0x10];
	v62 =	vbroadcast v2, $0x6;
	v0 =	vadd.f32 v3, v0;
	v3 =	vmul.f32 v51, v58  }
0xbc: {  	v63 =	vld [tilespmem:s20+$0x0];
	v16 =	vmul.f32 v53, v58;
	v1 =	vadd.f32 v60, v1  }
0xbd: {  	v17 =	vld [tilespmem:s20+$0x10];
	v18 =	vbroadcast v2, $0x7;
	v0 =	vadd.f32 v3, v0;
	v3 =	vmul.f32 v55, v62  }
0xbe: {  	v21 =	vld [tilespmem:s23+$0x10];
	s26 =	sor.u32 s12, s9;
	v20 =	vmul.f32 v57, v62;
	v1 =	vadd.f32 v16, v1  }
0xbf: {  	v31 =	vld [tilespmem:s26+$0x0];
	s24 =	sor.u32 s7, s9;
	v22 =	vbroadcast v2, $0x8;
	v0 =	vadd.f32 v3, v0;
	v3 =	vmul.f32 v59, v18  }
0xc0: {  	v23 =	vld [tilespmem:s24+$0x0];
	v24 =	vmul.f32 v61, v18;
	v1 =	vadd.f32 v20, v1  }
0xc1: {  	v25 =	vld [tilespmem:s24+$0x10];
	s25 =	sor.u32 s10, s9;
	v26 =	vbroadcast v2, $0x9;
	v0 =	vadd.f32 v3, v0;
	v3 =	vmul.f32 v63, v22  }
0xc2: {  	v27 =	vld [tilespmem:s25+$0x0];
	v28 =	vmul.f32 v17, v22;
	v1 =	vadd.f32 v24, v1  }
0xc3: {  	v29 =	vld [tilespmem:s25+$0x10];
	v30 =	vbroadcast v2, $0xA;
	v0 =	vadd.f32 v3, v0;
	v3 =	vmul.f32 v19, v26  }
0xc4: {  	s24 =	sor.u32 s15, s9;
	v33 =	vld [tilespmem:s26+$0x10];
	v32 =	vmul.f32 v21, v26;
	v1 =	vadd.f32 v28, v1  }
0xc5: {  	s23 =	sor.u32 s13, s9;
	s3 =	simm.s32 $0x0;
	v34 =	vbroadcast v2, $0xB;
	v41 =	vld [tilespmem:s24+$0x10];
	v0 =	vadd.f32 v3, v0;
	v3 =	vmul.f32 v23, v30  }
0xc6: {  	s20 =	sshllo.u32 s3, $0x2;
	v35 =	vld [tilespmem:s23+$0x0];
	v36 =	vmul.f32 v25, v30;
	v1 =	vadd.f32 v32, v1  }
0xc7: {  	s25 =	sshll.u32 s20, $0x7;
	v37 =	vld [tilespmem:s23+$0x10];
	v38 =	vmul.f32 v27, v34;
	v39 =	vbroadcast v2, $0xC;
	v3 =	vadd.f32 v3, v0  }
0xc8: {  	s3 =	sor.u32 s19, s9;
	s20 =	sshll.u32 s20, $0xE;
	s23 =	sand.u32 $0x3FFFFF80, s25;
	v42 =	vmul.f32 v29, v34;
	v40 =	vld [tilespmem:s24+$0x0];
	v1 =	vadd.f32 v36, v1  }
0xc9: {  	s20 =	sshra.s32 s20, $0x2;
	v45 =	vld [tilespmem:s3+$0x0];
	s26 =	sor.u32 s21, s23;
	v44 =	vbroadcast v2, $0xD;
	v43 =	vmul.f32 v31, v39;
	v3 =	vadd.f32 v38, v3  }
0xca: {  	s9 =	sadd.s32 $0x1000, s20;
	v46 =	vmul.f32 v33, v39;
	v0 =	vld [tilespmem:s26+$0x800];
	v1 =	vadd.f32 v42, v1  }
0xcb: {  	v49 =	vbroadcast v2, $0xE;
	s21 =	sor.u32 s17, s9;
	v48 =	vmul.f32 v35, v44;
	v47 =	vld [tilespmem:s3+$0x10];
	v3 =	vadd.f32 v43, v3  }
0xcc: {  	v50 =	vmul.f32 v37, v44;
	v51 =	vld [tilespmem:s21+$0x0];
	v1 =	vadd.f32 v46, v1  }
0xcd: {  	s23 =	sor.u32 s16, s9;
	v2 =	vbroadcast v2, $0xF;
	v52 =	vld [tilespmem:s21+$0x10];
	v53 =	vmul.f32 v40, v49;
	v3 =	vadd.f32 v48, v3  }
0xce: {  	v54 =	vmul.f32 v41, v49;
	v55 =	vld [tilespmem:s23+$0x0];
	v1 =	vadd.f32 v50, v1  }
0xcf: {  	v57 =	vmul.f32 v45, v2;
	s24 =	sor.u32 s14, s9;
	v56 =	vld [tilespmem:s23+$0x10];
	v58 =	vbroadcast v0, $0x0;
	v3 =	vadd.f32 v53, v3  }
0xd0: {  	v2 =	vmul.f32 v47, v2;
	v59 =	vld [tilespmem:s24+$0x0];
	v1 =	vadd.f32 v54, v1  }
0xd1: {  	s8 =	sor.u32 s8, s9;
	v60 =	vld [tilespmem:s24+$0x10];
	v62 =	vbroadcast v0, $0x1;
	v61 =	vmul.f32 v51, v58;
	v3 =	vadd.f32 v57, v3  }
0xd2: {  	v63 =	vld [tilespmem:s8+$0x0];
	v1 =	vadd.f32 v2, v1;
	v2 =	vmul.f32 v52, v58  }
0xd3: {  	s4 =	sor.u32 s4, s9;
	v14 =	vld [tilespmem:s8+$0x10];
	v13 =	vbroadcast v0, $0x2;
	v12 =	vmul.f32 v55, v62;
	v3 =	vadd.f32 v61, v3  }
0xd4: {  	v15 =	vld [tilespmem:s4+$0x0];
	v1 =	vadd.f32 v2, v1;
	v2 =	vmul.f32 v56, v62  }
0xd5: {  	s0 =	sor.u32 s0, s9;
	v17 =	vld [tilespmem:s4+$0x10];
	v16 =	vbroadcast v0, $0x3;
	v4 =	vmul.f32 v59, v13;
	v3 =	vadd.f32 v12, v3  }
0xd6: {  	v18 =	vld [tilespmem:s0+$0x0];
	v1 =	vadd.f32 v2, v1;
	v2 =	vmul.f32 v60, v13  }
0xd7: {  	s25 =	sor.u32 s1, s9;
	v21 =	vld [tilespmem:s0+$0x10];
	v20 =	vbroadcast v0, $0x4;
	v19 =	vmul.f32 v63, v16;
	v3 =	vadd.f32 v4, v3  }
0xd8: {  	v22 =	vld [tilespmem:s25+$0x0];
	v1 =	vadd.f32 v2, v1;
	v2 =	vmul.f32 v14, v16  }
0xd9: {  	v25 =	vld [tilespmem:s25+$0x10];
	s26 =	sor.u32 s2, s9;
	v24 =	vbroadcast v0, $0x5;
	v23 =	vmul.f32 v15, v20;
	v3 =	vadd.f32 v19, v3  }
0xda: {  	v26 =	vld [tilespmem:s26+$0x0];
	v1 =	vadd.f32 v2, v1;
	v2 =	vmul.f32 v17, v20  }
0xdb: {  	s1 =	sor.u32 s5, s9;
	v29 =	vld [tilespmem:s26+$0x10];
	v28 =	vbroadcast v0, $0x6;
	v27 =	vmul.f32 v18, v24;
	v3 =	vadd.f32 v23, v3  }
0xdc: {  	v30 =	vld [tilespmem:s1+$0x0];
	v1 =	vadd.f32 v2, v1;
	v2 =	vmul.f32 v21, v24  }
0xdd: {  	v33 =	vld [tilespmem:s1+$0x10];
	s2 =	sor.u32 s6, s9;
	v32 =	vbroadcast v0, $0x7;
	v31 =	vmul.f32 v22, v28;
	v3 =	vadd.f32 v27, v3  }
0xde: {  	v34 =	vld [tilespmem:s2+$0x0];
	v1 =	vadd.f32 v2, v1;
	v2 =	vmul.f32 v25, v28  }
0xdf: {  	s3 =	sor.u32 s7, s9;
	v37 =	vld [tilespmem:s2+$0x10];
	v36 =	vbroadcast v0, $0x8;
	v35 =	vmul.f32 v26, v32;
	v3 =	vadd.f32 v31, v3  }
0xe0: {  	v38 =	vld [tilespmem:s3+$0x0];
	v1 =	vadd.f32 v2, v1;
	v2 =	vmul.f32 v29, v32  }
0xe1: {  	s4 =	sor.u32 s10, s9;
	v41 =	vld [tilespmem:s3+$0x10];
	v40 =	vbroadcast v0, $0x9;
	v39 =	vmul.f32 v30, v36;
	v3 =	vadd.f32 v35, v3  }
0xe2: {  	v42 =	vld [tilespmem:s4+$0x0];
	v1 =	vadd.f32 v2, v1;
	v2 =	vmul.f32 v33, v36  }
0xe3: {  	s5 =	sor.u32 s12, s9;
	v45 =	vld [tilespmem:s4+$0x10];
	v44 =	vbroadcast v0, $0xA;
	v43 =	vmul.f32 v34, v40;
	v3 =	vadd.f32 v39, v3  }
0xe4: {  	v46 =	vld [tilespmem:s5+$0x0];
	v1 =	vadd.f32 v2, v1;
	v2 =	vmul.f32 v37, v40  }
0xe5: {  	v49 =	vld [tilespmem:s5+$0x10];
	s6 =	sor.u32 s13, s9;
	v48 =	vbroadcast v0, $0xB;
	v47 =	vmul.f32 v38, v44;
	v3 =	vadd.f32 v43, v3  }
0xe6: {  	v50 =	vld [tilespmem:s6+$0x0];
	v1 =	vadd.f32 v2, v1;
	v2 =	vmul.f32 v41, v44  }
0xe7: {  	s7 =	sor.u32 s15, s9;
	v51 =	vmul.f32 v42, v48;
	v53 =	vld [tilespmem:s6+$0x10];
	v52 =	vbroadcast v0, $0xC;
	v3 =	vadd.f32 v47, v3  }
0xe8: {  	v54 =	vld [tilespmem:s7+$0x0];
	v1 =	vadd.f32 v2, v1;
	v2 =	vmul.f32 v45, v48  }
0xe9: {  	s8 =	sor.u32 s19, s9;
	v57 =	vld [tilespmem:s7+$0x10];
	v55 =	vmul.f32 v46, v52;
	v56 =	vbroadcast v0, $0xD;
	v3 =	vadd.f32 v51, v3  }
0xea: {  	v58 =	vld [tilespmem:s8+$0x0];
	v1 =	vadd.f32 v2, v1;
	v2 =	vmul.f32 v49, v52  }
0xeb: {  	v61 =	vld [tilespmem:s8+$0x10];
	v59 =	vmul.f32 v50, v56;
	v60 =	vbroadcast v0, $0xE;
	v3 =	vadd.f32 v55, v3  }
0xec: {  	s28 =	simm.s32 $0x0;
	v1 =	vadd.f32 v2, v1;
	v2 =	vmul.f32 v53, v56  }
0xed: {  	s31 =	simm.s32 $0x2;
	s11 =	simm.s32 $0x40;
	s15 =	simm.s32 $0x0;
	v0 =	vbroadcast v0, $0xF;
	v62 =	vmul.f32 v54, v60;
	v3 =	vadd.f32 v59, v3  }
0xee: {  	s12 =	sand.u32 $0x60, s22;
	s23 =	simm.s32 $0x1;
	s0 =	sor.u32 $0x2, s15;
	v1 =	vadd.f32 v2, v1;
	v2 =	vmul.f32 v57, v60  }
0xef: {  	s10 =	sand.u32 $0x7, s23;
	s17 =	sshll.u32 s0, $0xE;
	s9 =	simm.s32 $0x0;
	v63 =	vmul.f32 v58, v0;
	v3 =	vadd.f32 v62, v3  }
0xf0: {  	s25 =	sshll.u32 s10, $0x9;
	s13 =	sand.u32 $0x80, s22;
	s14 =	sand.u32 $0x3FFFFF00, s9;
	v0 =	vmul.f32 v61, v0;
	v1 =	vadd.f32 v2, v1  }
0xf1: {  	s24 =	sor.u32 $0x1E0, s25;
	s9 =	sor.u32 $0x1, s15;
	s16 =	sor.u32 s13, s14;
	v2 =	vadd.f32 v63, v3  }
0xf2: {  	s19 =	sshll.u32 s9, $0xE;
	s1 =	sor.u32 s12, s16;
	s5 =	sshra.s32 s17, $0x2;
	v0 =	vadd.f32 v0, v1  }
0xf3: {  	s20 =	sshra.s32 s19, $0x2;
	s21 =	sadd.s32 $0x11000, s1;
	s30 =	sor.u32 $0x1000, s5;
	[tilespmem:s1+$0x11000] =	vst v2  }
0xf4: {  	s26 =	sshll.u32 s10, $0x4;
	s29 =	sor.u32 s24, s30;
	s8 =	sadd.s32 $0x1000, s20;
	[tilespmem:s21+$0x10] =	vst v0  }
0xf5: {  	s4 =	simm.s32 $0x0;
	s2 =	sor.u32 s24, s8;
	s1 =	sand.u32 $0x3FFFFE00, s11;
	v0 =	vld [tilespmem:s29+$0x0]  }
.LBB2_3:
0xf6: {  	p0 =	sne.s32 s31, $0x1F;
	s1 =	sor.u32 s26, s1;
	s20 =	sor.u32 $0x1000, s4;
	v1 =	vld [tilespmem:s2+$0x0]  }
0xf7: {  	v4 =	vld [tilespmem:s1+$0x800];
	s11 =	sor.u32 s24, s20  }
0xf8: {  	s1 =	sor.u32 s25, s20;
	v2 =	vld [tilespmem:s11+$0x0]  }
0xf9: {  	s5 =	sor.u32 $0x20, s25;
	v3 =	vld [tilespmem:s1+$0x0]  }
0xfa: {  	v5 =	vld [tilespmem:s1+$0x10];
	s1 =	sor.u32 s5, s20  }
0xfb: {  	s15 =	sor.u32 $0x40, s25;
	v6 =	vld [tilespmem:s1+$0x0]  }
0xfc: {  	v7 =	vbroadcast v4, $0x0;
	v8 =	vld [tilespmem:s1+$0x10];
	s1 =	sor.u32 s15, s20  }
0xfd: {  	s10 =	sor.u32 $0x60, s25;
	v9 =	vld [tilespmem:s1+$0x0]  }
0xfe: {  	s4 =	sor.u32 s10, s20;
	v10 =	vbroadcast v4, $0x1;
	v3 =	vmul.f32 v3, v7;
	v11 =	vld [tilespmem:s1+$0x10]  }
0xff: {  	s1 =	sor.u32 $0x80, s25;
	v5 =	vmul.f32 v5, v7;
	v7 =	vld [tilespmem:s4+$0x0]  }
0x100: {  	v12 =	vbroadcast v4, $0x2;
	v3 =	vadd.f32 $0.0e+00, v3;
	v6 =	vmul.f32 v6, v10;
	v13 =	vld [tilespmem:s4+$0x10];
	s4 =	sor.u32 s1, s20  }
0x101: {  	s12 =	sor.u32 $0xA0, s25;
	v5 =	vadd.f32 $0.0e+00, v5;
	v8 =	vmul.f32 v8, v10;
	v10 =	vld [tilespmem:s4+$0x0]  }
0x102: {  	v3 =	vadd.f32 v6, v3;
	v6 =	vmul.f32 v9, v12;
	v9 =	vbroadcast v4, $0x3;
	v14 =	vld [tilespmem:s4+$0x10];
	s4 =	sor.u32 s12, s20  }
0x103: {  	s13 =	sor.u32 $0xC0, s25;
	v5 =	vadd.f32 v8, v5;
	v8 =	vmul.f32 v11, v12;
	v11 =	vld [tilespmem:s4+$0x0]  }
0x104: {  	v3 =	vadd.f32 v6, v3;
	v6 =	vmul.f32 v7, v9;
	v7 =	vbroadcast v4, $0x4;
	v12 =	vld [tilespmem:s4+$0x10];
	s4 =	sor.u32 s13, s20  }
0x105: {  	s14 =	sor.u32 $0xE0, s25;
	v5 =	vadd.f32 v8, v5;
	v8 =	vmul.f32 v13, v9;
	v9 =	vld [tilespmem:s4+$0x0]  }
0x106: {  	v3 =	vadd.f32 v6, v3;
	v6 =	vmul.f32 v10, v7;
	v10 =	vbroadcast v4, $0x5;
	v13 =	vld [tilespmem:s4+$0x10];
	s4 =	sor.u32 s14, s20  }
0x107: {  	s16 =	sor.u32 $0x100, s25;
	v5 =	vadd.f32 v8, v5;
	v7 =	vmul.f32 v14, v7;
	v8 =	vld [tilespmem:s4+$0x0]  }
0x108: {  	v3 =	vadd.f32 v6, v3;
	v6 =	vmul.f32 v11, v10;
	v11 =	vbroadcast v4, $0x6;
	v14 =	vld [tilespmem:s4+$0x10];
	s4 =	sor.u32 s16, s20  }
0x109: {  	s17 =	sor.u32 $0x120, s25;
	v5 =	vadd.f32 v7, v5;
	v7 =	vmul.f32 v12, v10;
	v10 =	vld [tilespmem:s4+$0x0]  }
0x10a: {  	v3 =	vadd.f32 v6, v3;
	v6 =	vmul.f32 v9, v11;
	v9 =	vbroadcast v4, $0x7;
	v12 =	vld [tilespmem:s4+$0x10];
	s4 =	sor.u32 s17, s20  }
0x10b: {  	s19 =	sor.u32 $0x140, s25;
	v5 =	vadd.f32 v7, v5;
	v7 =	vmul.f32 v13, v11;
	v11 =	vld [tilespmem:s4+$0x0]  }
0x10c: {  	s6 =	sor.u32 s19, s20;
	v3 =	vadd.f32 v6, v3;
	v6 =	vmul.f32 v8, v9;
	v8 =	vbroadcast v4, $0x8;
	v13 =	vld [tilespmem:s4+$0x10]  }
0x10d: {  	s4 =	sor.u32 $0x160, s25;
	v5 =	vadd.f32 v7, v5;
	v7 =	vmul.f32 v14, v9;
	v9 =	vld [tilespmem:s6+$0x0]  }
0x10e: {  	s7 =	sor.u32 s4, s20;
	v3 =	vadd.f32 v6, v3;
	v6 =	vmul.f32 v10, v8;
	v10 =	vbroadcast v4, $0x9;
	v14 =	vld [tilespmem:s6+$0x10]  }
0x10f: {  	s6 =	sor.u32 $0x180, s25;
	v5 =	vadd.f32 v7, v5;
	v7 =	vmul.f32 v12, v8;
	v8 =	vld [tilespmem:s7+$0x0]  }
0x110: {  	s21 =	sor.u32 s6, s20;
	v3 =	vadd.f32 v6, v3;
	v6 =	vmul.f32 v11, v10;
	v11 =	vbroadcast v4, $0xA;
	v12 =	vld [tilespmem:s7+$0x10]  }
0x111: {  	s7 =	sor.u32 $0x1A0, s25;
	v5 =	vadd.f32 v7, v5;
	v7 =	vmul.f32 v13, v10;
	v10 =	vld [tilespmem:s21+$0x0]  }
0x112: {  	s3 =	sor.u32 s7, s20;
	v3 =	vadd.f32 v6, v3;
	v6 =	vmul.f32 v9, v11;
	v9 =	vbroadcast v4, $0xB;
	v13 =	vld [tilespmem:s21+$0x10]  }
0x113: {  	s21 =	sor.u32 $0x1C0, s25;
	v5 =	vadd.f32 v7, v5;
	v7 =	vmul.f32 v14, v11;
	v11 =	vld [tilespmem:s3+$0x0]  }
0x114: {  	s9 =	sshll.u32 s9, $0x7;
	v3 =	vadd.f32 v6, v3;
	v6 =	vmul.f32 v8, v9;
	v8 =	vbroadcast v4, $0xC;
	v14 =	vld [tilespmem:s3+$0x10];
	s3 =	sor.u32 s21, s20  }
0x115: {  	s9 =	sand.u32 $0x3FFFFE80, s9;
	v5 =	vadd.f32 v7, v5;
	v7 =	vmul.f32 v12, v9;
	v9 =	vld [tilespmem:s3+$0x0]  }
0x116: {  	v12 =	vbroadcast v4, $0xD;
	v6 =	vadd.f32 v6, v3;
	v10 =	vmul.f32 v10, v8;
	v15 =	vld [tilespmem:s3+$0x10];
	s3 =	sor.u32 s26, s9  }
0x117: {  	v5 =	vadd.f32 v7, v5;
	v7 =	vmul.f32 v13, v8;
	v3 =	vld [tilespmem:s3+$0x800]  }
0x118: {  	s3 =	sor.u32 s25, s8;
	v6 =	vadd.f32 v10, v6;
	v8 =	vmul.f32 v11, v12;
	v10 =	vbroadcast v4, $0xE;
	v11 =	vld [tilespmem:s11+$0x10]  }
0x119: {  	v5 =	vadd.f32 v7, v5;
	v7 =	vmul.f32 v14, v12;
	v12 =	vld [tilespmem:s3+$0x0]  }
0x11a: {  	v4 =	vbroadcast v4, $0xF;
	v6 =	vadd.f32 v8, v6;
	v8 =	vmul.f32 v9, v10;
	v9 =	vld [tilespmem:s3+$0x10];
	s3 =	sor.u32 s5, s8  }
0x11b: {  	v5 =	vadd.f32 v7, v5;
	v7 =	vmul.f32 v15, v10;
	v10 =	vld [tilespmem:s3+$0x0]  }
0x11c: {  	v2 =	vmul.f32 v2, v4;
	v6 =	vadd.f32 v8, v6;
	v8 =	vbroadcast v3, $0x0;
	v13 =	vld [tilespmem:s3+$0x10];
	s3 =	sor.u32 s15, s8  }
0x11d: {  	v5 =	vadd.f32 v7, v5;
	v4 =	vmul.f32 v11, v4;
	v7 =	vld [tilespmem:s3+$0x0]  }
0x11e: {  	v11 =	vbroadcast v3, $0x1;
	v2 =	vadd.f32 v2, v6;
	v6 =	vmul.f32 v12, v8;
	v12 =	vld [tilespmem:s3+$0x10];
	s3 =	sor.u32 s10, s8  }
0x11f: {  	v4 =	vadd.f32 v4, v5;
	v5 =	vmul.f32 v9, v8;
	v8 =	vld [tilespmem:s3+$0x0]  }
0x120: {  	v9 =	vbroadcast v3, $0x2;
	v2 =	vadd.f32 v6, v2;
	v6 =	vmul.f32 v10, v11;
	v10 =	vld [tilespmem:s3+$0x10];
	s3 =	sor.u32 s1, s8  }
0x121: {  	v4 =	vadd.f32 v5, v4;
	v5 =	vmul.f32 v13, v11;
	v11 =	vld [tilespmem:s3+$0x0]  }
0x122: {  	v2 =	vadd.f32 v6, v2;
	v6 =	vmul.f32 v7, v9;
	v7 =	vbroadcast v3, $0x3;
	v13 =	vld [tilespmem:s3+$0x10];
	s3 =	sor.u32 s12, s8  }
0x123: {  	v4 =	vadd.f32 v5, v4;
	v5 =	vmul.f32 v12, v9;
	v9 =	vld [tilespmem:s3+$0x0]  }
0x124: {  	v2 =	vadd.f32 v6, v2;
	v6 =	vmul.f32 v8, v7;
	v8 =	vbroadcast v3, $0x4;
	v12 =	vld [tilespmem:s3+$0x10];
	s3 =	sor.u32 s13, s8  }
0x125: {  	v4 =	vadd.f32 v5, v4;
	v5 =	vmul.f32 v10, v7;
	v7 =	vld [tilespmem:s3+$0x0]  }
0x126: {  	v10 =	vbroadcast v3, $0x5;
	v2 =	vadd.f32 v6, v2;
	v6 =	vmul.f32 v11, v8;
	v11 =	vld [tilespmem:s3+$0x10];
	s3 =	sor.u32 s14, s8  }
0x127: {  	v4 =	vadd.f32 v5, v4;
	v5 =	vmul.f32 v13, v8;
	v8 =	vld [tilespmem:s3+$0x0]  }
0x128: {  	v2 =	vadd.f32 v6, v2;
	v6 =	vmul.f32 v9, v10;
	v9 =	vbroadcast v3, $0x6;
	v13 =	vld [tilespmem:s3+$0x10];
	s3 =	sor.u32 s16, s8  }
0x129: {  	v4 =	vadd.f32 v5, v4;
	v5 =	vmul.f32 v12, v10;
	v10 =	vld [tilespmem:s3+$0x0]  }
0x12a: {  	v2 =	vadd.f32 v6, v2;
	v6 =	vmul.f32 v7, v9;
	v7 =	vbroadcast v3, $0x7;
	v12 =	vld [tilespmem:s3+$0x10];
	s3 =	sor.u32 s17, s8  }
0x12b: {  	v4 =	vadd.f32 v5, v4;
	v5 =	vmul.f32 v11, v9;
	v9 =	vld [tilespmem:s3+$0x0]  }
0x12c: {  	v2 =	vadd.f32 v6, v2;
	v6 =	vmul.f32 v8, v7;
	v8 =	vbroadcast v3, $0x8;
	v11 =	vld [tilespmem:s3+$0x10];
	s3 =	sor.u32 s19, s8  }
0x12d: {  	v4 =	vadd.f32 v5, v4;
	v5 =	vmul.f32 v13, v7;
	v7 =	vld [tilespmem:s3+$0x0]  }
0x12e: {  	v2 =	vadd.f32 v6, v2;
	v6 =	vmul.f32 v10, v8;
	v10 =	vbroadcast v3, $0x9;
	v13 =	vld [tilespmem:s3+$0x10];
	s3 =	sor.u32 s4, s8  }
0x12f: {  	v4 =	vadd.f32 v5, v4;
	v5 =	vmul.f32 v12, v8;
	v8 =	vld [tilespmem:s3+$0x0]  }
0x130: {  	v2 =	vadd.f32 v6, v2;
	v6 =	vmul.f32 v9, v10;
	v9 =	vbroadcast v3, $0xA;
	v12 =	vld [tilespmem:s3+$0x10];
	s3 =	sor.u32 s6, s8  }
0x131: {  	v4 =	vadd.f32 v5, v4;
	v5 =	vmul.f32 v11, v10;
	v10 =	vld [tilespmem:s3+$0x0]  }
0x132: {  	v2 =	vadd.f32 v6, v2;
	v6 =	vmul.f32 v7, v9;
	v7 =	vbroadcast v3, $0xB;
	v11 =	vld [tilespmem:s3+$0x10];
	s3 =	sor.u32 s7, s8  }
0x133: {  	v4 =	vadd.f32 v5, v4;
	v5 =	vmul.f32 v13, v9;
	v9 =	vld [tilespmem:s3+$0x0]  }
0x134: {  	s0 =	sshll.u32 s0, $0x7;
	v2 =	vadd.f32 v6, v2;
	v6 =	vmul.f32 v8, v7;
	v8 =	vbroadcast v3, $0xC;
	v13 =	vld [tilespmem:s3+$0x10];
	s3 =	sor.u32 s21, s8  }
0x135: {  	s0 =	sand.u32 $0x3FFFFF00, s0;
	v4 =	vadd.f32 v5, v4;
	v5 =	vmul.f32 v12, v7;
	v7 =	vld [tilespmem:s3+$0x0]  }
0x136: {  	s0 =	sor.u32 s26, s0;
	v12 =	vbroadcast v3, $0xD;
	v6 =	vadd.f32 v6, v2;
	v10 =	vmul.f32 v10, v8;
	v14 =	vld [tilespmem:s3+$0x10]  }
0x137: {  	v4 =	vadd.f32 v5, v4;
	v5 =	vmul.f32 v11, v8;
	v2 =	vld [tilespmem:s0+$0x800]  }
0x138: {  	s0 =	sor.u32 s25, s30;
	v6 =	vadd.f32 v10, v6;
	v8 =	vmul.f32 v9, v12;
	v9 =	vbroadcast v3, $0xE;
	v10 =	vld [tilespmem:s2+$0x10]  }
0x139: {  	v4 =	vadd.f32 v5, v4;
	v5 =	vmul.f32 v13, v12;
	v11 =	vld [tilespmem:s0+$0x0]  }
0x13a: {  	v3 =	vbroadcast v3, $0xF;
	v6 =	vadd.f32 v8, v6;
	v7 =	vmul.f32 v7, v9;
	v8 =	vld [tilespmem:s0+$0x10];
	s0 =	sor.u32 s5, s30  }
0x13b: {  	v4 =	vadd.f32 v5, v4;
	v5 =	vmul.f32 v14, v9;
	v9 =	vld [tilespmem:s0+$0x0]  }
0x13c: {  	v1 =	vmul.f32 v1, v3;
	v6 =	vadd.f32 v7, v6;
	v7 =	vbroadcast v2, $0x0;
	v12 =	vld [tilespmem:s0+$0x10];
	s0 =	sor.u32 s15, s30  }
0x13d: {  	v4 =	vadd.f32 v5, v4;
	v3 =	vmul.f32 v10, v3;
	v5 =	vld [tilespmem:s0+$0x0]  }
0x13e: {  	v10 =	vbroadcast v2, $0x1;
	v1 =	vadd.f32 v1, v6;
	v6 =	vmul.f32 v11, v7;
	v11 =	vld [tilespmem:s0+$0x10];
	s0 =	sor.u32 s10, s30  }
0x13f: {  	v3 =	vadd.f32 v3, v4;
	v4 =	vmul.f32 v8, v7;
	v7 =	vld [tilespmem:s0+$0x0]  }
0x140: {  	v8 =	vbroadcast v2, $0x2;
	v1 =	vadd.f32 v6, v1;
	v6 =	vmul.f32 v9, v10;
	v9 =	vld [tilespmem:s0+$0x10];
	s0 =	sor.u32 s1, s30  }
0x141: {  	v3 =	vadd.f32 v4, v3;
	v4 =	vmul.f32 v12, v10;
	v10 =	vld [tilespmem:s0+$0x0]  }
0x142: {  	v1 =	vadd.f32 v6, v1;
	v5 =	vmul.f32 v5, v8;
	v6 =	vbroadcast v2, $0x3;
	v12 =	vld [tilespmem:s0+$0x10];
	s0 =	sor.u32 s12, s30  }
0x143: {  	v3 =	vadd.f32 v4, v3;
	v4 =	vmul.f32 v11, v8;
	v8 =	vld [tilespmem:s0+$0x0]  }
0x144: {  	v1 =	vadd.f32 v5, v1;
	v5 =	vmul.f32 v7, v6;
	v7 =	vbroadcast v2, $0x4;
	v11 =	vld [tilespmem:s0+$0x10];
	s0 =	sor.u32 s13, s30  }
0x145: {  	v3 =	vadd.f32 v4, v3;
	v4 =	vmul.f32 v9, v6;
	v6 =	vld [tilespmem:s0+$0x0]  }
0x146: {  	v9 =	vbroadcast v2, $0x5;
	v1 =	vadd.f32 v5, v1;
	v5 =	vmul.f32 v10, v7;
	v10 =	vld [tilespmem:s0+$0x10];
	s0 =	sor.u32 s14, s30  }
0x147: {  	v3 =	vadd.f32 v4, v3;
	v4 =	vmul.f32 v12, v7;
	v7 =	vld [tilespmem:s0+$0x0]  }
0x148: {  	v1 =	vadd.f32 v5, v1;
	v5 =	vmul.f32 v8, v9;
	v8 =	vbroadcast v2, $0x6;
	v12 =	vld [tilespmem:s0+$0x10];
	s0 =	sor.u32 s16, s30  }
0x149: {  	v3 =	vadd.f32 v4, v3;
	v4 =	vmul.f32 v11, v9;
	v9 =	vld [tilespmem:s0+$0x0]  }
0x14a: {  	v1 =	vadd.f32 v5, v1;
	v5 =	vmul.f32 v6, v8;
	v6 =	vbroadcast v2, $0x7;
	v11 =	vld [tilespmem:s0+$0x10];
	s0 =	sor.u32 s17, s30  }
0x14b: {  	v3 =	vadd.f32 v4, v3;
	v4 =	vmul.f32 v10, v8;
	v8 =	vld [tilespmem:s0+$0x0]  }
0x14c: {  	v1 =	vadd.f32 v5, v1;
	v5 =	vmul.f32 v7, v6;
	v7 =	vbroadcast v2, $0x8;
	v10 =	vld [tilespmem:s0+$0x10];
	s0 =	sor.u32 s19, s30  }
0x14d: {  	v3 =	vadd.f32 v4, v3;
	v4 =	vmul.f32 v12, v6;
	v6 =	vld [tilespmem:s0+$0x0]  }
0x14e: {  	v1 =	vadd.f32 v5, v1;
	v5 =	vmul.f32 v9, v7;
	v9 =	vbroadcast v2, $0x9;
	v12 =	vld [tilespmem:s0+$0x10];
	s0 =	sor.u32 s4, s30  }
0x14f: {  	v3 =	vadd.f32 v4, v3;
	v4 =	vmul.f32 v11, v7;
	v7 =	vld [tilespmem:s0+$0x0]  }
0x150: {  	v1 =	vadd.f32 v5, v1;
	v5 =	vmul.f32 v8, v9;
	v8 =	vbroadcast v2, $0xA;
	v11 =	vld [tilespmem:s0+$0x10];
	s0 =	sor.u32 s6, s30  }
0x151: {  	v3 =	vadd.f32 v4, v3;
	v4 =	vmul.f32 v10, v9;
	v9 =	vld [tilespmem:s0+$0x0]  }
0x152: {  	v1 =	vadd.f32 v5, v1;
	v5 =	vmul.f32 v6, v8;
	v6 =	vbroadcast v2, $0xB;
	v10 =	vld [tilespmem:s0+$0x10];
	s0 =	sor.u32 s7, s30  }
0x153: {  	s2 =	sshllo.u32 s28, $0x2;
	v3 =	vadd.f32 v4, v3;
	v4 =	vmul.f32 v12, v8;
	v8 =	vld [tilespmem:s0+$0x0]  }
0x154: {  	s3 =	sshll.u32 s2, $0x7;
	v1 =	vadd.f32 v5, v1;
	v5 =	vmul.f32 v7, v6;
	v7 =	vbroadcast v2, $0xC;
	v12 =	vld [tilespmem:s0+$0x10];
	s0 =	sor.u32 s21, s30  }
0x155: {  	s2 =	sshll.u32 s2, $0xE;
	s3 =	sand.u32 $0x3FFFFF80, s3;
	v3 =	vadd.f32 v4, v3;
	v4 =	vmul.f32 v11, v6;
	v6 =	vld [tilespmem:s0+$0x0]  }
0x156: {  	s2 =	sshra.s32 s2, $0x2;
	v11 =	vbroadcast v2, $0xD;
	v5 =	vadd.f32 v5, v1;
	v9 =	vmul.f32 v9, v7;
	v13 =	vld [tilespmem:s0+$0x10];
	s0 =	sor.u32 s26, s3  }
0x157: {  	v3 =	vadd.f32 v4, v3;
	v4 =	vmul.f32 v10, v7;
	v1 =	vld [tilespmem:s0+$0x800];
	s0 =	sadd.s32 $0x1000, s2  }
0x158: {  	v5 =	vadd.f32 v9, v5;
	v7 =	vmul.f32 v8, v11;
	v8 =	vbroadcast v2, $0xE;
	v9 =	vld [tilespmem:s29+$0x10];
	s2 =	sor.u32 s25, s0  }
0x159: {  	v3 =	vadd.f32 v4, v3;
	v4 =	vmul.f32 v12, v11;
	v10 =	vld [tilespmem:s2+$0x0]  }
0x15a: {  	v2 =	vbroadcast v2, $0xF;
	v5 =	vadd.f32 v7, v5;
	v6 =	vmul.f32 v6, v8;
	v7 =	vld [tilespmem:s2+$0x10];
	s2 =	sor.u32 s5, s0  }
0x15b: {  	v3 =	vadd.f32 v4, v3;
	v4 =	vmul.f32 v13, v8;
	v8 =	vld [tilespmem:s2+$0x0]  }
0x15c: {  	v0 =	vmul.f32 v0, v2;
	v5 =	vadd.f32 v6, v5;
	v6 =	vbroadcast v1, $0x0;
	v11 =	vld [tilespmem:s2+$0x10];
	s2 =	sor.u32 s15, s0  }
0x15d: {  	v3 =	vadd.f32 v4, v3;
	v2 =	vmul.f32 v9, v2;
	v4 =	vld [tilespmem:s2+$0x0]  }
0x15e: {  	v9 =	vbroadcast v1, $0x1;
	v0 =	vadd.f32 v0, v5;
	v5 =	vmul.f32 v10, v6;
	v10 =	vld [tilespmem:s2+$0x10];
	s2 =	sor.u32 s10, s0  }
0x15f: {  	v2 =	vadd.f32 v2, v3;
	v3 =	vmul.f32 v7, v6;
	v6 =	vld [tilespmem:s2+$0x0]  }
0x160: {  	s1 =	sor.u32 s1, s0;
	v7 =	vbroadcast v1, $0x2;
	v0 =	vadd.f32 v5, v0;
	v5 =	vmul.f32 v8, v9;
	v8 =	vld [tilespmem:s2+$0x10]  }
0x161: {  	v2 =	vadd.f32 v3, v2;
	v3 =	vmul.f32 v11, v9;
	v9 =	vld [tilespmem:s1+$0x0]  }
0x162: {  	v0 =	vadd.f32 v5, v0;
	v4 =	vmul.f32 v4, v7;
	v5 =	vbroadcast v1, $0x3;
	v11 =	vld [tilespmem:s1+$0x10];
	s1 =	sor.u32 s12, s0  }
0x163: {  	v2 =	vadd.f32 v3, v2;
	v3 =	vmul.f32 v10, v7;
	v7 =	vld [tilespmem:s1+$0x0]  }
0x164: {  	v0 =	vadd.f32 v4, v0;
	v4 =	vmul.f32 v6, v5;
	v6 =	vbroadcast v1, $0x4;
	v10 =	vld [tilespmem:s1+$0x10];
	s1 =	sor.u32 s13, s0  }
0x165: {  	v2 =	vadd.f32 v3, v2;
	v3 =	vmul.f32 v8, v5;
	v5 =	vld [tilespmem:s1+$0x0]  }
0x166: {  	v8 =	vbroadcast v1, $0x5;
	v0 =	vadd.f32 v4, v0;
	v4 =	vmul.f32 v9, v6;
	v9 =	vld [tilespmem:s1+$0x10];
	s1 =	sor.u32 s14, s0  }
0x167: {  	v2 =	vadd.f32 v3, v2;
	v3 =	vmul.f32 v11, v6;
	v6 =	vld [tilespmem:s1+$0x0]  }
0x168: {  	v0 =	vadd.f32 v4, v0;
	v4 =	vmul.f32 v7, v8;
	v7 =	vbroadcast v1, $0x6;
	v11 =	vld [tilespmem:s1+$0x10];
	s1 =	sor.u32 s16, s0  }
0x169: {  	v2 =	vadd.f32 v3, v2;
	v3 =	vmul.f32 v10, v8;
	v8 =	vld [tilespmem:s1+$0x0]  }
0x16a: {  	v0 =	vadd.f32 v4, v0;
	v4 =	vmul.f32 v5, v7;
	v5 =	vbroadcast v1, $0x7;
	v10 =	vld [tilespmem:s1+$0x10];
	s1 =	sor.u32 s17, s0  }
0x16b: {  	v2 =	vadd.f32 v3, v2;
	v3 =	vmul.f32 v9, v7;
	v7 =	vld [tilespmem:s1+$0x0]  }
0x16c: {  	v0 =	vadd.f32 v4, v0;
	v4 =	vmul.f32 v6, v5;
	v6 =	vbroadcast v1, $0x8;
	v9 =	vld [tilespmem:s1+$0x10];
	s1 =	sor.u32 s19, s0  }
0x16d: {  	v2 =	vadd.f32 v3, v2;
	v3 =	vmul.f32 v11, v5;
	v5 =	vld [tilespmem:s1+$0x0]  }
0x16e: {  	v0 =	vadd.f32 v4, v0;
	v4 =	vmul.f32 v8, v6;
	v8 =	vbroadcast v1, $0x9;
	v11 =	vld [tilespmem:s1+$0x10];
	s1 =	sor.u32 s4, s0  }
0x16f: {  	v2 =	vadd.f32 v3, v2;
	v3 =	vmul.f32 v10, v6;
	v6 =	vld [tilespmem:s1+$0x0]  }
0x170: {  	v0 =	vadd.f32 v4, v0;
	v4 =	vmul.f32 v7, v8;
	v7 =	vbroadcast v1, $0xA;
	v10 =	vld [tilespmem:s1+$0x10];
	s1 =	sor.u32 s6, s0  }
0x171: {  	v2 =	vadd.f32 v3, v2;
	v3 =	vmul.f32 v9, v8;
	v8 =	vld [tilespmem:s1+$0x0]  }
0x172: {  	v0 =	vadd.f32 v4, v0;
	v4 =	vmul.f32 v5, v7;
	v5 =	vbroadcast v1, $0xB;
	v9 =	vld [tilespmem:s1+$0x10];
	s1 =	sor.u32 s7, s0  }
0x173: {  	v2 =	vadd.f32 v3, v2;
	v3 =	vmul.f32 v11, v7;
	v7 =	vld [tilespmem:s1+$0x0]  }
0x174: {  	v0 =	vadd.f32 v4, v0;
	v4 =	vmul.f32 v6, v5;
	v6 =	vbroadcast v1, $0xC;
	v11 =	vld [tilespmem:s1+$0x10];
	s1 =	sor.u32 s21, s0  }
0x175: {  	v2 =	vadd.f32 v3, v2;
	v3 =	vmul.f32 v10, v5;
	v5 =	vld [tilespmem:s1+$0x0]  }
0x176: {  	s0 =	sor.u32 s24, s0;
	v0 =	vadd.f32 v4, v0;
	v4 =	vmul.f32 v8, v6;
	v8 =	vbroadcast v1, $0xD;
	v10 =	vld [tilespmem:s1+$0x10]  }
0x177: {  	v2 =	vadd.f32 v3, v2;
	v3 =	vmul.f32 v9, v6;
	v6 =	vld [tilespmem:s0+$0x0]  }
0x178: {  	s22 =	sadd.s32 $0x20, s22;
	v0 =	vadd.f32 v4, v0;
	v4 =	vmul.f32 v7, v8;
	v7 =	vbroadcast v1, $0xE;
	v9 =	vld [tilespmem:s0+$0x10]  }
0x179: {  	s28 =	sshrl.u32 s31, $0x3;
	s0 =	sshll.u32 s23, $0x5;
	s23 =	smov.u32 s31;
	v2 =	vadd.f32 v3, v2;
	v3 =	vmul.f32 v11, v8  }
0x17a: {  	s3 =	sand.u32 $0x60, s22;
	s2 =	sshll.u32 s31, $0x6;
	s1 =	sand.u32 $0x7, s31;
	v1 =	vbroadcast v1, $0xF;
	v0 =	vadd.f32 v4, v0;
	v4 =	vmul.f32 v5, v7  }
0x17b: {  	s4 =	sand.u32 $0x80, s22;
	s6 =	sshll.u32 s28, $0x2;
	s5 =	sand.u32 $0x3FFFFF00, s0;
	v2 =	vadd.f32 v3, v2;
	v3 =	vmul.f32 v10, v7  }
0x17c: {  	s9 =	sor.u32 $0x1, s6;
	s25 =	sshll.u32 s1, $0x9;
	s26 =	sshll.u32 s1, $0x4;
	v0 =	vadd.f32 v4, v0;
	v4 =	vmul.f32 v6, v1  }
0x17d: {  	s1 =	sand.u32 $0x3FFFFE00, s2;
	s0 =	sor.u32 $0x2, s6;
	s2 =	sor.u32 s4, s5;
	v2 =	vadd.f32 v3, v2;
	v1 =	vmul.f32 v9, v1  }
.Ltmp0:
0x17e: {  	s24 =	sor.u32 $0x1E0, s25;
	s4 =	sshll.u32 s0, $0xE;
	v0 =	vadd.f32 v4, v0;
	(pc) =	sbr.rel @p0 .LBB2_3-.Ltmp0, $4  }
0x17f: {  	s5 =	sshll.u32 s9, $0xE;
	s4 =	sshra.s32 s4, $0x2;
	s2 =	sor.u32 s3, s2;
	v1 =	vadd.f32 v1, v2  }
0x180: {  	s3 =	sshra.s32 s5, $0x2;
	s30 =	sor.u32 $0x1000, s4;
	s4 =	sadd.s32 $0x11000, s2;
	[tilespmem:s2+$0x11000] =	vst v0  }
0x181: {  	s8 =	sadd.s32 $0x1000, s3;
	s29 =	sor.u32 s24, s30;
	s2 =	sshll.u32 s28, $0x10;
	[tilespmem:s4+$0x10] =	vst v1  }
0x182: {  	s31 =	sadd.s32 $0x1, s31;
	s4 =	sshra.s32 s2, $0x2;
	s2 =	sor.u32 s24, s8;
	v0 =	vld [tilespmem:s29+$0x0]  }
0x183: {  	s1 =	sor.u32 s26, s1;
	s11 =	sor.u32 $0x1000, s4  }
0x184: {  	v1 =	vld [tilespmem:s1+$0x800];
	s3 =	sor.u32 s25, s11  }
0x185: {  	s21 =	sor.u32 $0x20, s25;
	v2 =	vld [tilespmem:s3+$0x0]  }
0x186: {  	s4 =	sor.u32 s21, s11;
	v3 =	vld [tilespmem:s3+$0x10]  }
0x187: {  	s16 =	sor.u32 $0x40, s25;
	v4 =	vld [tilespmem:s4+$0x0]  }
0x188: {  	s5 =	sor.u32 s16, s11;
	v5 =	vld [tilespmem:s4+$0x10]  }
0x189: {  	s10 =	sor.u32 $0x60, s25;
	v6 =	vld [tilespmem:s5+$0x0]  }
0x18a: {  	s6 =	sor.u32 s10, s11;
	v8 =	vld [tilespmem:s5+$0x10];
	v7 =	vbroadcast v1, $0x0  }
0x18b: {  	s1 =	sor.u32 $0xA0, s25;
	v9 =	vld [tilespmem:s6+$0x0]  }
0x18c: {  	v11 =	vld [tilespmem:s6+$0x10];
	s7 =	sor.u32 s1, s11;
	v10 =	vbroadcast v1, $0x1;
	v2 =	vmul.f32 v2, v7  }
0x18d: {  	s4 =	sor.u32 $0x80, s25;
	v23 =	vld [tilespmem:s7+$0x0];
	v3 =	vmul.f32 v3, v7  }
0x18e: {  	s3 =	sor.u32 s4, s11;
	v14 =	vld [tilespmem:s7+$0x10];
	v12 =	vbroadcast v1, $0x2;
	v4 =	vmul.f32 v4, v10;
	v2 =	vadd.f32 $0.0e+00, v2  }
0x18f: {  	s5 =	sor.u32 $0xC0, s25;
	v22 =	vld [tilespmem:s3+$0x0];
	v5 =	vmul.f32 v5, v10;
	v3 =	vadd.f32 $0.0e+00, v3  }
0x190: {  	s12 =	sor.u32 s5, s11;
	v13 =	vld [tilespmem:s3+$0x10];
	v25 =	vbroadcast v1, $0x3;
	v24 =	vmul.f32 v6, v12;
	v2 =	vadd.f32 v4, v2  }
0x191: {  	s6 =	sor.u32 $0xE0, s25;
	v27 =	vld [tilespmem:s12+$0x0];
	v26 =	vmul.f32 v8, v12;
	v3 =	vadd.f32 v5, v3  }
0x192: {  	s13 =	sor.u32 s6, s11;
	v30 =	vld [tilespmem:s12+$0x10];
	v29 =	vbroadcast v1, $0x4;
	v28 =	vmul.f32 v9, v25;
	v2 =	vadd.f32 v24, v2  }
0x193: {  	s7 =	sor.u32 $0x100, s25;
	v32 =	vld [tilespmem:s13+$0x0];
	v31 =	vmul.f32 v11, v25;
	v3 =	vadd.f32 v26, v3  }
0x194: {  	v35 =	vld [tilespmem:s13+$0x10];
	s14 =	sor.u32 s7, s11;
	v34 =	vbroadcast v1, $0x5;
	v33 =	vmul.f32 v22, v29;
	v2 =	vadd.f32 v28, v2  }
0x195: {  	s12 =	sor.u32 $0x120, s25;
	v37 =	vld [tilespmem:s14+$0x0];
	v36 =	vmul.f32 v13, v29;
	v3 =	vadd.f32 v31, v3  }
0x196: {  	v40 =	vld [tilespmem:s14+$0x10];
	s15 =	sor.u32 s12, s11;
	v39 =	vbroadcast v1, $0x6;
	v38 =	vmul.f32 v23, v34;
	v2 =	vadd.f32 v33, v2  }
0x197: {  	s13 =	sor.u32 $0x140, s25;
	v42 =	vld [tilespmem:s15+$0x0];
	v41 =	vmul.f32 v14, v34;
	v3 =	vadd.f32 v36, v3  }
0x198: {  	s17 =	sor.u32 s13, s11;
	v44 =	vbroadcast v1, $0x7;
	v45 =	vld [tilespmem:s15+$0x10];
	v43 =	vmul.f32 v27, v39;
	v2 =	vadd.f32 v38, v2  }
0x199: {  	s14 =	sor.u32 $0x160, s25;
	v47 =	vld [tilespmem:s17+$0x0];
	v46 =	vmul.f32 v30, v39;
	v3 =	vadd.f32 v41, v3  }
0x19a: {  	v49 =	vbroadcast v1, $0x8;
	v50 =	vld [tilespmem:s17+$0x10];
	s19 =	sor.u32 s14, s11;
	v48 =	vmul.f32 v32, v44;
	v2 =	vadd.f32 v43, v2  }
0x19b: {  	s15 =	sor.u32 $0x180, s25;
	v52 =	vld [tilespmem:s19+$0x0];
	v51 =	vmul.f32 v35, v44;
	v3 =	vadd.f32 v46, v3  }
0x19c: {  	v55 =	vbroadcast v1, $0x9;
	v53 =	vld [tilespmem:s19+$0x10];
	s20 =	sor.u32 s15, s11;
	v54 =	vmul.f32 v37, v49;
	v2 =	vadd.f32 v48, v2  }
0x19d: {  	s17 =	sor.u32 $0x1A0, s25;
	v57 =	vld [tilespmem:s20+$0x0];
	v56 =	vmul.f32 v40, v49;
	v3 =	vadd.f32 v51, v3  }
0x19e: {  	v60 =	vbroadcast v1, $0xA;
	s31 =	sor.u32 s17, s11;
	v58 =	vld [tilespmem:s20+$0x10];
	v59 =	vmul.f32 v42, v55;
	v2 =	vadd.f32 v54, v2  }
0x19f: {  	s19 =	sor.u32 $0x1C0, s25;
	v62 =	vld [tilespmem:s31+$0x0];
	v61 =	vmul.f32 v45, v55;
	v3 =	vadd.f32 v56, v3  }
0x1a0: {  	v18 =	vbroadcast v1, $0xB;
	v63 =	vld [tilespmem:s31+$0x10];
	s31 =	sor.u32 s19, s11;
	v17 =	vmul.f32 v47, v60;
	v2 =	vadd.f32 v59, v2  }
0x1a1: {  	v20 =	vld [tilespmem:s31+$0x0];
	v19 =	vmul.f32 v50, v60;
	v3 =	vadd.f32 v61, v3  }
0x1a2: {  	v15 =	vbroadcast v1, $0xC;
	s20 =	sshll.u32 s9, $0x7;
	s11 =	sor.u32 s24, s11;
	v21 =	vld [tilespmem:s31+$0x10];
	v8 =	vmul.f32 v52, v18;
	v4 =	vadd.f32 v17, v2  }
0x1a3: {  	s3 =	sand.u32 $0x3FFFFE80, s20;
	v23 =	vld [tilespmem:s11+$0x0];
	v22 =	vmul.f32 v53, v18;
	v3 =	vadd.f32 v19, v3  }
0x1a4: {  	v25 =	vld [tilespmem:s11+$0x10];
	s3 =	sor.u32 s26, s3;
	v6 =	vmul.f32 v57, v15;
	v24 =	vbroadcast v1, $0xD;
	v4 =	vadd.f32 v8, v4  }
0x1a5: {  	s9 =	sor.u32 s16, s8;
	v26 =	vmul.f32 v58, v15;
	v2 =	vld [tilespmem:s3+$0x800];
	v3 =	vadd.f32 v22, v3  }
0x1a6: {  	s20 =	sor.u32 s25, s8;
	v39 =	vld [tilespmem:s9+$0x10];
	v27 =	vmul.f32 v62, v24;
	v28 =	vbroadcast v1, $0xE;
	v4 =	vadd.f32 v6, v4  }
0x1a7: {  	v29 =	vld [tilespmem:s20+$0x0];
	v31 =	vmul.f32 v63, v24;
	v3 =	vadd.f32 v26, v3  }
0x1a8: {  	s31 =	sor.u32 s21, s8;
	v30 =	vld [tilespmem:s20+$0x10];
	v1 =	vbroadcast v1, $0xF;
	v32 =	vmul.f32 v20, v28;
	v4 =	vadd.f32 v27, v4  }
0x1a9: {  	v33 =	vld [tilespmem:s31+$0x0];
	v35 =	vmul.f32 v21, v28;
	v3 =	vadd.f32 v31, v3  }
0x1aa: {  	v34 =	vld [tilespmem:s31+$0x10];
	v36 =	vmul.f32 v23, v1;
	v37 =	vbroadcast v2, $0x0;
	v4 =	vadd.f32 v32, v4  }
0x1ab: {  	s11 =	sor.u32 s10, s8;
	v1 =	vmul.f32 v25, v1;
	v38 =	vld [tilespmem:s9+$0x0];
	v3 =	vadd.f32 v35, v3  }
0x1ac: {  	s20 =	sor.u32 s4, s8;
	v42 =	vld [tilespmem:s11+$0x0];
	v41 =	vbroadcast v2, $0x1;
	v40 =	vmul.f32 v29, v37;
	v4 =	vadd.f32 v36, v4  }
0x1ad: {  	v47 =	vld [tilespmem:s20+$0x0];
	v44 =	vmul.f32 v30, v37;
	v1 =	vadd.f32 v1, v3  }
0x1ae: {  	s31 =	sor.u32 s1, s8;
	v43 =	vld [tilespmem:s11+$0x10];
	v46 =	vbroadcast v2, $0x2;
	v45 =	vmul.f32 v33, v41;
	v4 =	vadd.f32 v40, v4  }
0x1af: {  	v52 =	vld [tilespmem:s31+$0x0];
	v49 =	vmul.f32 v34, v41;
	v1 =	vadd.f32 v44, v1  }
0x1b0: {  	v48 =	vld [tilespmem:s20+$0x10];
	v51 =	vbroadcast v2, $0x3;
	v50 =	vmul.f32 v38, v46;
	v4 =	vadd.f32 v45, v4  }
0x1b1: {  	v53 =	vld [tilespmem:s31+$0x10];
	s31 =	sor.u32 s12, s8;
	v54 =	vmul.f32 v39, v46;
	v1 =	vadd.f32 v49, v1  }
0x1b2: {  	s9 =	sor.u32 s5, s8;
	v24 =	vld [tilespmem:s31+$0x0];
	v56 =	vbroadcast v2, $0x4;
	v55 =	vmul.f32 v42, v51;
	v4 =	vadd.f32 v50, v4  }
0x1b3: {  	v57 =	vld [tilespmem:s9+$0x0];
	v59 =	vmul.f32 v43, v51;
	v1 =	vadd.f32 v54, v1  }
0x1b4: {  	v58 =	vld [tilespmem:s9+$0x10];
	s11 =	sor.u32 s6, s8;
	v61 =	vbroadcast v2, $0x5;
	v60 =	vmul.f32 v47, v56;
	v4 =	vadd.f32 v55, v4  }
0x1b5: {  	v62 =	vld [tilespmem:s11+$0x0];
	v16 =	vmul.f32 v48, v56;
	v1 =	vadd.f32 v59, v1  }
0x1b6: {  	v63 =	vld [tilespmem:s11+$0x10];
	s20 =	sor.u32 s7, s8;
	v18 =	vbroadcast v2, $0x6;
	v17 =	vmul.f32 v52, v61;
	v4 =	vadd.f32 v60, v4  }
0x1b7: {  	v19 =	vld [tilespmem:s20+$0x0];
	v21 =	vmul.f32 v53, v61;
	v1 =	vadd.f32 v16, v1  }
0x1b8: {  	v20 =	vld [tilespmem:s20+$0x10];
	v23 =	vbroadcast v2, $0x7;
	v22 =	vmul.f32 v57, v18;
	v4 =	vadd.f32 v17, v4  }
0x1b9: {  	v25 =	vld [tilespmem:s31+$0x10];
	s9 =	sor.u32 s13, s8;
	v26 =	vmul.f32 v58, v18;
	v1 =	vadd.f32 v21, v1  }
0x1ba: {  	v28 =	vbroadcast v2, $0x8;
	v27 =	vmul.f32 v62, v23;
	v29 =	vld [tilespmem:s9+$0x0];
	v4 =	vadd.f32 v22, v4  }
0x1bb: {  	s11 =	sor.u32 s14, s8;
	v30 =	vld [tilespmem:s9+$0x10];
	v31 =	vmul.f32 v63, v23;
	v1 =	vadd.f32 v26, v1  }
0x1bc: {  	s20 =	sor.u32 s15, s8;
	v33 =	vbroadcast v2, $0x9;
	v34 =	vld [tilespmem:s11+$0x0];
	v32 =	vmul.f32 v19, v28;
	v4 =	vadd.f32 v27, v4  }
0x1bd: {  	v39 =	vld [tilespmem:s20+$0x0];
	v36 =	vmul.f32 v20, v28;
	v1 =	vadd.f32 v31, v1  }
0x1be: {  	v38 =	vbroadcast v2, $0xA;
	v35 =	vld [tilespmem:s11+$0x10];
	v37 =	vmul.f32 v24, v33;
	v4 =	vadd.f32 v32, v4  }
0x1bf: {  	v53 =	vld [tilespmem:s2+$0x0];
	v41 =	vmul.f32 v25, v33;
	v1 =	vadd.f32 v36, v1  }
0x1c0: {  	s31 =	sor.u32 s17, s8;
	v43 =	vbroadcast v2, $0xB;
	v40 =	vld [tilespmem:s20+$0x10];
	v42 =	vmul.f32 v29, v38;
	v4 =	vadd.f32 v37, v4  }
0x1c1: {  	v44 =	vld [tilespmem:s31+$0x0];
	v46 =	vmul.f32 v30, v38;
	v1 =	vadd.f32 v41, v1  }
0x1c2: {  	s0 =	sshll.u32 s0, $0x7;
	s8 =	sor.u32 s19, s8;
	v48 =	vbroadcast v2, $0xC;
	v47 =	vmul.f32 v34, v43;
	v45 =	vld [tilespmem:s31+$0x10];
	v4 =	vadd.f32 v42, v4  }
0x1c3: {  	s0 =	sand.u32 $0x3FFFFF00, s0;
	v6 =	vmul.f32 v35, v43;
	v49 =	vld [tilespmem:s8+$0x0];
	v3 =	vadd.f32 v46, v1  }
0x1c4: {  	s0 =	sor.u32 s26, s0;
	v52 =	vbroadcast v2, $0xD;
	v51 =	vmul.f32 v39, v48;
	v50 =	vld [tilespmem:s8+$0x10];
	v4 =	vadd.f32 v47, v4  }
0x1c5: {  	v54 =	vmul.f32 v40, v48;
	v1 =	vld [tilespmem:s0+$0x800];
	v3 =	vadd.f32 v6, v3  }
0x1c6: {  	v56 =	vbroadcast v2, $0xE;
	v57 =	vld [tilespmem:s2+$0x10];
	s9 =	sor.u32 s25, s30;
	v55 =	vmul.f32 v44, v52;
	v4 =	vadd.f32 v51, v4  }
0x1c7: {  	v59 =	vld [tilespmem:s9+$0x0];
	v58 =	vmul.f32 v45, v52;
	v3 =	vadd.f32 v54, v3  }
0x1c8: {  	v2 =	vbroadcast v2, $0xF;
	v61 =	vld [tilespmem:s9+$0x10];
	s11 =	sor.u32 s21, s30;
	v60 =	vmul.f32 v49, v56;
	v4 =	vadd.f32 v55, v4  }
0x1c9: {  	v63 =	vld [tilespmem:s11+$0x0];
	v62 =	vmul.f32 v50, v56;
	v3 =	vadd.f32 v58, v3  }
0x1ca: {  	v18 =	vld [tilespmem:s11+$0x10];
	s20 =	sor.u32 s16, s30;
	v16 =	vmul.f32 v53, v2;
	v17 =	vbroadcast v1, $0x0;
	v4 =	vadd.f32 v60, v4  }
0x1cb: {  	v19 =	vld [tilespmem:s20+$0x0];
	v2 =	vmul.f32 v57, v2;
	v3 =	vadd.f32 v62, v3  }
0x1cc: {  	s31 =	sor.u32 s10, s30;
	v22 =	vld [tilespmem:s20+$0x10];
	v21 =	vbroadcast v1, $0x1;
	v20 =	vmul.f32 v59, v17;
	v4 =	vadd.f32 v16, v4  }
0x1cd: {  	v24 =	vld [tilespmem:s31+$0x0];
	v23 =	vmul.f32 v61, v17;
	v2 =	vadd.f32 v2, v3  }
0x1ce: {  	s2 =	sor.u32 s4, s30;
	v27 =	vld [tilespmem:s31+$0x10];
	v26 =	vbroadcast v1, $0x2;
	v25 =	vmul.f32 v63, v21;
	v4 =	vadd.f32 v20, v4  }
0x1cf: {  	v29 =	vld [tilespmem:s2+$0x0];
	v28 =	vmul.f32 v18, v21;
	v2 =	vadd.f32 v23, v2  }
0x1d0: {  	s3 =	sor.u32 s1, s30;
	v32 =	vld [tilespmem:s2+$0x10];
	v31 =	vbroadcast v1, $0x3;
	v30 =	vmul.f32 v19, v26;
	v4 =	vadd.f32 v25, v4  }
0x1d1: {  	v34 =	vld [tilespmem:s3+$0x0];
	v33 =	vmul.f32 v22, v26;
	v2 =	vadd.f32 v28, v2  }
0x1d2: {  	s8 =	sor.u32 s5, s30;
	v37 =	vld [tilespmem:s3+$0x10];
	v36 =	vbroadcast v1, $0x4;
	v35 =	vmul.f32 v24, v31;
	v4 =	vadd.f32 v30, v4  }
0x1d3: {  	v39 =	vld [tilespmem:s8+$0x0];
	v38 =	vmul.f32 v27, v31;
	v2 =	vadd.f32 v33, v2  }
0x1d4: {  	s9 =	sor.u32 s6, s30;
	v42 =	vld [tilespmem:s8+$0x10];
	v41 =	vbroadcast v1, $0x5;
	v40 =	vmul.f32 v29, v36;
	v4 =	vadd.f32 v35, v4  }
0x1d5: {  	v44 =	vld [tilespmem:s9+$0x0];
	v43 =	vmul.f32 v32, v36;
	v2 =	vadd.f32 v38, v2  }
0x1d6: {  	s11 =	sor.u32 s7, s30;
	v47 =	vld [tilespmem:s9+$0x10];
	v46 =	vbroadcast v1, $0x6;
	v45 =	vmul.f32 v34, v41;
	v4 =	vadd.f32 v40, v4  }
0x1d7: {  	v49 =	vld [tilespmem:s11+$0x0];
	v48 =	vmul.f32 v37, v41;
	v2 =	vadd.f32 v43, v2  }
0x1d8: {  	v52 =	vld [tilespmem:s11+$0x10];
	s20 =	sor.u32 s12, s30;
	v51 =	vbroadcast v1, $0x7;
	v50 =	vmul.f32 v39, v46;
	v4 =	vadd.f32 v45, v4  }
0x1d9: {  	v54 =	vld [tilespmem:s20+$0x0];
	v53 =	vmul.f32 v42, v46;
	v2 =	vadd.f32 v48, v2  }
0x1da: {  	v57 =	vld [tilespmem:s20+$0x10];
	s31 =	sor.u32 s13, s30;
	v56 =	vbroadcast v1, $0x8;
	v55 =	vmul.f32 v44, v51;
	v4 =	vadd.f32 v50, v4  }
0x1db: {  	v58 =	vmul.f32 v47, v51;
	v59 =	vld [tilespmem:s31+$0x0];
	v2 =	vadd.f32 v53, v2  }
0x1dc: {  	s2 =	sor.u32 s14, s30;
	v61 =	vbroadcast v1, $0x9;
	v60 =	vmul.f32 v49, v56;
	v62 =	vld [tilespmem:s31+$0x10];
	v4 =	vadd.f32 v55, v4  }
0x1dd: {  	v13 =	vld [tilespmem:s2+$0x0];
	v63 =	vmul.f32 v52, v56;
	v2 =	vadd.f32 v58, v2  }
0x1de: {  	s3 =	sor.u32 s15, s30;
	v15 =	vbroadcast v1, $0xA;
	v14 =	vmul.f32 v54, v61;
	v16 =	vld [tilespmem:s2+$0x10];
	v4 =	vadd.f32 v60, v4  }
0x1df: {  	v18 =	vld [tilespmem:s3+$0x0];
	v17 =	vmul.f32 v57, v61;
	v2 =	vadd.f32 v63, v2  }
0x1e0: {  	s8 =	sor.u32 s17, s30;
	v21 =	vld [tilespmem:s3+$0x10];
	v19 =	vmul.f32 v59, v15;
	v20 =	vbroadcast v1, $0xB;
	v4 =	vadd.f32 v14, v4  }
0x1e1: {  	s9 =	sshllo.u32 s28, $0x2;
	v23 =	vld [tilespmem:s8+$0x0];
	v22 =	vmul.f32 v62, v15;
	v2 =	vadd.f32 v17, v2  }
0x1e2: {  	s11 =	sor.u32 s19, s30;
	s20 =	sshll.u32 s9, $0x7;
	v26 =	vld [tilespmem:s8+$0x10];
	v24 =	vmul.f32 v13, v20;
	v25 =	vbroadcast v1, $0xC;
	v4 =	vadd.f32 v19, v4  }
0x1e3: {  	v27 =	vld [tilespmem:s11+$0x0];
	s3 =	sand.u32 $0x3FFFFF80, s20;
	s2 =	sshll.u32 s9, $0xE;
	v6 =	vmul.f32 v16, v20;
	v3 =	vadd.f32 v22, v2  }
0x1e4: {  	s26 =	sor.u32 s26, s3;
	s2 =	sshra.s32 s2, $0x2;
	v28 =	vld [tilespmem:s11+$0x10];
	v29 =	vmul.f32 v18, v25;
	v30 =	vbroadcast v1, $0xD;
	v4 =	vadd.f32 v24, v4  }
0x1e5: {  	s28 =	sadd.s32 $0x1000, s2;
	v31 =	vmul.f32 v21, v25;
	v2 =	vld [tilespmem:s26+$0x800];
	v3 =	vadd.f32 v6, v3  }
0x1e6: {  	v32 =	vld [tilespmem:s29+$0x10];
	v34 =	vbroadcast v1, $0xE;
	s2 =	sor.u32 s25, s28;
	v33 =	vmul.f32 v23, v30;
	v4 =	vadd.f32 v29, v4  }
0x1e7: {  	v36 =	vld [tilespmem:s2+$0x0];
	v35 =	vmul.f32 v26, v30;
	v3 =	vadd.f32 v31, v3  }
0x1e8: {  	s30 =	sor.u32 s21, s28;
	v37 =	vld [tilespmem:s2+$0x10];
	v1 =	vbroadcast v1, $0xF;
	v38 =	vmul.f32 v27, v34;
	v4 =	vadd.f32 v33, v4  }
0x1e9: {  	v39 =	vmul.f32 v28, v34;
	v40 =	vld [tilespmem:s30+$0x0];
	v3 =	vadd.f32 v35, v3  }
0x1ea: {  	s31 =	sor.u32 s16, s28;
	v41 =	vld [tilespmem:s30+$0x10];
	v0 =	vmul.f32 v0, v1;
	v42 =	vbroadcast v2, $0x0;
	v4 =	vadd.f32 v38, v4  }
0x1eb: {  	v1 =	vmul.f32 v32, v1;
	v43 =	vld [tilespmem:s31+$0x0];
	v3 =	vadd.f32 v39, v3  }
0x1ec: {  	s3 =	sor.u32 s10, s28;
	v44 =	vld [tilespmem:s31+$0x10];
	v46 =	vbroadcast v2, $0x1;
	v45 =	vmul.f32 v36, v42;
	v0 =	vadd.f32 v0, v4  }
0x1ed: {  	v48 =	vld [tilespmem:s3+$0x0];
	v47 =	vmul.f32 v37, v42;
	v1 =	vadd.f32 v1, v3  }
0x1ee: {  	s8 =	sor.u32 s4, s28;
	v49 =	vld [tilespmem:s3+$0x10];
	v51 =	vbroadcast v2, $0x2;
	v50 =	vmul.f32 v40, v46;
	v0 =	vadd.f32 v45, v0  }
0x1ef: {  	v53 =	vld [tilespmem:s8+$0x0];
	v52 =	vmul.f32 v41, v46;
	v1 =	vadd.f32 v47, v1  }
0x1f0: {  	s1 =	sor.u32 s1, s28;
	v54 =	vld [tilespmem:s8+$0x10];
	v56 =	vbroadcast v2, $0x3;
	v55 =	vmul.f32 v43, v51;
	v0 =	vadd.f32 v50, v0  }
0x1f1: {  	v58 =	vld [tilespmem:s1+$0x0];
	v57 =	vmul.f32 v44, v51;
	v1 =	vadd.f32 v52, v1  }
0x1f2: {  	s9 =	sor.u32 s5, s28;
	v59 =	vld [tilespmem:s1+$0x10];
	v61 =	vbroadcast v2, $0x4;
	v60 =	vmul.f32 v48, v56;
	v0 =	vadd.f32 v55, v0  }
0x1f3: {  	v63 =	vld [tilespmem:s9+$0x0];
	v62 =	vmul.f32 v49, v56;
	v1 =	vadd.f32 v57, v1  }
0x1f4: {  	s10 =	sor.u32 s6, s28;
	v12 =	vld [tilespmem:s9+$0x10];
	v14 =	vbroadcast v2, $0x5;
	v13 =	vmul.f32 v53, v61;
	v0 =	vadd.f32 v60, v0  }
0x1f5: {  	v16 =	vld [tilespmem:s10+$0x0];
	v15 =	vmul.f32 v54, v61;
	v1 =	vadd.f32 v62, v1  }
0x1f6: {  	s11 =	sor.u32 s7, s28;
	v17 =	vld [tilespmem:s10+$0x10];
	v19 =	vbroadcast v2, $0x6;
	v18 =	vmul.f32 v58, v14;
	v0 =	vadd.f32 v13, v0  }
0x1f7: {  	v21 =	vld [tilespmem:s11+$0x0];
	v20 =	vmul.f32 v59, v14;
	v1 =	vadd.f32 v15, v1  }
0x1f8: {  	s12 =	sor.u32 s12, s28;
	v22 =	vld [tilespmem:s11+$0x10];
	v24 =	vbroadcast v2, $0x7;
	v23 =	vmul.f32 v63, v19;
	v0 =	vadd.f32 v18, v0  }
0x1f9: {  	v26 =	vld [tilespmem:s12+$0x0];
	v25 =	vmul.f32 v12, v19;
	v1 =	vadd.f32 v20, v1  }
0x1fa: {  	s13 =	sor.u32 s13, s28;
	v27 =	vld [tilespmem:s12+$0x10];
	v29 =	vbroadcast v2, $0x8;
	v28 =	vmul.f32 v16, v24;
	v0 =	vadd.f32 v23, v0  }
0x1fb: {  	v31 =	vld [tilespmem:s13+$0x0];
	v30 =	vmul.f32 v17, v24;
	v1 =	vadd.f32 v25, v1  }
0x1fc: {  	s14 =	sor.u32 s14, s28;
	v32 =	vld [tilespmem:s13+$0x10];
	v34 =	vbroadcast v2, $0x9;
	v33 =	vmul.f32 v21, v29;
	v0 =	vadd.f32 v28, v0  }
0x1fd: {  	v35 =	vmul.f32 v22, v29;
	v36 =	vld [tilespmem:s14+$0x0];
	v1 =	vadd.f32 v30, v1  }
0x1fe: {  	s16 =	sor.u32 s15, s28;
	v37 =	vld [tilespmem:s14+$0x10];
	v38 =	vmul.f32 v26, v34;
	v39 =	vbroadcast v2, $0xA;
	v0 =	vadd.f32 v33, v0  }
0x1ff: {  	v40 =	vmul.f32 v27, v34;
	v41 =	vld [tilespmem:s16+$0x0];
	v1 =	vadd.f32 v35, v1  }
0x200: {  	s20 =	sor.u32 s17, s28;
	v42 =	vld [tilespmem:s16+$0x10];
	v44 =	vbroadcast v2, $0xB;
	v43 =	vmul.f32 v31, v39;
	v0 =	vadd.f32 v38, v0  }
0x201: {  	v46 =	vld [tilespmem:s20+$0x0];
	v45 =	vmul.f32 v32, v39;
	v1 =	vadd.f32 v40, v1  }
0x202: {  	s21 =	sor.u32 s19, s28;
	v49 =	vbroadcast v2, $0xC;
	v47 =	vld [tilespmem:s20+$0x10];
	v48 =	vmul.f32 v36, v44;
	v0 =	vadd.f32 v43, v0  }
0x203: {  	v51 =	vld [tilespmem:s21+$0x0];
	v50 =	vmul.f32 v37, v44;
	v1 =	vadd.f32 v45, v1  }
0x204: {  	s0 =	sor.u32 s24, s28;
	v54 =	vbroadcast v2, $0xD;
	v53 =	vmul.f32 v41, v49;
	v52 =	vld [tilespmem:s21+$0x10];
	v0 =	vadd.f32 v48, v0  }
0x205: {  	v56 =	vld [tilespmem:s0+$0x0];
	v55 =	vmul.f32 v42, v49;
	v1 =	vadd.f32 v50, v1  }
0x206: {  	v58 =	vbroadcast v2, $0xE;
	v59 =	vld [tilespmem:s0+$0x10];
	v57 =	vmul.f32 v46, v54;
	v0 =	vadd.f32 v53, v0  }
0x207: {  	v60 =	vmul.f32 v47, v54;
	v1 =	vadd.f32 v55, v1  }
0x208: {  	v2 =	vbroadcast v2, $0xF;
	v61 =	vmul.f32 v51, v58;
	v0 =	vadd.f32 v57, v0  }
0x209: {  	v62 =	vmul.f32 v52, v58;
	v1 =	vadd.f32 v60, v1  }
0x20a: {  	s23 =	sshll.u32 s23, $0x5;
	s24 =	sadd.s32 $0x20, s22;
	v63 =	vmul.f32 v56, v2;
	v0 =	vadd.f32 v61, v0  }
0x20b: {  	s25 =	sand.u32 $0x80, s24;
	s0 =	sand.u32 $0x3FFFFF00, s23;
	v2 =	vmul.f32 v59, v2;
	v1 =	vadd.f32 v62, v1  }
0x20c: {  	s1 =	sand.u32 $0x60, s24;
	s0 =	sor.u32 s25, s0;
	v0 =	vadd.f32 v63, v0  }
0x20d: {  	s29 =	simm.s32 $0x0;
	s26 =	rddreg [dreg:$0xa];
	s0 =	sor.u32 s1, s0;
	v1 =	vadd.f32 v2, v1  }
0x20e: {  	s28 =	rddreg [dreg:$0x5];
	s1 =	sshll.u32 s26, $0x5;
	[tilespmem:s0+$0x11000] =	vst v0;
	s0 =	sadd.s32 $0x11000, s0  }
0x20f: {  	s2 =	simm.s32 $0x2;
	s30 =	simm.s32 $0x11000;
	[tilespmem:s0+$0x10] =	vst v1;
	s0 =	sadd.s32 s28, s1  }
0x210: {  	[hbm4b:s0+s29] =	stream.linear.scatter [tilespmem:s30], [sflag:$0x2], $0x400, $0x38;
	[tilespmem:$0x11400] =	vst v63  }
0x211: {  	_ =	swait.ge [sflag:s2], $0x400  }
0x212: {  	s31 =	rddreg [dreg:$0x9]  }
0x213: {  	s0 =	sadd.s32 $0x1, s31  }
0x214: {  	p0 =	sne.s32 s0, $0x3A  }
.Ltmp1:
0x215: {  	_ = 	snop;
	(pc) =	sbr.rel @p0 .LBB2_2-.Ltmp1, $3  }
0x216: {  	_ =	sdelay $0x1  }
0x217: {  	[sflag:s2] =	ssyncset.done $0x0  }
0x218: {  	[sflag:s2] =	ssyncadd.s32 $0xFFFFFC00  }
0x219: {  	s1 =	rddreg [dreg:$0x8]  }
0x21a: {  	s0 =	rddreg [dreg:$0x7];
	s1 =	sadd.s32 $0x1, s1  }
0x21b: {  	p0 =	sne.s32 s1, s0  }
.Ltmp2:
0x21c: {  	_ = 	snop;
	(pc) =	sbr.rel @p0 .LBB2_1-.Ltmp2, $1  }
0x21d: {  	_ =	sdelay $0x3  }
0x21e: {  	_ =	sfence.sel $0x180000  }
0x21f: {  	[bflag:$0x0] =	sbarrier.arrive $0xFFFF  }
0x220: {  	_ =	strace $0x9000004A  }
0x221: {  	s0 =	stileid.u32;
	[bflag:$0x2] =	sbarrier.arrive $0xFFFF  }
0x222: {  	p0 =	sne.s32 s0, $0x0;
	s0 =	rddreg [dreg:$0x1]  }
0x223: {  	s0 =	sadd.s32 @!p0 $0x100000, s0  }
0x224: {  	[sflag:s0] =	ssyncadd.tile.s32 @!p0 $0x1;
	_ =	shalt  }
.Lfunc_end2:
_tile_overlayer_lowered:
.L_overlay_start_2:
0x225: {  	(tag) =	ssettag $0x2  }
0x226: {  	s0 =	rddreg [dreg:$0x0];
	s2 =	stileid.u32  }
0x227: {  	s1 =	rddreg [dreg:$0x1];
	p0 =	sne.s32 s2, $0x0  }
0x228: {  	s3 =	rddreg [dreg:$0x2];
	[bflag:$0x3] =	sbarrier.arrive $0xFFFF;
	s2 =	simm.s32 @!p0 $0x1C02  }
0x229: {  	[timem:s3], [sflag:s2] =	dma.local @!p0 [hbm:s0], s1  }
0x22a: {  	s0 =	simm.s32 @!p0 $0x2  }
0x22b: {  	_ =	swait.ge @!p0 [sflag:s0], s1  }
0x22c: {  	s1 =	ssub.s32 @!p0 $0x0, s1;
	[sflag:s0] =	ssyncset.done @!p0 $0x0  }
0x22d: {  	[sflag:s0] =	ssyncadd.s32 @!p0 s1  }
0x22e: {  	[bflag:$0x3] =	sbarrier.arrive $0xFFFF  }
0x22f: {  	_ =	shalt  }

// kernel: sparse-core-data-format-call.cloned.1.call-start
scs
called_computation_lowered:
.L_overlay_start_0:
0x0: {  	s1 =	sld [smem:$0x3FD9]  }
0x1: {  	s2 =	sld [smem:$0x3FFE];
	_ =	sdelay $0x1  }
0x2: {  	s3 =	srdreg.scid  }
0x3: {  	s0 =	sand.u32 $0x1, s3  }
0x4: {  	s17 =	sshll.u32 s0, $0xA;
	s1 =	sadd.s32 s2, s1  }
0x5: {  	s1 =	sadd.s32 s1, s17  }
0x6: {  	[smem:$0x3FBD] =	sst s1  }
0x7: {  	_ = 	snop  }
0x8: {  	(tm) =	ssettm $0x1  }
0x9: {  	s18 =	sld [smem:$0x3FFB];
	_ =	sdelay $0x3  }
0xa: {  	_ =	strace s18  }
0xb: {  	s1 =	sld [smem:$0x3FFC];
	_ =	sdelay $0x3  }
0xc: {  	_ =	strace s1  }
0xd: {  	s1 =	sld [smem:$0x3FFD];
	_ =	sdelay $0x3  }
0xe: {  	_ =	strace s1  }
0xf: {  	_ =	strace $0x8FFFFFFF  }
0x10: {  	s19 =	sld [smem:$0x3FDB];
	_ =	sdelay $0x1  }
0x11: {  	s20 =	simm.s32 $_scs_section_size  }
0x12: {  	s4 =	simm.s32 $_size__tile_overlayer_lowered;
	s5 =	simm.s32 $_tile_overlayer_lowered  }
0x13: {  	s23 =	simm.s32 $0x1BFF;
	s22 =	sshll.u32 s5, $0x1;
	s1 =	sadd.s32 s20, s19  }
0x14: {  	s6 =	simm.s32 $0x0;
	s21 =	sshll.u32 s4, $0x1;
	s4 =	sadd.s32 s22, s1  }
0x15: {  	[timem:s6], [sflag:s23] =	dma.local [hbm:s4], s21  }
0x16: {  	_ =	swait.ge [sflag:s23], s21  }
0x17: {  	s2 =	ssub.s32 $0x0, s21;
	[sflag:s23] =	ssyncset.done $0x0  }
0x18: {  	[sflag:s23] =	ssyncadd.s32 s2;
	_ =	sdelay $0x1  }
0x19: {  	s24 =	simm.s32 $0x1B8B  }
0x1a: {  	_ =	swait.ge [sflag:s24], $0x1  }
0x1b: {  	[sflag:s24] =	ssyncset.done $0x0  }
0x1c: {  	s26 =	simm.s32 $0x1B8E;
	s25 =	sld [smem:$0x3FFE];
	[sflag:s24] =	ssyncadd.s32 $0xFFFFFFFF  }
0x1d: {  	s27 =	simm.s32 $execute0_lowered;
	[smem:$0x3FD2] =	sst s26  }
0x1e: {  	s4 =	sshll.u32 s27, $0x1;
	_ =	strace $0x80000046;
	[dreg:$0x1] =	wrdreg $0xFFFFFFFF  }
0x1f: {  	s28 =	simm.s32 $_size_execute0_lowered;
	s1 =	sadd.s32 s1, s4;
	[dreg:$0x0] =	wrdreg $0x0  }
0x20: {  	s4 =	sshll.u32 s28, $0x1;
	[dreg:$0x2] =	wrdreg s1  }
0x21: {  	[dreg:$0x3] =	wrdreg s4  }
0x22: {  	[dreg:$0x4] =	wrdreg $0xC0  }
0x23: {  	_ =	task [dreg:s6], $0x5FFFF  }
0x24: {  	[dreg:$0x1] =	wrdreg $0xFFFFFFFF  }
0x25: {  	[dreg:$0x0] =	wrdreg $0x60  }
0x26: {  	[dreg:$0x2] =	wrdreg s25  }
0x27: {  	[dreg:$0x3] =	wrdreg $0x9  }
0x28: {  	_ =	task.clear_ibuf [dreg:s6], $0x4FFFF;
	_ =	strace $0x90000046  }
0x29: {  	s29 =	simm.s32 $0x9;
	_ =	strace $0x80000048  }
0x2a: {  	_ =	swait.ge [sflag:s29], $0x1  }
0x2b: {  	[sflag:s29] =	ssyncadd.s32 $0xFFFFFFFF  }
0x2c: {  	_ =	strace $0x90000048  }
0x2d: {  	_ =	sfence  }
0x2e: {  	s30 =	sld [smem:$0x0];
	_ =	sdelay $0x2  }
0x2f: {  	s31 =	sshll.u32 s3, $0xD;
	s3 =	sshrl.u32 s3, $0x2  }
0x30: {  	s2 =	sand.u32 $0x4000, s31;
	s1 =	sadd.s32 s3, s30  }
0x31: {  	s0 =	sor.u32 s2, s0;
	s1 =	sshll.u32 s1, $0x11  }
0x32: {  	s0 =	sor.u32 s1, s0  }
0x33: {  	s0 =	sadd.s32 $0x8F2B, s0  }
0x34: {  	[sflag:s0] =	ssyncadd.remote.s32 $0x1  }
0x35: {  	_ =	sfence.sel $0xFFFF  }
0x36: {  	[dreg:$0x0] =	wrdreg $0xFFFFFFFF;
	(pc) =	sbr.abs _section_cstart, $3  }
0x37: {  	[dreg:$0x1] =	wrdreg $0xFFFFFFFF  }
0x38: {  	_ =	task.clear_ibuf [dreg:s6], $0x2FFFF;
	_ =	strace $0x9FFFFFFF  }
0x39: {  	(tm) =	ssettm $0x7FFFFFFF  }
tec
execute0_lowered:
.L_overlay_start_1:
0x0: {  	(tag) =	ssettag $0x1  }
0x1: {  	s0 =	srdreg.scid  }
0x2: {  	s1 =	sshll.u32 s0, $0x4  }
0x3: {  	s4 =	rddreg [dreg:$0x0];
	s0 =	stileid.u32;
	s1 =	sand.u32 $0x10, s1  }
0x4: {  	s7 =	simm.s32 $0x1;
	s8 =	simm.s32 $0x2;
	s1 =	sor.u32 s0, s1  }
0x5: {  	s9 =	simm.s32 $0x0;
	s12 =	simm.s32 $0x0;
	s2 =	sshll.u32 s1, $0x3  }
0x6: {  	s11 =	simm.s32 $0x0;
	s3 =	sadd.s32 $0x2C00, s4;
	s6 =	ssub.s32 $0x1540, s2  }
.Ltmp0:
0x7: {  	s4 =	sadd.s32 $0x156C00, s4;
	s5 =	sand.u32 $0xF8, s6;
	(pc) =	sbr.rel .LBB1_1-.Ltmp0, $4  }
0x8: {  	s1 =	rddreg [dreg:$0x1];
	_ =	strace $0x80000047;
	p0 =	sne.s32 s5, $0x0  }
0x9: {  	s6 =	sshrl.u32 s6, $0x8;
	s5 =	simm.s32 $0x1;
	s7 =	simm.s32 @!p0 $0x0  }
0xa: {  	s10 =	smov.u32 s2;
	[sflag:s5] =	ssyncpa.u1 $0x0;
	s6 =	sadd.s32 s7, s6  }
0xb: {  	[sflag:s8] =	ssyncpa.u1 $0x0;
	s8 =	simm.s32 $0x0;
	s7 =	sadd.s32 $0x1, s6  }
.LBB1_9:
0xc: {  	s14 =	sadd.s32 $0x100, s10  }
0xd: {  	p1 =	sgt.s32 s14, $0x153F  }
0xe: {  	s14 =	smov.u32 @p1 s2;
	p1 =	sne.s32 s11, s7  }
.Ltmp1:
0xf: {  	p0 =	slt.u32 s11, $0x2;
	(pc) =	sbr.rel @!p1 .LBB1_10-.Ltmp1, $4  }
0x10: {  	s13 =	simm.s32 @!p0 $0x2  }
0x11: {  	s15 =	sadd.s32 $0x1, s11;
	_ =	swait.ge @!p0 [sflag:s13], $0x4000  }
0x12: {  	s12 =	smov.u32 s10;
	s9 =	sadd.s32 $0x4000, s9;
	[sflag:s13] =	ssyncset.done @!p0 $0x0  }
0x13: {  	s11 =	smov.u32 s15;
	s10 =	smov.u32 s14;
	[sflag:s13] =	ssyncadd.s32 @!p0 $0xFFFFC000  }
.LBB1_1:
0x14: {  	p0 =	sge.u32 s11, s6  }
0x15: {  	s13 =	sxor.u32 @!p0 $0xFFFFFFFF, s11  }
0x16: {  	s31 =	sadd.s32 $0xFFFFFFFF, s11;
	s14 =	sshll.u32 @!p0 s10, $0x8;
	s13 =	sshll.u32 @!p0 s13, $0xE  }
0x17: {  	s15 =	simm.s32 @!p0 $0x0;
	s14 =	sadd.s32 @!p0 s3, s14;
	s13 =	sand.u32 @!p0 $0x4000, s13  }
0x18: {  	[tilespmem:s13], [sflag:$0x1] =	stream.linear.gather @!p0 [hbm4b:s14+s15], $0x4000, $0x38;
	[tilespmem:$0x10000] =	vst v63  }
0x19: {  	p0 =	sge.u32 s31, s6  }
.Ltmp2:
0x1a: {  	_ = 	snop;
	(pc) =	sbr.rel @p0 .LBB1_9-.Ltmp2, $1  }
0x1b: {  	_ =	sdelay $0x3  }
0x1c: {  	s13 =	sshll.u32 s9, $0x2;
	_ =	swait.ge [sflag:s5], $0x4000;
	s14 =	sshll.u32 s11, $0xE  }
0x1d: {  	s16 =	simm.s32 $0x0;
	s17 =	simm.s32 $0x0;
	s15 =	sand.u32 $0x10000, s13  }
0x1e: {  	[sflag:s5] =	ssyncset.done $0x0;
	s31 =	sand.u32 $0x4000, s14;
	s14 =	sshrl.u32 s15, $0x2  }
0x1f: {  	[sflag:s5] =	ssyncadd.s32 $0xFFFFC000;
	s13 =	sor.u32 $0x8000, s31;
	s15 =	sor.u32 $0x8000, s14  }
.LBB1_3:
0x20: {  	s18 =	sshra.s32 s16, $0x2  }
0x21: {  	v0 =	vmov s18;
	_ =	sdelay $0x3  }
0x22: {  	p1 =	por $0x1, $0x1;
	s18 =	simm.s32 $0x0  }
.LBB1_4:
0x23: {  	_ = 	snop  }
0x24: {  	s19 =	sshll.u32 s18, $0xA  }
0x25: {  	s19 =	sand.u32 $0x3FFFFC00, s19  }
0x26: {  	s19 =	sadd.s32 s19, s14  }
0x27: {  	v5 =	vld.idx.msk [tilespmem:v0+s19+$0x70 ss:$0x1], $0xffff  }
0x28: {  	v6 =	vld.idx.msk [tilespmem:v0+s19+$0x10 ss:$0x1], $0xffff  }
0x29: {  	v7 =	vld.idx.msk [tilespmem:v0+s19+$0x20 ss:$0x1], $0xffff  }
0x2a: {  	s31 =	sshll.u32 s18, $0x7;
	v1 =	vld.idx.msk [tilespmem:v0+s19+$0x30 ss:$0x1], $0xffff  }
0x2b: {  	s18 =	sand.u32 $0x3FFFFF80, s31;
	v2 =	vld.idx.msk [tilespmem:v0+s19+$0x40 ss:$0x1], $0xffff  }
0x2c: {  	s18 =	sadd.s32 s18, s15;
	v3 =	vld.idx.msk [tilespmem:v0+s19+$0x50 ss:$0x1], $0xffff  }
0x2d: {  	v4 =	vld.idx.msk [tilespmem:v0+s19+$0x60 ss:$0x1], $0xffff;
	[tilespmem:v0+s18+$0x70 ss:$0x1] =	vst.idx.msk $0xffff, v5  }
0x2e: {  	v5 =	vld.idx.msk [tilespmem:v0+s19+$0x0 ss:$0x1], $0xffff;
	[tilespmem:v0+s18+$0x10 ss:$0x1] =	vst.idx.msk $0xffff, v6;
	s19 =	sadd.s32 $0x80, s19  }
0x2f: {  	p0 =	por p1, p1;
	s20 =	simm.s32 $0x6;
	[tilespmem:v0+s18+$0x20 ss:$0x1] =	vst.idx.msk $0xffff, v7;
	v6 =	vld.idx.msk [tilespmem:v0+s19+$0x70 ss:$0x1], $0xffff  }
.LBB1_5:
0x30: {  	p1 =	sne.s32 s20, $0x1;
	v7 =	vld.idx.msk [tilespmem:v0+s19+$0x10 ss:$0x1], $0xffff;
	[tilespmem:v0+s18+$0x30 ss:$0x1] =	vst.idx.msk $0xffff, v1  }
0x31: {  	v8 =	vld.idx.msk [tilespmem:v0+s19+$0x20 ss:$0x1], $0xffff;
	[tilespmem:v0+s18+$0x40 ss:$0x1] =	vst.idx.msk $0xffff, v2  }
0x32: {  	v1 =	vld.idx.msk [tilespmem:v0+s19+$0x30 ss:$0x1], $0xffff;
	[tilespmem:v0+s18+$0x50 ss:$0x1] =	vst.idx.msk $0xffff, v3  }
.Ltmp3:
0x33: {  	v2 =	vld.idx.msk [tilespmem:v0+s19+$0x40 ss:$0x1], $0xffff;
	[tilespmem:v0+s18+$0x60 ss:$0x1] =	vst.idx.msk $0xffff, v4;
	(pc) =	sbr.rel @p1 .LBB1_5-.Ltmp3, $4  }
0x34: {  	v3 =	vld.idx.msk [tilespmem:v0+s19+$0x50 ss:$0x1], $0xffff;
	[tilespmem:v0+s18+$0x0 ss:$0x1] =	vst.idx.msk $0xffff, v5;
	s18 =	sadd.s32 $0x100, s18  }
0x35: {  	v4 =	vld.idx.msk [tilespmem:v0+s19+$0x60 ss:$0x1], $0xffff;
	[tilespmem:v0+s18+$0x70 ss:$0x1] =	vst.idx.msk $0xffff, v6  }
0x36: {  	v5 =	vld.idx.msk [tilespmem:v0+s19+$0x0 ss:$0x1], $0xffff;
	[tilespmem:v0+s18+$0x10 ss:$0x1] =	vst.idx.msk $0xffff, v7;
	s19 =	sadd.s32 $0x80, s19  }
0x37: {  	s20 =	sadd.s32 $0xFFFFFFFF, s20;
	v6 =	vld.idx.msk [tilespmem:v0+s19+$0x70 ss:$0x1], $0xffff;
	[tilespmem:v0+s18+$0x20 ss:$0x1] =	vst.idx.msk $0xffff, v8  }
0x38: {  	_ =	sdelay $0x3  }
0x39: {  	[tilespmem:v0+s18+$0x30 ss:$0x1] =	vst.idx.msk $0xffff, v1  }
0x3a: {  	v1 =	vld.idx.msk [tilespmem:v0+s19+$0x10 ss:$0x1], $0xffff;
	[tilespmem:v0+s18+$0x40 ss:$0x1] =	vst.idx.msk $0xffff, v2  }
0x3b: {  	v2 =	vld.idx.msk [tilespmem:v0+s19+$0x20 ss:$0x1], $0xffff;
	[tilespmem:v0+s18+$0x50 ss:$0x1] =	vst.idx.msk $0xffff, v3  }
0x3c: {  	v61 =	vld.idx.msk [tilespmem:v0+s19+$0x40 ss:$0x1], $0xffff;
	[tilespmem:v0+s18+$0x60 ss:$0x1] =	vst.idx.msk $0xffff, v4  }
0x3d: {  	s31 =	sadd.s32 $0x100, s18;
	v62 =	vld.idx.msk [tilespmem:v0+s19+$0x50 ss:$0x1], $0xffff;
	[tilespmem:v0+s18+$0x0 ss:$0x1] =	vst.idx.msk $0xffff, v5  }
0x3e: {  	v63 =	vld.idx.msk [tilespmem:v0+s19+$0x60 ss:$0x1], $0xffff;
	[tilespmem:v0+s31+$0x70 ss:$0x1] =	vst.idx.msk $0xffff, v6  }
0x3f: {  	v3 =	vld.idx.msk [tilespmem:v0+s19+$0x30 ss:$0x1], $0xffff;
	[tilespmem:v0+s31+$0x10 ss:$0x1] =	vst.idx.msk $0xffff, v1  }
0x40: {  	v1 =	vld.idx.msk [tilespmem:v0+s19+$0x0 ss:$0x1], $0xffff;
	[tilespmem:v0+s31+$0x20 ss:$0x1] =	vst.idx.msk $0xffff, v2  }
.Ltmp4:
0x41: {  	[tilespmem:v0+s31+$0x40 ss:$0x1] =	vst.idx.msk $0xffff, v61;
	(pc) =	sbr.rel @p0 .LBB1_4-.Ltmp4, $4  }
0x42: {  	[tilespmem:v0+s31+$0x50 ss:$0x1] =	vst.idx.msk $0xffff, v62  }
0x43: {  	[tilespmem:v0+s31+$0x60 ss:$0x1] =	vst.idx.msk $0xffff, v63  }
0x44: {  	[tilespmem:v0+s31+$0x30 ss:$0x1] =	vst.idx.msk $0xffff, v3  }
0x45: {  	p1 =	por $0x0, $0x0;
	s18 =	simm.s32 $0x1;
	[tilespmem:v0+s31+$0x0 ss:$0x1] =	vst.idx.msk $0xffff, v1  }
0x46: {  	s17 =	sadd.s32 $0x1, s17  }
0x47: {  	p0 =	sne.s32 s17, $0x8  }
.Ltmp5:
0x48: {  	_ = 	snop;
	(pc) =	sbr.rel @p0 .LBB1_3-.Ltmp5, $2  }
0x49: {  	_ =	sdelay $0x2  }
0x4a: {  	s16 =	sadd.s32 $0x2000, s16  }
.Ltmp6:
0x4b: {  	(pc) =	sbr.rel .LBB1_9-.Ltmp6, $4  }
0x4c: {  	_ = 	snop  }
0x4d: {  	s12 =	sshll.u32 s12, $0x8  }
0x4e: {  	s12 =	sadd.s32 s4, s12  }
0x4f: {  	[hbm4b:s12+s8] =	stream.linear.scatter [tilespmem:s13], [sflag:$0x2], $0x4000, $0x38;
	[tilespmem:$0x10000] =	vst v63  }
.LBB1_10:
0x50: {  	_ =	sfence.sel $0x180000  }
0x51: {  	s2 =	simm.s32 $0x1;
	[bflag:$0x0] =	sbarrier.arrive $0xFFFF  }
0x52: {  	s31 =	simm.s32 $0x2;
	[sflag:s2] =	ssyncpa.u1 $0x1  }
0x53: {  	[sflag:s31] =	ssyncpa.u1 $0x1  }
0x54: {  	p0 =	sne.s32 s0, $0x0;
	_ =	strace $0x90000047  }
0x55: {  	s0 =	sadd.s32 @!p0 $0x100000, s1;
	[bflag:$0x2] =	sbarrier.arrive $0xFFFF  }
0x56: {  	[sflag:s0] =	ssyncadd.tile.s32 @!p0 $0x1;
	_ =	shalt  }
.Lfunc_end1:
_tile_overlayer_lowered:
.L_overlay_start_2:
0x57: {  	(tag) =	ssettag $0x2  }
0x58: {  	s0 =	rddreg [dreg:$0x0];
	s2 =	stileid.u32  }
0x59: {  	s1 =	rddreg [dreg:$0x1];
	p0 =	sne.s32 s2, $0x0  }
0x5a: {  	s3 =	rddreg [dreg:$0x2];
	[bflag:$0x3] =	sbarrier.arrive $0xFFFF;
	s2 =	simm.s32 @!p0 $0x1C01  }
0x5b: {  	[timem:s3], [sflag:s2] =	dma.local @!p0 [hbm:s0], s1  }
0x5c: {  	s0 =	simm.s32 @!p0 $0x1  }
0x5d: {  	_ =	swait.ge @!p0 [sflag:s0], s1  }
0x5e: {  	s1 =	ssub.s32 @!p0 $0x0, s1;
	[sflag:s0] =	ssyncset.done @!p0 $0x0  }
0x5f: {  	[sflag:s0] =	ssyncadd.s32 @!p0 s1  }
0x60: {  	[bflag:$0x3] =	sbarrier.arrive $0xFFFF  }
0x61: {  	_ =	shalt  }

</sc_bundles>
